<compile_context>
chip_gen: v7x
topology: tpu7x:2x2x1
jax: 0.10.2.dev20260603
libtpu: 0.0.44.dev20260713+nightly
codegen_flags: <defaults>
</compile_context>

<pallas_src>
import jax
import jax.numpy as jnp
from jax import lax
from jax.experimental import pallas as pl
from jax.experimental.pallas import tpu as pltpu
from jax.experimental.pallas import tpu_sc as plsc

N = 10000
E = 160000
D = 256
H = 8
DH = D // H

NC = 2
NS = 16
NW = NC * NS
L = 16

EPW = 5120
E_PAD = EPW * NW
CH = 64
NCHUNK = EPW // CH
CB = 128
NCB = EPW // CB
N_PAD = 10240
RPT = N_PAD // NS
RPT_LAST = N - (NS - 1) * RPT

DHALF = D // 2
HH = H // 2

INV_SQRT_DH = 1.0 / (DH ** 0.5)
NEG_BIG = -1e30

_SC_PARAMS = pltpu.CompilerParams(use_tc_tiling_on_sc=False,
                                  needs_layout_passes=False)


def _drain(src, dst, sem):
    pltpu.make_async_copy(src, dst, sem).wait()



def _qkv_body(x_ref, w3_ref, out_ref):
    out_ref[...] = jnp.dot(x_ref[...], w3_ref[...],
                           preferred_element_type=jnp.float32)


def _qkv(x, w3):
    return pl.pallas_call(
        _qkv_body,
        grid=(5,),
        in_specs=[
            pl.BlockSpec((2000, D), lambda i: (i, 0)),
            pl.BlockSpec((D, 3 * D), lambda i: (0, 0)),
        ],
        out_specs=pl.BlockSpec((2000, 3 * D), lambda i: (i, 0)),
        out_shape=jax.ShapeDtypeStruct((N, 3 * D), jnp.float32),
    )(x, w3)



def _sca_body(q_hbm, k_hbm, dstq_hbm, srcq_hbm,
              scores_hbm, exps_out, den_out, m_out,
              qbufA, qbufB, kbufA, kbufB, sbufA, sbufB,
              sloadA, sloadB, ebufA, ebufB,
              dstq, srcq, zbuf, mxbuf,
              amax, den_sh,
              semA, semB, semWA, semWB, semLA, semLB,
              semEA, semEB, semSA, semSB, semZ):
    c = lax.axis_index("c")
    s = lax.axis_index("s")
    wid = c * NS + s
    base = wid * EPW
    iota = lax.iota(jnp.int32, L)

    pltpu.sync_copy(dstq_hbm.at[wid], dstq)
    pltpu.sync_copy(srcq_hbm.at[wid], srcq)

    def _z(i, _):
        zbuf[i, :] = jnp.zeros((L,), jnp.float32)
        return 0
    lax.fori_loop(0, CB, _z, 0)

    def _zi(i, _):
        pltpu.async_copy(zbuf, den_sh.at[pl.ds(s * RPT + i * CB, CB)], semZ)
        return 0
    lax.fori_loop(0, RPT // CB, _zi, 0)

    def _ze(i, _):
        ebufA[i, :] = jnp.zeros((L,), jnp.float32)
        ebufB[i, :] = jnp.zeros((L,), jnp.float32)
        return 0
    lax.fori_loop(0, CB, _ze, 0)

    def _zd(i, _):
        _drain(zbuf, den_sh.at[pl.ds(s * RPT, CB)], semZ)
        return 0
    lax.fori_loop(0, RPT // CB, _zd, 0)

    lane15 = iota == 15

    def _compute_scores(qbuf, kbuf, sbuf, eb, mx):
        def _edge(e, mx):
            valid = (eb + e) < E
            row = jnp.full((L,), e // 2, jnp.int32)
            prods = []
            for cch in range(D // L):
                qv = qbuf[e, pl.ds(cch * L, L)]
                kv = kbuf[e, pl.ds(cch * L, L)]
                prods.append(qv * kv)
            for h in range(H):
                cs = jnp.cumsum((prods[2 * h] + prods[2 * h + 1])
                                * INV_SQRT_DH)
                cs = jnp.where(valid, cs, NEG_BIG)
                mx = jnp.maximum(mx, cs)
                col = jnp.full((L,), (e % 2) * 8 + h, jnp.int32)
                plsc.store_scatter(sbuf, [row, col], cs, mask=lane15)
            return mx
        return lax.fori_loop(0, CH, _edge, mx)

    pltpu.async_copy(q_hbm.at[dstq.at[0]], qbufA, semA)
    pltpu.async_copy(k_hbm.at[srcq.at[0]], kbufA, semA)

    def _pair_a(j, mx):
        pltpu.async_copy(q_hbm.at[dstq.at[2 * j + 1]], qbufB, semB)
        pltpu.async_copy(k_hbm.at[srcq.at[2 * j + 1]], kbufB, semB)
        _drain(q_hbm.at[pl.ds(0, CH)], qbufA, semA)
        _drain(k_hbm.at[pl.ds(0, CH)], kbufA, semA)

        @pl.when(j > 0)
        def _():
            _drain(sbufA, scores_hbm.at[pl.ds(base // 2, CH // 2)], semWA)
        mx = _compute_scores(qbufA, kbufA, sbufA, base + (2 * j) * CH, mx)
        pltpu.async_copy(
            sbufA,
            scores_hbm.at[pl.ds((base + (2 * j) * CH) // 2, CH // 2)], semWA)
        rn = jnp.where(2 * j + 2 < NCHUNK, 2 * j + 2, 0)
        pltpu.async_copy(q_hbm.at[dstq.at[rn]], qbufA, semA)
        pltpu.async_copy(k_hbm.at[srcq.at[rn]], kbufA, semA)
        _drain(q_hbm.at[pl.ds(0, CH)], qbufB, semB)
        _drain(k_hbm.at[pl.ds(0, CH)], kbufB, semB)

        @pl.when(j > 0)
        def _():
            _drain(sbufB, scores_hbm.at[pl.ds(base // 2, CH // 2)], semWB)
        mx = _compute_scores(qbufB, kbufB, sbufB, base + (2 * j + 1) * CH, mx)
        pltpu.async_copy(
            sbufB,
            scores_hbm.at[pl.ds((base + (2 * j + 1) * CH) // 2, CH // 2)],
            semWB)
        return mx

    mx = lax.fori_loop(0, NCHUNK // 2, _pair_a,
                       jnp.full((L,), NEG_BIG, jnp.float32))
    _drain(q_hbm.at[pl.ds(0, CH)], qbufA, semA)
    _drain(k_hbm.at[pl.ds(0, CH)], kbufA, semA)
    _drain(sbufA, scores_hbm.at[pl.ds(base // 2, CH // 2)], semWA)
    _drain(sbufB, scores_hbm.at[pl.ds(base // 2, CH // 2)], semWB)

    mxbuf[0, :] = mx
    pltpu.sync_copy(mxbuf, amax.at[pl.ds(s * 8, 1)])
    plsc.subcore_barrier()
    mcv = jnp.full((L,), NEG_BIG, jnp.float32)
    pltpu.sync_copy(amax, zbuf.at[pl.ds(0, NS * 8)])
    for i in range(NS):
        mcv = jnp.maximum(mcv, zbuf[i * 8, :])
    m_c = jnp.max(mcv)
    mv = jnp.full((L,), m_c, jnp.float32)

    rowoff = iota // 8
    col8 = iota - rowoff * 8

    def _compute_exp(sload, ebuf):
        def _row(r, _):
            sv = sload[r, :]
            ev = jnp.exp(sv - mv)
            plsc.store_scatter(ebuf, [2 * r + rowoff, col8], ev)
            return 0
        lax.fori_loop(0, CB // 2, _row, 0)

    pltpu.async_copy(scores_hbm.at[pl.ds(base // 2, CB // 2)], sloadA, semLA)

    def _pair_b(j, _):
        pltpu.async_copy(
            scores_hbm.at[pl.ds((base + (2 * j + 1) * CB) // 2, CB // 2)],
            sloadB, semLB)
        _drain(scores_hbm.at[pl.ds(0, CB // 2)], sloadA, semLA)

        @pl.when(j > 0)
        def _():
            _drain(ebufA, exps_out.at[pl.ds(base, CB)], semEA)
            _drain(ebufA.at[pl.ds(0, CH)], den_sh.at[pl.ds(0, CH)], semSA)
            _drain(ebufA.at[pl.ds(0, CH)], den_sh.at[pl.ds(0, CH)], semSA)
        _compute_exp(sloadA, ebufA)
        pltpu.async_copy(ebufA, exps_out.at[pl.ds(base + (2 * j) * CB, CB)],
                         semEA)
        pltpu.async_copy(ebufA.at[pl.ds(0, CH)], den_sh.at[dstq.at[4 * j]],
                         semSA, add=True)
        pltpu.async_copy(ebufA.at[pl.ds(CH, CH)],
                         den_sh.at[dstq.at[4 * j + 1]], semSA, add=True)
        rn = jnp.where(2 * j + 2 < NCB, (2 * j + 2) * CB, 0)
        pltpu.async_copy(scores_hbm.at[pl.ds((base + rn) // 2, CB // 2)],
                         sloadA, semLA)
        _drain(scores_hbm.at[pl.ds(0, CB // 2)], sloadB, semLB)

        @pl.when(j > 0)
        def _():
            _drain(ebufB, exps_out.at[pl.ds(base, CB)], semEB)
            _drain(ebufB.at[pl.ds(0, CH)], den_sh.at[pl.ds(0, CH)], semSB)
            _drain(ebufB.at[pl.ds(0, CH)], den_sh.at[pl.ds(0, CH)], semSB)
        _compute_exp(sloadB, ebufB)
        pltpu.async_copy(ebufB,
                         exps_out.at[pl.ds(base + (2 * j + 1) * CB, CB)],
                         semEB)
        pltpu.async_copy(ebufB.at[pl.ds(0, CH)],
                         den_sh.at[dstq.at[4 * j + 2]], semSB, add=True)
        pltpu.async_copy(ebufB.at[pl.ds(CH, CH)],
                         den_sh.at[dstq.at[4 * j + 3]], semSB, add=True)
        return 0

    lax.fori_loop(0, NCB // 2, _pair_b, 0)
    _drain(scores_hbm.at[pl.ds(0, CB // 2)], sloadA, semLA)
    _drain(ebufA, exps_out.at[pl.ds(base, CB)], semEA)
    _drain(ebufA.at[pl.ds(0, CH)], den_sh.at[pl.ds(0, CH)], semSA)
    _drain(ebufA.at[pl.ds(0, CH)], den_sh.at[pl.ds(0, CH)], semSA)
    _drain(ebufB, exps_out.at[pl.ds(base, CB)], semEB)
    _drain(ebufB.at[pl.ds(0, CH)], den_sh.at[pl.ds(0, CH)], semSB)
    _drain(ebufB.at[pl.ds(0, CH)], den_sh.at[pl.ds(0, CH)], semSB)

    plsc.subcore_barrier()

    r0 = s * RPT

    @pl.when(s < NS - 1)
    def _():
        pltpu.sync_copy(den_sh.at[pl.ds(r0, RPT)],
                        den_out.at[c].at[pl.ds(r0, RPT)])

    @pl.when(s == NS - 1)
    def _():
        pltpu.sync_copy(den_sh.at[pl.ds((NS - 1) * RPT, RPT_LAST)],
                        den_out.at[c].at[pl.ds((NS - 1) * RPT, RPT_LAST)])

    @pl.when(s == 0)
    def _():
        mxbuf[0, :] = mv
        pltpu.sync_copy(mxbuf, m_out.at[pl.ds(c * 8, 1)])


def _sca(q, k, dstq3, srcq3):
    mesh = plsc.VectorSubcoreMesh(core_axis_name="c", subcore_axis_name="s")
    f = pl.kernel(
        _sca_body,
        compiler_params=_SC_PARAMS,
        out_type=[
            jax.ShapeDtypeStruct((E_PAD // 2, L), jnp.float32),
            jax.ShapeDtypeStruct((E_PAD, L), jnp.float32),
            jax.ShapeDtypeStruct((NC, N, L), jnp.float32),
            jax.ShapeDtypeStruct((NC * 8, L), jnp.float32),
        ],
        mesh=mesh,
        scratch_types=[
            pltpu.VMEM((CH, D), jnp.float32),
            pltpu.VMEM((CH, D), jnp.float32),
            pltpu.VMEM((CH, D), jnp.float32),
            pltpu.VMEM((CH, D), jnp.float32),
            pltpu.VMEM((CH // 2, L), jnp.float32),
            pltpu.VMEM((CH // 2, L), jnp.float32),
            pltpu.VMEM((CB // 2, L), jnp.float32),
            pltpu.VMEM((CB // 2, L), jnp.float32),
            pltpu.VMEM((CB, L), jnp.float32),
            pltpu.VMEM((CB, L), jnp.float32),
            pltpu.VMEM((NCHUNK, CH), jnp.int32),
            pltpu.VMEM((NCHUNK, CH), jnp.int32),
            pltpu.VMEM((CB, L), jnp.float32),
            pltpu.VMEM((1, L), jnp.float32),
            pltpu.VMEM_SHARED((NS * 8, L), jnp.float32),
            pltpu.VMEM_SHARED((N_PAD, L), jnp.float32),
            pltpu.SemaphoreType.DMA,
            pltpu.SemaphoreType.DMA,
            pltpu.SemaphoreType.DMA,
            pltpu.SemaphoreType.DMA,
            pltpu.SemaphoreType.DMA,
            pltpu.SemaphoreType.DMA,
            pltpu.SemaphoreType.DMA,
            pltpu.SemaphoreType.DMA,
            pltpu.SemaphoreType.DMA,
            pltpu.SemaphoreType.DMA,
            pltpu.SemaphoreType.DMA,
        ],
    )
    return f(q, k, dstq3, srcq3)



def _den_body(den_ref, m_ref, rden_ref, f_ref):
    m0 = m_ref[0, 0]
    m1 = m_ref[8, 0]
    m = jnp.maximum(m0, m1)
    f0 = jnp.exp(m0 - m)
    f1 = jnp.exp(m1 - m)
    d = den_ref[0, :, :H] * f0 + den_ref[1, :, :H] * f1
    rd = 1.0 / (d + 1e-16)
    rden_ref[...] = jnp.concatenate(
        [rd, jnp.ones((N_PAD - N, H), jnp.float32)], axis=0)
    f_ref[...] = jnp.concatenate(
        [jnp.full((1, L), f0, jnp.float32),
         jnp.full((1, L), f1, jnp.float32)], axis=0)


def _den_combine(den2, m2):
    return pl.pallas_call(
        _den_body,
        out_shape=[
            jax.ShapeDtypeStruct((N_PAD, H), jnp.float32),
            jax.ShapeDtypeStruct((NC, L), jnp.float32),
        ],
    )(den2, m2)



def _scb_body(vlo_hbm, vhi_hbm, dstq_hbm, srcq_hbm, exps_hbm, f_hbm,
              agglo_out, agghi_out,
              vbufA, vbufB, msgA, msgB, ebufA, ebufB,
              dstq, srcq, fbuf,
              agg_sh,
              semVA, semVB, semEA, semEB, semSA, semSB, semZ):
    c = lax.axis_index("c")
    s = lax.axis_index("s")
    wid = c * NS + s
    base = wid * EPW
    r0 = s * RPT
    iota = lax.iota(jnp.int32, L)

    pltpu.sync_copy(dstq_hbm.at[wid], dstq)
    pltpu.sync_copy(srcq_hbm.at[wid], srcq)
    pltpu.sync_copy(f_hbm, fbuf)
    fv = fbuf[c, :]

    def _compute_msgs(vbuf, ebuf, msg, half):
        def _edge2(e2, _):
            for u in range(2):
                e = e2 * 2 + u
                ev = jnp.full((L,), e, jnp.int32)
                for hh in range(HH):
                    hcol = jnp.full((L,), half * HH + hh, jnp.int32)
                    av = plsc.load_gather(ebuf, [ev, hcol]) * fv
                    for j2 in range(DH // L):
                        sl = pl.ds((hh * (DH // L) + j2) * L, L)
                        msg[e, sl] = vbuf[e, sl] * av
            return 0
        lax.fori_loop(0, CH // 2, _edge2, 0)

    for half in range(2):
        v_hbm = vlo_hbm if half == 0 else vhi_hbm
        agg_out = agglo_out if half == 0 else agghi_out

        def _z(i, _):
            for jj in range(DHALF // L):
                msgA[i, pl.ds(jj * L, L)] = jnp.zeros((L,), jnp.float32)
            return 0
        lax.fori_loop(0, CH, _z, 0)

        def _zi(i, _):
            pltpu.async_copy(msgA, agg_sh.at[pl.ds(r0 + i * CH, CH)], semZ)
            return 0
        lax.fori_loop(0, RPT // CH, _zi, 0)

        def _zd(i, _):
            _drain(msgA, agg_sh.at[pl.ds(r0, CH)], semZ)
            return 0
        lax.fori_loop(0, RPT // CH, _zd, 0)
        plsc.subcore_barrier()

        pltpu.async_copy(v_hbm.at[srcq.at[0]], vbufA, semVA)
        pltpu.async_copy(exps_hbm.at[pl.ds(base, CH)], ebufA, semEA)

        def _pair(j, _):
            pltpu.async_copy(v_hbm.at[srcq.at[2 * j + 1]], vbufB, semVB)
            pltpu.async_copy(exps_hbm.at[pl.ds(base + (2 * j + 1) * CH, CH)],
                             ebufB, semEB)
            _drain(v_hbm.at[pl.ds(0, CH)], vbufA, semVA)
            _drain(exps_hbm.at[pl.ds(0, CH)], ebufA, semEA)

            @pl.when(j > 0)
            def _():
                _drain(msgA, agg_sh.at[pl.ds(0, CH)], semSA)
            _compute_msgs(vbufA, ebufA, msgA, half)
            pltpu.async_copy(msgA, agg_sh.at[dstq.at[2 * j]], semSA,
                             add=True)
            rn = jnp.where(2 * j + 2 < NCHUNK, 2 * j + 2, 0)
            pltpu.async_copy(v_hbm.at[srcq.at[rn]], vbufA, semVA)
            pltpu.async_copy(exps_hbm.at[pl.ds(base + rn * CH, CH)], ebufA,
                             semEA)
            _drain(v_hbm.at[pl.ds(0, CH)], vbufB, semVB)
            _drain(exps_hbm.at[pl.ds(0, CH)], ebufB, semEB)

            @pl.when(j > 0)
            def _():
                _drain(msgB, agg_sh.at[pl.ds(0, CH)], semSB)
            _compute_msgs(vbufB, ebufB, msgB, half)
            pltpu.async_copy(msgB, agg_sh.at[dstq.at[2 * j + 1]], semSB,
                             add=True)
            return 0

        lax.fori_loop(0, NCHUNK // 2, _pair, 0)
        _drain(v_hbm.at[pl.ds(0, CH)], vbufA, semVA)
        _drain(exps_hbm.at[pl.ds(0, CH)], ebufA, semEA)
        _drain(msgA, agg_sh.at[pl.ds(0, CH)], semSA)
        _drain(msgB, agg_sh.at[pl.ds(0, CH)], semSB)
        plsc.subcore_barrier()

        @pl.when(s < NS - 1)
        def _():
            pltpu.sync_copy(agg_sh.at[pl.ds(r0, RPT)],
                            agg_out.at[c].at[pl.ds(r0, RPT)])

        @pl.when(s == NS - 1)
        def _():
            pltpu.sync_copy(agg_sh.at[pl.ds((NS - 1) * RPT, RPT_LAST)],
                            agg_out.at[c].at[pl.ds((NS - 1) * RPT, RPT_LAST)])

        plsc.subcore_barrier()


def _scb(vlo, vhi, dstq3, srcq3, exps, fr):
    mesh = plsc.VectorSubcoreMesh(core_axis_name="c", subcore_axis_name="s")
    f = pl.kernel(
        _scb_body,
        compiler_params=_SC_PARAMS,
        out_type=[
            jax.ShapeDtypeStruct((NC, N, DHALF), jnp.float32),
            jax.ShapeDtypeStruct((NC, N, DHALF), jnp.float32),
        ],
        mesh=mesh,
        scratch_types=[
            pltpu.VMEM((CH, DHALF), jnp.float32),
            pltpu.VMEM((CH, DHALF), jnp.float32),
            pltpu.VMEM((CH, DHALF), jnp.float32),
            pltpu.VMEM((CH, DHALF), jnp.float32),
            pltpu.VMEM((CH, L), jnp.float32),
            pltpu.VMEM((CH, L), jnp.float32),
            pltpu.VMEM((NCHUNK, CH), jnp.int32),
            pltpu.VMEM((NCHUNK, CH), jnp.int32),
            pltpu.VMEM((NC, L), jnp.float32),
            pltpu.VMEM_SHARED((N_PAD, DHALF), jnp.float32),
            pltpu.SemaphoreType.DMA,
            pltpu.SemaphoreType.DMA,
            pltpu.SemaphoreType.DMA,
            pltpu.SemaphoreType.DMA,
            pltpu.SemaphoreType.DMA,
            pltpu.SemaphoreType.DMA,
            pltpu.SemaphoreType.DMA,
        ],
    )
    return f(vlo, vhi, dstq3, srcq3, exps, fr)



def _proj_body(agglo_ref, agghi_ref, rden_ref, x_ref, wo_ref, h_ref):
    r = rden_ref[...]
    alo = ((agglo_ref[0] + agglo_ref[1]).reshape(2000, HH, DH)
           * r[:, :HH][:, :, None]).reshape(2000, DHALF)
    ahi = ((agghi_ref[0] + agghi_ref[1]).reshape(2000, HH, DH)
           * r[:, HH:][:, :, None]).reshape(2000, DHALF)
    agg = jnp.concatenate([alo, ahi], axis=-1)
    h_ref[...] = x_ref[...] + jnp.dot(agg, wo_ref[...],
                                      preferred_element_type=jnp.float32)


def _proj(agglo, agghi, rden, x, wo):
    return pl.pallas_call(
        _proj_body,
        grid=(5,),
        in_specs=[
            pl.BlockSpec((NC, 2000, DHALF), lambda i: (0, i, 0)),
            pl.BlockSpec((NC, 2000, DHALF), lambda i: (0, i, 0)),
            pl.BlockSpec((2000, H), lambda i: (i, 0)),
            pl.BlockSpec((2000, D), lambda i: (i, 0)),
            pl.BlockSpec((D, D), lambda i: (0, 0)),
        ],
        out_specs=pl.BlockSpec((2000, D), lambda i: (i, 0)),
        out_shape=jax.ShapeDtypeStruct((N, D), jnp.float32),
    )(agglo, agghi, rden, x, wo)


def _bn_body(h_ref, gamma_ref, beta_ref, out_ref):
    h = h_ref[...]
    mean = jnp.mean(h, axis=0, keepdims=True)
    var = jnp.mean((h - mean) ** 2, axis=0, keepdims=True)
    hn = (h - mean) * lax.rsqrt(var + 1e-5)
    out_ref[...] = gamma_ref[...] * hn + beta_ref[...]


def _bn(h, gamma, beta):
    return pl.pallas_call(
        _bn_body,
        out_shape=jax.ShapeDtypeStruct((N, D), jnp.float32),
    )(h, gamma.reshape(1, D), beta.reshape(1, D))



def kernel(x, edge_index, Wq, Wk, Wv, Wo, gamma, beta):
    src = edge_index[0].astype(jnp.int32)
    dst = edge_index[1].astype(jnp.int32)
    pad = jnp.zeros((E_PAD - E,), jnp.int32)
    src_p = jnp.concatenate([src, pad])
    dst_p = jnp.concatenate([dst, pad])
    dstq3 = dst_p.reshape(NW, NCHUNK, CH)
    srcq3 = src_p.reshape(NW, NCHUNK, CH)

    w3 = jnp.concatenate([Wq, Wk, Wv], axis=1)
    qkv = _qkv(x, w3)
    q = qkv[:, :D]
    k = qkv[:, D:2 * D]
    vlo = qkv[:, 2 * D:2 * D + DHALF]
    vhi = qkv[:, 2 * D + DHALF:]

    _scores, exps, den2, m2 = _sca(q, k, dstq3, srcq3)
    rden, fr = _den_combine(den2, m2)
    agglo, agghi = _scb(vlo, vhi, dstq3, srcq3, exps, fr)
    h = _proj(agglo, agghi, rden, x, Wo)
    return _bn(h, gamma, beta)

# --- scband reference (transcript-rebuilt; emitter-appended) ---
"""Pipeline reference for scband-attention-layer-79774722555996 (READ-ONLY COPY).

The authoritative reference and input builder live on the scoring server;
editing this copy changes nothing except your own understanding.
"""

import jax, jax.numpy as jnp
import numpy as np

N = 10000
E = 160000
D = 256
H = 8
DH = D // H


def setup_inputs(seed: int = 0) -> dict:
    key = jax.random.key(seed)
    ks = jax.random.split(key, 8)
    x = jax.random.normal(ks[0], (N, D), dtype=jnp.float32)
    edge_index = jax.random.randint(ks[1], (2, E), 0, N, dtype=jnp.int64)
    s = 1.0 / np.sqrt(D)
    Wq = jax.random.normal(ks[2], (D, D), dtype=jnp.float32) * s
    Wk = jax.random.normal(ks[3], (D, D), dtype=jnp.float32) * s
    Wv = jax.random.normal(ks[4], (D, D), dtype=jnp.float32) * s
    Wo = jax.random.normal(ks[5], (D, D), dtype=jnp.float32) * s
    gamma = jnp.ones((D,), dtype=jnp.float32)
    beta = jnp.zeros((D,), dtype=jnp.float32)
    return {"x": x, "edge_index": edge_index, "Wq": Wq, "Wk": Wk, "Wv": Wv, "Wo": Wo, "gamma": gamma, "beta": beta}


def reference(x, edge_index, Wq, Wk, Wv, Wo, gamma, beta):
    src = edge_index[0]
    dst = edge_index[1]
    # ExphormerAttention: multi-head attention restricted to graph edges (use_bias=False)
    Q = (x @ Wq).reshape(N, H, DH)
    K = (x @ Wk).reshape(N, H, DH)
    V = (x @ Wv).reshape(N, H, DH)
    # per-edge attention scores [E, H]
    scores = jnp.einsum('ehd,ehd->eh', Q[dst], K[src]) / jnp.sqrt(jnp.float32(DH))
    # numerically-stable softmax over incoming edges of each destination node
    smax = jax.ops.segment_max(scores, dst, num_segments=N)
    exp_s = jnp.exp(scores - smax[dst])
    denom = jax.ops.segment_sum(exp_s, dst, num_segments=N)
    alpha = exp_s / (denom[dst] + 1e-16)
    # weighted aggregation of values along edges -> scatter-add by dst
    msg = alpha[:, :, None] * V[src]
    agg = jax.ops.segment_sum(msg, dst, num_segments=N).reshape(N, D)
    h_attn = agg @ Wo
    # dropout p=0.0 -> identity; residual connection (shapes match, no virtual nodes)
    h = x + h_attn
    # BatchNorm1d over the node dimension (training-mode batch statistics)
    mean = jnp.mean(h, axis=0)
    var = jnp.var(h, axis=0)
    h_norm = (h - mean) / jnp.sqrt(var + 1e-5)
    return gamma * h_norm + beta

if __name__ == "__main__":
    import jax
    _d = setup_inputs()
    print(jax.jit(kernel)(*tuple(_d.values())))

</pallas_src>

<mosaic_0001>
#map = affine_map<(d0, d1) -> (0, 0)>
#map1 = affine_map<(d0, d1) -> (0, 0, 0)>
module attributes {stable_mosaic.version = 14 : i64} {
  func.func @_sca_body(%arg0: i32, %arg1: i32, %arg2: memref<10000x256xf32, #tpu.memory_space<hbm>>, %arg3: memref<10000x256xf32, #tpu.memory_space<hbm>>, %arg4: memref<32x80x64xi32, #tpu.memory_space<hbm>>, %arg5: memref<32x80x64xi32, #tpu.memory_space<hbm>>, %arg6: memref<81920x16xf32, #tpu.memory_space<hbm>>, %arg7: memref<163840x16xf32, #tpu.memory_space<hbm>>, %arg8: memref<2x10000x16xf32, #tpu.memory_space<hbm>>, %arg9: memref<16x16xf32, #tpu.memory_space<hbm>>, %arg10: memref<64x256xf32, #tpu.memory_space<vmem>>, %arg11: memref<64x256xf32, #tpu.memory_space<vmem>>, %arg12: memref<64x256xf32, #tpu.memory_space<vmem>>, %arg13: memref<64x256xf32, #tpu.memory_space<vmem>>, %arg14: memref<32x16xf32, #tpu.memory_space<vmem>>, %arg15: memref<32x16xf32, #tpu.memory_space<vmem>>, %arg16: memref<64x16xf32, #tpu.memory_space<vmem>>, %arg17: memref<64x16xf32, #tpu.memory_space<vmem>>, %arg18: memref<128x16xf32, #tpu.memory_space<vmem>>, %arg19: memref<128x16xf32, #tpu.memory_space<vmem>>, %arg20: memref<80x64xi32, #tpu.memory_space<vmem>>, %arg21: memref<80x64xi32, #tpu.memory_space<vmem>>, %arg22: memref<128x16xf32, #tpu.memory_space<vmem>>, %arg23: memref<1x16xf32, #tpu.memory_space<vmem>>, %arg24: memref<128x16xf32, #tpu.memory_space<vmem_shared>>, %arg25: memref<10240x16xf32, #tpu.memory_space<vmem_shared>>, %arg26: memref<!tpu.dma_semaphore, #tpu.memory_space<semaphore_mem>>, %arg27: memref<!tpu.dma_semaphore, #tpu.memory_space<semaphore_mem>>, %arg28: memref<!tpu.dma_semaphore, #tpu.memory_space<semaphore_mem>>, %arg29: memref<!tpu.dma_semaphore, #tpu.memory_space<semaphore_mem>>, %arg30: memref<!tpu.dma_semaphore, #tpu.memory_space<semaphore_mem>>, %arg31: memref<!tpu.dma_semaphore, #tpu.memory_space<semaphore_mem>>, %arg32: memref<!tpu.dma_semaphore, #tpu.memory_space<semaphore_mem>>, %arg33: memref<!tpu.dma_semaphore, #tpu.memory_space<semaphore_mem>>, %arg34: memref<!tpu.dma_semaphore, #tpu.memory_space<semaphore_mem>>, %arg35: memref<!tpu.dma_semaphore, #tpu.memory_space<semaphore_mem>>, %arg36: memref<!tpu.dma_semaphore, #tpu.memory_space<semaphore_mem>>) attributes {dimension_semantics = [#tpu.dimension_semantics<core_parallel>, #tpu.dimension_semantics<subcore_parallel>], iteration_bounds = array<i64: 2, 16>, scalar_prefetch = 0 : i64, scratch_operands = 27 : i64, tpu.core_type = #tpu.core_type<sc_vector_subcore>, window_params = [{transform_indices = #map}, {transform_indices = #map}, {transform_indices = #map1}, {transform_indices = #map1}, {transform_indices = #map}, {transform_indices = #map}, {transform_indices = #map1}, {transform_indices = #map}]} {
    %mul3A = arith.constant 16 : i32
    %mul3A_0 = arith.muli %arg0, %mul3A : i32
    %add3A = arith.addi %mul3A_0, %arg1 : i32
    %mul3A_1 = arith.constant 5120 : i32
    %mul3A_2 = arith.muli %add3A, %mul3A_1 : i32
    %iota3A = tpu.iota {dimensions = array<i32: 0>} : vector<16xi32>
    "tpu.region"() ({
      %run_scoped3A = tpu.sem_alloc : memref<!tpu.dma_semaphore, #tpu.memory_space<semaphore_mem>>
      %dma_start3A_347 = arith.constant 0 : i32
      %dma_start3A_348 = arith.constant 0 : i32
      %dma_start3A_349 = tpu.memref_slice %arg4[%add3A, %dma_start3A_347, %dma_start3A_348] : memref<32x80x64xi32, #tpu.memory_space<hbm>> -> memref<1x80x64xi32, #tpu.memory_space<hbm>>
      %dma_start3A_350 = tpu.memref_squeeze %dma_start3A_349 : memref<1x80x64xi32, #tpu.memory_space<hbm>> -> memref<80x64xi32, #tpu.memory_space<hbm>>
      %dma_start3A_351 = arith.constant 0 : i32
      %dma_start3A_352 = arith.constant 0 : i32
      %dma_start3A_353 = tpu.memref_slice %arg4[%add3A, %dma_start3A_351, %dma_start3A_352] : memref<32x80x64xi32, #tpu.memory_space<hbm>> -> memref<1x80x64xi32, #tpu.memory_space<hbm>>
      %dma_start3A_354 = tpu.memref_squeeze %dma_start3A_353 : memref<1x80x64xi32, #tpu.memory_space<hbm>> -> memref<80x64xi32, #tpu.memory_space<hbm>>
      tpu.enqueue_dma source(%dma_start3A_354 : memref<80x64xi32, #tpu.memory_space<hbm>>) target(%arg20 : memref<80x64xi32, #tpu.memory_space<vmem>>) target_semaphore(%run_scoped3A : memref<!tpu.dma_semaphore, #tpu.memory_space<semaphore_mem>>)
      %dma_wait3A_355 = arith.constant 0 : i32
      %dma_wait3A_356 = arith.constant 0 : i32
      %dma_wait3A_357 = tpu.memref_slice %arg4[%add3A, %dma_wait3A_355, %dma_wait3A_356] : memref<32x80x64xi32, #tpu.memory_space<hbm>> -> memref<1x80x64xi32, #tpu.memory_space<hbm>>
      %dma_wait3A_358 = tpu.memref_squeeze %dma_wait3A_357 : memref<1x80x64xi32, #tpu.memory_space<hbm>> -> memref<80x64xi32, #tpu.memory_space<hbm>>
      %dma_wait3A_359 = arith.constant 0 : i32
      %dma_wait3A_360 = arith.constant 0 : i32
      %dma_wait3A_361 = tpu.memref_slice %arg4[%add3A, %dma_wait3A_359, %dma_wait3A_360] : memref<32x80x64xi32, #tpu.memory_space<hbm>> -> memref<1x80x64xi32, #tpu.memory_space<hbm>>
      %dma_wait3A_362 = tpu.memref_squeeze %dma_wait3A_361 : memref<1x80x64xi32, #tpu.memory_space<hbm>> -> memref<80x64xi32, #tpu.memory_space<hbm>>
      tpu.wait_dma2 semaphore(%run_scoped3A : memref<!tpu.dma_semaphore, #tpu.memory_space<semaphore_mem>>) src(%dma_wait3A_362 : memref<80x64xi32, #tpu.memory_space<hbm>>) dst(%arg20 : memref<80x64xi32, #tpu.memory_space<vmem>>)
      tpu.yield
    }) : () -> ()
    "tpu.region"() ({
      %run_scoped3A = tpu.sem_alloc : memref<!tpu.dma_semaphore, #tpu.memory_space<semaphore_mem>>
      %dma_start3A_347 = arith.constant 0 : i32
      %dma_start3A_348 = arith.constant 0 : i32
      %dma_start3A_349 = tpu.memref_slice %arg5[%add3A, %dma_start3A_347, %dma_start3A_348] : memref<32x80x64xi32, #tpu.memory_space<hbm>> -> memref<1x80x64xi32, #tpu.memory_space<hbm>>
      %dma_start3A_350 = tpu.memref_squeeze %dma_start3A_349 : memref<1x80x64xi32, #tpu.memory_space<hbm>> -> memref<80x64xi32, #tpu.memory_space<hbm>>
      %dma_start3A_351 = arith.constant 0 : i32
      %dma_start3A_352 = arith.constant 0 : i32
      %dma_start3A_353 = tpu.memref_slice %arg5[%add3A, %dma_start3A_351, %dma_start3A_352] : memref<32x80x64xi32, #tpu.memory_space<hbm>> -> memref<1x80x64xi32, #tpu.memory_space<hbm>>
      %dma_start3A_354 = tpu.memref_squeeze %dma_start3A_353 : memref<1x80x64xi32, #tpu.memory_space<hbm>> -> memref<80x64xi32, #tpu.memory_space<hbm>>
      tpu.enqueue_dma source(%dma_start3A_354 : memref<80x64xi32, #tpu.memory_space<hbm>>) target(%arg21 : memref<80x64xi32, #tpu.memory_space<vmem>>) target_semaphore(%run_scoped3A : memref<!tpu.dma_semaphore, #tpu.memory_space<semaphore_mem>>)
      %dma_wait3A_355 = arith.constant 0 : i32
      %dma_wait3A_356 = arith.constant 0 : i32
      %dma_wait3A_357 = tpu.memref_slice %arg5[%add3A, %dma_wait3A_355, %dma_wait3A_356] : memref<32x80x64xi32, #tpu.memory_space<hbm>> -> memref<1x80x64xi32, #tpu.memory_space<hbm>>
      %dma_wait3A_358 = tpu.memref_squeeze %dma_wait3A_357 : memref<1x80x64xi32, #tpu.memory_space<hbm>> -> memref<80x64xi32, #tpu.memory_space<hbm>>
      %dma_wait3A_359 = arith.constant 0 : i32
      %dma_wait3A_360 = arith.constant 0 : i32
      %dma_wait3A_361 = tpu.memref_slice %arg5[%add3A, %dma_wait3A_359, %dma_wait3A_360] : memref<32x80x64xi32, #tpu.memory_space<hbm>> -> memref<1x80x64xi32, #tpu.memory_space<hbm>>
      %dma_wait3A_362 = tpu.memref_squeeze %dma_wait3A_361 : memref<1x80x64xi32, #tpu.memory_space<hbm>> -> memref<80x64xi32, #tpu.memory_space<hbm>>
      tpu.wait_dma2 semaphore(%run_scoped3A : memref<!tpu.dma_semaphore, #tpu.memory_space<semaphore_mem>>) src(%dma_wait3A_362 : memref<80x64xi32, #tpu.memory_space<hbm>>) dst(%arg21 : memref<80x64xi32, #tpu.memory_space<vmem>>)
      tpu.yield
    }) : () -> ()
    %scan3A = arith.constant 0 : i32
    %scan3A_3 = arith.constant 0 : i32
    %scan3A_4 = arith.constant 128 : i32
    %scan3A_5 = arith.addi %scan3A_3, %scan3A_4 : i32
    %scan3A_6 = arith.constant 1 : i32
    %scan3A_7 = scf.for %scan3A_347 = %scan3A_3 to %scan3A_5 step %scan3A_6 iter_args(%scan3A_348 = %scan3A) -> (i32)  : i32 {
      %broadcast_in_dim3A_349 = arith.constant 0.000000e+00 : f32
      %broadcast_in_dim3A_350 = vector.broadcast %broadcast_in_dim3A_349 : f32 to vector<16xf32>
      %swap3A_351 = arith.index_cast %scan3A_347 : i32 to index
      %swap3A_352 = arith.constant 0 : index
      %swap3A_353 = tpu.vector_load %arg22[%swap3A_351, %swap3A_352] {strides = array<i32>} : memref<128x16xf32, #tpu.memory_space<vmem>>, vector<16xf32>,
      tpu.vector_store %arg22[%swap3A_351, %swap3A_352], %broadcast_in_dim3A_350 {strides = array<i32>} : memref<128x16xf32, #tpu.memory_space<vmem>>, vector<16xf32>,
      %scan3A_354 = arith.constant 0 : i32
      scf.yield %scan3A_354 : i32
    }
    %scan3A_8 = arith.constant 128 : i32
    %scan3A_9 = arith.constant 0 : i32
    %scan3A_10 = arith.constant 0 : i32
    %scan3A_11 = arith.constant 5 : i32
    %scan3A_12 = arith.addi %scan3A_10, %scan3A_11 : i32
    %scan3A_13 = arith.constant 1 : i32
    %scan3A_14 = scf.for %scan3A_347 = %scan3A_10 to %scan3A_12 step %scan3A_13 iter_args(%scan3A_348 = %scan3A_9) -> (i32)  : i32 {
      %mul3A_349 = arith.constant 640 : i32
      %mul3A_350 = arith.muli %arg1, %mul3A_349 : i32
      %mul3A_351 = arith.constant 128 : i32
      %mul3A_352 = arith.muli %scan3A_347, %mul3A_351 : i32
      %add3A_353 = arith.addi %mul3A_350, %mul3A_352 : i32
      %dma_start3A_354 = arith.constant 0 : i32
      %dma_start3A_355 = tpu.memref_slice %arg25[%add3A_353, %dma_start3A_354] : memref<10240x16xf32, #tpu.memory_space<vmem_shared>> -> memref<128x16xf32, #tpu.memory_space<vmem_shared>>
      %dma_start3A_356 = arith.constant 0 : i32
      %dma_start3A_357 = tpu.memref_slice %arg25[%add3A_353, %dma_start3A_356] : memref<10240x16xf32, #tpu.memory_space<vmem_shared>> -> memref<128x16xf32, #tpu.memory_space<vmem_shared>>
      tpu.enqueue_dma source(%arg22 : memref<128x16xf32, #tpu.memory_space<vmem>>) target(%dma_start3A_357 : memref<128x16xf32, #tpu.memory_space<vmem_shared>>) target_semaphore(%arg36 : memref<!tpu.dma_semaphore, #tpu.memory_space<semaphore_mem>>)
      %scan3A_358 = arith.constant 0 : i32
      scf.yield %scan3A_358 : i32
    }
    %scan3A_15 = arith.constant 5 : i32
    %scan3A_16 = arith.constant 0 : i32
    %scan3A_17 = arith.constant 0 : i32
    %scan3A_18 = arith.constant 128 : i32
    %scan3A_19 = arith.addi %scan3A_17, %scan3A_18 : i32
    %scan3A_20 = arith.constant 1 : i32
    %scan3A_21 = scf.for %scan3A_347 = %scan3A_17 to %scan3A_19 step %scan3A_20 iter_args(%scan3A_348 = %scan3A_16) -> (i32)  : i32 {
      %broadcast_in_dim3A_349 = arith.constant 0.000000e+00 : f32
      %broadcast_in_dim3A_350 = vector.broadcast %broadcast_in_dim3A_349 : f32 to vector<16xf32>
      %swap3A_351 = arith.index_cast %scan3A_347 : i32 to index
      %swap3A_352 = arith.constant 0 : index
      %swap3A_353 = tpu.vector_load %arg18[%swap3A_351, %swap3A_352] {strides = array<i32>} : memref<128x16xf32, #tpu.memory_space<vmem>>, vector<16xf32>,
      tpu.vector_store %arg18[%swap3A_351, %swap3A_352], %broadcast_in_dim3A_350 {strides = array<i32>} : memref<128x16xf32, #tpu.memory_space<vmem>>, vector<16xf32>,
      %broadcast_in_dim3A_354 = arith.constant 0.000000e+00 : f32
      %broadcast_in_dim3A_355 = vector.broadcast %broadcast_in_dim3A_354 : f32 to vector<16xf32>
      %swap3A_356 = arith.index_cast %scan3A_347 : i32 to index
      %swap3A_357 = arith.constant 0 : index
      %swap3A_358 = tpu.vector_load %arg19[%swap3A_356, %swap3A_357] {strides = array<i32>} : memref<128x16xf32, #tpu.memory_space<vmem>>, vector<16xf32>,
      tpu.vector_store %arg19[%swap3A_356, %swap3A_357], %broadcast_in_dim3A_355 {strides = array<i32>} : memref<128x16xf32, #tpu.memory_space<vmem>>, vector<16xf32>,
      %scan3A_359 = arith.constant 0 : i32
      scf.yield %scan3A_359 : i32
    }
    %scan3A_22 = arith.constant 128 : i32
    %scan3A_23 = arith.constant 0 : i32
    %scan3A_24 = arith.constant 0 : i32
    %scan3A_25 = arith.constant 5 : i32
    %scan3A_26 = arith.addi %scan3A_24, %scan3A_25 : i32
    %scan3A_27 = arith.constant 1 : i32
    %scan3A_28 = scf.for %scan3A_347 = %scan3A_24 to %scan3A_26 step %scan3A_27 iter_args(%scan3A_348 = %scan3A_23) -> (i32)  : i32 {
      %mul3A_349 = arith.constant 640 : i32
      %mul3A_350 = arith.muli %arg1, %mul3A_349 : i32
      %dma_wait3A_351 = arith.constant 0 : i32
      %dma_wait3A_352 = tpu.memref_slice %arg25[%mul3A_350, %dma_wait3A_351] : memref<10240x16xf32, #tpu.memory_space<vmem_shared>> -> memref<128x16xf32, #tpu.memory_space<vmem_shared>>
      %dma_wait3A_353 = arith.constant 0 : i32
      %dma_wait3A_354 = tpu.memref_slice %arg25[%mul3A_350, %dma_wait3A_353] : memref<10240x16xf32, #tpu.memory_space<vmem_shared>> -> memref<128x16xf32, #tpu.memory_space<vmem_shared>>
      tpu.wait_dma2 semaphore(%arg36 : memref<!tpu.dma_semaphore, #tpu.memory_space<semaphore_mem>>) src(%arg22 : memref<128x16xf32, #tpu.memory_space<vmem>>) dst(%dma_wait3A_354 : memref<128x16xf32, #tpu.memory_space<vmem_shared>>)
      %scan3A_355 = arith.constant 0 : i32
      scf.yield %scan3A_355 : i32
    }
    %scan3A_29 = arith.constant 5 : i32
    %eq3A = arith.constant 15 : i32
    %eq3A_30 = vector.broadcast %eq3A : i32 to vector<16xi32>
    %eq3A_31 = arith.cmpi eq, %iota3A, %eq3A_30 : vector<16xi32>
    %dma_start3A = arith.constant 0 : i32
    %dma_start3A_32 = arith.constant 0 : i32
    %dma_start3A_33 = tpu.memref_slice %arg20[%dma_start3A, %dma_start3A_32] : memref<80x64xi32, #tpu.memory_space<vmem>> -> memref<1x64xi32, #tpu.memory_space<vmem>>
    %dma_start3A_34 = tpu.memref_squeeze %dma_start3A_33 : memref<1x64xi32, #tpu.memory_space<vmem>> -> memref<64xi32, #tpu.memory_space<vmem>>
    %dma_start3A_35 = arith.constant 0 : i32
    %dma_start3A_36 = arith.constant 0 : i32
    %dma_start3A_37 = tpu.memref_slice %arg2[%dma_start3A_35, %dma_start3A_36] : memref<10000x256xf32, #tpu.memory_space<hbm>> -> memref<10000x256xf32, #tpu.memory_space<hbm>>
    tpu.enqueue_indirect_dma source(%dma_start3A_37 : memref<10000x256xf32, #tpu.memory_space<hbm>>) target(%arg10 : memref<64x256xf32, #tpu.memory_space<vmem>>) offsets(%dma_start3A_34 : memref<64xi32, #tpu.memory_space<vmem>>) semaphore(%arg26 : memref<!tpu.dma_semaphore, #tpu.memory_space<semaphore_mem>>)
    %dma_start3A_38 = arith.constant 0 : i32
    %dma_start3A_39 = arith.constant 0 : i32
    %dma_start3A_40 = tpu.memref_slice %arg21[%dma_start3A_38, %dma_start3A_39] : memref<80x64xi32, #tpu.memory_space<vmem>> -> memref<1x64xi32, #tpu.memory_space<vmem>>
    %dma_start3A_41 = tpu.memref_squeeze %dma_start3A_40 : memref<1x64xi32, #tpu.memory_space<vmem>> -> memref<64xi32, #tpu.memory_space<vmem>>
    %dma_start3A_42 = arith.constant 0 : i32
    %dma_start3A_43 = arith.constant 0 : i32
    %dma_start3A_44 = tpu.memref_slice %arg3[%dma_start3A_42, %dma_start3A_43] : memref<10000x256xf32, #tpu.memory_space<hbm>> -> memref<10000x256xf32, #tpu.memory_space<hbm>>
    tpu.enqueue_indirect_dma source(%dma_start3A_44 : memref<10000x256xf32, #tpu.memory_space<hbm>>) target(%arg12 : memref<64x256xf32, #tpu.memory_space<vmem>>) offsets(%dma_start3A_41 : memref<64xi32, #tpu.memory_space<vmem>>) semaphore(%arg26 : memref<!tpu.dma_semaphore, #tpu.memory_space<semaphore_mem>>)
    %broadcast_in_dim3A = arith.constant -1.000000e+30 : f32
    %broadcast_in_dim3A_45 = vector.broadcast %broadcast_in_dim3A : f32 to vector<16xf32>
    %scan3A_46 = arith.constant 0 : i32
    %scan3A_47 = arith.constant 40 : i32
    %scan3A_48 = arith.addi %scan3A_46, %scan3A_47 : i32
    %scan3A_49 = arith.constant 1 : i32
    %scan3A_50 = scf.for %scan3A_347 = %scan3A_46 to %scan3A_48 step %scan3A_49 iter_args(%scan3A_348 = %broadcast_in_dim3A_45) -> (vector<16xf32>)  : i32 {
      %mul3A_349 = arith.constant 2 : i32
      %mul3A_350 = arith.muli %mul3A_349, %scan3A_347 : i32
      %add3A_351 = arith.constant 1 : i32
      %add3A_352 = arith.addi %mul3A_350, %add3A_351 : i32
      %dma_start3A_353 = arith.constant 0 : i32
      %dma_start3A_354 = tpu.memref_slice %arg20[%add3A_352, %dma_start3A_353] : memref<80x64xi32, #tpu.memory_space<vmem>> -> memref<1x64xi32, #tpu.memory_space<vmem>>
      %dma_start3A_355 = tpu.memref_squeeze %dma_start3A_354 : memref<1x64xi32, #tpu.memory_space<vmem>> -> memref<64xi32, #tpu.memory_space<vmem>>
      %dma_start3A_356 = arith.constant 0 : i32
      %dma_start3A_357 = arith.constant 0 : i32
      %dma_start3A_358 = tpu.memref_slice %arg2[%dma_start3A_356, %dma_start3A_357] : memref<10000x256xf32, #tpu.memory_space<hbm>> -> memref<10000x256xf32, #tpu.memory_space<hbm>>
      tpu.enqueue_indirect_dma source(%dma_start3A_358 : memref<10000x256xf32, #tpu.memory_space<hbm>>) target(%arg11 : memref<64x256xf32, #tpu.memory_space<vmem>>) offsets(%dma_start3A_355 : memref<64xi32, #tpu.memory_space<vmem>>) semaphore(%arg27 : memref<!tpu.dma_semaphore, #tpu.memory_space<semaphore_mem>>)
      %mul3A_359 = arith.constant 2 : i32
      %mul3A_360 = arith.muli %mul3A_359, %scan3A_347 : i32
      %add3A_361 = arith.constant 1 : i32
      %add3A_362 = arith.addi %mul3A_360, %add3A_361 : i32
      %dma_start3A_363 = arith.constant 0 : i32
      %dma_start3A_364 = tpu.memref_slice %arg21[%add3A_362, %dma_start3A_363] : memref<80x64xi32, #tpu.memory_space<vmem>> -> memref<1x64xi32, #tpu.memory_space<vmem>>
      %dma_start3A_365 = tpu.memref_squeeze %dma_start3A_364 : memref<1x64xi32, #tpu.memory_space<vmem>> -> memref<64xi32, #tpu.memory_space<vmem>>
      %dma_start3A_366 = arith.constant 0 : i32
      %dma_start3A_367 = arith.constant 0 : i32
      %dma_start3A_368 = tpu.memref_slice %arg3[%dma_start3A_366, %dma_start3A_367] : memref<10000x256xf32, #tpu.memory_space<hbm>> -> memref<10000x256xf32, #tpu.memory_space<hbm>>
      tpu.enqueue_indirect_dma source(%dma_start3A_368 : memref<10000x256xf32, #tpu.memory_space<hbm>>) target(%arg13 : memref<64x256xf32, #tpu.memory_space<vmem>>) offsets(%dma_start3A_365 : memref<64xi32, #tpu.memory_space<vmem>>) semaphore(%arg27 : memref<!tpu.dma_semaphore, #tpu.memory_space<semaphore_mem>>)
      %dma_wait3A_369 = arith.constant 0 : i32
      %dma_wait3A_370 = arith.constant 0 : i32
      %dma_wait3A_371 = tpu.memref_slice %arg2[%dma_wait3A_369, %dma_wait3A_370] : memref<10000x256xf32, #tpu.memory_space<hbm>> -> memref<64x256xf32, #tpu.memory_space<hbm>>
      %dma_wait3A_372 = arith.constant 0 : i32
      %dma_wait3A_373 = arith.constant 0 : i32
      %dma_wait3A_374 = tpu.memref_slice %arg2[%dma_wait3A_372, %dma_wait3A_373] : memref<10000x256xf32, #tpu.memory_space<hbm>> -> memref<64x256xf32, #tpu.memory_space<hbm>>
      tpu.wait_dma2 semaphore(%arg26 : memref<!tpu.dma_semaphore, #tpu.memory_space<semaphore_mem>>) src(%dma_wait3A_374 : memref<64x256xf32, #tpu.memory_space<hbm>>) dst(%arg10 : memref<64x256xf32, #tpu.memory_space<vmem>>)
      %dma_wait3A_375 = arith.constant 0 : i32
      %dma_wait3A_376 = arith.constant 0 : i32
      %dma_wait3A_377 = tpu.memref_slice %arg3[%dma_wait3A_375, %dma_wait3A_376] : memref<10000x256xf32, #tpu.memory_space<hbm>> -> memref<64x256xf32, #tpu.memory_space<hbm>>
      %dma_wait3A_378 = arith.constant 0 : i32
      %dma_wait3A_379 = arith.constant 0 : i32
      %dma_wait3A_380 = tpu.memref_slice %arg3[%dma_wait3A_378, %dma_wait3A_379] : memref<10000x256xf32, #tpu.memory_space<hbm>> -> memref<64x256xf32, #tpu.memory_space<hbm>>
      tpu.wait_dma2 semaphore(%arg26 : memref<!tpu.dma_semaphore, #tpu.memory_space<semaphore_mem>>) src(%dma_wait3A_380 : memref<64x256xf32, #tpu.memory_space<hbm>>) dst(%arg12 : memref<64x256xf32, #tpu.memory_space<vmem>>)
      %gt3A = arith.constant 0 : i32
      %gt3A_381 = arith.cmpi sgt, %scan3A_347, %gt3A : i32
      %convert_element_type3A_382 = arith.extui %gt3A_381 : i1 to i32
      %cond3A_383 = arith.constant 0 : i32
      %cond3A_384 = arith.cmpi ne, %convert_element_type3A_382, %cond3A_383 : i32
      scf.if %cond3A_384 {
        %jit3A_518 = arith.constant 2 : i32
        %div3A_519 = arith.divsi %mul3A_2, %jit3A_518 : i32
        %sign3A_520 = arith.constant 0 : i32
        %sign3A_521 = arith.cmpi sgt, %mul3A_2, %sign3A_520 : i32
        %sign3A_522 = arith.extui %sign3A_521 : i1 to i32
        %sign3A_523 = arith.constant 0 : i32
        %sign3A_524 = arith.cmpi slt, %mul3A_2, %sign3A_523 : i32
        %sign3A_525 = arith.extui %sign3A_524 : i1 to i32
        %sign3A_526 = arith.subi %sign3A_522, %sign3A_525 : i32
        %sign3A_527 = arith.constant 0 : i32
        %sign3A_528 = arith.cmpi sgt, %jit3A_518, %sign3A_527 : i32
        %sign3A_529 = arith.extui %sign3A_528 : i1 to i32
        %sign3A_530 = arith.constant 0 : i32
        %sign3A_531 = arith.cmpi slt, %jit3A_518, %sign3A_530 : i32
        %sign3A_532 = arith.extui %sign3A_531 : i1 to i32
        %sign3A_533 = arith.subi %sign3A_529, %sign3A_532 : i32
        %ne3A_534 = arith.cmpi ne, %sign3A_526, %sign3A_533 : i32
        %rem3A_535 = arith.remsi %mul3A_2, %jit3A_518 : i32
        %ne3A_536 = arith.constant 0 : i32
        %ne3A_537 = arith.cmpi ne, %rem3A_535, %ne3A_536 : i32
        %and3A_538 = arith.andi %ne3A_534, %ne3A_537 : i1
        %sub3A_539 = arith.constant 1 : i32
        %sub3A_540 = arith.subi %div3A_519, %sub3A_539 : i32
        %select_n3A_541 = arith.select %and3A_538, %sub3A_540, %div3A_519 : i32
        %dma_wait3A_542 = arith.constant 0 : i32
        %dma_wait3A_543 = tpu.memref_slice %arg6[%select_n3A_541, %dma_wait3A_542] : memref<81920x16xf32, #tpu.memory_space<hbm>> -> memref<32x16xf32, #tpu.memory_space<hbm>>
        %dma_wait3A_544 = arith.constant 0 : i32
        %dma_wait3A_545 = tpu.memref_slice %arg6[%select_n3A_541, %dma_wait3A_544] : memref<81920x16xf32, #tpu.memory_space<hbm>> -> memref<32x16xf32, #tpu.memory_space<hbm>>
        tpu.wait_dma2 semaphore(%arg28 : memref<!tpu.dma_semaphore, #tpu.memory_space<semaphore_mem>>) src(%arg14 : memref<32x16xf32, #tpu.memory_space<vmem>>) dst(%dma_wait3A_545 : memref<32x16xf32, #tpu.memory_space<hbm>>)
      } else {
      }
      %mul3A_385 = arith.constant 2 : i32
      %mul3A_386 = arith.muli %mul3A_385, %scan3A_347 : i32
      %mul3A_387 = arith.constant 64 : i32
      %mul3A_388 = arith.muli %mul3A_386, %mul3A_387 : i32
      %add3A_389 = arith.addi %mul3A_2, %mul3A_388 : i32
      %scan3A_390 = arith.constant 0 : i32
      %scan3A_391 = arith.constant 64 : i32
      %scan3A_392 = arith.addi %scan3A_390, %scan3A_391 : i32
      %scan3A_393 = arith.constant 1 : i32
      %scan3A_394 = scf.for %scan3A_518 = %scan3A_390 to %scan3A_392 step %scan3A_393 iter_args(%scan3A_519 = %scan3A_348) -> (vector<16xf32>)  : i32 {
        %add3A_520 = arith.addi %add3A_389, %scan3A_518 : i32
        %lt3A_521 = arith.constant 160000 : i32
        %lt3A_522 = arith.cmpi slt, %add3A_520, %lt3A_521 : i32
        %jit3A_523 = arith.constant 2 : i32
        %div3A_524 = arith.divsi %scan3A_518, %jit3A_523 : i32
        %sign3A_525 = arith.constant 0 : i32
        %sign3A_526 = arith.cmpi sgt, %scan3A_518, %sign3A_525 : i32
        %sign3A_527 = arith.extui %sign3A_526 : i1 to i32
        %sign3A_528 = arith.constant 0 : i32
        %sign3A_529 = arith.cmpi slt, %scan3A_518, %sign3A_528 : i32
        %sign3A_530 = arith.extui %sign3A_529 : i1 to i32
        %sign3A_531 = arith.subi %sign3A_527, %sign3A_530 : i32
        %sign3A_532 = arith.constant 0 : i32
        %sign3A_533 = arith.cmpi sgt, %jit3A_523, %sign3A_532 : i32
        %sign3A_534 = arith.extui %sign3A_533 : i1 to i32
        %sign3A_535 = arith.constant 0 : i32
        %sign3A_536 = arith.cmpi slt, %jit3A_523, %sign3A_535 : i32
        %sign3A_537 = arith.extui %sign3A_536 : i1 to i32
        %sign3A_538 = arith.subi %sign3A_534, %sign3A_537 : i32
        %ne3A_539 = arith.cmpi ne, %sign3A_531, %sign3A_538 : i32
        %rem3A_540 = arith.remsi %scan3A_518, %jit3A_523 : i32
        %ne3A_541 = arith.constant 0 : i32
        %ne3A_542 = arith.cmpi ne, %rem3A_540, %ne3A_541 : i32
        %and3A_543 = arith.andi %ne3A_539, %ne3A_542 : i1
        %sub3A_544 = arith.constant 1 : i32
        %sub3A_545 = arith.subi %div3A_524, %sub3A_544 : i32
        %select_n3A_546 = arith.select %and3A_543, %sub3A_545, %div3A_524 : i32
        %broadcast_in_dim3A_547 = vector.broadcast %select_n3A_546 : i32 to vector<16xi32>
        %get3A_548 = arith.index_cast %scan3A_518 : i32 to index
        %get3A_549 = arith.constant 0 : index
        %get3A_550 = tpu.vector_load %arg10[%get3A_548, %get3A_549] {strides = array<i32>} : memref<64x256xf32, #tpu.memory_space<vmem>>, vector<16xf32>,
        %get3A_551 = arith.index_cast %scan3A_518 : i32 to index
        %get3A_552 = arith.constant 0 : index
        %get3A_553 = tpu.vector_load %arg12[%get3A_551, %get3A_552] {strides = array<i32>} : memref<64x256xf32, #tpu.memory_space<vmem>>, vector<16xf32>,
        %mul3A_554 = arith.mulf %get3A_550, %get3A_553 : vector<16xf32>
        %get3A_555 = arith.index_cast %scan3A_518 : i32 to index
        %get3A_556 = arith.constant 16 : index
        %get3A_557 = tpu.vector_load %arg10[%get3A_555, %get3A_556] {strides = array<i32>} : memref<64x256xf32, #tpu.memory_space<vmem>>, vector<16xf32>,
        %get3A_558 = arith.index_cast %scan3A_518 : i32 to index
        %get3A_559 = arith.constant 16 : index
        %get3A_560 = tpu.vector_load %arg12[%get3A_558, %get3A_559] {strides = array<i32>} : memref<64x256xf32, #tpu.memory_space<vmem>>, vector<16xf32>,
        %mul3A_561 = arith.mulf %get3A_557, %get3A_560 : vector<16xf32>
        %get3A_562 = arith.index_cast %scan3A_518 : i32 to index
        %get3A_563 = arith.constant 32 : index
        %get3A_564 = tpu.vector_load %arg10[%get3A_562, %get3A_563] {strides = array<i32>} : memref<64x256xf32, #tpu.memory_space<vmem>>, vector<16xf32>,
        %get3A_565 = arith.index_cast %scan3A_518 : i32 to index
        %get3A_566 = arith.constant 32 : index
        %get3A_567 = tpu.vector_load %arg12[%get3A_565, %get3A_566] {strides = array<i32>} : memref<64x256xf32, #tpu.memory_space<vmem>>, vector<16xf32>,
        %mul3A_568 = arith.mulf %get3A_564, %get3A_567 : vector<16xf32>
        %get3A_569 = arith.index_cast %scan3A_518 : i32 to index
        %get3A_570 = arith.constant 48 : index
        %get3A_571 = tpu.vector_load %arg10[%get3A_569, %get3A_570] {strides = array<i32>} : memref<64x256xf32, #tpu.memory_space<vmem>>, vector<16xf32>,
        %get3A_572 = arith.index_cast %scan3A_518 : i32 to index
        %get3A_573 = arith.constant 48 : index
        %get3A_574 = tpu.vector_load %arg12[%get3A_572, %get3A_573] {strides = array<i32>} : memref<64x256xf32, #tpu.memory_space<vmem>>, vector<16xf32>,
        %mul3A_575 = arith.mulf %get3A_571, %get3A_574 : vector<16xf32>
        %get3A_576 = arith.index_cast %scan3A_518 : i32 to index
        %get3A_577 = arith.constant 64 : index
        %get3A_578 = tpu.vector_load %arg10[%get3A_576, %get3A_577] {strides = array<i32>} : memref<64x256xf32, #tpu.memory_space<vmem>>, vector<16xf32>,
        %get3A_579 = arith.index_cast %scan3A_518 : i32 to index
        %get3A_580 = arith.constant 64 : index
        %get3A_581 = tpu.vector_load %arg12[%get3A_579, %get3A_580] {strides = array<i32>} : memref<64x256xf32, #tpu.memory_space<vmem>>, vector<16xf32>,
        %mul3A_582 = arith.mulf %get3A_578, %get3A_581 : vector<16xf32>
        %get3A_583 = arith.index_cast %scan3A_518 : i32 to index
        %get3A_584 = arith.constant 80 : index
        %get3A_585 = tpu.vector_load %arg10[%get3A_583, %get3A_584] {strides = array<i32>} : memref<64x256xf32, #tpu.memory_space<vmem>>, vector<16xf32>,
        %get3A_586 = arith.index_cast %scan3A_518 : i32 to index
        %get3A_587 = arith.constant 80 : index
        %get3A_588 = tpu.vector_load %arg12[%get3A_586, %get3A_587] {strides = array<i32>} : memref<64x256xf32, #tpu.memory_space<vmem>>, vector<16xf32>,
        %mul3A_589 = arith.mulf %get3A_585, %get3A_588 : vector<16xf32>
        %get3A_590 = arith.index_cast %scan3A_518 : i32 to index
        %get3A_591 = arith.constant 96 : index
        %get3A_592 = tpu.vector_load %arg10[%get3A_590, %get3A_591] {strides = array<i32>} : memref<64x256xf32, #tpu.memory_space<vmem>>, vector<16xf32>,
        %get3A_593 = arith.index_cast %scan3A_518 : i32 to index
        %get3A_594 = arith.constant 96 : index
        %get3A_595 = tpu.vector_load %arg12[%get3A_593, %get3A_594] {strides = array<i32>} : memref<64x256xf32, #tpu.memory_space<vmem>>, vector<16xf32>,
        %mul3A_596 = arith.mulf %get3A_592, %get3A_595 : vector<16xf32>
        %get3A_597 = arith.index_cast %scan3A_518 : i32 to index
        %get3A_598 = arith.constant 112 : index
        %get3A_599 = tpu.vector_load %arg10[%get3A_597, %get3A_598] {strides = array<i32>} : memref<64x256xf32, #tpu.memory_space<vmem>>, vector<16xf32>,
        %get3A_600 = arith.index_cast %scan3A_518 : i32 to index
        %get3A_601 = arith.constant 112 : index
        %get3A_602 = tpu.vector_load %arg12[%get3A_600, %get3A_601] {strides = array<i32>} : memref<64x256xf32, #tpu.memory_space<vmem>>, vector<16xf32>,
        %mul3A_603 = arith.mulf %get3A_599, %get3A_602 : vector<16xf32>
        %get3A_604 = arith.index_cast %scan3A_518 : i32 to index
        %get3A_605 = arith.constant 128 : index
        %get3A_606 = tpu.vector_load %arg10[%get3A_604, %get3A_605] {strides = array<i32>} : memref<64x256xf32, #tpu.memory_space<vmem>>, vector<16xf32>,
        %get3A_607 = arith.index_cast %scan3A_518 : i32 to index
        %get3A_608 = arith.constant 128 : index
        %get3A_609 = tpu.vector_load %arg12[%get3A_607, %get3A_608] {strides = array<i32>} : memref<64x256xf32, #tpu.memory_space<vmem>>, vector<16xf32>,
        %mul3A_610 = arith.mulf %get3A_606, %get3A_609 : vector<16xf32>
        %get3A_611 = arith.index_cast %scan3A_518 : i32 to index
        %get3A_612 = arith.constant 144 : index
        %get3A_613 = tpu.vector_load %arg10[%get3A_611, %get3A_612] {strides = array<i32>} : memref<64x256xf32, #tpu.memory_space<vmem>>, vector<16xf32>,
        %get3A_614 = arith.index_cast %scan3A_518 : i32 to index
        %get3A_615 = arith.constant 144 : index
        %get3A_616 = tpu.vector_load %arg12[%get3A_614, %get3A_615] {strides = array<i32>} : memref<64x256xf32, #tpu.memory_space<vmem>>, vector<16xf32>,
        %mul3A_617 = arith.mulf %get3A_613, %get3A_616 : vector<16xf32>
        %get3A_618 = arith.index_cast %scan3A_518 : i32 to index
        %get3A_619 = arith.constant 160 : index
        %get3A_620 = tpu.vector_load %arg10[%get3A_618, %get3A_619] {strides = array<i32>} : memref<64x256xf32, #tpu.memory_space<vmem>>, vector<16xf32>,
        %get3A_621 = arith.index_cast %scan3A_518 : i32 to index
        %get3A_622 = arith.constant 160 : index
        %get3A_623 = tpu.vector_load %arg12[%get3A_621, %get3A_622] {strides = array<i32>} : memref<64x256xf32, #tpu.memory_space<vmem>>, vector<16xf32>,
        %mul3A_624 = arith.mulf %get3A_620, %get3A_623 : vector<16xf32>
        %get3A_625 = arith.index_cast %scan3A_518 : i32 to index
        %get3A_626 = arith.constant 176 : index
        %get3A_627 = tpu.vector_load %arg10[%get3A_625, %get3A_626] {strides = array<i32>} : memref<64x256xf32, #tpu.memory_space<vmem>>, vector<16xf32>,
        %get3A_628 = arith.index_cast %scan3A_518 : i32 to index
        %get3A_629 = arith.constant 176 : index
        %get3A_630 = tpu.vector_load %arg12[%get3A_628, %get3A_629] {strides = array<i32>} : memref<64x256xf32, #tpu.memory_space<vmem>>, vector<16xf32>,
        %mul3A_631 = arith.mulf %get3A_627, %get3A_630 : vector<16xf32>
        %get3A_632 = arith.index_cast %scan3A_518 : i32 to index
        %get3A_633 = arith.constant 192 : index
        %get3A_634 = tpu.vector_load %arg10[%get3A_632, %get3A_633] {strides = array<i32>} : memref<64x256xf32, #tpu.memory_space<vmem>>, vector<16xf32>,
        %get3A_635 = arith.index_cast %scan3A_518 : i32 to index
        %get3A_636 = arith.constant 192 : index
        %get3A_637 = tpu.vector_load %arg12[%get3A_635, %get3A_636] {strides = array<i32>} : memref<64x256xf32, #tpu.memory_space<vmem>>, vector<16xf32>,
        %mul3A_638 = arith.mulf %get3A_634, %get3A_637 : vector<16xf32>
        %get3A_639 = arith.index_cast %scan3A_518 : i32 to index
        %get3A_640 = arith.constant 208 : index
        %get3A_641 = tpu.vector_load %arg10[%get3A_639, %get3A_640] {strides = array<i32>} : memref<64x256xf32, #tpu.memory_space<vmem>>, vector<16xf32>,
        %get3A_642 = arith.index_cast %scan3A_518 : i32 to index
        %get3A_643 = arith.constant 208 : index
        %get3A_644 = tpu.vector_load %arg12[%get3A_642, %get3A_643] {strides = array<i32>} : memref<64x256xf32, #tpu.memory_space<vmem>>, vector<16xf32>,
        %mul3A_645 = arith.mulf %get3A_641, %get3A_644 : vector<16xf32>
        %get3A_646 = arith.index_cast %scan3A_518 : i32 to index
        %get3A_647 = arith.constant 224 : index
        %get3A_648 = tpu.vector_load %arg10[%get3A_646, %get3A_647] {strides = array<i32>} : memref<64x256xf32, #tpu.memory_space<vmem>>, vector<16xf32>,
        %get3A_649 = arith.index_cast %scan3A_518 : i32 to index
        %get3A_650 = arith.constant 224 : index
        %get3A_651 = tpu.vector_load %arg12[%get3A_649, %get3A_650] {strides = array<i32>} : memref<64x256xf32, #tpu.memory_space<vmem>>, vector<16xf32>,
        %mul3A_652 = arith.mulf %get3A_648, %get3A_651 : vector<16xf32>
        %get3A_653 = arith.index_cast %scan3A_518 : i32 to index
        %get3A_654 = arith.constant 240 : index
        %get3A_655 = tpu.vector_load %arg10[%get3A_653, %get3A_654] {strides = array<i32>} : memref<64x256xf32, #tpu.memory_space<vmem>>, vector<16xf32>,
        %get3A_656 = arith.index_cast %scan3A_518 : i32 to index
        %get3A_657 = arith.constant 240 : index
        %get3A_658 = tpu.vector_load %arg12[%get3A_656, %get3A_657] {strides = array<i32>} : memref<64x256xf32, #tpu.memory_space<vmem>>, vector<16xf32>,
        %mul3A_659 = arith.mulf %get3A_655, %get3A_658 : vector<16xf32>
        %add3A_660 = arith.addf %mul3A_554, %mul3A_561 : vector<16xf32>
        %mul3A_661 = arith.constant 0.176776692 : f32
        %mul3A_662 = vector.broadcast %mul3A_661 : f32 to vector<16xf32>
        %mul3A_663 = arith.mulf %add3A_660, %mul3A_662 : vector<16xf32>
        %cumsum3A = arith.constant true
        %cumsum3A_664 = vector.broadcast %cumsum3A : i1 to vector<16xi1>
        %cumsum3A_665 = tpu.scan <sum>, %mul3A_663 masked %cumsum3A_664 : vector<16xf32>, vector<16xi1> -> vector<16xf32>
        %jit3A_666 = arith.constant -1.000000e+30 : f32
        %broadcast_in_dim3A_667 = vector.broadcast %jit3A_666 : f32 to vector<16xf32>
        %select_n3A_668 = arith.select %lt3A_522, %cumsum3A_665, %broadcast_in_dim3A_667 : vector<16xf32>
        %max3A_669 = arith.maximumf %scan3A_519, %select_n3A_668 : vector<16xf32>
        %jit3A_670 = arith.constant 2 : i32
        %eq3A_671 = arith.constant 0 : i32
        %eq3A_672 = arith.cmpi eq, %jit3A_670, %eq3A_671 : i32
        %jit3A_673 = arith.constant 1 : i32
        %select_n3A_674 = arith.select %eq3A_672, %jit3A_673, %jit3A_670 : i32
        %rem3A_675 = arith.remsi %scan3A_518, %select_n3A_674 : i32
        %ne3A_676 = arith.constant 0 : i32
        %ne3A_677 = arith.cmpi ne, %rem3A_675, %ne3A_676 : i32
        %lt3A_678 = arith.constant 0 : i32
        %lt3A_679 = arith.cmpi slt, %rem3A_675, %lt3A_678 : i32
        %lt3A_680 = arith.constant 0 : i32
        %lt3A_681 = arith.cmpi slt, %select_n3A_674, %lt3A_680 : i32
        %ne3A_682 = arith.xori %lt3A_679, %lt3A_681 : i1
        %and3A_683 = arith.andi %ne3A_682, %ne3A_677 : i1
        %add3A_684 = arith.addi %rem3A_675, %select_n3A_674 : i32
        %select_n3A_685 = arith.select %and3A_683, %add3A_684, %rem3A_675 : i32
        %mul3A_686 = arith.constant 8 : i32
        %mul3A_687 = arith.muli %select_n3A_685, %mul3A_686 : i32
        %add3A_688 = arith.constant 0 : i32
        %add3A_689 = arith.addi %mul3A_687, %add3A_688 : i32
        %broadcast_in_dim3A_690 = vector.broadcast %add3A_689 : i32 to vector<16xi32>
        tpu.vector_store_idx %arg14[%broadcast_in_dim3A_547, %broadcast_in_dim3A_690], %select_n3A_668 masked %eq3A_31 : memref<32x16xf32, #tpu.memory_space<vmem>>[vector<16xi32>, vector<16xi32>], vector<16xf32>, vector<16xi1>
        %add3A_691 = arith.addf %mul3A_568, %mul3A_575 : vector<16xf32>
        %mul3A_692 = arith.constant 0.176776692 : f32
        %mul3A_693 = vector.broadcast %mul3A_692 : f32 to vector<16xf32>
        %mul3A_694 = arith.mulf %add3A_691, %mul3A_693 : vector<16xf32>
        %cumsum3A_695 = arith.constant true
        %cumsum3A_696 = vector.broadcast %cumsum3A_695 : i1 to vector<16xi1>
        %cumsum3A_697 = tpu.scan <sum>, %mul3A_694 masked %cumsum3A_696 : vector<16xf32>, vector<16xi1> -> vector<16xf32>
        %jit3A_698 = arith.constant -1.000000e+30 : f32
        %broadcast_in_dim3A_699 = vector.broadcast %jit3A_698 : f32 to vector<16xf32>
        %select_n3A_700 = arith.select %lt3A_522, %cumsum3A_697, %broadcast_in_dim3A_699 : vector<16xf32>
        %max3A_701 = arith.maximumf %max3A_669, %select_n3A_700 : vector<16xf32>
        %jit3A_702 = arith.constant 2 : i32
        %eq3A_703 = arith.constant 0 : i32
        %eq3A_704 = arith.cmpi eq, %jit3A_702, %eq3A_703 : i32
        %jit3A_705 = arith.constant 1 : i32
        %select_n3A_706 = arith.select %eq3A_704, %jit3A_705, %jit3A_702 : i32
        %rem3A_707 = arith.remsi %scan3A_518, %select_n3A_706 : i32
        %ne3A_708 = arith.constant 0 : i32
        %ne3A_709 = arith.cmpi ne, %rem3A_707, %ne3A_708 : i32
        %lt3A_710 = arith.constant 0 : i32
        %lt3A_711 = arith.cmpi slt, %rem3A_707, %lt3A_710 : i32
        %lt3A_712 = arith.constant 0 : i32
        %lt3A_713 = arith.cmpi slt, %select_n3A_706, %lt3A_712 : i32
        %ne3A_714 = arith.xori %lt3A_711, %lt3A_713 : i1
        %and3A_715 = arith.andi %ne3A_714, %ne3A_709 : i1
        %add3A_716 = arith.addi %rem3A_707, %select_n3A_706 : i32
        %select_n3A_717 = arith.select %and3A_715, %add3A_716, %rem3A_707 : i32
        %mul3A_718 = arith.constant 8 : i32
        %mul3A_719 = arith.muli %select_n3A_717, %mul3A_718 : i32
        %add3A_720 = arith.constant 1 : i32
        %add3A_721 = arith.addi %mul3A_719, %add3A_720 : i32
        %broadcast_in_dim3A_722 = vector.broadcast %add3A_721 : i32 to vector<16xi32>
        tpu.vector_store_idx %arg14[%broadcast_in_dim3A_547, %broadcast_in_dim3A_722], %select_n3A_700 masked %eq3A_31 : memref<32x16xf32, #tpu.memory_space<vmem>>[vector<16xi32>, vector<16xi32>], vector<16xf32>, vector<16xi1>
        %add3A_723 = arith.addf %mul3A_582, %mul3A_589 : vector<16xf32>
        %mul3A_724 = arith.constant 0.176776692 : f32
        %mul3A_725 = vector.broadcast %mul3A_724 : f32 to vector<16xf32>
        %mul3A_726 = arith.mulf %add3A_723, %mul3A_725 : vector<16xf32>
        %cumsum3A_727 = arith.constant true
        %cumsum3A_728 = vector.broadcast %cumsum3A_727 : i1 to vector<16xi1>
        %cumsum3A_729 = tpu.scan <sum>, %mul3A_726 masked %cumsum3A_728 : vector<16xf32>, vector<16xi1> -> vector<16xf32>
        %jit3A_730 = arith.constant -1.000000e+30 : f32
        %broadcast_in_dim3A_731 = vector.broadcast %jit3A_730 : f32 to vector<16xf32>
        %select_n3A_732 = arith.select %lt3A_522, %cumsum3A_729, %broadcast_in_dim3A_731 : vector<16xf32>
        %max3A_733 = arith.maximumf %max3A_701, %select_n3A_732 : vector<16xf32>
        %jit3A_734 = arith.constant 2 : i32
        %eq3A_735 = arith.constant 0 : i32
        %eq3A_736 = arith.cmpi eq, %jit3A_734, %eq3A_735 : i32
        %jit3A_737 = arith.constant 1 : i32
        %select_n3A_738 = arith.select %eq3A_736, %jit3A_737, %jit3A_734 : i32
        %rem3A_739 = arith.remsi %scan3A_518, %select_n3A_738 : i32
        %ne3A_740 = arith.constant 0 : i32
        %ne3A_741 = arith.cmpi ne, %rem3A_739, %ne3A_740 : i32
        %lt3A_742 = arith.constant 0 : i32
        %lt3A_743 = arith.cmpi slt, %rem3A_739, %lt3A_742 : i32
        %lt3A_744 = arith.constant 0 : i32
        %lt3A_745 = arith.cmpi slt, %select_n3A_738, %lt3A_744 : i32
        %ne3A_746 = arith.xori %lt3A_743, %lt3A_745 : i1
        %and3A_747 = arith.andi %ne3A_746, %ne3A_741 : i1
        %add3A_748 = arith.addi %rem3A_739, %select_n3A_738 : i32
        %select_n3A_749 = arith.select %and3A_747, %add3A_748, %rem3A_739 : i32
        %mul3A_750 = arith.constant 8 : i32
        %mul3A_751 = arith.muli %select_n3A_749, %mul3A_750 : i32
        %add3A_752 = arith.constant 2 : i32
        %add3A_753 = arith.addi %mul3A_751, %add3A_752 : i32
        %broadcast_in_dim3A_754 = vector.broadcast %add3A_753 : i32 to vector<16xi32>
        tpu.vector_store_idx %arg14[%broadcast_in_dim3A_547, %broadcast_in_dim3A_754], %select_n3A_732 masked %eq3A_31 : memref<32x16xf32, #tpu.memory_space<vmem>>[vector<16xi32>, vector<16xi32>], vector<16xf32>, vector<16xi1>
        %add3A_755 = arith.addf %mul3A_596, %mul3A_603 : vector<16xf32>
        %mul3A_756 = arith.constant 0.176776692 : f32
        %mul3A_757 = vector.broadcast %mul3A_756 : f32 to vector<16xf32>
        %mul3A_758 = arith.mulf %add3A_755, %mul3A_757 : vector<16xf32>
        %cumsum3A_759 = arith.constant true
        %cumsum3A_760 = vector.broadcast %cumsum3A_759 : i1 to vector<16xi1>
        %cumsum3A_761 = tpu.scan <sum>, %mul3A_758 masked %cumsum3A_760 : vector<16xf32>, vector<16xi1> -> vector<16xf32>
        %jit3A_762 = arith.constant -1.000000e+30 : f32
        %broadcast_in_dim3A_763 = vector.broadcast %jit3A_762 : f32 to vector<16xf32>
        %select_n3A_764 = arith.select %lt3A_522, %cumsum3A_761, %broadcast_in_dim3A_763 : vector<16xf32>
        %max3A_765 = arith.maximumf %max3A_733, %select_n3A_764 : vector<16xf32>
        %jit3A_766 = arith.constant 2 : i32
        %eq3A_767 = arith.constant 0 : i32
        %eq3A_768 = arith.cmpi eq, %jit3A_766, %eq3A_767 : i32
        %jit3A_769 = arith.constant 1 : i32
        %select_n3A_770 = arith.select %eq3A_768, %jit3A_769, %jit3A_766 : i32
        %rem3A_771 = arith.remsi %scan3A_518, %select_n3A_770 : i32
        %ne3A_772 = arith.constant 0 : i32
        %ne3A_773 = arith.cmpi ne, %rem3A_771, %ne3A_772 : i32
        %lt3A_774 = arith.constant 0 : i32
        %lt3A_775 = arith.cmpi slt, %rem3A_771, %lt3A_774 : i32
        %lt3A_776 = arith.constant 0 : i32
        %lt3A_777 = arith.cmpi slt, %select_n3A_770, %lt3A_776 : i32
        %ne3A_778 = arith.xori %lt3A_775, %lt3A_777 : i1
        %and3A_779 = arith.andi %ne3A_778, %ne3A_773 : i1
        %add3A_780 = arith.addi %rem3A_771, %select_n3A_770 : i32
        %select_n3A_781 = arith.select %and3A_779, %add3A_780, %rem3A_771 : i32
        %mul3A_782 = arith.constant 8 : i32
        %mul3A_783 = arith.muli %select_n3A_781, %mul3A_782 : i32
        %add3A_784 = arith.constant 3 : i32
        %add3A_785 = arith.addi %mul3A_783, %add3A_784 : i32
        %broadcast_in_dim3A_786 = vector.broadcast %add3A_785 : i32 to vector<16xi32>
        tpu.vector_store_idx %arg14[%broadcast_in_dim3A_547, %broadcast_in_dim3A_786], %select_n3A_764 masked %eq3A_31 : memref<32x16xf32, #tpu.memory_space<vmem>>[vector<16xi32>, vector<16xi32>], vector<16xf32>, vector<16xi1>
        %add3A_787 = arith.addf %mul3A_610, %mul3A_617 : vector<16xf32>
        %mul3A_788 = arith.constant 0.176776692 : f32
        %mul3A_789 = vector.broadcast %mul3A_788 : f32 to vector<16xf32>
        %mul3A_790 = arith.mulf %add3A_787, %mul3A_789 : vector<16xf32>
        %cumsum3A_791 = arith.constant true
        %cumsum3A_792 = vector.broadcast %cumsum3A_791 : i1 to vector<16xi1>
        %cumsum3A_793 = tpu.scan <sum>, %mul3A_790 masked %cumsum3A_792 : vector<16xf32>, vector<16xi1> -> vector<16xf32>
        %jit3A_794 = arith.constant -1.000000e+30 : f32
        %broadcast_in_dim3A_795 = vector.broadcast %jit3A_794 : f32 to vector<16xf32>
        %select_n3A_796 = arith.select %lt3A_522, %cumsum3A_793, %broadcast_in_dim3A_795 : vector<16xf32>
        %max3A_797 = arith.maximumf %max3A_765, %select_n3A_796 : vector<16xf32>
        %jit3A_798 = arith.constant 2 : i32
        %eq3A_799 = arith.constant 0 : i32
        %eq3A_800 = arith.cmpi eq, %jit3A_798, %eq3A_799 : i32
        %jit3A_801 = arith.constant 1 : i32
        %select_n3A_802 = arith.select %eq3A_800, %jit3A_801, %jit3A_798 : i32
        %rem3A_803 = arith.remsi %scan3A_518, %select_n3A_802 : i32
        %ne3A_804 = arith.constant 0 : i32
        %ne3A_805 = arith.cmpi ne, %rem3A_803, %ne3A_804 : i32
        %lt3A_806 = arith.constant 0 : i32
        %lt3A_807 = arith.cmpi slt, %rem3A_803, %lt3A_806 : i32
        %lt3A_808 = arith.constant 0 : i32
        %lt3A_809 = arith.cmpi slt, %select_n3A_802, %lt3A_808 : i32
        %ne3A_810 = arith.xori %lt3A_807, %lt3A_809 : i1
        %and3A_811 = arith.andi %ne3A_810, %ne3A_805 : i1
        %add3A_812 = arith.addi %rem3A_803, %select_n3A_802 : i32
        %select_n3A_813 = arith.select %and3A_811, %add3A_812, %rem3A_803 : i32
        %mul3A_814 = arith.constant 8 : i32
        %mul3A_815 = arith.muli %select_n3A_813, %mul3A_814 : i32
        %add3A_816 = arith.constant 4 : i32
        %add3A_817 = arith.addi %mul3A_815, %add3A_816 : i32
        %broadcast_in_dim3A_818 = vector.broadcast %add3A_817 : i32 to vector<16xi32>
        tpu.vector_store_idx %arg14[%broadcast_in_dim3A_547, %broadcast_in_dim3A_818], %select_n3A_796 masked %eq3A_31 : memref<32x16xf32, #tpu.memory_space<vmem>>[vector<16xi32>, vector<16xi32>], vector<16xf32>, vector<16xi1>
        %add3A_819 = arith.addf %mul3A_624, %mul3A_631 : vector<16xf32>
        %mul3A_820 = arith.constant 0.176776692 : f32
        %mul3A_821 = vector.broadcast %mul3A_820 : f32 to vector<16xf32>
        %mul3A_822 = arith.mulf %add3A_819, %mul3A_821 : vector<16xf32>
        %cumsum3A_823 = arith.constant true
        %cumsum3A_824 = vector.broadcast %cumsum3A_823 : i1 to vector<16xi1>
        %cumsum3A_825 = tpu.scan <sum>, %mul3A_822 masked %cumsum3A_824 : vector<16xf32>, vector<16xi1> -> vector<16xf32>
        %jit3A_826 = arith.constant -1.000000e+30 : f32
        %broadcast_in_dim3A_827 = vector.broadcast %jit3A_826 : f32 to vector<16xf32>
        %select_n3A_828 = arith.select %lt3A_522, %cumsum3A_825, %broadcast_in_dim3A_827 : vector<16xf32>
        %max3A_829 = arith.maximumf %max3A_797, %select_n3A_828 : vector<16xf32>
        %jit3A_830 = arith.constant 2 : i32
        %eq3A_831 = arith.constant 0 : i32
        %eq3A_832 = arith.cmpi eq, %jit3A_830, %eq3A_831 : i32
        %jit3A_833 = arith.constant 1 : i32
        %select_n3A_834 = arith.select %eq3A_832, %jit3A_833, %jit3A_830 : i32
        %rem3A_835 = arith.remsi %scan3A_518, %select_n3A_834 : i32
        %ne3A_836 = arith.constant 0 : i32
        %ne3A_837 = arith.cmpi ne, %rem3A_835, %ne3A_836 : i32
        %lt3A_838 = arith.constant 0 : i32
        %lt3A_839 = arith.cmpi slt, %rem3A_835, %lt3A_838 : i32
        %lt3A_840 = arith.constant 0 : i32
        %lt3A_841 = arith.cmpi slt, %select_n3A_834, %lt3A_840 : i32
        %ne3A_842 = arith.xori %lt3A_839, %lt3A_841 : i1
        %and3A_843 = arith.andi %ne3A_842, %ne3A_837 : i1
        %add3A_844 = arith.addi %rem3A_835, %select_n3A_834 : i32
        %select_n3A_845 = arith.select %and3A_843, %add3A_844, %rem3A_835 : i32
        %mul3A_846 = arith.constant 8 : i32
        %mul3A_847 = arith.muli %select_n3A_845, %mul3A_846 : i32
        %add3A_848 = arith.constant 5 : i32
        %add3A_849 = arith.addi %mul3A_847, %add3A_848 : i32
        %broadcast_in_dim3A_850 = vector.broadcast %add3A_849 : i32 to vector<16xi32>
        tpu.vector_store_idx %arg14[%broadcast_in_dim3A_547, %broadcast_in_dim3A_850], %select_n3A_828 masked %eq3A_31 : memref<32x16xf32, #tpu.memory_space<vmem>>[vector<16xi32>, vector<16xi32>], vector<16xf32>, vector<16xi1>
        %add3A_851 = arith.addf %mul3A_638, %mul3A_645 : vector<16xf32>
        %mul3A_852 = arith.constant 0.176776692 : f32
        %mul3A_853 = vector.broadcast %mul3A_852 : f32 to vector<16xf32>
        %mul3A_854 = arith.mulf %add3A_851, %mul3A_853 : vector<16xf32>
        %cumsum3A_855 = arith.constant true
        %cumsum3A_856 = vector.broadcast %cumsum3A_855 : i1 to vector<16xi1>
        %cumsum3A_857 = tpu.scan <sum>, %mul3A_854 masked %cumsum3A_856 : vector<16xf32>, vector<16xi1> -> vector<16xf32>
        %jit3A_858 = arith.constant -1.000000e+30 : f32
        %broadcast_in_dim3A_859 = vector.broadcast %jit3A_858 : f32 to vector<16xf32>
        %select_n3A_860 = arith.select %lt3A_522, %cumsum3A_857, %broadcast_in_dim3A_859 : vector<16xf32>
        %max3A_861 = arith.maximumf %max3A_829, %select_n3A_860 : vector<16xf32>
        %jit3A_862 = arith.constant 2 : i32
        %eq3A_863 = arith.constant 0 : i32
        %eq3A_864 = arith.cmpi eq, %jit3A_862, %eq3A_863 : i32
        %jit3A_865 = arith.constant 1 : i32
        %select_n3A_866 = arith.select %eq3A_864, %jit3A_865, %jit3A_862 : i32
        %rem3A_867 = arith.remsi %scan3A_518, %select_n3A_866 : i32
        %ne3A_868 = arith.constant 0 : i32
        %ne3A_869 = arith.cmpi ne, %rem3A_867, %ne3A_868 : i32
        %lt3A_870 = arith.constant 0 : i32
        %lt3A_871 = arith.cmpi slt, %rem3A_867, %lt3A_870 : i32
        %lt3A_872 = arith.constant 0 : i32
        %lt3A_873 = arith.cmpi slt, %select_n3A_866, %lt3A_872 : i32
        %ne3A_874 = arith.xori %lt3A_871, %lt3A_873 : i1
        %and3A_875 = arith.andi %ne3A_874, %ne3A_869 : i1
        %add3A_876 = arith.addi %rem3A_867, %select_n3A_866 : i32
        %select_n3A_877 = arith.select %and3A_875, %add3A_876, %rem3A_867 : i32
        %mul3A_878 = arith.constant 8 : i32
        %mul3A_879 = arith.muli %select_n3A_877, %mul3A_878 : i32
        %add3A_880 = arith.constant 6 : i32
        %add3A_881 = arith.addi %mul3A_879, %add3A_880 : i32
        %broadcast_in_dim3A_882 = vector.broadcast %add3A_881 : i32 to vector<16xi32>
        tpu.vector_store_idx %arg14[%broadcast_in_dim3A_547, %broadcast_in_dim3A_882], %select_n3A_860 masked %eq3A_31 : memref<32x16xf32, #tpu.memory_space<vmem>>[vector<16xi32>, vector<16xi32>], vector<16xf32>, vector<16xi1>
        %add3A_883 = arith.addf %mul3A_652, %mul3A_659 : vector<16xf32>
        %mul3A_884 = arith.constant 0.176776692 : f32
        %mul3A_885 = vector.broadcast %mul3A_884 : f32 to vector<16xf32>
        %mul3A_886 = arith.mulf %add3A_883, %mul3A_885 : vector<16xf32>
        %cumsum3A_887 = arith.constant true
        %cumsum3A_888 = vector.broadcast %cumsum3A_887 : i1 to vector<16xi1>
        %cumsum3A_889 = tpu.scan <sum>, %mul3A_886 masked %cumsum3A_888 : vector<16xf32>, vector<16xi1> -> vector<16xf32>
        %jit3A_890 = arith.constant -1.000000e+30 : f32
        %broadcast_in_dim3A_891 = vector.broadcast %jit3A_890 : f32 to vector<16xf32>
        %select_n3A_892 = arith.select %lt3A_522, %cumsum3A_889, %broadcast_in_dim3A_891 : vector<16xf32>
        %max3A_893 = arith.maximumf %max3A_861, %select_n3A_892 : vector<16xf32>
        %jit3A_894 = arith.constant 2 : i32
        %eq3A_895 = arith.constant 0 : i32
        %eq3A_896 = arith.cmpi eq, %jit3A_894, %eq3A_895 : i32
        %jit3A_897 = arith.constant 1 : i32
        %select_n3A_898 = arith.select %eq3A_896, %jit3A_897, %jit3A_894 : i32
        %rem3A_899 = arith.remsi %scan3A_518, %select_n3A_898 : i32
        %ne3A_900 = arith.constant 0 : i32
        %ne3A_901 = arith.cmpi ne, %rem3A_899, %ne3A_900 : i32
        %lt3A_902 = arith.constant 0 : i32
        %lt3A_903 = arith.cmpi slt, %rem3A_899, %lt3A_902 : i32
        %lt3A_904 = arith.constant 0 : i32
        %lt3A_905 = arith.cmpi slt, %select_n3A_898, %lt3A_904 : i32
        %ne3A_906 = arith.xori %lt3A_903, %lt3A_905 : i1
        %and3A_907 = arith.andi %ne3A_906, %ne3A_901 : i1
        %add3A_908 = arith.addi %rem3A_899, %select_n3A_898 : i32
        %select_n3A_909 = arith.select %and3A_907, %add3A_908, %rem3A_899 : i32
        %mul3A_910 = arith.constant 8 : i32
        %mul3A_911 = arith.muli %select_n3A_909, %mul3A_910 : i32
        %add3A_912 = arith.constant 7 : i32
        %add3A_913 = arith.addi %mul3A_911, %add3A_912 : i32
        %broadcast_in_dim3A_914 = vector.broadcast %add3A_913 : i32 to vector<16xi32>
        tpu.vector_store_idx %arg14[%broadcast_in_dim3A_547, %broadcast_in_dim3A_914], %select_n3A_892 masked %eq3A_31 : memref<32x16xf32, #tpu.memory_space<vmem>>[vector<16xi32>, vector<16xi32>], vector<16xf32>, vector<16xi1>
        scf.yield %max3A_893 : vector<16xf32>
      }
      %scan3A_395 = arith.constant 64 : i32
      %mul3A_396 = arith.constant 2 : i32
      %mul3A_397 = arith.muli %mul3A_396, %scan3A_347 : i32
      %mul3A_398 = arith.constant 64 : i32
      %mul3A_399 = arith.muli %mul3A_397, %mul3A_398 : i32
      %add3A_400 = arith.addi %mul3A_2, %mul3A_399 : i32
      %jit3A_401 = arith.constant 2 : i32
      %div3A_402 = arith.divsi %add3A_400, %jit3A_401 : i32
      %sign3A_403 = arith.constant 0 : i32
      %sign3A_404 = arith.cmpi sgt, %add3A_400, %sign3A_403 : i32
      %sign3A_405 = arith.extui %sign3A_404 : i1 to i32
      %sign3A_406 = arith.constant 0 : i32
      %sign3A_407 = arith.cmpi slt, %add3A_400, %sign3A_406 : i32
      %sign3A_408 = arith.extui %sign3A_407 : i1 to i32
      %sign3A_409 = arith.subi %sign3A_405, %sign3A_408 : i32
      %sign3A_410 = arith.constant 0 : i32
      %sign3A_411 = arith.cmpi sgt, %jit3A_401, %sign3A_410 : i32
      %sign3A_412 = arith.extui %sign3A_411 : i1 to i32
      %sign3A_413 = arith.constant 0 : i32
      %sign3A_414 = arith.cmpi slt, %jit3A_401, %sign3A_413 : i32
      %sign3A_415 = arith.extui %sign3A_414 : i1 to i32
      %sign3A_416 = arith.subi %sign3A_412, %sign3A_415 : i32
      %ne3A_417 = arith.cmpi ne, %sign3A_409, %sign3A_416 : i32
      %rem3A_418 = arith.remsi %add3A_400, %jit3A_401 : i32
      %ne3A_419 = arith.constant 0 : i32
      %ne3A_420 = arith.cmpi ne, %rem3A_418, %ne3A_419 : i32
      %and3A_421 = arith.andi %ne3A_417, %ne3A_420 : i1
      %sub3A_422 = arith.constant 1 : i32
      %sub3A_423 = arith.subi %div3A_402, %sub3A_422 : i32
      %select_n3A_424 = arith.select %and3A_421, %sub3A_423, %div3A_402 : i32
      %dma_start3A_425 = arith.constant 0 : i32
      %dma_start3A_426 = tpu.memref_slice %arg6[%select_n3A_424, %dma_start3A_425] : memref<81920x16xf32, #tpu.memory_space<hbm>> -> memref<32x16xf32, #tpu.memory_space<hbm>>
      %dma_start3A_427 = arith.constant 0 : i32
      %dma_start3A_428 = tpu.memref_slice %arg6[%select_n3A_424, %dma_start3A_427] : memref<81920x16xf32, #tpu.memory_space<hbm>> -> memref<32x16xf32, #tpu.memory_space<hbm>>
      tpu.enqueue_dma source(%arg14 : memref<32x16xf32, #tpu.memory_space<vmem>>) target(%dma_start3A_428 : memref<32x16xf32, #tpu.memory_space<hbm>>) target_semaphore(%arg28 : memref<!tpu.dma_semaphore, #tpu.memory_space<semaphore_mem>>)
      %mul3A_429 = arith.constant 2 : i32
      %mul3A_430 = arith.muli %mul3A_429, %scan3A_347 : i32
      %add3A_431 = arith.constant 2 : i32
      %add3A_432 = arith.addi %mul3A_430, %add3A_431 : i32
      %lt3A_433 = arith.constant 80 : i32
      %lt3A_434 = arith.cmpi slt, %add3A_432, %lt3A_433 : i32
      %mul3A_435 = arith.constant 2 : i32
      %mul3A_436 = arith.muli %mul3A_435, %scan3A_347 : i32
      %add3A_437 = arith.constant 2 : i32
      %add3A_438 = arith.addi %mul3A_436, %add3A_437 : i32
      %jit3A_439 = arith.constant 0 : i32
      %select_n3A_440 = arith.select %lt3A_434, %add3A_438, %jit3A_439 : i32
      %dma_start3A_441 = arith.constant 0 : i32
      %dma_start3A_442 = tpu.memref_slice %arg20[%select_n3A_440, %dma_start3A_441] : memref<80x64xi32, #tpu.memory_space<vmem>> -> memref<1x64xi32, #tpu.memory_space<vmem>>
      %dma_start3A_443 = tpu.memref_squeeze %dma_start3A_442 : memref<1x64xi32, #tpu.memory_space<vmem>> -> memref<64xi32, #tpu.memory_space<vmem>>
      %dma_start3A_444 = arith.constant 0 : i32
      %dma_start3A_445 = arith.constant 0 : i32
      %dma_start3A_446 = tpu.memref_slice %arg2[%dma_start3A_444, %dma_start3A_445] : memref<10000x256xf32, #tpu.memory_space<hbm>> -> memref<10000x256xf32, #tpu.memory_space<hbm>>
      tpu.enqueue_indirect_dma source(%dma_start3A_446 : memref<10000x256xf32, #tpu.memory_space<hbm>>) target(%arg10 : memref<64x256xf32, #tpu.memory_space<vmem>>) offsets(%dma_start3A_443 : memref<64xi32, #tpu.memory_space<vmem>>) semaphore(%arg26 : memref<!tpu.dma_semaphore, #tpu.memory_space<semaphore_mem>>)
      %dma_start3A_447 = arith.constant 0 : i32
      %dma_start3A_448 = tpu.memref_slice %arg21[%select_n3A_440, %dma_start3A_447] : memref<80x64xi32, #tpu.memory_space<vmem>> -> memref<1x64xi32, #tpu.memory_space<vmem>>
      %dma_start3A_449 = tpu.memref_squeeze %dma_start3A_448 : memref<1x64xi32, #tpu.memory_space<vmem>> -> memref<64xi32, #tpu.memory_space<vmem>>
      %dma_start3A_450 = arith.constant 0 : i32
      %dma_start3A_451 = arith.constant 0 : i32
      %dma_start3A_452 = tpu.memref_slice %arg3[%dma_start3A_450, %dma_start3A_451] : memref<10000x256xf32, #tpu.memory_space<hbm>> -> memref<10000x256xf32, #tpu.memory_space<hbm>>
      tpu.enqueue_indirect_dma source(%dma_start3A_452 : memref<10000x256xf32, #tpu.memory_space<hbm>>) target(%arg12 : memref<64x256xf32, #tpu.memory_space<vmem>>) offsets(%dma_start3A_449 : memref<64xi32, #tpu.memory_space<vmem>>) semaphore(%arg26 : memref<!tpu.dma_semaphore, #tpu.memory_space<semaphore_mem>>)
      %dma_wait3A_453 = arith.constant 0 : i32
      %dma_wait3A_454 = arith.constant 0 : i32
      %dma_wait3A_455 = tpu.memref_slice %arg2[%dma_wait3A_453, %dma_wait3A_454] : memref<10000x256xf32, #tpu.memory_space<hbm>> -> memref<64x256xf32, #tpu.memory_space<hbm>>
      %dma_wait3A_456 = arith.constant 0 : i32
      %dma_wait3A_457 = arith.constant 0 : i32
      %dma_wait3A_458 = tpu.memref_slice %arg2[%dma_wait3A_456, %dma_wait3A_457] : memref<10000x256xf32, #tpu.memory_space<hbm>> -> memref<64x256xf32, #tpu.memory_space<hbm>>
      tpu.wait_dma2 semaphore(%arg27 : memref<!tpu.dma_semaphore, #tpu.memory_space<semaphore_mem>>) src(%dma_wait3A_458 : memref<64x256xf32, #tpu.memory_space<hbm>>) dst(%arg11 : memref<64x256xf32, #tpu.memory_space<vmem>>)
      %dma_wait3A_459 = arith.constant 0 : i32
      %dma_wait3A_460 = arith.constant 0 : i32
      %dma_wait3A_461 = tpu.memref_slice %arg3[%dma_wait3A_459, %dma_wait3A_460] : memref<10000x256xf32, #tpu.memory_space<hbm>> -> memref<64x256xf32, #tpu.memory_space<hbm>>
      %dma_wait3A_462 = arith.constant 0 : i32
      %dma_wait3A_463 = arith.constant 0 : i32
      %dma_wait3A_464 = tpu.memref_slice %arg3[%dma_wait3A_462, %dma_wait3A_463] : memref<10000x256xf32, #tpu.memory_space<hbm>> -> memref<64x256xf32, #tpu.memory_space<hbm>>
      tpu.wait_dma2 semaphore(%arg27 : memref<!tpu.dma_semaphore, #tpu.memory_space<semaphore_mem>>) src(%dma_wait3A_464 : memref<64x256xf32, #tpu.memory_space<hbm>>) dst(%arg13 : memref<64x256xf32, #tpu.memory_space<vmem>>)
      %gt3A_465 = arith.constant 0 : i32
      %gt3A_466 = arith.cmpi sgt, %scan3A_347, %gt3A_465 : i32
      %convert_element_type3A_467 = arith.extui %gt3A_466 : i1 to i32
      %cond3A_468 = arith.constant 0 : i32
      %cond3A_469 = arith.cmpi ne, %convert_element_type3A_467, %cond3A_468 : i32
      scf.if %cond3A_469 {
        %jit3A_518 = arith.constant 2 : i32
        %div3A_519 = arith.divsi %mul3A_2, %jit3A_518 : i32
        %sign3A_520 = arith.constant 0 : i32
        %sign3A_521 = arith.cmpi sgt, %mul3A_2, %sign3A_520 : i32
        %sign3A_522 = arith.extui %sign3A_521 : i1 to i32
        %sign3A_523 = arith.constant 0 : i32
        %sign3A_524 = arith.cmpi slt, %mul3A_2, %sign3A_523 : i32
        %sign3A_525 = arith.extui %sign3A_524 : i1 to i32
        %sign3A_526 = arith.subi %sign3A_522, %sign3A_525 : i32
        %sign3A_527 = arith.constant 0 : i32
        %sign3A_528 = arith.cmpi sgt, %jit3A_518, %sign3A_527 : i32
        %sign3A_529 = arith.extui %sign3A_528 : i1 to i32
        %sign3A_530 = arith.constant 0 : i32
        %sign3A_531 = arith.cmpi slt, %jit3A_518, %sign3A_530 : i32
        %sign3A_532 = arith.extui %sign3A_531 : i1 to i32
        %sign3A_533 = arith.subi %sign3A_529, %sign3A_532 : i32
        %ne3A_534 = arith.cmpi ne, %sign3A_526, %sign3A_533 : i32
        %rem3A_535 = arith.remsi %mul3A_2, %jit3A_518 : i32
        %ne3A_536 = arith.constant 0 : i32
        %ne3A_537 = arith.cmpi ne, %rem3A_535, %ne3A_536 : i32
        %and3A_538 = arith.andi %ne3A_534, %ne3A_537 : i1
        %sub3A_539 = arith.constant 1 : i32
        %sub3A_540 = arith.subi %div3A_519, %sub3A_539 : i32
        %select_n3A_541 = arith.select %and3A_538, %sub3A_540, %div3A_519 : i32
        %dma_wait3A_542 = arith.constant 0 : i32
        %dma_wait3A_543 = tpu.memref_slice %arg6[%select_n3A_541, %dma_wait3A_542] : memref<81920x16xf32, #tpu.memory_space<hbm>> -> memref<32x16xf32, #tpu.memory_space<hbm>>
        %dma_wait3A_544 = arith.constant 0 : i32
        %dma_wait3A_545 = tpu.memref_slice %arg6[%select_n3A_541, %dma_wait3A_544] : memref<81920x16xf32, #tpu.memory_space<hbm>> -> memref<32x16xf32, #tpu.memory_space<hbm>>
        tpu.wait_dma2 semaphore(%arg29 : memref<!tpu.dma_semaphore, #tpu.memory_space<semaphore_mem>>) src(%arg15 : memref<32x16xf32, #tpu.memory_space<vmem>>) dst(%dma_wait3A_545 : memref<32x16xf32, #tpu.memory_space<hbm>>)
      } else {
      }
      %mul3A_470 = arith.constant 2 : i32
      %mul3A_471 = arith.muli %mul3A_470, %scan3A_347 : i32
      %add3A_472 = arith.constant 1 : i32
      %add3A_473 = arith.addi %mul3A_471, %add3A_472 : i32
      %mul3A_474 = arith.constant 64 : i32
      %mul3A_475 = arith.muli %add3A_473, %mul3A_474 : i32
      %add3A_476 = arith.addi %mul3A_2, %mul3A_475 : i32
      %scan3A_477 = arith.constant 0 : i32
      %scan3A_478 = arith.constant 64 : i32
      %scan3A_479 = arith.addi %scan3A_477, %scan3A_478 : i32
      %scan3A_480 = arith.constant 1 : i32
      %scan3A_481 = scf.for %scan3A_518 = %scan3A_477 to %scan3A_479 step %scan3A_480 iter_args(%scan3A_519 = %scan3A_394) -> (vector<16xf32>)  : i32 {
        %add3A_520 = arith.addi %add3A_476, %scan3A_518 : i32
        %lt3A_521 = arith.constant 160000 : i32
        %lt3A_522 = arith.cmpi slt, %add3A_520, %lt3A_521 : i32
        %jit3A_523 = arith.constant 2 : i32
        %div3A_524 = arith.divsi %scan3A_518, %jit3A_523 : i32
        %sign3A_525 = arith.constant 0 : i32
        %sign3A_526 = arith.cmpi sgt, %scan3A_518, %sign3A_525 : i32
        %sign3A_527 = arith.extui %sign3A_526 : i1 to i32
        %sign3A_528 = arith.constant 0 : i32
        %sign3A_529 = arith.cmpi slt, %scan3A_518, %sign3A_528 : i32
        %sign3A_530 = arith.extui %sign3A_529 : i1 to i32
        %sign3A_531 = arith.subi %sign3A_527, %sign3A_530 : i32
        %sign3A_532 = arith.constant 0 : i32
        %sign3A_533 = arith.cmpi sgt, %jit3A_523, %sign3A_532 : i32
        %sign3A_534 = arith.extui %sign3A_533 : i1 to i32
        %sign3A_535 = arith.constant 0 : i32
        %sign3A_536 = arith.cmpi slt, %jit3A_523, %sign3A_535 : i32
        %sign3A_537 = arith.extui %sign3A_536 : i1 to i32
        %sign3A_538 = arith.subi %sign3A_534, %sign3A_537 : i32
        %ne3A_539 = arith.cmpi ne, %sign3A_531, %sign3A_538 : i32
        %rem3A_540 = arith.remsi %scan3A_518, %jit3A_523 : i32
        %ne3A_541 = arith.constant 0 : i32
        %ne3A_542 = arith.cmpi ne, %rem3A_540, %ne3A_541 : i32
        %and3A_543 = arith.andi %ne3A_539, %ne3A_542 : i1
        %sub3A_544 = arith.constant 1 : i32
        %sub3A_545 = arith.subi %div3A_524, %sub3A_544 : i32
        %select_n3A_546 = arith.select %and3A_543, %sub3A_545, %div3A_524 : i32
        %broadcast_in_dim3A_547 = vector.broadcast %select_n3A_546 : i32 to vector<16xi32>
        %get3A_548 = arith.index_cast %scan3A_518 : i32 to index
        %get3A_549 = arith.constant 0 : index
        %get3A_550 = tpu.vector_load %arg11[%get3A_548, %get3A_549] {strides = array<i32>} : memref<64x256xf32, #tpu.memory_space<vmem>>, vector<16xf32>,
        %get3A_551 = arith.index_cast %scan3A_518 : i32 to index
        %get3A_552 = arith.constant 0 : index
        %get3A_553 = tpu.vector_load %arg13[%get3A_551, %get3A_552] {strides = array<i32>} : memref<64x256xf32, #tpu.memory_space<vmem>>, vector<16xf32>,
        %mul3A_554 = arith.mulf %get3A_550, %get3A_553 : vector<16xf32>
        %get3A_555 = arith.index_cast %scan3A_518 : i32 to index
        %get3A_556 = arith.constant 16 : index
        %get3A_557 = tpu.vector_load %arg11[%get3A_555, %get3A_556] {strides = array<i32>} : memref<64x256xf32, #tpu.memory_space<vmem>>, vector<16xf32>,
        %get3A_558 = arith.index_cast %scan3A_518 : i32 to index
        %get3A_559 = arith.constant 16 : index
        %get3A_560 = tpu.vector_load %arg13[%get3A_558, %get3A_559] {strides = array<i32>} : memref<64x256xf32, #tpu.memory_space<vmem>>, vector<16xf32>,
        %mul3A_561 = arith.mulf %get3A_557, %get3A_560 : vector<16xf32>
        %get3A_562 = arith.index_cast %scan3A_518 : i32 to index
        %get3A_563 = arith.constant 32 : index
        %get3A_564 = tpu.vector_load %arg11[%get3A_562, %get3A_563] {strides = array<i32>} : memref<64x256xf32, #tpu.memory_space<vmem>>, vector<16xf32>,
        %get3A_565 = arith.index_cast %scan3A_518 : i32 to index
        %get3A_566 = arith.constant 32 : index
        %get3A_567 = tpu.vector_load %arg13[%get3A_565, %get3A_566] {strides = array<i32>} : memref<64x256xf32, #tpu.memory_space<vmem>>, vector<16xf32>,
        %mul3A_568 = arith.mulf %get3A_564, %get3A_567 : vector<16xf32>
        %get3A_569 = arith.index_cast %scan3A_518 : i32 to index
        %get3A_570 = arith.constant 48 : index
        %get3A_571 = tpu.vector_load %arg11[%get3A_569, %get3A_570] {strides = array<i32>} : memref<64x256xf32, #tpu.memory_space<vmem>>, vector<16xf32>,
        %get3A_572 = arith.index_cast %scan3A_518 : i32 to index
        %get3A_573 = arith.constant 48 : index
        %get3A_574 = tpu.vector_load %arg13[%get3A_572, %get3A_573] {strides = array<i32>} : memref<64x256xf32, #tpu.memory_space<vmem>>, vector<16xf32>,
        %mul3A_575 = arith.mulf %get3A_571, %get3A_574 : vector<16xf32>
        %get3A_576 = arith.index_cast %scan3A_518 : i32 to index
        %get3A_577 = arith.constant 64 : index
        %get3A_578 = tpu.vector_load %arg11[%get3A_576, %get3A_577] {strides = array<i32>} : memref<64x256xf32, #tpu.memory_space<vmem>>, vector<16xf32>,
        %get3A_579 = arith.index_cast %scan3A_518 : i32 to index
        %get3A_580 = arith.constant 64 : index
        %get3A_581 = tpu.vector_load %arg13[%get3A_579, %get3A_580] {strides = array<i32>} : memref<64x256xf32, #tpu.memory_space<vmem>>, vector<16xf32>,
        %mul3A_582 = arith.mulf %get3A_578, %get3A_581 : vector<16xf32>
        %get3A_583 = arith.index_cast %scan3A_518 : i32 to index
        %get3A_584 = arith.constant 80 : index
        %get3A_585 = tpu.vector_load %arg11[%get3A_583, %get3A_584] {strides = array<i32>} : memref<64x256xf32, #tpu.memory_space<vmem>>, vector<16xf32>,
        %get3A_586 = arith.index_cast %scan3A_518 : i32 to index
        %get3A_587 = arith.constant 80 : index
        %get3A_588 = tpu.vector_load %arg13[%get3A_586, %get3A_587] {strides = array<i32>} : memref<64x256xf32, #tpu.memory_space<vmem>>, vector<16xf32>,
        %mul3A_589 = arith.mulf %get3A_585, %get3A_588 : vector<16xf32>
        %get3A_590 = arith.index_cast %scan3A_518 : i32 to index
        %get3A_591 = arith.constant 96 : index
        %get3A_592 = tpu.vector_load %arg11[%get3A_590, %get3A_591] {strides = array<i32>} : memref<64x256xf32, #tpu.memory_space<vmem>>, vector<16xf32>,
        %get3A_593 = arith.index_cast %scan3A_518 : i32 to index
        %get3A_594 = arith.constant 96 : index
        %get3A_595 = tpu.vector_load %arg13[%get3A_593, %get3A_594] {strides = array<i32>} : memref<64x256xf32, #tpu.memory_space<vmem>>, vector<16xf32>,
        %mul3A_596 = arith.mulf %get3A_592, %get3A_595 : vector<16xf32>
        %get3A_597 = arith.index_cast %scan3A_518 : i32 to index
        %get3A_598 = arith.constant 112 : index
        %get3A_599 = tpu.vector_load %arg11[%get3A_597, %get3A_598] {strides = array<i32>} : memref<64x256xf32, #tpu.memory_space<vmem>>, vector<16xf32>,
        %get3A_600 = arith.index_cast %scan3A_518 : i32 to index
        %get3A_601 = arith.constant 112 : index
        %get3A_602 = tpu.vector_load %arg13[%get3A_600, %get3A_601] {strides = array<i32>} : memref<64x256xf32, #tpu.memory_space<vmem>>, vector<16xf32>,
        %mul3A_603 = arith.mulf %get3A_599, %get3A_602 : vector<16xf32>
        %get3A_604 = arith.index_cast %scan3A_518 : i32 to index
        %get3A_605 = arith.constant 128 : index
        %get3A_606 = tpu.vector_load %arg11[%get3A_604, %get3A_605] {strides = array<i32>} : memref<64x256xf32, #tpu.memory_space<vmem>>, vector<16xf32>,
        %get3A_607 = arith.index_cast %scan3A_518 : i32 to index
        %get3A_608 = arith.constant 128 : index
        %get3A_609 = tpu.vector_load %arg13[%get3A_607, %get3A_608] {strides = array<i32>} : memref<64x256xf32, #tpu.memory_space<vmem>>, vector<16xf32>,
        %mul3A_610 = arith.mulf %get3A_606, %get3A_609 : vector<16xf32>
        %get3A_611 = arith.index_cast %scan3A_518 : i32 to index
        %get3A_612 = arith.constant 144 : index
        %get3A_613 = tpu.vector_load %arg11[%get3A_611, %get3A_612] {strides = array<i32>} : memref<64x256xf32, #tpu.memory_space<vmem>>, vector<16xf32>,
        %get3A_614 = arith.index_cast %scan3A_518 : i32 to index
        %get3A_615 = arith.constant 144 : index
        %get3A_616 = tpu.vector_load %arg13[%get3A_614, %get3A_615] {strides = array<i32>} : memref<64x256xf32, #tpu.memory_space<vmem>>, vector<16xf32>,
        %mul3A_617 = arith.mulf %get3A_613, %get3A_616 : vector<16xf32>
        %get3A_618 = arith.index_cast %scan3A_518 : i32 to index
        %get3A_619 = arith.constant 160 : index
        %get3A_620 = tpu.vector_load %arg11[%get3A_618, %get3A_619] {strides = array<i32>} : memref<64x256xf32, #tpu.memory_space<vmem>>, vector<16xf32>,
        %get3A_621 = arith.index_cast %scan3A_518 : i32 to index
        %get3A_622 = arith.constant 160 : index
        %get3A_623 = tpu.vector_load %arg13[%get3A_621, %get3A_622] {strides = array<i32>} : memref<64x256xf32, #tpu.memory_space<vmem>>, vector<16xf32>,
        %mul3A_624 = arith.mulf %get3A_620, %get3A_623 : vector<16xf32>
        %get3A_625 = arith.index_cast %scan3A_518 : i32 to index
        %get3A_626 = arith.constant 176 : index
        %get3A_627 = tpu.vector_load %arg11[%get3A_625, %get3A_626] {strides = array<i32>} : memref<64x256xf32, #tpu.memory_space<vmem>>, vector<16xf32>,
        %get3A_628 = arith.index_cast %scan3A_518 : i32 to index
        %get3A_629 = arith.constant 176 : index
        %get3A_630 = tpu.vector_load %arg13[%get3A_628, %get3A_629] {strides = array<i32>} : memref<64x256xf32, #tpu.memory_space<vmem>>, vector<16xf32>,
        %mul3A_631 = arith.mulf %get3A_627, %get3A_630 : vector<16xf32>
        %get3A_632 = arith.index_cast %scan3A_518 : i32 to index
        %get3A_633 = arith.constant 192 : index
        %get3A_634 = tpu.vector_load %arg11[%get3A_632, %get3A_633] {strides = array<i32>} : memref<64x256xf32, #tpu.memory_space<vmem>>, vector<16xf32>,
        %get3A_635 = arith.index_cast %scan3A_518 : i32 to index
        %get3A_636 = arith.constant 192 : index
        %get3A_637 = tpu.vector_load %arg13[%get3A_635, %get3A_636] {strides = array<i32>} : memref<64x256xf32, #tpu.memory_space<vmem>>, vector<16xf32>,
        %mul3A_638 = arith.mulf %get3A_634, %get3A_637 : vector<16xf32>
        %get3A_639 = arith.index_cast %scan3A_518 : i32 to index
        %get3A_640 = arith.constant 208 : index
        %get3A_641 = tpu.vector_load %arg11[%get3A_639, %get3A_640] {strides = array<i32>} : memref<64x256xf32, #tpu.memory_space<vmem>>, vector<16xf32>,
        %get3A_642 = arith.index_cast %scan3A_518 : i32 to index
        %get3A_643 = arith.constant 208 : index
        %get3A_644 = tpu.vector_load %arg13[%get3A_642, %get3A_643] {strides = array<i32>} : memref<64x256xf32, #tpu.memory_space<vmem>>, vector<16xf32>,
        %mul3A_645 = arith.mulf %get3A_641, %get3A_644 : vector<16xf32>
        %get3A_646 = arith.index_cast %scan3A_518 : i32 to index
        %get3A_647 = arith.constant 224 : index
        %get3A_648 = tpu.vector_load %arg11[%get3A_646, %get3A_647] {strides = array<i32>} : memref<64x256xf32, #tpu.memory_space<vmem>>, vector<16xf32>,
        %get3A_649 = arith.index_cast %scan3A_518 : i32 to index
        %get3A_650 = arith.constant 224 : index
        %get3A_651 = tpu.vector_load %arg13[%get3A_649, %get3A_650] {strides = array<i32>} : memref<64x256xf32, #tpu.memory_space<vmem>>, vector<16xf32>,
        %mul3A_652 = arith.mulf %get3A_648, %get3A_651 : vector<16xf32>
        %get3A_653 = arith.index_cast %scan3A_518 : i32 to index
        %get3A_654 = arith.constant 240 : index
        %get3A_655 = tpu.vector_load %arg11[%get3A_653, %get3A_654] {strides = array<i32>} : memref<64x256xf32, #tpu.memory_space<vmem>>, vector<16xf32>,
        %get3A_656 = arith.index_cast %scan3A_518 : i32 to index
        %get3A_657 = arith.constant 240 : index
        %get3A_658 = tpu.vector_load %arg13[%get3A_656, %get3A_657] {strides = array<i32>} : memref<64x256xf32, #tpu.memory_space<vmem>>, vector<16xf32>,
        %mul3A_659 = arith.mulf %get3A_655, %get3A_658 : vector<16xf32>
        %add3A_660 = arith.addf %mul3A_554, %mul3A_561 : vector<16xf32>
        %mul3A_661 = arith.constant 0.176776692 : f32
        %mul3A_662 = vector.broadcast %mul3A_661 : f32 to vector<16xf32>
        %mul3A_663 = arith.mulf %add3A_660, %mul3A_662 : vector<16xf32>
        %cumsum3A = arith.constant true
        %cumsum3A_664 = vector.broadcast %cumsum3A : i1 to vector<16xi1>
        %cumsum3A_665 = tpu.scan <sum>, %mul3A_663 masked %cumsum3A_664 : vector<16xf32>, vector<16xi1> -> vector<16xf32>
        %jit3A_666 = arith.constant -1.000000e+30 : f32
        %broadcast_in_dim3A_667 = vector.broadcast %jit3A_666 : f32 to vector<16xf32>
        %select_n3A_668 = arith.select %lt3A_522, %cumsum3A_665, %broadcast_in_dim3A_667 : vector<16xf32>
        %max3A_669 = arith.maximumf %scan3A_519, %select_n3A_668 : vector<16xf32>
        %jit3A_670 = arith.constant 2 : i32
        %eq3A_671 = arith.constant 0 : i32
        %eq3A_672 = arith.cmpi eq, %jit3A_670, %eq3A_671 : i32
        %jit3A_673 = arith.constant 1 : i32
        %select_n3A_674 = arith.select %eq3A_672, %jit3A_673, %jit3A_670 : i32
        %rem3A_675 = arith.remsi %scan3A_518, %select_n3A_674 : i32
        %ne3A_676 = arith.constant 0 : i32
        %ne3A_677 = arith.cmpi ne, %rem3A_675, %ne3A_676 : i32
        %lt3A_678 = arith.constant 0 : i32
        %lt3A_679 = arith.cmpi slt, %rem3A_675, %lt3A_678 : i32
        %lt3A_680 = arith.constant 0 : i32
        %lt3A_681 = arith.cmpi slt, %select_n3A_674, %lt3A_680 : i32
        %ne3A_682 = arith.xori %lt3A_679, %lt3A_681 : i1
        %and3A_683 = arith.andi %ne3A_682, %ne3A_677 : i1
        %add3A_684 = arith.addi %rem3A_675, %select_n3A_674 : i32
        %select_n3A_685 = arith.select %and3A_683, %add3A_684, %rem3A_675 : i32
        %mul3A_686 = arith.constant 8 : i32
        %mul3A_687 = arith.muli %select_n3A_685, %mul3A_686 : i32
        %add3A_688 = arith.constant 0 : i32
        %add3A_689 = arith.addi %mul3A_687, %add3A_688 : i32
        %broadcast_in_dim3A_690 = vector.broadcast %add3A_689 : i32 to vector<16xi32>
        tpu.vector_store_idx %arg15[%broadcast_in_dim3A_547, %broadcast_in_dim3A_690], %select_n3A_668 masked %eq3A_31 : memref<32x16xf32, #tpu.memory_space<vmem>>[vector<16xi32>, vector<16xi32>], vector<16xf32>, vector<16xi1>
        %add3A_691 = arith.addf %mul3A_568, %mul3A_575 : vector<16xf32>
        %mul3A_692 = arith.constant 0.176776692 : f32
        %mul3A_693 = vector.broadcast %mul3A_692 : f32 to vector<16xf32>
        %mul3A_694 = arith.mulf %add3A_691, %mul3A_693 : vector<16xf32>
        %cumsum3A_695 = arith.constant true
        %cumsum3A_696 = vector.broadcast %cumsum3A_695 : i1 to vector<16xi1>
        %cumsum3A_697 = tpu.scan <sum>, %mul3A_694 masked %cumsum3A_696 : vector<16xf32>, vector<16xi1> -> vector<16xf32>
        %jit3A_698 = arith.constant -1.000000e+30 : f32
        %broadcast_in_dim3A_699 = vector.broadcast %jit3A_698 : f32 to vector<16xf32>
        %select_n3A_700 = arith.select %lt3A_522, %cumsum3A_697, %broadcast_in_dim3A_699 : vector<16xf32>
        %max3A_701 = arith.maximumf %max3A_669, %select_n3A_700 : vector<16xf32>
        %jit3A_702 = arith.constant 2 : i32
        %eq3A_703 = arith.constant 0 : i32
        %eq3A_704 = arith.cmpi eq, %jit3A_702, %eq3A_703 : i32
        %jit3A_705 = arith.constant 1 : i32
        %select_n3A_706 = arith.select %eq3A_704, %jit3A_705, %jit3A_702 : i32
        %rem3A_707 = arith.remsi %scan3A_518, %select_n3A_706 : i32
        %ne3A_708 = arith.constant 0 : i32
        %ne3A_709 = arith.cmpi ne, %rem3A_707, %ne3A_708 : i32
        %lt3A_710 = arith.constant 0 : i32
        %lt3A_711 = arith.cmpi slt, %rem3A_707, %lt3A_710 : i32
        %lt3A_712 = arith.constant 0 : i32
        %lt3A_713 = arith.cmpi slt, %select_n3A_706, %lt3A_712 : i32
        %ne3A_714 = arith.xori %lt3A_711, %lt3A_713 : i1
        %and3A_715 = arith.andi %ne3A_714, %ne3A_709 : i1
        %add3A_716 = arith.addi %rem3A_707, %select_n3A_706 : i32
        %select_n3A_717 = arith.select %and3A_715, %add3A_716, %rem3A_707 : i32
        %mul3A_718 = arith.constant 8 : i32
        %mul3A_719 = arith.muli %select_n3A_717, %mul3A_718 : i32
        %add3A_720 = arith.constant 1 : i32
        %add3A_721 = arith.addi %mul3A_719, %add3A_720 : i32
        %broadcast_in_dim3A_722 = vector.broadcast %add3A_721 : i32 to vector<16xi32>
        tpu.vector_store_idx %arg15[%broadcast_in_dim3A_547, %broadcast_in_dim3A_722], %select_n3A_700 masked %eq3A_31 : memref<32x16xf32, #tpu.memory_space<vmem>>[vector<16xi32>, vector<16xi32>], vector<16xf32>, vector<16xi1>
        %add3A_723 = arith.addf %mul3A_582, %mul3A_589 : vector<16xf32>
        %mul3A_724 = arith.constant 0.176776692 : f32
        %mul3A_725 = vector.broadcast %mul3A_724 : f32 to vector<16xf32>
        %mul3A_726 = arith.mulf %add3A_723, %mul3A_725 : vector<16xf32>
        %cumsum3A_727 = arith.constant true
        %cumsum3A_728 = vector.broadcast %cumsum3A_727 : i1 to vector<16xi1>
        %cumsum3A_729 = tpu.scan <sum>, %mul3A_726 masked %cumsum3A_728 : vector<16xf32>, vector<16xi1> -> vector<16xf32>
        %jit3A_730 = arith.constant -1.000000e+30 : f32
        %broadcast_in_dim3A_731 = vector.broadcast %jit3A_730 : f32 to vector<16xf32>
        %select_n3A_732 = arith.select %lt3A_522, %cumsum3A_729, %broadcast_in_dim3A_731 : vector<16xf32>
        %max3A_733 = arith.maximumf %max3A_701, %select_n3A_732 : vector<16xf32>
        %jit3A_734 = arith.constant 2 : i32
        %eq3A_735 = arith.constant 0 : i32
        %eq3A_736 = arith.cmpi eq, %jit3A_734, %eq3A_735 : i32
        %jit3A_737 = arith.constant 1 : i32
        %select_n3A_738 = arith.select %eq3A_736, %jit3A_737, %jit3A_734 : i32
        %rem3A_739 = arith.remsi %scan3A_518, %select_n3A_738 : i32
        %ne3A_740 = arith.constant 0 : i32
        %ne3A_741 = arith.cmpi ne, %rem3A_739, %ne3A_740 : i32
        %lt3A_742 = arith.constant 0 : i32
        %lt3A_743 = arith.cmpi slt, %rem3A_739, %lt3A_742 : i32
        %lt3A_744 = arith.constant 0 : i32
        %lt3A_745 = arith.cmpi slt, %select_n3A_738, %lt3A_744 : i32
        %ne3A_746 = arith.xori %lt3A_743, %lt3A_745 : i1
        %and3A_747 = arith.andi %ne3A_746, %ne3A_741 : i1
        %add3A_748 = arith.addi %rem3A_739, %select_n3A_738 : i32
        %select_n3A_749 = arith.select %and3A_747, %add3A_748, %rem3A_739 : i32
        %mul3A_750 = arith.constant 8 : i32
        %mul3A_751 = arith.muli %select_n3A_749, %mul3A_750 : i32
        %add3A_752 = arith.constant 2 : i32
        %add3A_753 = arith.addi %mul3A_751, %add3A_752 : i32
        %broadcast_in_dim3A_754 = vector.broadcast %add3A_753 : i32 to vector<16xi32>
        tpu.vector_store_idx %arg15[%broadcast_in_dim3A_547, %broadcast_in_dim3A_754], %select_n3A_732 masked %eq3A_31 : memref<32x16xf32, #tpu.memory_space<vmem>>[vector<16xi32>, vector<16xi32>], vector<16xf32>, vector<16xi1>
        %add3A_755 = arith.addf %mul3A_596, %mul3A_603 : vector<16xf32>
        %mul3A_756 = arith.constant 0.176776692 : f32
        %mul3A_757 = vector.broadcast %mul3A_756 : f32 to vector<16xf32>
        %mul3A_758 = arith.mulf %add3A_755, %mul3A_757 : vector<16xf32>
        %cumsum3A_759 = arith.constant true
        %cumsum3A_760 = vector.broadcast %cumsum3A_759 : i1 to vector<16xi1>
        %cumsum3A_761 = tpu.scan <sum>, %mul3A_758 masked %cumsum3A_760 : vector<16xf32>, vector<16xi1> -> vector<16xf32>
        %jit3A_762 = arith.constant -1.000000e+30 : f32
        %broadcast_in_dim3A_763 = vector.broadcast %jit3A_762 : f32 to vector<16xf32>
        %select_n3A_764 = arith.select %lt3A_522, %cumsum3A_761, %broadcast_in_dim3A_763 : vector<16xf32>
        %max3A_765 = arith.maximumf %max3A_733, %select_n3A_764 : vector<16xf32>
        %jit3A_766 = arith.constant 2 : i32
        %eq3A_767 = arith.constant 0 : i32
        %eq3A_768 = arith.cmpi eq, %jit3A_766, %eq3A_767 : i32
        %jit3A_769 = arith.constant 1 : i32
        %select_n3A_770 = arith.select %eq3A_768, %jit3A_769, %jit3A_766 : i32
        %rem3A_771 = arith.remsi %scan3A_518, %select_n3A_770 : i32
        %ne3A_772 = arith.constant 0 : i32
        %ne3A_773 = arith.cmpi ne, %rem3A_771, %ne3A_772 : i32
        %lt3A_774 = arith.constant 0 : i32
        %lt3A_775 = arith.cmpi slt, %rem3A_771, %lt3A_774 : i32
        %lt3A_776 = arith.constant 0 : i32
        %lt3A_777 = arith.cmpi slt, %select_n3A_770, %lt3A_776 : i32
        %ne3A_778 = arith.xori %lt3A_775, %lt3A_777 : i1
        %and3A_779 = arith.andi %ne3A_778, %ne3A_773 : i1
        %add3A_780 = arith.addi %rem3A_771, %select_n3A_770 : i32
        %select_n3A_781 = arith.select %and3A_779, %add3A_780, %rem3A_771 : i32
        %mul3A_782 = arith.constant 8 : i32
        %mul3A_783 = arith.muli %select_n3A_781, %mul3A_782 : i32
        %add3A_784 = arith.constant 3 : i32
        %add3A_785 = arith.addi %mul3A_783, %add3A_784 : i32
        %broadcast_in_dim3A_786 = vector.broadcast %add3A_785 : i32 to vector<16xi32>
        tpu.vector_store_idx %arg15[%broadcast_in_dim3A_547, %broadcast_in_dim3A_786], %select_n3A_764 masked %eq3A_31 : memref<32x16xf32, #tpu.memory_space<vmem>>[vector<16xi32>, vector<16xi32>], vector<16xf32>, vector<16xi1>
        %add3A_787 = arith.addf %mul3A_610, %mul3A_617 : vector<16xf32>
        %mul3A_788 = arith.constant 0.176776692 : f32
        %mul3A_789 = vector.broadcast %mul3A_788 : f32 to vector<16xf32>
        %mul3A_790 = arith.mulf %add3A_787, %mul3A_789 : vector<16xf32>
        %cumsum3A_791 = arith.constant true
        %cumsum3A_792 = vector.broadcast %cumsum3A_791 : i1 to vector<16xi1>
        %cumsum3A_793 = tpu.scan <sum>, %mul3A_790 masked %cumsum3A_792 : vector<16xf32>, vector<16xi1> -> vector<16xf32>
        %jit3A_794 = arith.constant -1.000000e+30 : f32
        %broadcast_in_dim3A_795 = vector.broadcast %jit3A_794 : f32 to vector<16xf32>
        %select_n3A_796 = arith.select %lt3A_522, %cumsum3A_793, %broadcast_in_dim3A_795 : vector<16xf32>
        %max3A_797 = arith.maximumf %max3A_765, %select_n3A_796 : vector<16xf32>
        %jit3A_798 = arith.constant 2 : i32
        %eq3A_799 = arith.constant 0 : i32
        %eq3A_800 = arith.cmpi eq, %jit3A_798, %eq3A_799 : i32
        %jit3A_801 = arith.constant 1 : i32
        %select_n3A_802 = arith.select %eq3A_800, %jit3A_801, %jit3A_798 : i32
        %rem3A_803 = arith.remsi %scan3A_518, %select_n3A_802 : i32
        %ne3A_804 = arith.constant 0 : i32
        %ne3A_805 = arith.cmpi ne, %rem3A_803, %ne3A_804 : i32
        %lt3A_806 = arith.constant 0 : i32
        %lt3A_807 = arith.cmpi slt, %rem3A_803, %lt3A_806 : i32
        %lt3A_808 = arith.constant 0 : i32
        %lt3A_809 = arith.cmpi slt, %select_n3A_802, %lt3A_808 : i32
        %ne3A_810 = arith.xori %lt3A_807, %lt3A_809 : i1
        %and3A_811 = arith.andi %ne3A_810, %ne3A_805 : i1
        %add3A_812 = arith.addi %rem3A_803, %select_n3A_802 : i32
        %select_n3A_813 = arith.select %and3A_811, %add3A_812, %rem3A_803 : i32
        %mul3A_814 = arith.constant 8 : i32
        %mul3A_815 = arith.muli %select_n3A_813, %mul3A_814 : i32
        %add3A_816 = arith.constant 4 : i32
        %add3A_817 = arith.addi %mul3A_815, %add3A_816 : i32
        %broadcast_in_dim3A_818 = vector.broadcast %add3A_817 : i32 to vector<16xi32>
        tpu.vector_store_idx %arg15[%broadcast_in_dim3A_547, %broadcast_in_dim3A_818], %select_n3A_796 masked %eq3A_31 : memref<32x16xf32, #tpu.memory_space<vmem>>[vector<16xi32>, vector<16xi32>], vector<16xf32>, vector<16xi1>
        %add3A_819 = arith.addf %mul3A_624, %mul3A_631 : vector<16xf32>
        %mul3A_820 = arith.constant 0.176776692 : f32
        %mul3A_821 = vector.broadcast %mul3A_820 : f32 to vector<16xf32>
        %mul3A_822 = arith.mulf %add3A_819, %mul3A_821 : vector<16xf32>
        %cumsum3A_823 = arith.constant true
        %cumsum3A_824 = vector.broadcast %cumsum3A_823 : i1 to vector<16xi1>
        %cumsum3A_825 = tpu.scan <sum>, %mul3A_822 masked %cumsum3A_824 : vector<16xf32>, vector<16xi1> -> vector<16xf32>
        %jit3A_826 = arith.constant -1.000000e+30 : f32
        %broadcast_in_dim3A_827 = vector.broadcast %jit3A_826 : f32 to vector<16xf32>
        %select_n3A_828 = arith.select %lt3A_522, %cumsum3A_825, %broadcast_in_dim3A_827 : vector<16xf32>
        %max3A_829 = arith.maximumf %max3A_797, %select_n3A_828 : vector<16xf32>
        %jit3A_830 = arith.constant 2 : i32
        %eq3A_831 = arith.constant 0 : i32
        %eq3A_832 = arith.cmpi eq, %jit3A_830, %eq3A_831 : i32
        %jit3A_833 = arith.constant 1 : i32
        %select_n3A_834 = arith.select %eq3A_832, %jit3A_833, %jit3A_830 : i32
        %rem3A_835 = arith.remsi %scan3A_518, %select_n3A_834 : i32
        %ne3A_836 = arith.constant 0 : i32
        %ne3A_837 = arith.cmpi ne, %rem3A_835, %ne3A_836 : i32
        %lt3A_838 = arith.constant 0 : i32
        %lt3A_839 = arith.cmpi slt, %rem3A_835, %lt3A_838 : i32
        %lt3A_840 = arith.constant 0 : i32
        %lt3A_841 = arith.cmpi slt, %select_n3A_834, %lt3A_840 : i32
        %ne3A_842 = arith.xori %lt3A_839, %lt3A_841 : i1
        %and3A_843 = arith.andi %ne3A_842, %ne3A_837 : i1
        %add3A_844 = arith.addi %rem3A_835, %select_n3A_834 : i32
        %select_n3A_845 = arith.select %and3A_843, %add3A_844, %rem3A_835 : i32
        %mul3A_846 = arith.constant 8 : i32
        %mul3A_847 = arith.muli %select_n3A_845, %mul3A_846 : i32
        %add3A_848 = arith.constant 5 : i32
        %add3A_849 = arith.addi %mul3A_847, %add3A_848 : i32
        %broadcast_in_dim3A_850 = vector.broadcast %add3A_849 : i32 to vector<16xi32>
        tpu.vector_store_idx %arg15[%broadcast_in_dim3A_547, %broadcast_in_dim3A_850], %select_n3A_828 masked %eq3A_31 : memref<32x16xf32, #tpu.memory_space<vmem>>[vector<16xi32>, vector<16xi32>], vector<16xf32>, vector<16xi1>
        %add3A_851 = arith.addf %mul3A_638, %mul3A_645 : vector<16xf32>
        %mul3A_852 = arith.constant 0.176776692 : f32
        %mul3A_853 = vector.broadcast %mul3A_852 : f32 to vector<16xf32>
        %mul3A_854 = arith.mulf %add3A_851, %mul3A_853 : vector<16xf32>
        %cumsum3A_855 = arith.constant true
        %cumsum3A_856 = vector.broadcast %cumsum3A_855 : i1 to vector<16xi1>
        %cumsum3A_857 = tpu.scan <sum>, %mul3A_854 masked %cumsum3A_856 : vector<16xf32>, vector<16xi1> -> vector<16xf32>
        %jit3A_858 = arith.constant -1.000000e+30 : f32
        %broadcast_in_dim3A_859 = vector.broadcast %jit3A_858 : f32 to vector<16xf32>
        %select_n3A_860 = arith.select %lt3A_522, %cumsum3A_857, %broadcast_in_dim3A_859 : vector<16xf32>
        %max3A_861 = arith.maximumf %max3A_829, %select_n3A_860 : vector<16xf32>
        %jit3A_862 = arith.constant 2 : i32
        %eq3A_863 = arith.constant 0 : i32
        %eq3A_864 = arith.cmpi eq, %jit3A_862, %eq3A_863 : i32
        %jit3A_865 = arith.constant 1 : i32
        %select_n3A_866 = arith.select %eq3A_864, %jit3A_865, %jit3A_862 : i32
        %rem3A_867 = arith.remsi %scan3A_518, %select_n3A_866 : i32
        %ne3A_868 = arith.constant 0 : i32
        %ne3A_869 = arith.cmpi ne, %rem3A_867, %ne3A_868 : i32
        %lt3A_870 = arith.constant 0 : i32
        %lt3A_871 = arith.cmpi slt, %rem3A_867, %lt3A_870 : i32
        %lt3A_872 = arith.constant 0 : i32
        %lt3A_873 = arith.cmpi slt, %select_n3A_866, %lt3A_872 : i32
        %ne3A_874 = arith.xori %lt3A_871, %lt3A_873 : i1
        %and3A_875 = arith.andi %ne3A_874, %ne3A_869 : i1
        %add3A_876 = arith.addi %rem3A_867, %select_n3A_866 : i32
        %select_n3A_877 = arith.select %and3A_875, %add3A_876, %rem3A_867 : i32
        %mul3A_878 = arith.constant 8 : i32
        %mul3A_879 = arith.muli %select_n3A_877, %mul3A_878 : i32
        %add3A_880 = arith.constant 6 : i32
        %add3A_881 = arith.addi %mul3A_879, %add3A_880 : i32
        %broadcast_in_dim3A_882 = vector.broadcast %add3A_881 : i32 to vector<16xi32>
        tpu.vector_store_idx %arg15[%broadcast_in_dim3A_547, %broadcast_in_dim3A_882], %select_n3A_860 masked %eq3A_31 : memref<32x16xf32, #tpu.memory_space<vmem>>[vector<16xi32>, vector<16xi32>], vector<16xf32>, vector<16xi1>
        %add3A_883 = arith.addf %mul3A_652, %mul3A_659 : vector<16xf32>
        %mul3A_884 = arith.constant 0.176776692 : f32
        %mul3A_885 = vector.broadcast %mul3A_884 : f32 to vector<16xf32>
        %mul3A_886 = arith.mulf %add3A_883, %mul3A_885 : vector<16xf32>
        %cumsum3A_887 = arith.constant true
        %cumsum3A_888 = vector.broadcast %cumsum3A_887 : i1 to vector<16xi1>
        %cumsum3A_889 = tpu.scan <sum>, %mul3A_886 masked %cumsum3A_888 : vector<16xf32>, vector<16xi1> -> vector<16xf32>
        %jit3A_890 = arith.constant -1.000000e+30 : f32
        %broadcast_in_dim3A_891 = vector.broadcast %jit3A_890 : f32 to vector<16xf32>
        %select_n3A_892 = arith.select %lt3A_522, %cumsum3A_889, %broadcast_in_dim3A_891 : vector<16xf32>
        %max3A_893 = arith.maximumf %max3A_861, %select_n3A_892 : vector<16xf32>
        %jit3A_894 = arith.constant 2 : i32
        %eq3A_895 = arith.constant 0 : i32
        %eq3A_896 = arith.cmpi eq, %jit3A_894, %eq3A_895 : i32
        %jit3A_897 = arith.constant 1 : i32
        %select_n3A_898 = arith.select %eq3A_896, %jit3A_897, %jit3A_894 : i32
        %rem3A_899 = arith.remsi %scan3A_518, %select_n3A_898 : i32
        %ne3A_900 = arith.constant 0 : i32
        %ne3A_901 = arith.cmpi ne, %rem3A_899, %ne3A_900 : i32
        %lt3A_902 = arith.constant 0 : i32
        %lt3A_903 = arith.cmpi slt, %rem3A_899, %lt3A_902 : i32
        %lt3A_904 = arith.constant 0 : i32
        %lt3A_905 = arith.cmpi slt, %select_n3A_898, %lt3A_904 : i32
        %ne3A_906 = arith.xori %lt3A_903, %lt3A_905 : i1
        %and3A_907 = arith.andi %ne3A_906, %ne3A_901 : i1
        %add3A_908 = arith.addi %rem3A_899, %select_n3A_898 : i32
        %select_n3A_909 = arith.select %and3A_907, %add3A_908, %rem3A_899 : i32
        %mul3A_910 = arith.constant 8 : i32
        %mul3A_911 = arith.muli %select_n3A_909, %mul3A_910 : i32
        %add3A_912 = arith.constant 7 : i32
        %add3A_913 = arith.addi %mul3A_911, %add3A_912 : i32
        %broadcast_in_dim3A_914 = vector.broadcast %add3A_913 : i32 to vector<16xi32>
        tpu.vector_store_idx %arg15[%broadcast_in_dim3A_547, %broadcast_in_dim3A_914], %select_n3A_892 masked %eq3A_31 : memref<32x16xf32, #tpu.memory_space<vmem>>[vector<16xi32>, vector<16xi32>], vector<16xf32>, vector<16xi1>
        scf.yield %max3A_893 : vector<16xf32>
      }
      %scan3A_482 = arith.constant 64 : i32
      %mul3A_483 = arith.constant 2 : i32
      %mul3A_484 = arith.muli %mul3A_483, %scan3A_347 : i32
      %add3A_485 = arith.constant 1 : i32
      %add3A_486 = arith.addi %mul3A_484, %add3A_485 : i32
      %mul3A_487 = arith.constant 64 : i32
      %mul3A_488 = arith.muli %add3A_486, %mul3A_487 : i32
      %add3A_489 = arith.addi %mul3A_2, %mul3A_488 : i32
      %jit3A_490 = arith.constant 2 : i32
      %div3A_491 = arith.divsi %add3A_489, %jit3A_490 : i32
      %sign3A_492 = arith.constant 0 : i32
      %sign3A_493 = arith.cmpi sgt, %add3A_489, %sign3A_492 : i32
      %sign3A_494 = arith.extui %sign3A_493 : i1 to i32
      %sign3A_495 = arith.constant 0 : i32
      %sign3A_496 = arith.cmpi slt, %add3A_489, %sign3A_495 : i32
      %sign3A_497 = arith.extui %sign3A_496 : i1 to i32
      %sign3A_498 = arith.subi %sign3A_494, %sign3A_497 : i32
      %sign3A_499 = arith.constant 0 : i32
      %sign3A_500 = arith.cmpi sgt, %jit3A_490, %sign3A_499 : i32
      %sign3A_501 = arith.extui %sign3A_500 : i1 to i32
      %sign3A_502 = arith.constant 0 : i32
      %sign3A_503 = arith.cmpi slt, %jit3A_490, %sign3A_502 : i32
      %sign3A_504 = arith.extui %sign3A_503 : i1 to i32
      %sign3A_505 = arith.subi %sign3A_501, %sign3A_504 : i32
      %ne3A_506 = arith.cmpi ne, %sign3A_498, %sign3A_505 : i32
      %rem3A_507 = arith.remsi %add3A_489, %jit3A_490 : i32
      %ne3A_508 = arith.constant 0 : i32
      %ne3A_509 = arith.cmpi ne, %rem3A_507, %ne3A_508 : i32
      %and3A_510 = arith.andi %ne3A_506, %ne3A_509 : i1
      %sub3A_511 = arith.constant 1 : i32
      %sub3A_512 = arith.subi %div3A_491, %sub3A_511 : i32
      %select_n3A_513 = arith.select %and3A_510, %sub3A_512, %div3A_491 : i32
      %dma_start3A_514 = arith.constant 0 : i32
      %dma_start3A_515 = tpu.memref_slice %arg6[%select_n3A_513, %dma_start3A_514] : memref<81920x16xf32, #tpu.memory_space<hbm>> -> memref<32x16xf32, #tpu.memory_space<hbm>>
      %dma_start3A_516 = arith.constant 0 : i32
      %dma_start3A_517 = tpu.memref_slice %arg6[%select_n3A_513, %dma_start3A_516] : memref<81920x16xf32, #tpu.memory_space<hbm>> -> memref<32x16xf32, #tpu.memory_space<hbm>>
      tpu.enqueue_dma source(%arg15 : memref<32x16xf32, #tpu.memory_space<vmem>>) target(%dma_start3A_517 : memref<32x16xf32, #tpu.memory_space<hbm>>) target_semaphore(%arg29 : memref<!tpu.dma_semaphore, #tpu.memory_space<semaphore_mem>>)
      scf.yield %scan3A_481 : vector<16xf32>
    }
    %scan3A_51 = arith.constant 40 : i32
    %dma_wait3A = arith.constant 0 : i32
    %dma_wait3A_52 = arith.constant 0 : i32
    %dma_wait3A_53 = tpu.memref_slice %arg2[%dma_wait3A, %dma_wait3A_52] : memref<10000x256xf32, #tpu.memory_space<hbm>> -> memref<64x256xf32, #tpu.memory_space<hbm>>
    %dma_wait3A_54 = arith.constant 0 : i32
    %dma_wait3A_55 = arith.constant 0 : i32
    %dma_wait3A_56 = tpu.memref_slice %arg2[%dma_wait3A_54, %dma_wait3A_55] : memref<10000x256xf32, #tpu.memory_space<hbm>> -> memref<64x256xf32, #tpu.memory_space<hbm>>
    tpu.wait_dma2 semaphore(%arg26 : memref<!tpu.dma_semaphore, #tpu.memory_space<semaphore_mem>>) src(%dma_wait3A_56 : memref<64x256xf32, #tpu.memory_space<hbm>>) dst(%arg10 : memref<64x256xf32, #tpu.memory_space<vmem>>)
    %dma_wait3A_57 = arith.constant 0 : i32
    %dma_wait3A_58 = arith.constant 0 : i32
    %dma_wait3A_59 = tpu.memref_slice %arg3[%dma_wait3A_57, %dma_wait3A_58] : memref<10000x256xf32, #tpu.memory_space<hbm>> -> memref<64x256xf32, #tpu.memory_space<hbm>>
    %dma_wait3A_60 = arith.constant 0 : i32
    %dma_wait3A_61 = arith.constant 0 : i32
    %dma_wait3A_62 = tpu.memref_slice %arg3[%dma_wait3A_60, %dma_wait3A_61] : memref<10000x256xf32, #tpu.memory_space<hbm>> -> memref<64x256xf32, #tpu.memory_space<hbm>>
    tpu.wait_dma2 semaphore(%arg26 : memref<!tpu.dma_semaphore, #tpu.memory_space<semaphore_mem>>) src(%dma_wait3A_62 : memref<64x256xf32, #tpu.memory_space<hbm>>) dst(%arg12 : memref<64x256xf32, #tpu.memory_space<vmem>>)
    %jit3A = arith.constant 2 : i32
    %div3A = arith.divsi %mul3A_2, %jit3A : i32
    %sign3A = arith.constant 0 : i32
    %sign3A_63 = arith.cmpi sgt, %mul3A_2, %sign3A : i32
    %sign3A_64 = arith.extui %sign3A_63 : i1 to i32
    %sign3A_65 = arith.constant 0 : i32
    %sign3A_66 = arith.cmpi slt, %mul3A_2, %sign3A_65 : i32
    %sign3A_67 = arith.extui %sign3A_66 : i1 to i32
    %sign3A_68 = arith.subi %sign3A_64, %sign3A_67 : i32
    %sign3A_69 = arith.constant 0 : i32
    %sign3A_70 = arith.cmpi sgt, %jit3A, %sign3A_69 : i32
    %sign3A_71 = arith.extui %sign3A_70 : i1 to i32
    %sign3A_72 = arith.constant 0 : i32
    %sign3A_73 = arith.cmpi slt, %jit3A, %sign3A_72 : i32
    %sign3A_74 = arith.extui %sign3A_73 : i1 to i32
    %sign3A_75 = arith.subi %sign3A_71, %sign3A_74 : i32
    %ne3A = arith.cmpi ne, %sign3A_68, %sign3A_75 : i32
    %rem3A = arith.remsi %mul3A_2, %jit3A : i32
    %ne3A_76 = arith.constant 0 : i32
    %ne3A_77 = arith.cmpi ne, %rem3A, %ne3A_76 : i32
    %and3A = arith.andi %ne3A, %ne3A_77 : i1
    %sub3A = arith.constant 1 : i32
    %sub3A_78 = arith.subi %div3A, %sub3A : i32
    %select_n3A = arith.select %and3A, %sub3A_78, %div3A : i32
    %dma_wait3A_79 = arith.constant 0 : i32
    %dma_wait3A_80 = tpu.memref_slice %arg6[%select_n3A, %dma_wait3A_79] : memref<81920x16xf32, #tpu.memory_space<hbm>> -> memref<32x16xf32, #tpu.memory_space<hbm>>
    %dma_wait3A_81 = arith.constant 0 : i32
    %dma_wait3A_82 = tpu.memref_slice %arg6[%select_n3A, %dma_wait3A_81] : memref<81920x16xf32, #tpu.memory_space<hbm>> -> memref<32x16xf32, #tpu.memory_space<hbm>>
    tpu.wait_dma2 semaphore(%arg28 : memref<!tpu.dma_semaphore, #tpu.memory_space<semaphore_mem>>) src(%arg14 : memref<32x16xf32, #tpu.memory_space<vmem>>) dst(%dma_wait3A_82 : memref<32x16xf32, #tpu.memory_space<hbm>>)
    %jit3A_83 = arith.constant 2 : i32
    %div3A_84 = arith.divsi %mul3A_2, %jit3A_83 : i32
    %sign3A_85 = arith.constant 0 : i32
    %sign3A_86 = arith.cmpi sgt, %mul3A_2, %sign3A_85 : i32
    %sign3A_87 = arith.extui %sign3A_86 : i1 to i32
    %sign3A_88 = arith.constant 0 : i32
    %sign3A_89 = arith.cmpi slt, %mul3A_2, %sign3A_88 : i32
    %sign3A_90 = arith.extui %sign3A_89 : i1 to i32
    %sign3A_91 = arith.subi %sign3A_87, %sign3A_90 : i32
    %sign3A_92 = arith.constant 0 : i32
    %sign3A_93 = arith.cmpi sgt, %jit3A_83, %sign3A_92 : i32
    %sign3A_94 = arith.extui %sign3A_93 : i1 to i32
    %sign3A_95 = arith.constant 0 : i32
    %sign3A_96 = arith.cmpi slt, %jit3A_83, %sign3A_95 : i32
    %sign3A_97 = arith.extui %sign3A_96 : i1 to i32
    %sign3A_98 = arith.subi %sign3A_94, %sign3A_97 : i32
    %ne3A_99 = arith.cmpi ne, %sign3A_91, %sign3A_98 : i32
    %rem3A_100 = arith.remsi %mul3A_2, %jit3A_83 : i32
    %ne3A_101 = arith.constant 0 : i32
    %ne3A_102 = arith.cmpi ne, %rem3A_100, %ne3A_101 : i32
    %and3A_103 = arith.andi %ne3A_99, %ne3A_102 : i1
    %sub3A_104 = arith.constant 1 : i32
    %sub3A_105 = arith.subi %div3A_84, %sub3A_104 : i32
    %select_n3A_106 = arith.select %and3A_103, %sub3A_105, %div3A_84 : i32
    %dma_wait3A_107 = arith.constant 0 : i32
    %dma_wait3A_108 = tpu.memref_slice %arg6[%select_n3A_106, %dma_wait3A_107] : memref<81920x16xf32, #tpu.memory_space<hbm>> -> memref<32x16xf32, #tpu.memory_space<hbm>>
    %dma_wait3A_109 = arith.constant 0 : i32
    %dma_wait3A_110 = tpu.memref_slice %arg6[%select_n3A_106, %dma_wait3A_109] : memref<81920x16xf32, #tpu.memory_space<hbm>> -> memref<32x16xf32, #tpu.memory_space<hbm>>
    tpu.wait_dma2 semaphore(%arg29 : memref<!tpu.dma_semaphore, #tpu.memory_space<semaphore_mem>>) src(%arg15 : memref<32x16xf32, #tpu.memory_space<vmem>>) dst(%dma_wait3A_110 : memref<32x16xf32, #tpu.memory_space<hbm>>)
    %swap3A = arith.constant 0 : i32
    %swap3A_111 = arith.index_cast %swap3A : i32 to index
    %swap3A_112 = arith.constant 0 : index
    %swap3A_113 = tpu.vector_load %arg23[%swap3A_111, %swap3A_112] {strides = array<i32>} : memref<1x16xf32, #tpu.memory_space<vmem>>, vector<16xf32>,
    tpu.vector_store %arg23[%swap3A_111, %swap3A_112], %scan3A_50 {strides = array<i32>} : memref<1x16xf32, #tpu.memory_space<vmem>>, vector<16xf32>,
    %mul3A_114 = arith.constant 8 : i32
    %mul3A_115 = arith.muli %arg1, %mul3A_114 : i32
    "tpu.region"() ({
      %run_scoped3A = tpu.sem_alloc : memref<!tpu.dma_semaphore, #tpu.memory_space<semaphore_mem>>
      %dma_start3A_347 = arith.constant 0 : i32
      %dma_start3A_348 = tpu.memref_slice %arg24[%mul3A_115, %dma_start3A_347] : memref<128x16xf32, #tpu.memory_space<vmem_shared>> -> memref<1x16xf32, #tpu.memory_space<vmem_shared>>
      %dma_start3A_349 = arith.constant 0 : i32
      %dma_start3A_350 = tpu.memref_slice %arg24[%mul3A_115, %dma_start3A_349] : memref<128x16xf32, #tpu.memory_space<vmem_shared>> -> memref<1x16xf32, #tpu.memory_space<vmem_shared>>
      tpu.enqueue_dma source(%arg23 : memref<1x16xf32, #tpu.memory_space<vmem>>) target(%dma_start3A_350 : memref<1x16xf32, #tpu.memory_space<vmem_shared>>) target_semaphore(%run_scoped3A : memref<!tpu.dma_semaphore, #tpu.memory_space<semaphore_mem>>)
      %dma_wait3A_351 = arith.constant 0 : i32
      %dma_wait3A_352 = tpu.memref_slice %arg24[%mul3A_115, %dma_wait3A_351] : memref<128x16xf32, #tpu.memory_space<vmem_shared>> -> memref<1x16xf32, #tpu.memory_space<vmem_shared>>
      %dma_wait3A_353 = arith.constant 0 : i32
      %dma_wait3A_354 = tpu.memref_slice %arg24[%mul3A_115, %dma_wait3A_353] : memref<128x16xf32, #tpu.memory_space<vmem_shared>> -> memref<1x16xf32, #tpu.memory_space<vmem_shared>>
      tpu.wait_dma2 semaphore(%run_scoped3A : memref<!tpu.dma_semaphore, #tpu.memory_space<semaphore_mem>>) src(%arg23 : memref<1x16xf32, #tpu.memory_space<vmem>>) dst(%dma_wait3A_354 : memref<1x16xf32, #tpu.memory_space<vmem_shared>>)
      tpu.yield
    }) : () -> ()
    %barrier3A = arith.constant 0 : index
    tpu.barrier barrier_id(%barrier3A)
    %broadcast_in_dim3A_116 = arith.constant -1.000000e+30 : f32
    %broadcast_in_dim3A_117 = vector.broadcast %broadcast_in_dim3A_116 : f32 to vector<16xf32>
    "tpu.region"() ({
      %run_scoped3A = tpu.sem_alloc : memref<!tpu.dma_semaphore, #tpu.memory_space<semaphore_mem>>
      %dma_start3A_347 = arith.constant 0 : i32
      %dma_start3A_348 = arith.constant 0 : i32
      %dma_start3A_349 = tpu.memref_slice %arg22[%dma_start3A_347, %dma_start3A_348] : memref<128x16xf32, #tpu.memory_space<vmem>> -> memref<128x16xf32, #tpu.memory_space<vmem>>
      %dma_start3A_350 = arith.constant 0 : i32
      %dma_start3A_351 = arith.constant 0 : i32
      %dma_start3A_352 = tpu.memref_slice %arg22[%dma_start3A_350, %dma_start3A_351] : memref<128x16xf32, #tpu.memory_space<vmem>> -> memref<128x16xf32, #tpu.memory_space<vmem>>
      tpu.enqueue_dma source(%arg24 : memref<128x16xf32, #tpu.memory_space<vmem_shared>>) target(%dma_start3A_352 : memref<128x16xf32, #tpu.memory_space<vmem>>) target_semaphore(%run_scoped3A : memref<!tpu.dma_semaphore, #tpu.memory_space<semaphore_mem>>)
      %dma_wait3A_353 = arith.constant 0 : i32
      %dma_wait3A_354 = arith.constant 0 : i32
      %dma_wait3A_355 = tpu.memref_slice %arg22[%dma_wait3A_353, %dma_wait3A_354] : memref<128x16xf32, #tpu.memory_space<vmem>> -> memref<128x16xf32, #tpu.memory_space<vmem>>
      %dma_wait3A_356 = arith.constant 0 : i32
      %dma_wait3A_357 = arith.constant 0 : i32
      %dma_wait3A_358 = tpu.memref_slice %arg22[%dma_wait3A_356, %dma_wait3A_357] : memref<128x16xf32, #tpu.memory_space<vmem>> -> memref<128x16xf32, #tpu.memory_space<vmem>>
      tpu.wait_dma2 semaphore(%run_scoped3A : memref<!tpu.dma_semaphore, #tpu.memory_space<semaphore_mem>>) src(%arg24 : memref<128x16xf32, #tpu.memory_space<vmem_shared>>) dst(%dma_wait3A_358 : memref<128x16xf32, #tpu.memory_space<vmem>>)
      tpu.yield
    }) : () -> ()
    %get3A = arith.constant 0 : i32
    %get3A_118 = arith.index_cast %get3A : i32 to index
    %get3A_119 = arith.constant 0 : index
    %get3A_120 = tpu.vector_load %arg22[%get3A_118, %get3A_119] {strides = array<i32>} : memref<128x16xf32, #tpu.memory_space<vmem>>, vector<16xf32>,
    %max3A = arith.maximumf %broadcast_in_dim3A_117, %get3A_120 : vector<16xf32>
    %get3A_121 = arith.constant 8 : i32
    %get3A_122 = arith.index_cast %get3A_121 : i32 to index
    %get3A_123 = arith.constant 0 : index
    %get3A_124 = tpu.vector_load %arg22[%get3A_122, %get3A_123] {strides = array<i32>} : memref<128x16xf32, #tpu.memory_space<vmem>>, vector<16xf32>,
    %max3A_125 = arith.maximumf %max3A, %get3A_124 : vector<16xf32>
    %get3A_126 = arith.constant 16 : i32
    %get3A_127 = arith.index_cast %get3A_126 : i32 to index
    %get3A_128 = arith.constant 0 : index
    %get3A_129 = tpu.vector_load %arg22[%get3A_127, %get3A_128] {strides = array<i32>} : memref<128x16xf32, #tpu.memory_space<vmem>>, vector<16xf32>,
    %max3A_130 = arith.maximumf %max3A_125, %get3A_129 : vector<16xf32>
    %get3A_131 = arith.constant 24 : i32
    %get3A_132 = arith.index_cast %get3A_131 : i32 to index
    %get3A_133 = arith.constant 0 : index
    %get3A_134 = tpu.vector_load %arg22[%get3A_132, %get3A_133] {strides = array<i32>} : memref<128x16xf32, #tpu.memory_space<vmem>>, vector<16xf32>,
    %max3A_135 = arith.maximumf %max3A_130, %get3A_134 : vector<16xf32>
    %get3A_136 = arith.constant 32 : i32
    %get3A_137 = arith.index_cast %get3A_136 : i32 to index
    %get3A_138 = arith.constant 0 : index
    %get3A_139 = tpu.vector_load %arg22[%get3A_137, %get3A_138] {strides = array<i32>} : memref<128x16xf32, #tpu.memory_space<vmem>>, vector<16xf32>,
    %max3A_140 = arith.maximumf %max3A_135, %get3A_139 : vector<16xf32>
    %get3A_141 = arith.constant 40 : i32
    %get3A_142 = arith.index_cast %get3A_141 : i32 to index
    %get3A_143 = arith.constant 0 : index
    %get3A_144 = tpu.vector_load %arg22[%get3A_142, %get3A_143] {strides = array<i32>} : memref<128x16xf32, #tpu.memory_space<vmem>>, vector<16xf32>,
    %max3A_145 = arith.maximumf %max3A_140, %get3A_144 : vector<16xf32>
    %get3A_146 = arith.constant 48 : i32
    %get3A_147 = arith.index_cast %get3A_146 : i32 to index
    %get3A_148 = arith.constant 0 : index
    %get3A_149 = tpu.vector_load %arg22[%get3A_147, %get3A_148] {strides = array<i32>} : memref<128x16xf32, #tpu.memory_space<vmem>>, vector<16xf32>,
    %max3A_150 = arith.maximumf %max3A_145, %get3A_149 : vector<16xf32>
    %get3A_151 = arith.constant 56 : i32
    %get3A_152 = arith.index_cast %get3A_151 : i32 to index
    %get3A_153 = arith.constant 0 : index
    %get3A_154 = tpu.vector_load %arg22[%get3A_152, %get3A_153] {strides = array<i32>} : memref<128x16xf32, #tpu.memory_space<vmem>>, vector<16xf32>,
    %max3A_155 = arith.maximumf %max3A_150, %get3A_154 : vector<16xf32>
    %get3A_156 = arith.constant 64 : i32
    %get3A_157 = arith.index_cast %get3A_156 : i32 to index
    %get3A_158 = arith.constant 0 : index
    %get3A_159 = tpu.vector_load %arg22[%get3A_157, %get3A_158] {strides = array<i32>} : memref<128x16xf32, #tpu.memory_space<vmem>>, vector<16xf32>,
    %max3A_160 = arith.maximumf %max3A_155, %get3A_159 : vector<16xf32>
    %get3A_161 = arith.constant 72 : i32
    %get3A_162 = arith.index_cast %get3A_161 : i32 to index
    %get3A_163 = arith.constant 0 : index
    %get3A_164 = tpu.vector_load %arg22[%get3A_162, %get3A_163] {strides = array<i32>} : memref<128x16xf32, #tpu.memory_space<vmem>>, vector<16xf32>,
    %max3A_165 = arith.maximumf %max3A_160, %get3A_164 : vector<16xf32>
    %get3A_166 = arith.constant 80 : i32
    %get3A_167 = arith.index_cast %get3A_166 : i32 to index
    %get3A_168 = arith.constant 0 : index
    %get3A_169 = tpu.vector_load %arg22[%get3A_167, %get3A_168] {strides = array<i32>} : memref<128x16xf32, #tpu.memory_space<vmem>>, vector<16xf32>,
    %max3A_170 = arith.maximumf %max3A_165, %get3A_169 : vector<16xf32>
    %get3A_171 = arith.constant 88 : i32
    %get3A_172 = arith.index_cast %get3A_171 : i32 to index
    %get3A_173 = arith.constant 0 : index
    %get3A_174 = tpu.vector_load %arg22[%get3A_172, %get3A_173] {strides = array<i32>} : memref<128x16xf32, #tpu.memory_space<vmem>>, vector<16xf32>,
    %max3A_175 = arith.maximumf %max3A_170, %get3A_174 : vector<16xf32>
    %get3A_176 = arith.constant 96 : i32
    %get3A_177 = arith.index_cast %get3A_176 : i32 to index
    %get3A_178 = arith.constant 0 : index
    %get3A_179 = tpu.vector_load %arg22[%get3A_177, %get3A_178] {strides = array<i32>} : memref<128x16xf32, #tpu.memory_space<vmem>>, vector<16xf32>,
    %max3A_180 = arith.maximumf %max3A_175, %get3A_179 : vector<16xf32>
    %get3A_181 = arith.constant 104 : i32
    %get3A_182 = arith.index_cast %get3A_181 : i32 to index
    %get3A_183 = arith.constant 0 : index
    %get3A_184 = tpu.vector_load %arg22[%get3A_182, %get3A_183] {strides = array<i32>} : memref<128x16xf32, #tpu.memory_space<vmem>>, vector<16xf32>,
    %max3A_185 = arith.maximumf %max3A_180, %get3A_184 : vector<16xf32>
    %get3A_186 = arith.constant 112 : i32
    %get3A_187 = arith.index_cast %get3A_186 : i32 to index
    %get3A_188 = arith.constant 0 : index
    %get3A_189 = tpu.vector_load %arg22[%get3A_187, %get3A_188] {strides = array<i32>} : memref<128x16xf32, #tpu.memory_space<vmem>>, vector<16xf32>,
    %max3A_190 = arith.maximumf %max3A_185, %get3A_189 : vector<16xf32>
    %get3A_191 = arith.constant 120 : i32
    %get3A_192 = arith.index_cast %get3A_191 : i32 to index
    %get3A_193 = arith.constant 0 : index
    %get3A_194 = tpu.vector_load %arg22[%get3A_192, %get3A_193] {strides = array<i32>} : memref<128x16xf32, #tpu.memory_space<vmem>>, vector<16xf32>,
    %max3A_195 = arith.maximumf %max3A_190, %get3A_194 : vector<16xf32>
    %reduce_max3A = arith.constant true
    %reduce_max3A_196 = vector.broadcast %reduce_max3A : i1 to vector<16xi1>
    %reduce_max3A_197 = tpu.scan <max>, %max3A_195 masked %reduce_max3A_196 : vector<16xf32>, vector<16xi1> -> vector<16xf32>
    %reduce_max3A_198 = vector.extract %reduce_max3A_197[15] : f32 from vector<16xf32>
    %broadcast_in_dim3A_199 = vector.broadcast %reduce_max3A_198 : f32 to vector<16xf32>
    %jit3A_200 = arith.constant 8 : i32
    %div3A_201 = vector.broadcast %jit3A_200 : i32 to vector<16xi32>
    %div3A_202 = arith.divsi %iota3A, %div3A_201 : vector<16xi32>
    %sign3A_203 = arith.constant 0 : i32
    %sign3A_204 = vector.broadcast %sign3A_203 : i32 to vector<16xi32>
    %sign3A_205 = arith.cmpi sgt, %iota3A, %sign3A_204 : vector<16xi32>
    %sign3A_206 = arith.extui %sign3A_205 : vector<16xi1> to vector<16xi32>
    %sign3A_207 = arith.constant 0 : i32
    %sign3A_208 = vector.broadcast %sign3A_207 : i32 to vector<16xi32>
    %sign3A_209 = arith.cmpi slt, %iota3A, %sign3A_208 : vector<16xi32>
    %sign3A_210 = arith.extui %sign3A_209 : vector<16xi1> to vector<16xi32>
    %sign3A_211 = arith.subi %sign3A_206, %sign3A_210 : vector<16xi32>
    %sign3A_212 = arith.constant 0 : i32
    %sign3A_213 = arith.cmpi sgt, %jit3A_200, %sign3A_212 : i32
    %sign3A_214 = arith.extui %sign3A_213 : i1 to i32
    %sign3A_215 = arith.constant 0 : i32
    %sign3A_216 = arith.cmpi slt, %jit3A_200, %sign3A_215 : i32
    %sign3A_217 = arith.extui %sign3A_216 : i1 to i32
    %sign3A_218 = arith.subi %sign3A_214, %sign3A_217 : i32
    %ne3A_219 = vector.broadcast %sign3A_218 : i32 to vector<16xi32>
    %ne3A_220 = arith.cmpi ne, %sign3A_211, %ne3A_219 : vector<16xi32>
    %rem3A_221 = vector.broadcast %jit3A_200 : i32 to vector<16xi32>
    %rem3A_222 = arith.remsi %iota3A, %rem3A_221 : vector<16xi32>
    %ne3A_223 = arith.constant 0 : i32
    %ne3A_224 = vector.broadcast %ne3A_223 : i32 to vector<16xi32>
    %ne3A_225 = arith.cmpi ne, %rem3A_222, %ne3A_224 : vector<16xi32>
    %and3A_226 = arith.andi %ne3A_220, %ne3A_225 : vector<16xi1>
    %sub3A_227 = arith.constant 1 : i32
    %sub3A_228 = vector.broadcast %sub3A_227 : i32 to vector<16xi32>
    %sub3A_229 = arith.subi %div3A_202, %sub3A_228 : vector<16xi32>
    %select_n3A_230 = arith.select %and3A_226, %sub3A_229, %div3A_202 : vector<16xi1>, vector<16xi32>
    %mul3A_231 = arith.constant 8 : i32
    %mul3A_232 = vector.broadcast %mul3A_231 : i32 to vector<16xi32>
    %mul3A_233 = arith.muli %select_n3A_230, %mul3A_232 : vector<16xi32>
    %sub3A_234 = arith.subi %iota3A, %mul3A_233 : vector<16xi32>
    %jit3A_235 = arith.constant 2 : i32
    %div3A_236 = arith.divsi %mul3A_2, %jit3A_235 : i32
    %sign3A_237 = arith.constant 0 : i32
    %sign3A_238 = arith.cmpi sgt, %mul3A_2, %sign3A_237 : i32
    %sign3A_239 = arith.extui %sign3A_238 : i1 to i32
    %sign3A_240 = arith.constant 0 : i32
    %sign3A_241 = arith.cmpi slt, %mul3A_2, %sign3A_240 : i32
    %sign3A_242 = arith.extui %sign3A_241 : i1 to i32
    %sign3A_243 = arith.subi %sign3A_239, %sign3A_242 : i32
    %sign3A_244 = arith.constant 0 : i32
    %sign3A_245 = arith.cmpi sgt, %jit3A_235, %sign3A_244 : i32
    %sign3A_246 = arith.extui %sign3A_245 : i1 to i32
    %sign3A_247 = arith.constant 0 : i32
    %sign3A_248 = arith.cmpi slt, %jit3A_235, %sign3A_247 : i32
    %sign3A_249 = arith.extui %sign3A_248 : i1 to i32
    %sign3A_250 = arith.subi %sign3A_246, %sign3A_249 : i32
    %ne3A_251 = arith.cmpi ne, %sign3A_243, %sign3A_250 : i32
    %rem3A_252 = arith.remsi %mul3A_2, %jit3A_235 : i32
    %ne3A_253 = arith.constant 0 : i32
    %ne3A_254 = arith.cmpi ne, %rem3A_252, %ne3A_253 : i32
    %and3A_255 = arith.andi %ne3A_251, %ne3A_254 : i1
    %sub3A_256 = arith.constant 1 : i32
    %sub3A_257 = arith.subi %div3A_236, %sub3A_256 : i32
    %select_n3A_258 = arith.select %and3A_255, %sub3A_257, %div3A_236 : i32
    %dma_start3A_259 = arith.constant 0 : i32
    %dma_start3A_260 = tpu.memref_slice %arg6[%select_n3A_258, %dma_start3A_259] : memref<81920x16xf32, #tpu.memory_space<hbm>> -> memref<64x16xf32, #tpu.memory_space<hbm>>
    %dma_start3A_261 = arith.constant 0 : i32
    %dma_start3A_262 = tpu.memref_slice %arg6[%select_n3A_258, %dma_start3A_261] : memref<81920x16xf32, #tpu.memory_space<hbm>> -> memref<64x16xf32, #tpu.memory_space<hbm>>
    tpu.enqueue_dma source(%dma_start3A_262 : memref<64x16xf32, #tpu.memory_space<hbm>>) target(%arg16 : memref<64x16xf32, #tpu.memory_space<vmem>>) target_semaphore(%arg30 : memref<!tpu.dma_semaphore, #tpu.memory_space<semaphore_mem>>)
    %scan3A_263 = arith.constant 0 : i32
    %scan3A_264 = arith.constant 0 : i32
    %scan3A_265 = arith.constant 20 : i32
    %scan3A_266 = arith.addi %scan3A_264, %scan3A_265 : i32
    %scan3A_267 = arith.constant 1 : i32
    %scan3A_268 = scf.for %scan3A_347 = %scan3A_264 to %scan3A_266 step %scan3A_267 iter_args(%scan3A_348 = %scan3A_263) -> (i32)  : i32 {
      %mul3A_349 = arith.constant 2 : i32
      %mul3A_350 = arith.muli %mul3A_349, %scan3A_347 : i32
      %add3A_351 = arith.constant 1 : i32
      %add3A_352 = arith.addi %mul3A_350, %add3A_351 : i32
      %mul3A_353 = arith.constant 128 : i32
      %mul3A_354 = arith.muli %add3A_352, %mul3A_353 : i32
      %add3A_355 = arith.addi %mul3A_2, %mul3A_354 : i32
      %jit3A_356 = arith.constant 2 : i32
      %div3A_357 = arith.divsi %add3A_355, %jit3A_356 : i32
      %sign3A_358 = arith.constant 0 : i32
      %sign3A_359 = arith.cmpi sgt, %add3A_355, %sign3A_358 : i32
      %sign3A_360 = arith.extui %sign3A_359 : i1 to i32
      %sign3A_361 = arith.constant 0 : i32
      %sign3A_362 = arith.cmpi slt, %add3A_355, %sign3A_361 : i32
      %sign3A_363 = arith.extui %sign3A_362 : i1 to i32
      %sign3A_364 = arith.subi %sign3A_360, %sign3A_363 : i32
      %sign3A_365 = arith.constant 0 : i32
      %sign3A_366 = arith.cmpi sgt, %jit3A_356, %sign3A_365 : i32
      %sign3A_367 = arith.extui %sign3A_366 : i1 to i32
      %sign3A_368 = arith.constant 0 : i32
      %sign3A_369 = arith.cmpi slt, %jit3A_356, %sign3A_368 : i32
      %sign3A_370 = arith.extui %sign3A_369 : i1 to i32
      %sign3A_371 = arith.subi %sign3A_367, %sign3A_370 : i32
      %ne3A_372 = arith.cmpi ne, %sign3A_364, %sign3A_371 : i32
      %rem3A_373 = arith.remsi %add3A_355, %jit3A_356 : i32
      %ne3A_374 = arith.constant 0 : i32
      %ne3A_375 = arith.cmpi ne, %rem3A_373, %ne3A_374 : i32
      %and3A_376 = arith.andi %ne3A_372, %ne3A_375 : i1
      %sub3A_377 = arith.constant 1 : i32
      %sub3A_378 = arith.subi %div3A_357, %sub3A_377 : i32
      %select_n3A_379 = arith.select %and3A_376, %sub3A_378, %div3A_357 : i32
      %dma_start3A_380 = arith.constant 0 : i32
      %dma_start3A_381 = tpu.memref_slice %arg6[%select_n3A_379, %dma_start3A_380] : memref<81920x16xf32, #tpu.memory_space<hbm>> -> memref<64x16xf32, #tpu.memory_space<hbm>>
      %dma_start3A_382 = arith.constant 0 : i32
      %dma_start3A_383 = tpu.memref_slice %arg6[%select_n3A_379, %dma_start3A_382] : memref<81920x16xf32, #tpu.memory_space<hbm>> -> memref<64x16xf32, #tpu.memory_space<hbm>>
      tpu.enqueue_dma source(%dma_start3A_383 : memref<64x16xf32, #tpu.memory_space<hbm>>) target(%arg17 : memref<64x16xf32, #tpu.memory_space<vmem>>) target_semaphore(%arg31 : memref<!tpu.dma_semaphore, #tpu.memory_space<semaphore_mem>>)
      %dma_wait3A_384 = arith.constant 0 : i32
      %dma_wait3A_385 = arith.constant 0 : i32
      %dma_wait3A_386 = tpu.memref_slice %arg6[%dma_wait3A_384, %dma_wait3A_385] : memref<81920x16xf32, #tpu.memory_space<hbm>> -> memref<64x16xf32, #tpu.memory_space<hbm>>
      %dma_wait3A_387 = arith.constant 0 : i32
      %dma_wait3A_388 = arith.constant 0 : i32
      %dma_wait3A_389 = tpu.memref_slice %arg6[%dma_wait3A_387, %dma_wait3A_388] : memref<81920x16xf32, #tpu.memory_space<hbm>> -> memref<64x16xf32, #tpu.memory_space<hbm>>
      tpu.wait_dma2 semaphore(%arg30 : memref<!tpu.dma_semaphore, #tpu.memory_space<semaphore_mem>>) src(%dma_wait3A_389 : memref<64x16xf32, #tpu.memory_space<hbm>>) dst(%arg16 : memref<64x16xf32, #tpu.memory_space<vmem>>)
      %gt3A = arith.constant 0 : i32
      %gt3A_390 = arith.cmpi sgt, %scan3A_347, %gt3A : i32
      %convert_element_type3A_391 = arith.extui %gt3A_390 : i1 to i32
      %cond3A_392 = arith.constant 0 : i32
      %cond3A_393 = arith.cmpi ne, %convert_element_type3A_391, %cond3A_392 : i32
      scf.if %cond3A_393 {
        %dma_wait3A_533 = arith.constant 0 : i32
        %dma_wait3A_534 = tpu.memref_slice %arg7[%mul3A_2, %dma_wait3A_533] : memref<163840x16xf32, #tpu.memory_space<hbm>> -> memref<128x16xf32, #tpu.memory_space<hbm>>
        %dma_wait3A_535 = arith.constant 0 : i32
        %dma_wait3A_536 = tpu.memref_slice %arg7[%mul3A_2, %dma_wait3A_535] : memref<163840x16xf32, #tpu.memory_space<hbm>> -> memref<128x16xf32, #tpu.memory_space<hbm>>
        tpu.wait_dma2 semaphore(%arg32 : memref<!tpu.dma_semaphore, #tpu.memory_space<semaphore_mem>>) src(%arg18 : memref<128x16xf32, #tpu.memory_space<vmem>>) dst(%dma_wait3A_536 : memref<128x16xf32, #tpu.memory_space<hbm>>)
        %dma_wait3A_537 = arith.constant 0 : i32
        %dma_wait3A_538 = arith.constant 0 : i32
        %dma_wait3A_539 = tpu.memref_slice %arg18[%dma_wait3A_537, %dma_wait3A_538] : memref<128x16xf32, #tpu.memory_space<vmem>> -> memref<64x16xf32, #tpu.memory_space<vmem>>
        %dma_wait3A_540 = arith.constant 0 : i32
        %dma_wait3A_541 = arith.constant 0 : i32
        %dma_wait3A_542 = tpu.memref_slice %arg25[%dma_wait3A_540, %dma_wait3A_541] : memref<10240x16xf32, #tpu.memory_space<vmem_shared>> -> memref<64x16xf32, #tpu.memory_space<vmem_shared>>
        %dma_wait3A_543 = arith.constant 0 : i32
        %dma_wait3A_544 = arith.constant 0 : i32
        %dma_wait3A_545 = tpu.memref_slice %arg25[%dma_wait3A_543, %dma_wait3A_544] : memref<10240x16xf32, #tpu.memory_space<vmem_shared>> -> memref<64x16xf32, #tpu.memory_space<vmem_shared>>
        %dma_wait3A_546 = arith.constant 0 : i32
        %dma_wait3A_547 = arith.constant 0 : i32
        %dma_wait3A_548 = tpu.memref_slice %arg18[%dma_wait3A_546, %dma_wait3A_547] : memref<128x16xf32, #tpu.memory_space<vmem>> -> memref<64x16xf32, #tpu.memory_space<vmem>>
        tpu.wait_dma2 semaphore(%arg34 : memref<!tpu.dma_semaphore, #tpu.memory_space<semaphore_mem>>) src(%dma_wait3A_548 : memref<64x16xf32, #tpu.memory_space<vmem>>) dst(%dma_wait3A_545 : memref<64x16xf32, #tpu.memory_space<vmem_shared>>)
        %dma_wait3A_549 = arith.constant 0 : i32
        %dma_wait3A_550 = arith.constant 0 : i32
        %dma_wait3A_551 = tpu.memref_slice %arg18[%dma_wait3A_549, %dma_wait3A_550] : memref<128x16xf32, #tpu.memory_space<vmem>> -> memref<64x16xf32, #tpu.memory_space<vmem>>
        %dma_wait3A_552 = arith.constant 0 : i32
        %dma_wait3A_553 = arith.constant 0 : i32
        %dma_wait3A_554 = tpu.memref_slice %arg25[%dma_wait3A_552, %dma_wait3A_553] : memref<10240x16xf32, #tpu.memory_space<vmem_shared>> -> memref<64x16xf32, #tpu.memory_space<vmem_shared>>
        %dma_wait3A_555 = arith.constant 0 : i32
        %dma_wait3A_556 = arith.constant 0 : i32
        %dma_wait3A_557 = tpu.memref_slice %arg25[%dma_wait3A_555, %dma_wait3A_556] : memref<10240x16xf32, #tpu.memory_space<vmem_shared>> -> memref<64x16xf32, #tpu.memory_space<vmem_shared>>
        %dma_wait3A_558 = arith.constant 0 : i32
        %dma_wait3A_559 = arith.constant 0 : i32
        %dma_wait3A_560 = tpu.memref_slice %arg18[%dma_wait3A_558, %dma_wait3A_559] : memref<128x16xf32, #tpu.memory_space<vmem>> -> memref<64x16xf32, #tpu.memory_space<vmem>>
        tpu.wait_dma2 semaphore(%arg34 : memref<!tpu.dma_semaphore, #tpu.memory_space<semaphore_mem>>) src(%dma_wait3A_560 : memref<64x16xf32, #tpu.memory_space<vmem>>) dst(%dma_wait3A_557 : memref<64x16xf32, #tpu.memory_space<vmem_shared>>)
      } else {
      }
      %scan3A_394 = arith.constant 0 : i32
      %scan3A_395 = arith.constant 0 : i32
      %scan3A_396 = arith.constant 64 : i32
      %scan3A_397 = arith.addi %scan3A_395, %scan3A_396 : i32
      %scan3A_398 = arith.constant 1 : i32
      %scan3A_399 = scf.for %scan3A_533 = %scan3A_395 to %scan3A_397 step %scan3A_398 iter_args(%scan3A_534 = %scan3A_394) -> (i32)  : i32 {
        %get3A_535 = arith.index_cast %scan3A_533 : i32 to index
        %get3A_536 = arith.constant 0 : index
        %get3A_537 = tpu.vector_load %arg16[%get3A_535, %get3A_536] {strides = array<i32>} : memref<64x16xf32, #tpu.memory_space<vmem>>, vector<16xf32>,
        %sub3A_538 = arith.subf %get3A_537, %broadcast_in_dim3A_199 : vector<16xf32>
        %exp3A = math.exp %sub3A_538 : vector<16xf32>
        %mul3A_539 = arith.constant 2 : i32
        %mul3A_540 = arith.muli %mul3A_539, %scan3A_533 : i32
        %add3A_541 = vector.broadcast %mul3A_540 : i32 to vector<16xi32>
        %add3A_542 = arith.addi %add3A_541, %select_n3A_230 : vector<16xi32>
        tpu.vector_store_idx %arg18[%add3A_542, %sub3A_234], %exp3A : memref<128x16xf32, #tpu.memory_space<vmem>>[vector<16xi32>, vector<16xi32>], vector<16xf32>,
        %scan3A_543 = arith.constant 0 : i32
        scf.yield %scan3A_543 : i32
      }
      %scan3A_400 = arith.constant 64 : i32
      %mul3A_401 = arith.constant 2 : i32
      %mul3A_402 = arith.muli %mul3A_401, %scan3A_347 : i32
      %mul3A_403 = arith.constant 128 : i32
      %mul3A_404 = arith.muli %mul3A_402, %mul3A_403 : i32
      %add3A_405 = arith.addi %mul3A_2, %mul3A_404 : i32
      %dma_start3A_406 = arith.constant 0 : i32
      %dma_start3A_407 = tpu.memref_slice %arg7[%add3A_405, %dma_start3A_406] : memref<163840x16xf32, #tpu.memory_space<hbm>> -> memref<128x16xf32, #tpu.memory_space<hbm>>
      %dma_start3A_408 = arith.constant 0 : i32
      %dma_start3A_409 = tpu.memref_slice %arg7[%add3A_405, %dma_start3A_408] : memref<163840x16xf32, #tpu.memory_space<hbm>> -> memref<128x16xf32, #tpu.memory_space<hbm>>
      tpu.enqueue_dma source(%arg18 : memref<128x16xf32, #tpu.memory_space<vmem>>) target(%dma_start3A_409 : memref<128x16xf32, #tpu.memory_space<hbm>>) target_semaphore(%arg32 : memref<!tpu.dma_semaphore, #tpu.memory_space<semaphore_mem>>)
      %mul3A_410 = arith.constant 4 : i32
      %mul3A_411 = arith.muli %mul3A_410, %scan3A_347 : i32
      %dma_start3A_412 = arith.constant 0 : i32
      %dma_start3A_413 = arith.constant 0 : i32
      %dma_start3A_414 = tpu.memref_slice %arg18[%dma_start3A_412, %dma_start3A_413] : memref<128x16xf32, #tpu.memory_space<vmem>> -> memref<64x16xf32, #tpu.memory_space<vmem>>
      %dma_start3A_415 = arith.constant 0 : i32
      %dma_start3A_416 = tpu.memref_slice %arg20[%mul3A_411, %dma_start3A_415] : memref<80x64xi32, #tpu.memory_space<vmem>> -> memref<1x64xi32, #tpu.memory_space<vmem>>
      %dma_start3A_417 = tpu.memref_squeeze %dma_start3A_416 : memref<1x64xi32, #tpu.memory_space<vmem>> -> memref<64xi32, #tpu.memory_space<vmem>>
      %dma_start3A_418 = arith.constant 0 : i32
      %dma_start3A_419 = arith.constant 0 : i32
      %dma_start3A_420 = tpu.memref_slice %arg25[%dma_start3A_418, %dma_start3A_419] : memref<10240x16xf32, #tpu.memory_space<vmem_shared>> -> memref<10240x16xf32, #tpu.memory_space<vmem_shared>>
      tpu.enqueue_indirect_dma source(%dma_start3A_414 : memref<64x16xf32, #tpu.memory_space<vmem>>) target(%dma_start3A_420 : memref<10240x16xf32, #tpu.memory_space<vmem_shared>>) offsets(%dma_start3A_417 : memref<64xi32, #tpu.memory_space<vmem>>) semaphore(%arg34 : memref<!tpu.dma_semaphore, #tpu.memory_space<semaphore_mem>>) {add = true}
      %mul3A_421 = arith.constant 4 : i32
      %mul3A_422 = arith.muli %mul3A_421, %scan3A_347 : i32
      %add3A_423 = arith.constant 1 : i32
      %add3A_424 = arith.addi %mul3A_422, %add3A_423 : i32
      %dma_start3A_425 = arith.constant 64 : i32
      %dma_start3A_426 = arith.constant 0 : i32
      %dma_start3A_427 = tpu.memref_slice %arg18[%dma_start3A_425, %dma_start3A_426] : memref<128x16xf32, #tpu.memory_space<vmem>> -> memref<64x16xf32, #tpu.memory_space<vmem>>
      %dma_start3A_428 = arith.constant 0 : i32
      %dma_start3A_429 = tpu.memref_slice %arg20[%add3A_424, %dma_start3A_428] : memref<80x64xi32, #tpu.memory_space<vmem>> -> memref<1x64xi32, #tpu.memory_space<vmem>>
      %dma_start3A_430 = tpu.memref_squeeze %dma_start3A_429 : memref<1x64xi32, #tpu.memory_space<vmem>> -> memref<64xi32, #tpu.memory_space<vmem>>
      %dma_start3A_431 = arith.constant 0 : i32
      %dma_start3A_432 = arith.constant 0 : i32
      %dma_start3A_433 = tpu.memref_slice %arg25[%dma_start3A_431, %dma_start3A_432] : memref<10240x16xf32, #tpu.memory_space<vmem_shared>> -> memref<10240x16xf32, #tpu.memory_space<vmem_shared>>
      tpu.enqueue_indirect_dma source(%dma_start3A_427 : memref<64x16xf32, #tpu.memory_space<vmem>>) target(%dma_start3A_433 : memref<10240x16xf32, #tpu.memory_space<vmem_shared>>) offsets(%dma_start3A_430 : memref<64xi32, #tpu.memory_space<vmem>>) semaphore(%arg34 : memref<!tpu.dma_semaphore, #tpu.memory_space<semaphore_mem>>) {add = true}
      %mul3A_434 = arith.constant 2 : i32
      %mul3A_435 = arith.muli %mul3A_434, %scan3A_347 : i32
      %add3A_436 = arith.constant 2 : i32
      %add3A_437 = arith.addi %mul3A_435, %add3A_436 : i32
      %lt3A_438 = arith.constant 40 : i32
      %lt3A_439 = arith.cmpi slt, %add3A_437, %lt3A_438 : i32
      %mul3A_440 = arith.constant 2 : i32
      %mul3A_441 = arith.muli %mul3A_440, %scan3A_347 : i32
      %add3A_442 = arith.constant 2 : i32
      %add3A_443 = arith.addi %mul3A_441, %add3A_442 : i32
      %mul3A_444 = arith.constant 128 : i32
      %mul3A_445 = arith.muli %add3A_443, %mul3A_444 : i32
      %jit3A_446 = arith.constant 0 : i32
      %select_n3A_447 = arith.select %lt3A_439, %mul3A_445, %jit3A_446 : i32
      %add3A_448 = arith.addi %mul3A_2, %select_n3A_447 : i32
      %jit3A_449 = arith.constant 2 : i32
      %div3A_450 = arith.divsi %add3A_448, %jit3A_449 : i32
      %sign3A_451 = arith.constant 0 : i32
      %sign3A_452 = arith.cmpi sgt, %add3A_448, %sign3A_451 : i32
      %sign3A_453 = arith.extui %sign3A_452 : i1 to i32
      %sign3A_454 = arith.constant 0 : i32
      %sign3A_455 = arith.cmpi slt, %add3A_448, %sign3A_454 : i32
      %sign3A_456 = arith.extui %sign3A_455 : i1 to i32
      %sign3A_457 = arith.subi %sign3A_453, %sign3A_456 : i32
      %sign3A_458 = arith.constant 0 : i32
      %sign3A_459 = arith.cmpi sgt, %jit3A_449, %sign3A_458 : i32
      %sign3A_460 = arith.extui %sign3A_459 : i1 to i32
      %sign3A_461 = arith.constant 0 : i32
      %sign3A_462 = arith.cmpi slt, %jit3A_449, %sign3A_461 : i32
      %sign3A_463 = arith.extui %sign3A_462 : i1 to i32
      %sign3A_464 = arith.subi %sign3A_460, %sign3A_463 : i32
      %ne3A_465 = arith.cmpi ne, %sign3A_457, %sign3A_464 : i32
      %rem3A_466 = arith.remsi %add3A_448, %jit3A_449 : i32
      %ne3A_467 = arith.constant 0 : i32
      %ne3A_468 = arith.cmpi ne, %rem3A_466, %ne3A_467 : i32
      %and3A_469 = arith.andi %ne3A_465, %ne3A_468 : i1
      %sub3A_470 = arith.constant 1 : i32
      %sub3A_471 = arith.subi %div3A_450, %sub3A_470 : i32
      %select_n3A_472 = arith.select %and3A_469, %sub3A_471, %div3A_450 : i32
      %dma_start3A_473 = arith.constant 0 : i32
      %dma_start3A_474 = tpu.memref_slice %arg6[%select_n3A_472, %dma_start3A_473] : memref<81920x16xf32, #tpu.memory_space<hbm>> -> memref<64x16xf32, #tpu.memory_space<hbm>>
      %dma_start3A_475 = arith.constant 0 : i32
      %dma_start3A_476 = tpu.memref_slice %arg6[%select_n3A_472, %dma_start3A_475] : memref<81920x16xf32, #tpu.memory_space<hbm>> -> memref<64x16xf32, #tpu.memory_space<hbm>>
      tpu.enqueue_dma source(%dma_start3A_476 : memref<64x16xf32, #tpu.memory_space<hbm>>) target(%arg16 : memref<64x16xf32, #tpu.memory_space<vmem>>) target_semaphore(%arg30 : memref<!tpu.dma_semaphore, #tpu.memory_space<semaphore_mem>>)
      %dma_wait3A_477 = arith.constant 0 : i32
      %dma_wait3A_478 = arith.constant 0 : i32
      %dma_wait3A_479 = tpu.memref_slice %arg6[%dma_wait3A_477, %dma_wait3A_478] : memref<81920x16xf32, #tpu.memory_space<hbm>> -> memref<64x16xf32, #tpu.memory_space<hbm>>
      %dma_wait3A_480 = arith.constant 0 : i32
      %dma_wait3A_481 = arith.constant 0 : i32
      %dma_wait3A_482 = tpu.memref_slice %arg6[%dma_wait3A_480, %dma_wait3A_481] : memref<81920x16xf32, #tpu.memory_space<hbm>> -> memref<64x16xf32, #tpu.memory_space<hbm>>
      tpu.wait_dma2 semaphore(%arg31 : memref<!tpu.dma_semaphore, #tpu.memory_space<semaphore_mem>>) src(%dma_wait3A_482 : memref<64x16xf32, #tpu.memory_space<hbm>>) dst(%arg17 : memref<64x16xf32, #tpu.memory_space<vmem>>)
      %gt3A_483 = arith.constant 0 : i32
      %gt3A_484 = arith.cmpi sgt, %scan3A_347, %gt3A_483 : i32
      %convert_element_type3A_485 = arith.extui %gt3A_484 : i1 to i32
      %cond3A_486 = arith.constant 0 : i32
      %cond3A_487 = arith.cmpi ne, %convert_element_type3A_485, %cond3A_486 : i32
      scf.if %cond3A_487 {
        %dma_wait3A_533 = arith.constant 0 : i32
        %dma_wait3A_534 = tpu.memref_slice %arg7[%mul3A_2, %dma_wait3A_533] : memref<163840x16xf32, #tpu.memory_space<hbm>> -> memref<128x16xf32, #tpu.memory_space<hbm>>
        %dma_wait3A_535 = arith.constant 0 : i32
        %dma_wait3A_536 = tpu.memref_slice %arg7[%mul3A_2, %dma_wait3A_535] : memref<163840x16xf32, #tpu.memory_space<hbm>> -> memref<128x16xf32, #tpu.memory_space<hbm>>
        tpu.wait_dma2 semaphore(%arg33 : memref<!tpu.dma_semaphore, #tpu.memory_space<semaphore_mem>>) src(%arg19 : memref<128x16xf32, #tpu.memory_space<vmem>>) dst(%dma_wait3A_536 : memref<128x16xf32, #tpu.memory_space<hbm>>)
        %dma_wait3A_537 = arith.constant 0 : i32
        %dma_wait3A_538 = arith.constant 0 : i32
        %dma_wait3A_539 = tpu.memref_slice %arg19[%dma_wait3A_537, %dma_wait3A_538] : memref<128x16xf32, #tpu.memory_space<vmem>> -> memref<64x16xf32, #tpu.memory_space<vmem>>
        %dma_wait3A_540 = arith.constant 0 : i32
        %dma_wait3A_541 = arith.constant 0 : i32
        %dma_wait3A_542 = tpu.memref_slice %arg25[%dma_wait3A_540, %dma_wait3A_541] : memref<10240x16xf32, #tpu.memory_space<vmem_shared>> -> memref<64x16xf32, #tpu.memory_space<vmem_shared>>
        %dma_wait3A_543 = arith.constant 0 : i32
        %dma_wait3A_544 = arith.constant 0 : i32
        %dma_wait3A_545 = tpu.memref_slice %arg25[%dma_wait3A_543, %dma_wait3A_544] : memref<10240x16xf32, #tpu.memory_space<vmem_shared>> -> memref<64x16xf32, #tpu.memory_space<vmem_shared>>
        %dma_wait3A_546 = arith.constant 0 : i32
        %dma_wait3A_547 = arith.constant 0 : i32
        %dma_wait3A_548 = tpu.memref_slice %arg19[%dma_wait3A_546, %dma_wait3A_547] : memref<128x16xf32, #tpu.memory_space<vmem>> -> memref<64x16xf32, #tpu.memory_space<vmem>>
        tpu.wait_dma2 semaphore(%arg35 : memref<!tpu.dma_semaphore, #tpu.memory_space<semaphore_mem>>) src(%dma_wait3A_548 : memref<64x16xf32, #tpu.memory_space<vmem>>) dst(%dma_wait3A_545 : memref<64x16xf32, #tpu.memory_space<vmem_shared>>)
        %dma_wait3A_549 = arith.constant 0 : i32
        %dma_wait3A_550 = arith.constant 0 : i32
        %dma_wait3A_551 = tpu.memref_slice %arg19[%dma_wait3A_549, %dma_wait3A_550] : memref<128x16xf32, #tpu.memory_space<vmem>> -> memref<64x16xf32, #tpu.memory_space<vmem>>
        %dma_wait3A_552 = arith.constant 0 : i32
        %dma_wait3A_553 = arith.constant 0 : i32
        %dma_wait3A_554 = tpu.memref_slice %arg25[%dma_wait3A_552, %dma_wait3A_553] : memref<10240x16xf32, #tpu.memory_space<vmem_shared>> -> memref<64x16xf32, #tpu.memory_space<vmem_shared>>
        %dma_wait3A_555 = arith.constant 0 : i32
        %dma_wait3A_556 = arith.constant 0 : i32
        %dma_wait3A_557 = tpu.memref_slice %arg25[%dma_wait3A_555, %dma_wait3A_556] : memref<10240x16xf32, #tpu.memory_space<vmem_shared>> -> memref<64x16xf32, #tpu.memory_space<vmem_shared>>
        %dma_wait3A_558 = arith.constant 0 : i32
        %dma_wait3A_559 = arith.constant 0 : i32
        %dma_wait3A_560 = tpu.memref_slice %arg19[%dma_wait3A_558, %dma_wait3A_559] : memref<128x16xf32, #tpu.memory_space<vmem>> -> memref<64x16xf32, #tpu.memory_space<vmem>>
        tpu.wait_dma2 semaphore(%arg35 : memref<!tpu.dma_semaphore, #tpu.memory_space<semaphore_mem>>) src(%dma_wait3A_560 : memref<64x16xf32, #tpu.memory_space<vmem>>) dst(%dma_wait3A_557 : memref<64x16xf32, #tpu.memory_space<vmem_shared>>)
      } else {
      }
      %scan3A_488 = arith.constant 0 : i32
      %scan3A_489 = arith.constant 0 : i32
      %scan3A_490 = arith.constant 64 : i32
      %scan3A_491 = arith.addi %scan3A_489, %scan3A_490 : i32
      %scan3A_492 = arith.constant 1 : i32
      %scan3A_493 = scf.for %scan3A_533 = %scan3A_489 to %scan3A_491 step %scan3A_492 iter_args(%scan3A_534 = %scan3A_488) -> (i32)  : i32 {
        %get3A_535 = arith.index_cast %scan3A_533 : i32 to index
        %get3A_536 = arith.constant 0 : index
        %get3A_537 = tpu.vector_load %arg17[%get3A_535, %get3A_536] {strides = array<i32>} : memref<64x16xf32, #tpu.memory_space<vmem>>, vector<16xf32>,
        %sub3A_538 = arith.subf %get3A_537, %broadcast_in_dim3A_199 : vector<16xf32>
        %exp3A = math.exp %sub3A_538 : vector<16xf32>
        %mul3A_539 = arith.constant 2 : i32
        %mul3A_540 = arith.muli %mul3A_539, %scan3A_533 : i32
        %add3A_541 = vector.broadcast %mul3A_540 : i32 to vector<16xi32>
        %add3A_542 = arith.addi %add3A_541, %select_n3A_230 : vector<16xi32>
        tpu.vector_store_idx %arg19[%add3A_542, %sub3A_234], %exp3A : memref<128x16xf32, #tpu.memory_space<vmem>>[vector<16xi32>, vector<16xi32>], vector<16xf32>,
        %scan3A_543 = arith.constant 0 : i32
        scf.yield %scan3A_543 : i32
      }
      %scan3A_494 = arith.constant 64 : i32
      %mul3A_495 = arith.constant 2 : i32
      %mul3A_496 = arith.muli %mul3A_495, %scan3A_347 : i32
      %add3A_497 = arith.constant 1 : i32
      %add3A_498 = arith.addi %mul3A_496, %add3A_497 : i32
      %mul3A_499 = arith.constant 128 : i32
      %mul3A_500 = arith.muli %add3A_498, %mul3A_499 : i32
      %add3A_501 = arith.addi %mul3A_2, %mul3A_500 : i32
      %dma_start3A_502 = arith.constant 0 : i32
      %dma_start3A_503 = tpu.memref_slice %arg7[%add3A_501, %dma_start3A_502] : memref<163840x16xf32, #tpu.memory_space<hbm>> -> memref<128x16xf32, #tpu.memory_space<hbm>>
      %dma_start3A_504 = arith.constant 0 : i32
      %dma_start3A_505 = tpu.memref_slice %arg7[%add3A_501, %dma_start3A_504] : memref<163840x16xf32, #tpu.memory_space<hbm>> -> memref<128x16xf32, #tpu.memory_space<hbm>>
      tpu.enqueue_dma source(%arg19 : memref<128x16xf32, #tpu.memory_space<vmem>>) target(%dma_start3A_505 : memref<128x16xf32, #tpu.memory_space<hbm>>) target_semaphore(%arg33 : memref<!tpu.dma_semaphore, #tpu.memory_space<semaphore_mem>>)
      %mul3A_506 = arith.constant 4 : i32
      %mul3A_507 = arith.muli %mul3A_506, %scan3A_347 : i32
      %add3A_508 = arith.constant 2 : i32
      %add3A_509 = arith.addi %mul3A_507, %add3A_508 : i32
      %dma_start3A_510 = arith.constant 0 : i32
      %dma_start3A_511 = arith.constant 0 : i32
      %dma_start3A_512 = tpu.memref_slice %arg19[%dma_start3A_510, %dma_start3A_511] : memref<128x16xf32, #tpu.memory_space<vmem>> -> memref<64x16xf32, #tpu.memory_space<vmem>>
      %dma_start3A_513 = arith.constant 0 : i32
      %dma_start3A_514 = tpu.memref_slice %arg20[%add3A_509, %dma_start3A_513] : memref<80x64xi32, #tpu.memory_space<vmem>> -> memref<1x64xi32, #tpu.memory_space<vmem>>
      %dma_start3A_515 = tpu.memref_squeeze %dma_start3A_514 : memref<1x64xi32, #tpu.memory_space<vmem>> -> memref<64xi32, #tpu.memory_space<vmem>>
      %dma_start3A_516 = arith.constant 0 : i32
      %dma_start3A_517 = arith.constant 0 : i32
      %dma_start3A_518 = tpu.memref_slice %arg25[%dma_start3A_516, %dma_start3A_517] : memref<10240x16xf32, #tpu.memory_space<vmem_shared>> -> memref<10240x16xf32, #tpu.memory_space<vmem_shared>>
      tpu.enqueue_indirect_dma source(%dma_start3A_512 : memref<64x16xf32, #tpu.memory_space<vmem>>) target(%dma_start3A_518 : memref<10240x16xf32, #tpu.memory_space<vmem_shared>>) offsets(%dma_start3A_515 : memref<64xi32, #tpu.memory_space<vmem>>) semaphore(%arg35 : memref<!tpu.dma_semaphore, #tpu.memory_space<semaphore_mem>>) {add = true}
      %mul3A_519 = arith.constant 4 : i32
      %mul3A_520 = arith.muli %mul3A_519, %scan3A_347 : i32
      %add3A_521 = arith.constant 3 : i32
      %add3A_522 = arith.addi %mul3A_520, %add3A_521 : i32
      %dma_start3A_523 = arith.constant 64 : i32
      %dma_start3A_524 = arith.constant 0 : i32
      %dma_start3A_525 = tpu.memref_slice %arg19[%dma_start3A_523, %dma_start3A_524] : memref<128x16xf32, #tpu.memory_space<vmem>> -> memref<64x16xf32, #tpu.memory_space<vmem>>
      %dma_start3A_526 = arith.constant 0 : i32
      %dma_start3A_527 = tpu.memref_slice %arg20[%add3A_522, %dma_start3A_526] : memref<80x64xi32, #tpu.memory_space<vmem>> -> memref<1x64xi32, #tpu.memory_space<vmem>>
      %dma_start3A_528 = tpu.memref_squeeze %dma_start3A_527 : memref<1x64xi32, #tpu.memory_space<vmem>> -> memref<64xi32, #tpu.memory_space<vmem>>
      %dma_start3A_529 = arith.constant 0 : i32
      %dma_start3A_530 = arith.constant 0 : i32
      %dma_start3A_531 = tpu.memref_slice %arg25[%dma_start3A_529, %dma_start3A_530] : memref<10240x16xf32, #tpu.memory_space<vmem_shared>> -> memref<10240x16xf32, #tpu.memory_space<vmem_shared>>
      tpu.enqueue_indirect_dma source(%dma_start3A_525 : memref<64x16xf32, #tpu.memory_space<vmem>>) target(%dma_start3A_531 : memref<10240x16xf32, #tpu.memory_space<vmem_shared>>) offsets(%dma_start3A_528 : memref<64xi32, #tpu.memory_space<vmem>>) semaphore(%arg35 : memref<!tpu.dma_semaphore, #tpu.memory_space<semaphore_mem>>) {add = true}
      %scan3A_532 = arith.constant 0 : i32
      scf.yield %scan3A_532 : i32
    }
    %scan3A_269 = arith.constant 20 : i32
    %dma_wait3A_270 = arith.constant 0 : i32
    %dma_wait3A_271 = arith.constant 0 : i32
    %dma_wait3A_272 = tpu.memref_slice %arg6[%dma_wait3A_270, %dma_wait3A_271] : memref<81920x16xf32, #tpu.memory_space<hbm>> -> memref<64x16xf32, #tpu.memory_space<hbm>>
    %dma_wait3A_273 = arith.constant 0 : i32
    %dma_wait3A_274 = arith.constant 0 : i32
    %dma_wait3A_275 = tpu.memref_slice %arg6[%dma_wait3A_273, %dma_wait3A_274] : memref<81920x16xf32, #tpu.memory_space<hbm>> -> memref<64x16xf32, #tpu.memory_space<hbm>>
    tpu.wait_dma2 semaphore(%arg30 : memref<!tpu.dma_semaphore, #tpu.memory_space<semaphore_mem>>) src(%dma_wait3A_275 : memref<64x16xf32, #tpu.memory_space<hbm>>) dst(%arg16 : memref<64x16xf32, #tpu.memory_space<vmem>>)
    %dma_wait3A_276 = arith.constant 0 : i32
    %dma_wait3A_277 = tpu.memref_slice %arg7[%mul3A_2, %dma_wait3A_276] : memref<163840x16xf32, #tpu.memory_space<hbm>> -> memref<128x16xf32, #tpu.memory_space<hbm>>
    %dma_wait3A_278 = arith.constant 0 : i32
    %dma_wait3A_279 = tpu.memref_slice %arg7[%mul3A_2, %dma_wait3A_278] : memref<163840x16xf32, #tpu.memory_space<hbm>> -> memref<128x16xf32, #tpu.memory_space<hbm>>
    tpu.wait_dma2 semaphore(%arg32 : memref<!tpu.dma_semaphore, #tpu.memory_space<semaphore_mem>>) src(%arg18 : memref<128x16xf32, #tpu.memory_space<vmem>>) dst(%dma_wait3A_279 : memref<128x16xf32, #tpu.memory_space<hbm>>)
    %dma_wait3A_280 = arith.constant 0 : i32
    %dma_wait3A_281 = arith.constant 0 : i32
    %dma_wait3A_282 = tpu.memref_slice %arg18[%dma_wait3A_280, %dma_wait3A_281] : memref<128x16xf32, #tpu.memory_space<vmem>> -> memref<64x16xf32, #tpu.memory_space<vmem>>
    %dma_wait3A_283 = arith.constant 0 : i32
    %dma_wait3A_284 = arith.constant 0 : i32
    %dma_wait3A_285 = tpu.memref_slice %arg25[%dma_wait3A_283, %dma_wait3A_284] : memref<10240x16xf32, #tpu.memory_space<vmem_shared>> -> memref<64x16xf32, #tpu.memory_space<vmem_shared>>
    %dma_wait3A_286 = arith.constant 0 : i32
    %dma_wait3A_287 = arith.constant 0 : i32
    %dma_wait3A_288 = tpu.memref_slice %arg25[%dma_wait3A_286, %dma_wait3A_287] : memref<10240x16xf32, #tpu.memory_space<vmem_shared>> -> memref<64x16xf32, #tpu.memory_space<vmem_shared>>
    %dma_wait3A_289 = arith.constant 0 : i32
    %dma_wait3A_290 = arith.constant 0 : i32
    %dma_wait3A_291 = tpu.memref_slice %arg18[%dma_wait3A_289, %dma_wait3A_290] : memref<128x16xf32, #tpu.memory_space<vmem>> -> memref<64x16xf32, #tpu.memory_space<vmem>>
    tpu.wait_dma2 semaphore(%arg34 : memref<!tpu.dma_semaphore, #tpu.memory_space<semaphore_mem>>) src(%dma_wait3A_291 : memref<64x16xf32, #tpu.memory_space<vmem>>) dst(%dma_wait3A_288 : memref<64x16xf32, #tpu.memory_space<vmem_shared>>)
    %dma_wait3A_292 = arith.constant 0 : i32
    %dma_wait3A_293 = arith.constant 0 : i32
    %dma_wait3A_294 = tpu.memref_slice %arg18[%dma_wait3A_292, %dma_wait3A_293] : memref<128x16xf32, #tpu.memory_space<vmem>> -> memref<64x16xf32, #tpu.memory_space<vmem>>
    %dma_wait3A_295 = arith.constant 0 : i32
    %dma_wait3A_296 = arith.constant 0 : i32
    %dma_wait3A_297 = tpu.memref_slice %arg25[%dma_wait3A_295, %dma_wait3A_296] : memref<10240x16xf32, #tpu.memory_space<vmem_shared>> -> memref<64x16xf32, #tpu.memory_space<vmem_shared>>
    %dma_wait3A_298 = arith.constant 0 : i32
    %dma_wait3A_299 = arith.constant 0 : i32
    %dma_wait3A_300 = tpu.memref_slice %arg25[%dma_wait3A_298, %dma_wait3A_299] : memref<10240x16xf32, #tpu.memory_space<vmem_shared>> -> memref<64x16xf32, #tpu.memory_space<vmem_shared>>
    %dma_wait3A_301 = arith.constant 0 : i32
    %dma_wait3A_302 = arith.constant 0 : i32
    %dma_wait3A_303 = tpu.memref_slice %arg18[%dma_wait3A_301, %dma_wait3A_302] : memref<128x16xf32, #tpu.memory_space<vmem>> -> memref<64x16xf32, #tpu.memory_space<vmem>>
    tpu.wait_dma2 semaphore(%arg34 : memref<!tpu.dma_semaphore, #tpu.memory_space<semaphore_mem>>) src(%dma_wait3A_303 : memref<64x16xf32, #tpu.memory_space<vmem>>) dst(%dma_wait3A_300 : memref<64x16xf32, #tpu.memory_space<vmem_shared>>)
    %dma_wait3A_304 = arith.constant 0 : i32
    %dma_wait3A_305 = tpu.memref_slice %arg7[%mul3A_2, %dma_wait3A_304] : memref<163840x16xf32, #tpu.memory_space<hbm>> -> memref<128x16xf32, #tpu.memory_space<hbm>>
    %dma_wait3A_306 = arith.constant 0 : i32
    %dma_wait3A_307 = tpu.memref_slice %arg7[%mul3A_2, %dma_wait3A_306] : memref<163840x16xf32, #tpu.memory_space<hbm>> -> memref<128x16xf32, #tpu.memory_space<hbm>>
    tpu.wait_dma2 semaphore(%arg33 : memref<!tpu.dma_semaphore, #tpu.memory_space<semaphore_mem>>) src(%arg19 : memref<128x16xf32, #tpu.memory_space<vmem>>) dst(%dma_wait3A_307 : memref<128x16xf32, #tpu.memory_space<hbm>>)
    %dma_wait3A_308 = arith.constant 0 : i32
    %dma_wait3A_309 = arith.constant 0 : i32
    %dma_wait3A_310 = tpu.memref_slice %arg19[%dma_wait3A_308, %dma_wait3A_309] : memref<128x16xf32, #tpu.memory_space<vmem>> -> memref<64x16xf32, #tpu.memory_space<vmem>>
    %dma_wait3A_311 = arith.constant 0 : i32
    %dma_wait3A_312 = arith.constant 0 : i32
    %dma_wait3A_313 = tpu.memref_slice %arg25[%dma_wait3A_311, %dma_wait3A_312] : memref<10240x16xf32, #tpu.memory_space<vmem_shared>> -> memref<64x16xf32, #tpu.memory_space<vmem_shared>>
    %dma_wait3A_314 = arith.constant 0 : i32
    %dma_wait3A_315 = arith.constant 0 : i32
    %dma_wait3A_316 = tpu.memref_slice %arg25[%dma_wait3A_314, %dma_wait3A_315] : memref<10240x16xf32, #tpu.memory_space<vmem_shared>> -> memref<64x16xf32, #tpu.memory_space<vmem_shared>>
    %dma_wait3A_317 = arith.constant 0 : i32
    %dma_wait3A_318 = arith.constant 0 : i32
    %dma_wait3A_319 = tpu.memref_slice %arg19[%dma_wait3A_317, %dma_wait3A_318] : memref<128x16xf32, #tpu.memory_space<vmem>> -> memref<64x16xf32, #tpu.memory_space<vmem>>
    tpu.wait_dma2 semaphore(%arg35 : memref<!tpu.dma_semaphore, #tpu.memory_space<semaphore_mem>>) src(%dma_wait3A_319 : memref<64x16xf32, #tpu.memory_space<vmem>>) dst(%dma_wait3A_316 : memref<64x16xf32, #tpu.memory_space<vmem_shared>>)
    %dma_wait3A_320 = arith.constant 0 : i32
    %dma_wait3A_321 = arith.constant 0 : i32
    %dma_wait3A_322 = tpu.memref_slice %arg19[%dma_wait3A_320, %dma_wait3A_321] : memref<128x16xf32, #tpu.memory_space<vmem>> -> memref<64x16xf32, #tpu.memory_space<vmem>>
    %dma_wait3A_323 = arith.constant 0 : i32
    %dma_wait3A_324 = arith.constant 0 : i32
    %dma_wait3A_325 = tpu.memref_slice %arg25[%dma_wait3A_323, %dma_wait3A_324] : memref<10240x16xf32, #tpu.memory_space<vmem_shared>> -> memref<64x16xf32, #tpu.memory_space<vmem_shared>>
    %dma_wait3A_326 = arith.constant 0 : i32
    %dma_wait3A_327 = arith.constant 0 : i32
    %dma_wait3A_328 = tpu.memref_slice %arg25[%dma_wait3A_326, %dma_wait3A_327] : memref<10240x16xf32, #tpu.memory_space<vmem_shared>> -> memref<64x16xf32, #tpu.memory_space<vmem_shared>>
    %dma_wait3A_329 = arith.constant 0 : i32
    %dma_wait3A_330 = arith.constant 0 : i32
    %dma_wait3A_331 = tpu.memref_slice %arg19[%dma_wait3A_329, %dma_wait3A_330] : memref<128x16xf32, #tpu.memory_space<vmem>> -> memref<64x16xf32, #tpu.memory_space<vmem>>
    tpu.wait_dma2 semaphore(%arg35 : memref<!tpu.dma_semaphore, #tpu.memory_space<semaphore_mem>>) src(%dma_wait3A_331 : memref<64x16xf32, #tpu.memory_space<vmem>>) dst(%dma_wait3A_328 : memref<64x16xf32, #tpu.memory_space<vmem_shared>>)
    %barrier3A_332 = arith.constant 0 : index
    tpu.barrier barrier_id(%barrier3A_332)
    %mul3A_333 = arith.constant 640 : i32
    %mul3A_334 = arith.muli %arg1, %mul3A_333 : i32
    %lt3A = arith.constant 15 : i32
    %lt3A_335 = arith.cmpi slt, %arg1, %lt3A : i32
    %convert_element_type3A = arith.extui %lt3A_335 : i1 to i32
    %cond3A = arith.constant 0 : i32
    %cond3A_336 = arith.cmpi ne, %convert_element_type3A, %cond3A : i32
    scf.if %cond3A_336 {
      "tpu.region"() ({
        %run_scoped3A = tpu.sem_alloc : memref<!tpu.dma_semaphore, #tpu.memory_space<semaphore_mem>>
        %dma_start3A_347 = arith.constant 0 : i32
        %dma_start3A_348 = arith.constant 0 : i32
        %dma_start3A_349 = tpu.memref_slice %arg8[%arg0, %dma_start3A_347, %dma_start3A_348] : memref<2x10000x16xf32, #tpu.memory_space<hbm>> -> memref<1x10000x16xf32, #tpu.memory_space<hbm>>
        %dma_start3A_350 = tpu.memref_squeeze %dma_start3A_349 : memref<1x10000x16xf32, #tpu.memory_space<hbm>> -> memref<10000x16xf32, #tpu.memory_space<hbm>>
        %dma_start3A_351 = arith.constant 0 : i32
        %dma_start3A_352 = tpu.memref_slice %dma_start3A_350[%mul3A_334, %dma_start3A_351] : memref<10000x16xf32, #tpu.memory_space<hbm>> -> memref<640x16xf32, #tpu.memory_space<hbm>>
        %dma_start3A_353 = arith.constant 0 : i32
        %dma_start3A_354 = tpu.memref_slice %arg25[%mul3A_334, %dma_start3A_353] : memref<10240x16xf32, #tpu.memory_space<vmem_shared>> -> memref<640x16xf32, #tpu.memory_space<vmem_shared>>
        tpu.enqueue_dma source(%dma_start3A_354 : memref<640x16xf32, #tpu.memory_space<vmem_shared>>) target(%dma_start3A_352 : memref<640x16xf32, #tpu.memory_space<hbm>>) target_semaphore(%run_scoped3A : memref<!tpu.dma_semaphore, #tpu.memory_space<semaphore_mem>>)
        %dma_wait3A_355 = arith.constant 0 : i32
        %dma_wait3A_356 = arith.constant 0 : i32
        %dma_wait3A_357 = tpu.memref_slice %arg8[%arg0, %dma_wait3A_355, %dma_wait3A_356] : memref<2x10000x16xf32, #tpu.memory_space<hbm>> -> memref<1x10000x16xf32, #tpu.memory_space<hbm>>
        %dma_wait3A_358 = tpu.memref_squeeze %dma_wait3A_357 : memref<1x10000x16xf32, #tpu.memory_space<hbm>> -> memref<10000x16xf32, #tpu.memory_space<hbm>>
        %dma_wait3A_359 = arith.constant 0 : i32
        %dma_wait3A_360 = tpu.memref_slice %dma_wait3A_358[%mul3A_334, %dma_wait3A_359] : memref<10000x16xf32, #tpu.memory_space<hbm>> -> memref<640x16xf32, #tpu.memory_space<hbm>>
        %dma_wait3A_361 = arith.constant 0 : i32
        %dma_wait3A_362 = tpu.memref_slice %arg25[%mul3A_334, %dma_wait3A_361] : memref<10240x16xf32, #tpu.memory_space<vmem_shared>> -> memref<640x16xf32, #tpu.memory_space<vmem_shared>>
        tpu.wait_dma2 semaphore(%run_scoped3A : memref<!tpu.dma_semaphore, #tpu.memory_space<semaphore_mem>>) src(%dma_wait3A_362 : memref<640x16xf32, #tpu.memory_space<vmem_shared>>) dst(%dma_wait3A_360 : memref<640x16xf32, #tpu.memory_space<hbm>>)
        tpu.yield
      }) : () -> ()
    } else {
    }
    %eq3A_337 = arith.constant 15 : i32
    %eq3A_338 = arith.cmpi eq, %arg1, %eq3A_337 : i32
    %convert_element_type3A_339 = arith.extui %eq3A_338 : i1 to i32
    %cond3A_340 = arith.constant 0 : i32
    %cond3A_341 = arith.cmpi ne, %convert_element_type3A_339, %cond3A_340 : i32
    scf.if %cond3A_341 {
      "tpu.region"() ({
        %run_scoped3A = tpu.sem_alloc : memref<!tpu.dma_semaphore, #tpu.memory_space<semaphore_mem>>
        %dma_start3A_347 = arith.constant 0 : i32
        %dma_start3A_348 = arith.constant 0 : i32
        %dma_start3A_349 = tpu.memref_slice %arg8[%arg0, %dma_start3A_347, %dma_start3A_348] : memref<2x10000x16xf32, #tpu.memory_space<hbm>> -> memref<1x10000x16xf32, #tpu.memory_space<hbm>>
        %dma_start3A_350 = tpu.memref_squeeze %dma_start3A_349 : memref<1x10000x16xf32, #tpu.memory_space<hbm>> -> memref<10000x16xf32, #tpu.memory_space<hbm>>
        %dma_start3A_351 = arith.constant 9600 : i32
        %dma_start3A_352 = arith.constant 0 : i32
        %dma_start3A_353 = tpu.memref_slice %dma_start3A_350[%dma_start3A_351, %dma_start3A_352] : memref<10000x16xf32, #tpu.memory_space<hbm>> -> memref<400x16xf32, #tpu.memory_space<hbm>>
        %dma_start3A_354 = arith.constant 9600 : i32
        %dma_start3A_355 = arith.constant 0 : i32
        %dma_start3A_356 = tpu.memref_slice %arg25[%dma_start3A_354, %dma_start3A_355] : memref<10240x16xf32, #tpu.memory_space<vmem_shared>> -> memref<400x16xf32, #tpu.memory_space<vmem_shared>>
        tpu.enqueue_dma source(%dma_start3A_356 : memref<400x16xf32, #tpu.memory_space<vmem_shared>>) target(%dma_start3A_353 : memref<400x16xf32, #tpu.memory_space<hbm>>) target_semaphore(%run_scoped3A : memref<!tpu.dma_semaphore, #tpu.memory_space<semaphore_mem>>)
        %dma_wait3A_357 = arith.constant 0 : i32
        %dma_wait3A_358 = arith.constant 0 : i32
        %dma_wait3A_359 = tpu.memref_slice %arg8[%arg0, %dma_wait3A_357, %dma_wait3A_358] : memref<2x10000x16xf32, #tpu.memory_space<hbm>> -> memref<1x10000x16xf32, #tpu.memory_space<hbm>>
        %dma_wait3A_360 = tpu.memref_squeeze %dma_wait3A_359 : memref<1x10000x16xf32, #tpu.memory_space<hbm>> -> memref<10000x16xf32, #tpu.memory_space<hbm>>
        %dma_wait3A_361 = arith.constant 9600 : i32
        %dma_wait3A_362 = arith.constant 0 : i32
        %dma_wait3A_363 = tpu.memref_slice %dma_wait3A_360[%dma_wait3A_361, %dma_wait3A_362] : memref<10000x16xf32, #tpu.memory_space<hbm>> -> memref<400x16xf32, #tpu.memory_space<hbm>>
        %dma_wait3A_364 = arith.constant 9600 : i32
        %dma_wait3A_365 = arith.constant 0 : i32
        %dma_wait3A_366 = tpu.memref_slice %arg25[%dma_wait3A_364, %dma_wait3A_365] : memref<10240x16xf32, #tpu.memory_space<vmem_shared>> -> memref<400x16xf32, #tpu.memory_space<vmem_shared>>
        tpu.wait_dma2 semaphore(%run_scoped3A : memref<!tpu.dma_semaphore, #tpu.memory_space<semaphore_mem>>) src(%dma_wait3A_366 : memref<400x16xf32, #tpu.memory_space<vmem_shared>>) dst(%dma_wait3A_363 : memref<400x16xf32, #tpu.memory_space<hbm>>)
        tpu.yield
      }) : () -> ()
    } else {
    }
    %eq3A_342 = arith.constant 0 : i32
    %eq3A_343 = arith.cmpi eq, %arg1, %eq3A_342 : i32
    %convert_element_type3A_344 = arith.extui %eq3A_343 : i1 to i32
    %cond3A_345 = arith.constant 0 : i32
    %cond3A_346 = arith.cmpi ne, %convert_element_type3A_344, %cond3A_345 : i32
    scf.if %cond3A_346 {
      %swap3A_347 = arith.constant 0 : i32
      %swap3A_348 = arith.index_cast %swap3A_347 : i32 to index
      %swap3A_349 = arith.constant 0 : index
      %swap3A_350 = tpu.vector_load %arg23[%swap3A_348, %swap3A_349] {strides = array<i32>} : memref<1x16xf32, #tpu.memory_space<vmem>>, vector<16xf32>,
      tpu.vector_store %arg23[%swap3A_348, %swap3A_349], %broadcast_in_dim3A_199 {strides = array<i32>} : memref<1x16xf32, #tpu.memory_space<vmem>>, vector<16xf32>,
      %mul3A_351 = arith.constant 8 : i32
      %mul3A_352 = arith.muli %arg0, %mul3A_351 : i32
      "tpu.region"() ({
        %run_scoped3A = tpu.sem_alloc : memref<!tpu.dma_semaphore, #tpu.memory_space<semaphore_mem>>
        %dma_start3A_353 = arith.constant 0 : i32
        %dma_start3A_354 = tpu.memref_slice %arg9[%mul3A_352, %dma_start3A_353] : memref<16x16xf32, #tpu.memory_space<hbm>> -> memref<1x16xf32, #tpu.memory_space<hbm>>
        %dma_start3A_355 = arith.constant 0 : i32
        %dma_start3A_356 = tpu.memref_slice %arg9[%mul3A_352, %dma_start3A_355] : memref<16x16xf32, #tpu.memory_space<hbm>> -> memref<1x16xf32, #tpu.memory_space<hbm>>
        tpu.enqueue_dma source(%arg23 : memref<1x16xf32, #tpu.memory_space<vmem>>) target(%dma_start3A_356 : memref<1x16xf32, #tpu.memory_space<hbm>>) target_semaphore(%run_scoped3A : memref<!tpu.dma_semaphore, #tpu.memory_space<semaphore_mem>>)
        %dma_wait3A_357 = arith.constant 0 : i32
        %dma_wait3A_358 = tpu.memref_slice %arg9[%mul3A_352, %dma_wait3A_357] : memref<16x16xf32, #tpu.memory_space<hbm>> -> memref<1x16xf32, #tpu.memory_space<hbm>>
        %dma_wait3A_359 = arith.constant 0 : i32
        %dma_wait3A_360 = tpu.memref_slice %arg9[%mul3A_352, %dma_wait3A_359] : memref<16x16xf32, #tpu.memory_space<hbm>> -> memref<1x16xf32, #tpu.memory_space<hbm>>
        tpu.wait_dma2 semaphore(%run_scoped3A : memref<!tpu.dma_semaphore, #tpu.memory_space<semaphore_mem>>) src(%arg23 : memref<1x16xf32, #tpu.memory_space<vmem>>) dst(%dma_wait3A_360 : memref<1x16xf32, #tpu.memory_space<hbm>>)
        tpu.yield
      }) : () -> ()
    } else {
    }
    return
  }
}

#map = affine_map<(d0, d1) -> (0, 0)>
#map1 = affine_map<(d0, d1) -> (0, 0, 0)>
module attributes {stable_mosaic.version = 14 : i64} {
  func.func @_scb_body(%arg0: i32, %arg1: i32, %arg2: memref<10000x128xf32, #tpu.memory_space<hbm>>, %arg3: memref<10000x128xf32, #tpu.memory_space<hbm>>, %arg4: memref<32x80x64xi32, #tpu.memory_space<hbm>>, %arg5: memref<32x80x64xi32, #tpu.memory_space<hbm>>, %arg6: memref<163840x16xf32, #tpu.memory_space<hbm>>, %arg7: memref<2x16xf32, #tpu.memory_space<hbm>>, %arg8: memref<2x10000x128xf32, #tpu.memory_space<hbm>>, %arg9: memref<2x10000x128xf32, #tpu.memory_space<hbm>>, %arg10: memref<64x128xf32, #tpu.memory_space<vmem>>, %arg11: memref<64x128xf32, #tpu.memory_space<vmem>>, %arg12: memref<64x128xf32, #tpu.memory_space<vmem>>, %arg13: memref<64x128xf32, #tpu.memory_space<vmem>>, %arg14: memref<64x16xf32, #tpu.memory_space<vmem>>, %arg15: memref<64x16xf32, #tpu.memory_space<vmem>>, %arg16: memref<80x64xi32, #tpu.memory_space<vmem>>, %arg17: memref<80x64xi32, #tpu.memory_space<vmem>>, %arg18: memref<2x16xf32, #tpu.memory_space<vmem>>, %arg19: memref<10240x128xf32, #tpu.memory_space<vmem_shared>>, %arg20: memref<!tpu.dma_semaphore, #tpu.memory_space<semaphore_mem>>, %arg21: memref<!tpu.dma_semaphore, #tpu.memory_space<semaphore_mem>>, %arg22: memref<!tpu.dma_semaphore, #tpu.memory_space<semaphore_mem>>, %arg23: memref<!tpu.dma_semaphore, #tpu.memory_space<semaphore_mem>>, %arg24: memref<!tpu.dma_semaphore, #tpu.memory_space<semaphore_mem>>, %arg25: memref<!tpu.dma_semaphore, #tpu.memory_space<semaphore_mem>>, %arg26: memref<!tpu.dma_semaphore, #tpu.memory_space<semaphore_mem>>) attributes {dimension_semantics = [#tpu.dimension_semantics<core_parallel>, #tpu.dimension_semantics<subcore_parallel>], iteration_bounds = array<i64: 2, 16>, scalar_prefetch = 0 : i64, scratch_operands = 17 : i64, tpu.core_type = #tpu.core_type<sc_vector_subcore>, window_params = [{transform_indices = #map}, {transform_indices = #map}, {transform_indices = #map1}, {transform_indices = #map1}, {transform_indices = #map}, {transform_indices = #map}, {transform_indices = #map1}, {transform_indices = #map1}]} {
    %mul3A = arith.constant 16 : i32
    %mul3A_0 = arith.muli %arg0, %mul3A : i32
    %add3A = arith.addi %mul3A_0, %arg1 : i32
    %mul3A_1 = arith.constant 5120 : i32
    %mul3A_2 = arith.muli %add3A, %mul3A_1 : i32
    %mul3A_3 = arith.constant 640 : i32
    %mul3A_4 = arith.muli %arg1, %mul3A_3 : i32
    %iota3A = tpu.iota {dimensions = array<i32: 0>} : vector<16xi32>
    "tpu.region"() ({
      %run_scoped3A = tpu.sem_alloc : memref<!tpu.dma_semaphore, #tpu.memory_space<semaphore_mem>>
      %dma_start3A_151 = arith.constant 0 : i32
      %dma_start3A_152 = arith.constant 0 : i32
      %dma_start3A_153 = tpu.memref_slice %arg4[%add3A, %dma_start3A_151, %dma_start3A_152] : memref<32x80x64xi32, #tpu.memory_space<hbm>> -> memref<1x80x64xi32, #tpu.memory_space<hbm>>
      %dma_start3A_154 = tpu.memref_squeeze %dma_start3A_153 : memref<1x80x64xi32, #tpu.memory_space<hbm>> -> memref<80x64xi32, #tpu.memory_space<hbm>>
      %dma_start3A_155 = arith.constant 0 : i32
      %dma_start3A_156 = arith.constant 0 : i32
      %dma_start3A_157 = tpu.memref_slice %arg4[%add3A, %dma_start3A_155, %dma_start3A_156] : memref<32x80x64xi32, #tpu.memory_space<hbm>> -> memref<1x80x64xi32, #tpu.memory_space<hbm>>
      %dma_start3A_158 = tpu.memref_squeeze %dma_start3A_157 : memref<1x80x64xi32, #tpu.memory_space<hbm>> -> memref<80x64xi32, #tpu.memory_space<hbm>>
      tpu.enqueue_dma source(%dma_start3A_158 : memref<80x64xi32, #tpu.memory_space<hbm>>) target(%arg16 : memref<80x64xi32, #tpu.memory_space<vmem>>) target_semaphore(%run_scoped3A : memref<!tpu.dma_semaphore, #tpu.memory_space<semaphore_mem>>)
      %dma_wait3A_159 = arith.constant 0 : i32
      %dma_wait3A_160 = arith.constant 0 : i32
      %dma_wait3A_161 = tpu.memref_slice %arg4[%add3A, %dma_wait3A_159, %dma_wait3A_160] : memref<32x80x64xi32, #tpu.memory_space<hbm>> -> memref<1x80x64xi32, #tpu.memory_space<hbm>>
      %dma_wait3A_162 = tpu.memref_squeeze %dma_wait3A_161 : memref<1x80x64xi32, #tpu.memory_space<hbm>> -> memref<80x64xi32, #tpu.memory_space<hbm>>
      %dma_wait3A_163 = arith.constant 0 : i32
      %dma_wait3A_164 = arith.constant 0 : i32
      %dma_wait3A_165 = tpu.memref_slice %arg4[%add3A, %dma_wait3A_163, %dma_wait3A_164] : memref<32x80x64xi32, #tpu.memory_space<hbm>> -> memref<1x80x64xi32, #tpu.memory_space<hbm>>
      %dma_wait3A_166 = tpu.memref_squeeze %dma_wait3A_165 : memref<1x80x64xi32, #tpu.memory_space<hbm>> -> memref<80x64xi32, #tpu.memory_space<hbm>>
      tpu.wait_dma2 semaphore(%run_scoped3A : memref<!tpu.dma_semaphore, #tpu.memory_space<semaphore_mem>>) src(%dma_wait3A_166 : memref<80x64xi32, #tpu.memory_space<hbm>>) dst(%arg16 : memref<80x64xi32, #tpu.memory_space<vmem>>)
      tpu.yield
    }) : () -> ()
    "tpu.region"() ({
      %run_scoped3A = tpu.sem_alloc : memref<!tpu.dma_semaphore, #tpu.memory_space<semaphore_mem>>
      %dma_start3A_151 = arith.constant 0 : i32
      %dma_start3A_152 = arith.constant 0 : i32
      %dma_start3A_153 = tpu.memref_slice %arg5[%add3A, %dma_start3A_151, %dma_start3A_152] : memref<32x80x64xi32, #tpu.memory_space<hbm>> -> memref<1x80x64xi32, #tpu.memory_space<hbm>>
      %dma_start3A_154 = tpu.memref_squeeze %dma_start3A_153 : memref<1x80x64xi32, #tpu.memory_space<hbm>> -> memref<80x64xi32, #tpu.memory_space<hbm>>
      %dma_start3A_155 = arith.constant 0 : i32
      %dma_start3A_156 = arith.constant 0 : i32
      %dma_start3A_157 = tpu.memref_slice %arg5[%add3A, %dma_start3A_155, %dma_start3A_156] : memref<32x80x64xi32, #tpu.memory_space<hbm>> -> memref<1x80x64xi32, #tpu.memory_space<hbm>>
      %dma_start3A_158 = tpu.memref_squeeze %dma_start3A_157 : memref<1x80x64xi32, #tpu.memory_space<hbm>> -> memref<80x64xi32, #tpu.memory_space<hbm>>
      tpu.enqueue_dma source(%dma_start3A_158 : memref<80x64xi32, #tpu.memory_space<hbm>>) target(%arg17 : memref<80x64xi32, #tpu.memory_space<vmem>>) target_semaphore(%run_scoped3A : memref<!tpu.dma_semaphore, #tpu.memory_space<semaphore_mem>>)
      %dma_wait3A_159 = arith.constant 0 : i32
      %dma_wait3A_160 = arith.constant 0 : i32
      %dma_wait3A_161 = tpu.memref_slice %arg5[%add3A, %dma_wait3A_159, %dma_wait3A_160] : memref<32x80x64xi32, #tpu.memory_space<hbm>> -> memref<1x80x64xi32, #tpu.memory_space<hbm>>
      %dma_wait3A_162 = tpu.memref_squeeze %dma_wait3A_161 : memref<1x80x64xi32, #tpu.memory_space<hbm>> -> memref<80x64xi32, #tpu.memory_space<hbm>>
      %dma_wait3A_163 = arith.constant 0 : i32
      %dma_wait3A_164 = arith.constant 0 : i32
      %dma_wait3A_165 = tpu.memref_slice %arg5[%add3A, %dma_wait3A_163, %dma_wait3A_164] : memref<32x80x64xi32, #tpu.memory_space<hbm>> -> memref<1x80x64xi32, #tpu.memory_space<hbm>>
      %dma_wait3A_166 = tpu.memref_squeeze %dma_wait3A_165 : memref<1x80x64xi32, #tpu.memory_space<hbm>> -> memref<80x64xi32, #tpu.memory_space<hbm>>
      tpu.wait_dma2 semaphore(%run_scoped3A : memref<!tpu.dma_semaphore, #tpu.memory_space<semaphore_mem>>) src(%dma_wait3A_166 : memref<80x64xi32, #tpu.memory_space<hbm>>) dst(%arg17 : memref<80x64xi32, #tpu.memory_space<vmem>>)
      tpu.yield
    }) : () -> ()
    "tpu.region"() ({
      %run_scoped3A = tpu.sem_alloc : memref<!tpu.dma_semaphore, #tpu.memory_space<semaphore_mem>>
      tpu.enqueue_dma source(%arg7 : memref<2x16xf32, #tpu.memory_space<hbm>>) target(%arg18 : memref<2x16xf32, #tpu.memory_space<vmem>>) target_semaphore(%run_scoped3A : memref<!tpu.dma_semaphore, #tpu.memory_space<semaphore_mem>>)
      tpu.wait_dma2 semaphore(%run_scoped3A : memref<!tpu.dma_semaphore, #tpu.memory_space<semaphore_mem>>) src(%arg7 : memref<2x16xf32, #tpu.memory_space<hbm>>) dst(%arg18 : memref<2x16xf32, #tpu.memory_space<vmem>>)
      tpu.yield
    }) : () -> ()
    %get3A = arith.index_cast %arg0 : i32 to index
    %get3A_5 = arith.constant 0 : index
    %get3A_6 = tpu.vector_load %arg18[%get3A, %get3A_5] {strides = array<i32>} : memref<2x16xf32, #tpu.memory_space<vmem>>, vector<16xf32>,
    %scan3A = arith.constant 0 : i32
    %scan3A_7 = arith.constant 0 : i32
    %scan3A_8 = arith.constant 64 : i32
    %scan3A_9 = arith.addi %scan3A_7, %scan3A_8 : i32
    %scan3A_10 = arith.constant 1 : i32
    %scan3A_11 = scf.for %scan3A_151 = %scan3A_7 to %scan3A_9 step %scan3A_10 iter_args(%scan3A_152 = %scan3A) -> (i32)  : i32 {
      %broadcast_in_dim3A = arith.constant 0.000000e+00 : f32
      %broadcast_in_dim3A_153 = vector.broadcast %broadcast_in_dim3A : f32 to vector<16xf32>
      %swap3A = arith.index_cast %scan3A_151 : i32 to index
      %swap3A_154 = arith.constant 0 : index
      %swap3A_155 = tpu.vector_load %arg12[%swap3A, %swap3A_154] {strides = array<i32>} : memref<64x128xf32, #tpu.memory_space<vmem>>, vector<16xf32>,
      tpu.vector_store %arg12[%swap3A, %swap3A_154], %broadcast_in_dim3A_153 {strides = array<i32>} : memref<64x128xf32, #tpu.memory_space<vmem>>, vector<16xf32>,
      %broadcast_in_dim3A_156 = arith.constant 0.000000e+00 : f32
      %broadcast_in_dim3A_157 = vector.broadcast %broadcast_in_dim3A_156 : f32 to vector<16xf32>
      %swap3A_158 = arith.index_cast %scan3A_151 : i32 to index
      %swap3A_159 = arith.constant 16 : index
      %swap3A_160 = tpu.vector_load %arg12[%swap3A_158, %swap3A_159] {strides = array<i32>} : memref<64x128xf32, #tpu.memory_space<vmem>>, vector<16xf32>,
      tpu.vector_store %arg12[%swap3A_158, %swap3A_159], %broadcast_in_dim3A_157 {strides = array<i32>} : memref<64x128xf32, #tpu.memory_space<vmem>>, vector<16xf32>,
      %broadcast_in_dim3A_161 = arith.constant 0.000000e+00 : f32
      %broadcast_in_dim3A_162 = vector.broadcast %broadcast_in_dim3A_161 : f32 to vector<16xf32>
      %swap3A_163 = arith.index_cast %scan3A_151 : i32 to index
      %swap3A_164 = arith.constant 32 : index
      %swap3A_165 = tpu.vector_load %arg12[%swap3A_163, %swap3A_164] {strides = array<i32>} : memref<64x128xf32, #tpu.memory_space<vmem>>, vector<16xf32>,
      tpu.vector_store %arg12[%swap3A_163, %swap3A_164], %broadcast_in_dim3A_162 {strides = array<i32>} : memref<64x128xf32, #tpu.memory_space<vmem>>, vector<16xf32>,
      %broadcast_in_dim3A_166 = arith.constant 0.000000e+00 : f32
      %broadcast_in_dim3A_167 = vector.broadcast %broadcast_in_dim3A_166 : f32 to vector<16xf32>
      %swap3A_168 = arith.index_cast %scan3A_151 : i32 to index
      %swap3A_169 = arith.constant 48 : index
      %swap3A_170 = tpu.vector_load %arg12[%swap3A_168, %swap3A_169] {strides = array<i32>} : memref<64x128xf32, #tpu.memory_space<vmem>>, vector<16xf32>,
      tpu.vector_store %arg12[%swap3A_168, %swap3A_169], %broadcast_in_dim3A_167 {strides = array<i32>} : memref<64x128xf32, #tpu.memory_space<vmem>>, vector<16xf32>,
      %broadcast_in_dim3A_171 = arith.constant 0.000000e+00 : f32
      %broadcast_in_dim3A_172 = vector.broadcast %broadcast_in_dim3A_171 : f32 to vector<16xf32>
      %swap3A_173 = arith.index_cast %scan3A_151 : i32 to index
      %swap3A_174 = arith.constant 64 : index
      %swap3A_175 = tpu.vector_load %arg12[%swap3A_173, %swap3A_174] {strides = array<i32>} : memref<64x128xf32, #tpu.memory_space<vmem>>, vector<16xf32>,
      tpu.vector_store %arg12[%swap3A_173, %swap3A_174], %broadcast_in_dim3A_172 {strides = array<i32>} : memref<64x128xf32, #tpu.memory_space<vmem>>, vector<16xf32>,
      %broadcast_in_dim3A_176 = arith.constant 0.000000e+00 : f32
      %broadcast_in_dim3A_177 = vector.broadcast %broadcast_in_dim3A_176 : f32 to vector<16xf32>
      %swap3A_178 = arith.index_cast %scan3A_151 : i32 to index
      %swap3A_179 = arith.constant 80 : index
      %swap3A_180 = tpu.vector_load %arg12[%swap3A_178, %swap3A_179] {strides = array<i32>} : memref<64x128xf32, #tpu.memory_space<vmem>>, vector<16xf32>,
      tpu.vector_store %arg12[%swap3A_178, %swap3A_179], %broadcast_in_dim3A_177 {strides = array<i32>} : memref<64x128xf32, #tpu.memory_space<vmem>>, vector<16xf32>,
      %broadcast_in_dim3A_181 = arith.constant 0.000000e+00 : f32
      %broadcast_in_dim3A_182 = vector.broadcast %broadcast_in_dim3A_181 : f32 to vector<16xf32>
      %swap3A_183 = arith.index_cast %scan3A_151 : i32 to index
      %swap3A_184 = arith.constant 96 : index
      %swap3A_185 = tpu.vector_load %arg12[%swap3A_183, %swap3A_184] {strides = array<i32>} : memref<64x128xf32, #tpu.memory_space<vmem>>, vector<16xf32>,
      tpu.vector_store %arg12[%swap3A_183, %swap3A_184], %broadcast_in_dim3A_182 {strides = array<i32>} : memref<64x128xf32, #tpu.memory_space<vmem>>, vector<16xf32>,
      %broadcast_in_dim3A_186 = arith.constant 0.000000e+00 : f32
      %broadcast_in_dim3A_187 = vector.broadcast %broadcast_in_dim3A_186 : f32 to vector<16xf32>
      %swap3A_188 = arith.index_cast %scan3A_151 : i32 to index
      %swap3A_189 = arith.constant 112 : index
      %swap3A_190 = tpu.vector_load %arg12[%swap3A_188, %swap3A_189] {strides = array<i32>} : memref<64x128xf32, #tpu.memory_space<vmem>>, vector<16xf32>,
      tpu.vector_store %arg12[%swap3A_188, %swap3A_189], %broadcast_in_dim3A_187 {strides = array<i32>} : memref<64x128xf32, #tpu.memory_space<vmem>>, vector<16xf32>,
      %scan3A_191 = arith.constant 0 : i32
      scf.yield %scan3A_191 : i32
    }
    %scan3A_12 = arith.constant 64 : i32
    %scan3A_13 = arith.constant 0 : i32
    %scan3A_14 = arith.constant 0 : i32
    %scan3A_15 = arith.constant 10 : i32
    %scan3A_16 = arith.addi %scan3A_14, %scan3A_15 : i32
    %scan3A_17 = arith.constant 1 : i32
    %scan3A_18 = scf.for %scan3A_151 = %scan3A_14 to %scan3A_16 step %scan3A_17 iter_args(%scan3A_152 = %scan3A_13) -> (i32)  : i32 {
      %mul3A_153 = arith.constant 64 : i32
      %mul3A_154 = arith.muli %scan3A_151, %mul3A_153 : i32
      %add3A_155 = arith.addi %mul3A_4, %mul3A_154 : i32
      %dma_start3A_156 = arith.constant 0 : i32
      %dma_start3A_157 = tpu.memref_slice %arg19[%add3A_155, %dma_start3A_156] : memref<10240x128xf32, #tpu.memory_space<vmem_shared>> -> memref<64x128xf32, #tpu.memory_space<vmem_shared>>
      %dma_start3A_158 = arith.constant 0 : i32
      %dma_start3A_159 = tpu.memref_slice %arg19[%add3A_155, %dma_start3A_158] : memref<10240x128xf32, #tpu.memory_space<vmem_shared>> -> memref<64x128xf32, #tpu.memory_space<vmem_shared>>
      tpu.enqueue_dma source(%arg12 : memref<64x128xf32, #tpu.memory_space<vmem>>) target(%dma_start3A_159 : memref<64x128xf32, #tpu.memory_space<vmem_shared>>) target_semaphore(%arg26 : memref<!tpu.dma_semaphore, #tpu.memory_space<semaphore_mem>>)
      %scan3A_160 = arith.constant 0 : i32
      scf.yield %scan3A_160 : i32
    }
    %scan3A_19 = arith.constant 10 : i32
    %scan3A_20 = arith.constant 0 : i32
    %scan3A_21 = arith.constant 0 : i32
    %scan3A_22 = arith.constant 10 : i32
    %scan3A_23 = arith.addi %scan3A_21, %scan3A_22 : i32
    %scan3A_24 = arith.constant 1 : i32
    %scan3A_25 = scf.for %scan3A_151 = %scan3A_21 to %scan3A_23 step %scan3A_24 iter_args(%scan3A_152 = %scan3A_20) -> (i32)  : i32 {
      %dma_wait3A_153 = arith.constant 0 : i32
      %dma_wait3A_154 = tpu.memref_slice %arg19[%mul3A_4, %dma_wait3A_153] : memref<10240x128xf32, #tpu.memory_space<vmem_shared>> -> memref<64x128xf32, #tpu.memory_space<vmem_shared>>
      %dma_wait3A_155 = arith.constant 0 : i32
      %dma_wait3A_156 = tpu.memref_slice %arg19[%mul3A_4, %dma_wait3A_155] : memref<10240x128xf32, #tpu.memory_space<vmem_shared>> -> memref<64x128xf32, #tpu.memory_space<vmem_shared>>
      tpu.wait_dma2 semaphore(%arg26 : memref<!tpu.dma_semaphore, #tpu.memory_space<semaphore_mem>>) src(%arg12 : memref<64x128xf32, #tpu.memory_space<vmem>>) dst(%dma_wait3A_156 : memref<64x128xf32, #tpu.memory_space<vmem_shared>>)
      %scan3A_157 = arith.constant 0 : i32
      scf.yield %scan3A_157 : i32
    }
    %scan3A_26 = arith.constant 10 : i32
    %barrier3A = arith.constant 0 : index
    tpu.barrier barrier_id(%barrier3A)
    %dma_start3A = arith.constant 0 : i32
    %dma_start3A_27 = arith.constant 0 : i32
    %dma_start3A_28 = tpu.memref_slice %arg17[%dma_start3A, %dma_start3A_27] : memref<80x64xi32, #tpu.memory_space<vmem>> -> memref<1x64xi32, #tpu.memory_space<vmem>>
    %dma_start3A_29 = tpu.memref_squeeze %dma_start3A_28 : memref<1x64xi32, #tpu.memory_space<vmem>> -> memref<64xi32, #tpu.memory_space<vmem>>
    %dma_start3A_30 = arith.constant 0 : i32
    %dma_start3A_31 = arith.constant 0 : i32
    %dma_start3A_32 = tpu.memref_slice %arg2[%dma_start3A_30, %dma_start3A_31] : memref<10000x128xf32, #tpu.memory_space<hbm>> -> memref<10000x128xf32, #tpu.memory_space<hbm>>
    tpu.enqueue_indirect_dma source(%dma_start3A_32 : memref<10000x128xf32, #tpu.memory_space<hbm>>) target(%arg10 : memref<64x128xf32, #tpu.memory_space<vmem>>) offsets(%dma_start3A_29 : memref<64xi32, #tpu.memory_space<vmem>>) semaphore(%arg20 : memref<!tpu.dma_semaphore, #tpu.memory_space<semaphore_mem>>)
    %dma_start3A_33 = arith.constant 0 : i32
    %dma_start3A_34 = tpu.memref_slice %arg6[%mul3A_2, %dma_start3A_33] : memref<163840x16xf32, #tpu.memory_space<hbm>> -> memref<64x16xf32, #tpu.memory_space<hbm>>
    %dma_start3A_35 = arith.constant 0 : i32
    %dma_start3A_36 = tpu.memref_slice %arg6[%mul3A_2, %dma_start3A_35] : memref<163840x16xf32, #tpu.memory_space<hbm>> -> memref<64x16xf32, #tpu.memory_space<hbm>>
    tpu.enqueue_dma source(%dma_start3A_36 : memref<64x16xf32, #tpu.memory_space<hbm>>) target(%arg14 : memref<64x16xf32, #tpu.memory_space<vmem>>) target_semaphore(%arg22 : memref<!tpu.dma_semaphore, #tpu.memory_space<semaphore_mem>>)
    %scan3A_37 = arith.constant 0 : i32
    %scan3A_38 = arith.constant 0 : i32
    %scan3A_39 = arith.constant 40 : i32
    %scan3A_40 = arith.addi %scan3A_38, %scan3A_39 : i32
    %scan3A_41 = arith.constant 1 : i32
    %scan3A_42 = scf.for %scan3A_151 = %scan3A_38 to %scan3A_40 step %scan3A_41 iter_args(%scan3A_152 = %scan3A_37) -> (i32)  : i32 {
      %mul3A_153 = arith.constant 2 : i32
      %mul3A_154 = arith.muli %mul3A_153, %scan3A_151 : i32
      %add3A_155 = arith.constant 1 : i32
      %add3A_156 = arith.addi %mul3A_154, %add3A_155 : i32
      %dma_start3A_157 = arith.constant 0 : i32
      %dma_start3A_158 = tpu.memref_slice %arg17[%add3A_156, %dma_start3A_157] : memref<80x64xi32, #tpu.memory_space<vmem>> -> memref<1x64xi32, #tpu.memory_space<vmem>>
      %dma_start3A_159 = tpu.memref_squeeze %dma_start3A_158 : memref<1x64xi32, #tpu.memory_space<vmem>> -> memref<64xi32, #tpu.memory_space<vmem>>
      %dma_start3A_160 = arith.constant 0 : i32
      %dma_start3A_161 = arith.constant 0 : i32
      %dma_start3A_162 = tpu.memref_slice %arg2[%dma_start3A_160, %dma_start3A_161] : memref<10000x128xf32, #tpu.memory_space<hbm>> -> memref<10000x128xf32, #tpu.memory_space<hbm>>
      tpu.enqueue_indirect_dma source(%dma_start3A_162 : memref<10000x128xf32, #tpu.memory_space<hbm>>) target(%arg11 : memref<64x128xf32, #tpu.memory_space<vmem>>) offsets(%dma_start3A_159 : memref<64xi32, #tpu.memory_space<vmem>>) semaphore(%arg21 : memref<!tpu.dma_semaphore, #tpu.memory_space<semaphore_mem>>)
      %mul3A_163 = arith.constant 2 : i32
      %mul3A_164 = arith.muli %mul3A_163, %scan3A_151 : i32
      %add3A_165 = arith.constant 1 : i32
      %add3A_166 = arith.addi %mul3A_164, %add3A_165 : i32
      %mul3A_167 = arith.constant 64 : i32
      %mul3A_168 = arith.muli %add3A_166, %mul3A_167 : i32
      %add3A_169 = arith.addi %mul3A_2, %mul3A_168 : i32
      %dma_start3A_170 = arith.constant 0 : i32
      %dma_start3A_171 = tpu.memref_slice %arg6[%add3A_169, %dma_start3A_170] : memref<163840x16xf32, #tpu.memory_space<hbm>> -> memref<64x16xf32, #tpu.memory_space<hbm>>
      %dma_start3A_172 = arith.constant 0 : i32
      %dma_start3A_173 = tpu.memref_slice %arg6[%add3A_169, %dma_start3A_172] : memref<163840x16xf32, #tpu.memory_space<hbm>> -> memref<64x16xf32, #tpu.memory_space<hbm>>
      tpu.enqueue_dma source(%dma_start3A_173 : memref<64x16xf32, #tpu.memory_space<hbm>>) target(%arg15 : memref<64x16xf32, #tpu.memory_space<vmem>>) target_semaphore(%arg23 : memref<!tpu.dma_semaphore, #tpu.memory_space<semaphore_mem>>)
      %dma_wait3A_174 = arith.constant 0 : i32
      %dma_wait3A_175 = arith.constant 0 : i32
      %dma_wait3A_176 = tpu.memref_slice %arg2[%dma_wait3A_174, %dma_wait3A_175] : memref<10000x128xf32, #tpu.memory_space<hbm>> -> memref<64x128xf32, #tpu.memory_space<hbm>>
      %dma_wait3A_177 = arith.constant 0 : i32
      %dma_wait3A_178 = arith.constant 0 : i32
      %dma_wait3A_179 = tpu.memref_slice %arg2[%dma_wait3A_177, %dma_wait3A_178] : memref<10000x128xf32, #tpu.memory_space<hbm>> -> memref<64x128xf32, #tpu.memory_space<hbm>>
      tpu.wait_dma2 semaphore(%arg20 : memref<!tpu.dma_semaphore, #tpu.memory_space<semaphore_mem>>) src(%dma_wait3A_179 : memref<64x128xf32, #tpu.memory_space<hbm>>) dst(%arg10 : memref<64x128xf32, #tpu.memory_space<vmem>>)
      %dma_wait3A_180 = arith.constant 0 : i32
      %dma_wait3A_181 = arith.constant 0 : i32
      %dma_wait3A_182 = tpu.memref_slice %arg6[%dma_wait3A_180, %dma_wait3A_181] : memref<163840x16xf32, #tpu.memory_space<hbm>> -> memref<64x16xf32, #tpu.memory_space<hbm>>
      %dma_wait3A_183 = arith.constant 0 : i32
      %dma_wait3A_184 = arith.constant 0 : i32
      %dma_wait3A_185 = tpu.memref_slice %arg6[%dma_wait3A_183, %dma_wait3A_184] : memref<163840x16xf32, #tpu.memory_space<hbm>> -> memref<64x16xf32, #tpu.memory_space<hbm>>
      tpu.wait_dma2 semaphore(%arg22 : memref<!tpu.dma_semaphore, #tpu.memory_space<semaphore_mem>>) src(%dma_wait3A_185 : memref<64x16xf32, #tpu.memory_space<hbm>>) dst(%arg14 : memref<64x16xf32, #tpu.memory_space<vmem>>)
      %gt3A = arith.constant 0 : i32
      %gt3A_186 = arith.cmpi sgt, %scan3A_151, %gt3A : i32
      %convert_element_type3A_187 = arith.extui %gt3A_186 : i1 to i32
      %cond3A_188 = arith.constant 0 : i32
      %cond3A_189 = arith.cmpi ne, %convert_element_type3A_187, %cond3A_188 : i32
      scf.if %cond3A_189 {
        %dma_wait3A_263 = arith.constant 0 : i32
        %dma_wait3A_264 = arith.constant 0 : i32
        %dma_wait3A_265 = tpu.memref_slice %arg19[%dma_wait3A_263, %dma_wait3A_264] : memref<10240x128xf32, #tpu.memory_space<vmem_shared>> -> memref<64x128xf32, #tpu.memory_space<vmem_shared>>
        %dma_wait3A_266 = arith.constant 0 : i32
        %dma_wait3A_267 = arith.constant 0 : i32
        %dma_wait3A_268 = tpu.memref_slice %arg19[%dma_wait3A_266, %dma_wait3A_267] : memref<10240x128xf32, #tpu.memory_space<vmem_shared>> -> memref<64x128xf32, #tpu.memory_space<vmem_shared>>
        tpu.wait_dma2 semaphore(%arg24 : memref<!tpu.dma_semaphore, #tpu.memory_space<semaphore_mem>>) src(%arg12 : memref<64x128xf32, #tpu.memory_space<vmem>>) dst(%dma_wait3A_268 : memref<64x128xf32, #tpu.memory_space<vmem_shared>>)
      } else {
      }
      %scan3A_190 = arith.constant 0 : i32
      %scan3A_191 = arith.constant 0 : i32
      %scan3A_192 = arith.constant 32 : i32
      %scan3A_193 = arith.addi %scan3A_191, %scan3A_192 : i32
      %scan3A_194 = arith.constant 1 : i32
      %scan3A_195 = scf.for %scan3A_263 = %scan3A_191 to %scan3A_193 step %scan3A_194 iter_args(%scan3A_264 = %scan3A_190) -> (i32)  : i32 {
        %mul3A_265 = arith.constant 2 : i32
        %mul3A_266 = arith.muli %scan3A_263, %mul3A_265 : i32
        %add3A_267 = arith.constant 0 : i32
        %add3A_268 = arith.addi %mul3A_266, %add3A_267 : i32
        %broadcast_in_dim3A = vector.broadcast %add3A_268 : i32 to vector<16xi32>
        %broadcast_in_dim3A_269 = arith.constant 0 : i32
        %broadcast_in_dim3A_270 = vector.broadcast %broadcast_in_dim3A_269 : i32 to vector<16xi32>
        %gather3A = tpu.vector_load_idx %arg14[%broadcast_in_dim3A, %broadcast_in_dim3A_270] : memref<64x16xf32, #tpu.memory_space<vmem>>[vector<16xi32>, vector<16xi32>], vector<16xf32>,
        %mul3A_271 = arith.mulf %gather3A, %get3A_6 : vector<16xf32>
        %get3A_272 = arith.index_cast %add3A_268 : i32 to index
        %get3A_273 = arith.constant 0 : index
        %get3A_274 = tpu.vector_load %arg10[%get3A_272, %get3A_273] {strides = array<i32>} : memref<64x128xf32, #tpu.memory_space<vmem>>, vector<16xf32>,
        %mul3A_275 = arith.mulf %get3A_274, %mul3A_271 : vector<16xf32>
        %swap3A = arith.index_cast %add3A_268 : i32 to index
        %swap3A_276 = arith.constant 0 : index
        %swap3A_277 = tpu.vector_load %arg12[%swap3A, %swap3A_276] {strides = array<i32>} : memref<64x128xf32, #tpu.memory_space<vmem>>, vector<16xf32>,
        tpu.vector_store %arg12[%swap3A, %swap3A_276], %mul3A_275 {strides = array<i32>} : memref<64x128xf32, #tpu.memory_space<vmem>>, vector<16xf32>,
        %get3A_278 = arith.index_cast %add3A_268 : i32 to index
        %get3A_279 = arith.constant 16 : index
        %get3A_280 = tpu.vector_load %arg10[%get3A_278, %get3A_279] {strides = array<i32>} : memref<64x128xf32, #tpu.memory_space<vmem>>, vector<16xf32>,
        %mul3A_281 = arith.mulf %get3A_280, %mul3A_271 : vector<16xf32>
        %swap3A_282 = arith.index_cast %add3A_268 : i32 to index
        %swap3A_283 = arith.constant 16 : index
        %swap3A_284 = tpu.vector_load %arg12[%swap3A_282, %swap3A_283] {strides = array<i32>} : memref<64x128xf32, #tpu.memory_space<vmem>>, vector<16xf32>,
        tpu.vector_store %arg12[%swap3A_282, %swap3A_283], %mul3A_281 {strides = array<i32>} : memref<64x128xf32, #tpu.memory_space<vmem>>, vector<16xf32>,
        %broadcast_in_dim3A_285 = arith.constant 1 : i32
        %broadcast_in_dim3A_286 = vector.broadcast %broadcast_in_dim3A_285 : i32 to vector<16xi32>
        %gather3A_287 = tpu.vector_load_idx %arg14[%broadcast_in_dim3A, %broadcast_in_dim3A_286] : memref<64x16xf32, #tpu.memory_space<vmem>>[vector<16xi32>, vector<16xi32>], vector<16xf32>,
        %mul3A_288 = arith.mulf %gather3A_287, %get3A_6 : vector<16xf32>
        %get3A_289 = arith.index_cast %add3A_268 : i32 to index
        %get3A_290 = arith.constant 32 : index
        %get3A_291 = tpu.vector_load %arg10[%get3A_289, %get3A_290] {strides = array<i32>} : memref<64x128xf32, #tpu.memory_space<vmem>>, vector<16xf32>,
        %mul3A_292 = arith.mulf %get3A_291, %mul3A_288 : vector<16xf32>
        %swap3A_293 = arith.index_cast %add3A_268 : i32 to index
        %swap3A_294 = arith.constant 32 : index
        %swap3A_295 = tpu.vector_load %arg12[%swap3A_293, %swap3A_294] {strides = array<i32>} : memref<64x128xf32, #tpu.memory_space<vmem>>, vector<16xf32>,
        tpu.vector_store %arg12[%swap3A_293, %swap3A_294], %mul3A_292 {strides = array<i32>} : memref<64x128xf32, #tpu.memory_space<vmem>>, vector<16xf32>,
        %get3A_296 = arith.index_cast %add3A_268 : i32 to index
        %get3A_297 = arith.constant 48 : index
        %get3A_298 = tpu.vector_load %arg10[%get3A_296, %get3A_297] {strides = array<i32>} : memref<64x128xf32, #tpu.memory_space<vmem>>, vector<16xf32>,
        %mul3A_299 = arith.mulf %get3A_298, %mul3A_288 : vector<16xf32>
        %swap3A_300 = arith.index_cast %add3A_268 : i32 to index
        %swap3A_301 = arith.constant 48 : index
        %swap3A_302 = tpu.vector_load %arg12[%swap3A_300, %swap3A_301] {strides = array<i32>} : memref<64x128xf32, #tpu.memory_space<vmem>>, vector<16xf32>,
        tpu.vector_store %arg12[%swap3A_300, %swap3A_301], %mul3A_299 {strides = array<i32>} : memref<64x128xf32, #tpu.memory_space<vmem>>, vector<16xf32>,
        %broadcast_in_dim3A_303 = arith.constant 2 : i32
        %broadcast_in_dim3A_304 = vector.broadcast %broadcast_in_dim3A_303 : i32 to vector<16xi32>
        %gather3A_305 = tpu.vector_load_idx %arg14[%broadcast_in_dim3A, %broadcast_in_dim3A_304] : memref<64x16xf32, #tpu.memory_space<vmem>>[vector<16xi32>, vector<16xi32>], vector<16xf32>,
        %mul3A_306 = arith.mulf %gather3A_305, %get3A_6 : vector<16xf32>
        %get3A_307 = arith.index_cast %add3A_268 : i32 to index
        %get3A_308 = arith.constant 64 : index
        %get3A_309 = tpu.vector_load %arg10[%get3A_307, %get3A_308] {strides = array<i32>} : memref<64x128xf32, #tpu.memory_space<vmem>>, vector<16xf32>,
        %mul3A_310 = arith.mulf %get3A_309, %mul3A_306 : vector<16xf32>
        %swap3A_311 = arith.index_cast %add3A_268 : i32 to index
        %swap3A_312 = arith.constant 64 : index
        %swap3A_313 = tpu.vector_load %arg12[%swap3A_311, %swap3A_312] {strides = array<i32>} : memref<64x128xf32, #tpu.memory_space<vmem>>, vector<16xf32>,
        tpu.vector_store %arg12[%swap3A_311, %swap3A_312], %mul3A_310 {strides = array<i32>} : memref<64x128xf32, #tpu.memory_space<vmem>>, vector<16xf32>,
        %get3A_314 = arith.index_cast %add3A_268 : i32 to index
        %get3A_315 = arith.constant 80 : index
        %get3A_316 = tpu.vector_load %arg10[%get3A_314, %get3A_315] {strides = array<i32>} : memref<64x128xf32, #tpu.memory_space<vmem>>, vector<16xf32>,
        %mul3A_317 = arith.mulf %get3A_316, %mul3A_306 : vector<16xf32>
        %swap3A_318 = arith.index_cast %add3A_268 : i32 to index
        %swap3A_319 = arith.constant 80 : index
        %swap3A_320 = tpu.vector_load %arg12[%swap3A_318, %swap3A_319] {strides = array<i32>} : memref<64x128xf32, #tpu.memory_space<vmem>>, vector<16xf32>,
        tpu.vector_store %arg12[%swap3A_318, %swap3A_319], %mul3A_317 {strides = array<i32>} : memref<64x128xf32, #tpu.memory_space<vmem>>, vector<16xf32>,
        %broadcast_in_dim3A_321 = arith.constant 3 : i32
        %broadcast_in_dim3A_322 = vector.broadcast %broadcast_in_dim3A_321 : i32 to vector<16xi32>
        %gather3A_323 = tpu.vector_load_idx %arg14[%broadcast_in_dim3A, %broadcast_in_dim3A_322] : memref<64x16xf32, #tpu.memory_space<vmem>>[vector<16xi32>, vector<16xi32>], vector<16xf32>,
        %mul3A_324 = arith.mulf %gather3A_323, %get3A_6 : vector<16xf32>
        %get3A_325 = arith.index_cast %add3A_268 : i32 to index
        %get3A_326 = arith.constant 96 : index
        %get3A_327 = tpu.vector_load %arg10[%get3A_325, %get3A_326] {strides = array<i32>} : memref<64x128xf32, #tpu.memory_space<vmem>>, vector<16xf32>,
        %mul3A_328 = arith.mulf %get3A_327, %mul3A_324 : vector<16xf32>
        %swap3A_329 = arith.index_cast %add3A_268 : i32 to index
        %swap3A_330 = arith.constant 96 : index
        %swap3A_331 = tpu.vector_load %arg12[%swap3A_329, %swap3A_330] {strides = array<i32>} : memref<64x128xf32, #tpu.memory_space<vmem>>, vector<16xf32>,
        tpu.vector_store %arg12[%swap3A_329, %swap3A_330], %mul3A_328 {strides = array<i32>} : memref<64x128xf32, #tpu.memory_space<vmem>>, vector<16xf32>,
        %get3A_332 = arith.index_cast %add3A_268 : i32 to index
        %get3A_333 = arith.constant 112 : index
        %get3A_334 = tpu.vector_load %arg10[%get3A_332, %get3A_333] {strides = array<i32>} : memref<64x128xf32, #tpu.memory_space<vmem>>, vector<16xf32>,
        %mul3A_335 = arith.mulf %get3A_334, %mul3A_324 : vector<16xf32>
        %swap3A_336 = arith.index_cast %add3A_268 : i32 to index
        %swap3A_337 = arith.constant 112 : index
        %swap3A_338 = tpu.vector_load %arg12[%swap3A_336, %swap3A_337] {strides = array<i32>} : memref<64x128xf32, #tpu.memory_space<vmem>>, vector<16xf32>,
        tpu.vector_store %arg12[%swap3A_336, %swap3A_337], %mul3A_335 {strides = array<i32>} : memref<64x128xf32, #tpu.memory_space<vmem>>, vector<16xf32>,
        %mul3A_339 = arith.constant 2 : i32
        %mul3A_340 = arith.muli %scan3A_263, %mul3A_339 : i32
        %add3A_341 = arith.constant 1 : i32
        %add3A_342 = arith.addi %mul3A_340, %add3A_341 : i32
        %broadcast_in_dim3A_343 = vector.broadcast %add3A_342 : i32 to vector<16xi32>
        %broadcast_in_dim3A_344 = arith.constant 0 : i32
        %broadcast_in_dim3A_345 = vector.broadcast %broadcast_in_dim3A_344 : i32 to vector<16xi32>
        %gather3A_346 = tpu.vector_load_idx %arg14[%broadcast_in_dim3A_343, %broadcast_in_dim3A_345] : memref<64x16xf32, #tpu.memory_space<vmem>>[vector<16xi32>, vector<16xi32>], vector<16xf32>,
        %mul3A_347 = arith.mulf %gather3A_346, %get3A_6 : vector<16xf32>
        %get3A_348 = arith.index_cast %add3A_342 : i32 to index
        %get3A_349 = arith.constant 0 : index
        %get3A_350 = tpu.vector_load %arg10[%get3A_348, %get3A_349] {strides = array<i32>} : memref<64x128xf32, #tpu.memory_space<vmem>>, vector<16xf32>,
        %mul3A_351 = arith.mulf %get3A_350, %mul3A_347 : vector<16xf32>
        %swap3A_352 = arith.index_cast %add3A_342 : i32 to index
        %swap3A_353 = arith.constant 0 : index
        %swap3A_354 = tpu.vector_load %arg12[%swap3A_352, %swap3A_353] {strides = array<i32>} : memref<64x128xf32, #tpu.memory_space<vmem>>, vector<16xf32>,
        tpu.vector_store %arg12[%swap3A_352, %swap3A_353], %mul3A_351 {strides = array<i32>} : memref<64x128xf32, #tpu.memory_space<vmem>>, vector<16xf32>,
        %get3A_355 = arith.index_cast %add3A_342 : i32 to index
        %get3A_356 = arith.constant 16 : index
        %get3A_357 = tpu.vector_load %arg10[%get3A_355, %get3A_356] {strides = array<i32>} : memref<64x128xf32, #tpu.memory_space<vmem>>, vector<16xf32>,
        %mul3A_358 = arith.mulf %get3A_357, %mul3A_347 : vector<16xf32>
        %swap3A_359 = arith.index_cast %add3A_342 : i32 to index
        %swap3A_360 = arith.constant 16 : index
        %swap3A_361 = tpu.vector_load %arg12[%swap3A_359, %swap3A_360] {strides = array<i32>} : memref<64x128xf32, #tpu.memory_space<vmem>>, vector<16xf32>,
        tpu.vector_store %arg12[%swap3A_359, %swap3A_360], %mul3A_358 {strides = array<i32>} : memref<64x128xf32, #tpu.memory_space<vmem>>, vector<16xf32>,
        %broadcast_in_dim3A_362 = arith.constant 1 : i32
        %broadcast_in_dim3A_363 = vector.broadcast %broadcast_in_dim3A_362 : i32 to vector<16xi32>
        %gather3A_364 = tpu.vector_load_idx %arg14[%broadcast_in_dim3A_343, %broadcast_in_dim3A_363] : memref<64x16xf32, #tpu.memory_space<vmem>>[vector<16xi32>, vector<16xi32>], vector<16xf32>,
        %mul3A_365 = arith.mulf %gather3A_364, %get3A_6 : vector<16xf32>
        %get3A_366 = arith.index_cast %add3A_342 : i32 to index
        %get3A_367 = arith.constant 32 : index
        %get3A_368 = tpu.vector_load %arg10[%get3A_366, %get3A_367] {strides = array<i32>} : memref<64x128xf32, #tpu.memory_space<vmem>>, vector<16xf32>,
        %mul3A_369 = arith.mulf %get3A_368, %mul3A_365 : vector<16xf32>
        %swap3A_370 = arith.index_cast %add3A_342 : i32 to index
        %swap3A_371 = arith.constant 32 : index
        %swap3A_372 = tpu.vector_load %arg12[%swap3A_370, %swap3A_371] {strides = array<i32>} : memref<64x128xf32, #tpu.memory_space<vmem>>, vector<16xf32>,
        tpu.vector_store %arg12[%swap3A_370, %swap3A_371], %mul3A_369 {strides = array<i32>} : memref<64x128xf32, #tpu.memory_space<vmem>>, vector<16xf32>,
        %get3A_373 = arith.index_cast %add3A_342 : i32 to index
        %get3A_374 = arith.constant 48 : index
        %get3A_375 = tpu.vector_load %arg10[%get3A_373, %get3A_374] {strides = array<i32>} : memref<64x128xf32, #tpu.memory_space<vmem>>, vector<16xf32>,
        %mul3A_376 = arith.mulf %get3A_375, %mul3A_365 : vector<16xf32>
        %swap3A_377 = arith.index_cast %add3A_342 : i32 to index
        %swap3A_378 = arith.constant 48 : index
        %swap3A_379 = tpu.vector_load %arg12[%swap3A_377, %swap3A_378] {strides = array<i32>} : memref<64x128xf32, #tpu.memory_space<vmem>>, vector<16xf32>,
        tpu.vector_store %arg12[%swap3A_377, %swap3A_378], %mul3A_376 {strides = array<i32>} : memref<64x128xf32, #tpu.memory_space<vmem>>, vector<16xf32>,
        %broadcast_in_dim3A_380 = arith.constant 2 : i32
        %broadcast_in_dim3A_381 = vector.broadcast %broadcast_in_dim3A_380 : i32 to vector<16xi32>
        %gather3A_382 = tpu.vector_load_idx %arg14[%broadcast_in_dim3A_343, %broadcast_in_dim3A_381] : memref<64x16xf32, #tpu.memory_space<vmem>>[vector<16xi32>, vector<16xi32>], vector<16xf32>,
        %mul3A_383 = arith.mulf %gather3A_382, %get3A_6 : vector<16xf32>
        %get3A_384 = arith.index_cast %add3A_342 : i32 to index
        %get3A_385 = arith.constant 64 : index
        %get3A_386 = tpu.vector_load %arg10[%get3A_384, %get3A_385] {strides = array<i32>} : memref<64x128xf32, #tpu.memory_space<vmem>>, vector<16xf32>,
        %mul3A_387 = arith.mulf %get3A_386, %mul3A_383 : vector<16xf32>
        %swap3A_388 = arith.index_cast %add3A_342 : i32 to index
        %swap3A_389 = arith.constant 64 : index
        %swap3A_390 = tpu.vector_load %arg12[%swap3A_388, %swap3A_389] {strides = array<i32>} : memref<64x128xf32, #tpu.memory_space<vmem>>, vector<16xf32>,
        tpu.vector_store %arg12[%swap3A_388, %swap3A_389], %mul3A_387 {strides = array<i32>} : memref<64x128xf32, #tpu.memory_space<vmem>>, vector<16xf32>,
        %get3A_391 = arith.index_cast %add3A_342 : i32 to index
        %get3A_392 = arith.constant 80 : index
        %get3A_393 = tpu.vector_load %arg10[%get3A_391, %get3A_392] {strides = array<i32>} : memref<64x128xf32, #tpu.memory_space<vmem>>, vector<16xf32>,
        %mul3A_394 = arith.mulf %get3A_393, %mul3A_383 : vector<16xf32>
        %swap3A_395 = arith.index_cast %add3A_342 : i32 to index
        %swap3A_396 = arith.constant 80 : index
        %swap3A_397 = tpu.vector_load %arg12[%swap3A_395, %swap3A_396] {strides = array<i32>} : memref<64x128xf32, #tpu.memory_space<vmem>>, vector<16xf32>,
        tpu.vector_store %arg12[%swap3A_395, %swap3A_396], %mul3A_394 {strides = array<i32>} : memref<64x128xf32, #tpu.memory_space<vmem>>, vector<16xf32>,
        %broadcast_in_dim3A_398 = arith.constant 3 : i32
        %broadcast_in_dim3A_399 = vector.broadcast %broadcast_in_dim3A_398 : i32 to vector<16xi32>
        %gather3A_400 = tpu.vector_load_idx %arg14[%broadcast_in_dim3A_343, %broadcast_in_dim3A_399] : memref<64x16xf32, #tpu.memory_space<vmem>>[vector<16xi32>, vector<16xi32>], vector<16xf32>,
        %mul3A_401 = arith.mulf %gather3A_400, %get3A_6 : vector<16xf32>
        %get3A_402 = arith.index_cast %add3A_342 : i32 to index
        %get3A_403 = arith.constant 96 : index
        %get3A_404 = tpu.vector_load %arg10[%get3A_402, %get3A_403] {strides = array<i32>} : memref<64x128xf32, #tpu.memory_space<vmem>>, vector<16xf32>,
        %mul3A_405 = arith.mulf %get3A_404, %mul3A_401 : vector<16xf32>
        %swap3A_406 = arith.index_cast %add3A_342 : i32 to index
        %swap3A_407 = arith.constant 96 : index
        %swap3A_408 = tpu.vector_load %arg12[%swap3A_406, %swap3A_407] {strides = array<i32>} : memref<64x128xf32, #tpu.memory_space<vmem>>, vector<16xf32>,
        tpu.vector_store %arg12[%swap3A_406, %swap3A_407], %mul3A_405 {strides = array<i32>} : memref<64x128xf32, #tpu.memory_space<vmem>>, vector<16xf32>,
        %get3A_409 = arith.index_cast %add3A_342 : i32 to index
        %get3A_410 = arith.constant 112 : index
        %get3A_411 = tpu.vector_load %arg10[%get3A_409, %get3A_410] {strides = array<i32>} : memref<64x128xf32, #tpu.memory_space<vmem>>, vector<16xf32>,
        %mul3A_412 = arith.mulf %get3A_411, %mul3A_401 : vector<16xf32>
        %swap3A_413 = arith.index_cast %add3A_342 : i32 to index
        %swap3A_414 = arith.constant 112 : index
        %swap3A_415 = tpu.vector_load %arg12[%swap3A_413, %swap3A_414] {strides = array<i32>} : memref<64x128xf32, #tpu.memory_space<vmem>>, vector<16xf32>,
        tpu.vector_store %arg12[%swap3A_413, %swap3A_414], %mul3A_412 {strides = array<i32>} : memref<64x128xf32, #tpu.memory_space<vmem>>, vector<16xf32>,
        %scan3A_416 = arith.constant 0 : i32
        scf.yield %scan3A_416 : i32
      }
      %scan3A_196 = arith.constant 32 : i32
      %mul3A_197 = arith.constant 2 : i32
      %mul3A_198 = arith.muli %mul3A_197, %scan3A_151 : i32
      %dma_start3A_199 = arith.constant 0 : i32
      %dma_start3A_200 = tpu.memref_slice %arg16[%mul3A_198, %dma_start3A_199] : memref<80x64xi32, #tpu.memory_space<vmem>> -> memref<1x64xi32, #tpu.memory_space<vmem>>
      %dma_start3A_201 = tpu.memref_squeeze %dma_start3A_200 : memref<1x64xi32, #tpu.memory_space<vmem>> -> memref<64xi32, #tpu.memory_space<vmem>>
      %dma_start3A_202 = arith.constant 0 : i32
      %dma_start3A_203 = arith.constant 0 : i32
      %dma_start3A_204 = tpu.memref_slice %arg19[%dma_start3A_202, %dma_start3A_203] : memref<10240x128xf32, #tpu.memory_space<vmem_shared>> -> memref<10240x128xf32, #tpu.memory_space<vmem_shared>>
      tpu.enqueue_indirect_dma source(%arg12 : memref<64x128xf32, #tpu.memory_space<vmem>>) target(%dma_start3A_204 : memref<10240x128xf32, #tpu.memory_space<vmem_shared>>) offsets(%dma_start3A_201 : memref<64xi32, #tpu.memory_space<vmem>>) semaphore(%arg24 : memref<!tpu.dma_semaphore, #tpu.memory_space<semaphore_mem>>) {add = true}
      %mul3A_205 = arith.constant 2 : i32
      %mul3A_206 = arith.muli %mul3A_205, %scan3A_151 : i32
      %add3A_207 = arith.constant 2 : i32
      %add3A_208 = arith.addi %mul3A_206, %add3A_207 : i32
      %lt3A_209 = arith.constant 80 : i32
      %lt3A_210 = arith.cmpi slt, %add3A_208, %lt3A_209 : i32
      %mul3A_211 = arith.constant 2 : i32
      %mul3A_212 = arith.muli %mul3A_211, %scan3A_151 : i32
      %add3A_213 = arith.constant 2 : i32
      %add3A_214 = arith.addi %mul3A_212, %add3A_213 : i32
      %jit3A = arith.constant 0 : i32
      %select_n3A = arith.select %lt3A_210, %add3A_214, %jit3A : i32
      %dma_start3A_215 = arith.constant 0 : i32
      %dma_start3A_216 = tpu.memref_slice %arg17[%select_n3A, %dma_start3A_215] : memref<80x64xi32, #tpu.memory_space<vmem>> -> memref<1x64xi32, #tpu.memory_space<vmem>>
      %dma_start3A_217 = tpu.memref_squeeze %dma_start3A_216 : memref<1x64xi32, #tpu.memory_space<vmem>> -> memref<64xi32, #tpu.memory_space<vmem>>
      %dma_start3A_218 = arith.constant 0 : i32
      %dma_start3A_219 = arith.constant 0 : i32
      %dma_start3A_220 = tpu.memref_slice %arg2[%dma_start3A_218, %dma_start3A_219] : memref<10000x128xf32, #tpu.memory_space<hbm>> -> memref<10000x128xf32, #tpu.memory_space<hbm>>
      tpu.enqueue_indirect_dma source(%dma_start3A_220 : memref<10000x128xf32, #tpu.memory_space<hbm>>) target(%arg10 : memref<64x128xf32, #tpu.memory_space<vmem>>) offsets(%dma_start3A_217 : memref<64xi32, #tpu.memory_space<vmem>>) semaphore(%arg20 : memref<!tpu.dma_semaphore, #tpu.memory_space<semaphore_mem>>)
      %mul3A_221 = arith.constant 64 : i32
      %mul3A_222 = arith.muli %select_n3A, %mul3A_221 : i32
      %add3A_223 = arith.addi %mul3A_2, %mul3A_222 : i32
      %dma_start3A_224 = arith.constant 0 : i32
      %dma_start3A_225 = tpu.memref_slice %arg6[%add3A_223, %dma_start3A_224] : memref<163840x16xf32, #tpu.memory_space<hbm>> -> memref<64x16xf32, #tpu.memory_space<hbm>>
      %dma_start3A_226 = arith.constant 0 : i32
      %dma_start3A_227 = tpu.memref_slice %arg6[%add3A_223, %dma_start3A_226] : memref<163840x16xf32, #tpu.memory_space<hbm>> -> memref<64x16xf32, #tpu.memory_space<hbm>>
      tpu.enqueue_dma source(%dma_start3A_227 : memref<64x16xf32, #tpu.memory_space<hbm>>) target(%arg14 : memref<64x16xf32, #tpu.memory_space<vmem>>) target_semaphore(%arg22 : memref<!tpu.dma_semaphore, #tpu.memory_space<semaphore_mem>>)
      %dma_wait3A_228 = arith.constant 0 : i32
      %dma_wait3A_229 = arith.constant 0 : i32
      %dma_wait3A_230 = tpu.memref_slice %arg2[%dma_wait3A_228, %dma_wait3A_229] : memref<10000x128xf32, #tpu.memory_space<hbm>> -> memref<64x128xf32, #tpu.memory_space<hbm>>
      %dma_wait3A_231 = arith.constant 0 : i32
      %dma_wait3A_232 = arith.constant 0 : i32
      %dma_wait3A_233 = tpu.memref_slice %arg2[%dma_wait3A_231, %dma_wait3A_232] : memref<10000x128xf32, #tpu.memory_space<hbm>> -> memref<64x128xf32, #tpu.memory_space<hbm>>
      tpu.wait_dma2 semaphore(%arg21 : memref<!tpu.dma_semaphore, #tpu.memory_space<semaphore_mem>>) src(%dma_wait3A_233 : memref<64x128xf32, #tpu.memory_space<hbm>>) dst(%arg11 : memref<64x128xf32, #tpu.memory_space<vmem>>)
      %dma_wait3A_234 = arith.constant 0 : i32
      %dma_wait3A_235 = arith.constant 0 : i32
      %dma_wait3A_236 = tpu.memref_slice %arg6[%dma_wait3A_234, %dma_wait3A_235] : memref<163840x16xf32, #tpu.memory_space<hbm>> -> memref<64x16xf32, #tpu.memory_space<hbm>>
      %dma_wait3A_237 = arith.constant 0 : i32
      %dma_wait3A_238 = arith.constant 0 : i32
      %dma_wait3A_239 = tpu.memref_slice %arg6[%dma_wait3A_237, %dma_wait3A_238] : memref<163840x16xf32, #tpu.memory_space<hbm>> -> memref<64x16xf32, #tpu.memory_space<hbm>>
      tpu.wait_dma2 semaphore(%arg23 : memref<!tpu.dma_semaphore, #tpu.memory_space<semaphore_mem>>) src(%dma_wait3A_239 : memref<64x16xf32, #tpu.memory_space<hbm>>) dst(%arg15 : memref<64x16xf32, #tpu.memory_space<vmem>>)
      %gt3A_240 = arith.constant 0 : i32
      %gt3A_241 = arith.cmpi sgt, %scan3A_151, %gt3A_240 : i32
      %convert_element_type3A_242 = arith.extui %gt3A_241 : i1 to i32
      %cond3A_243 = arith.constant 0 : i32
      %cond3A_244 = arith.cmpi ne, %convert_element_type3A_242, %cond3A_243 : i32
      scf.if %cond3A_244 {
        %dma_wait3A_263 = arith.constant 0 : i32
        %dma_wait3A_264 = arith.constant 0 : i32
        %dma_wait3A_265 = tpu.memref_slice %arg19[%dma_wait3A_263, %dma_wait3A_264] : memref<10240x128xf32, #tpu.memory_space<vmem_shared>> -> memref<64x128xf32, #tpu.memory_space<vmem_shared>>
        %dma_wait3A_266 = arith.constant 0 : i32
        %dma_wait3A_267 = arith.constant 0 : i32
        %dma_wait3A_268 = tpu.memref_slice %arg19[%dma_wait3A_266, %dma_wait3A_267] : memref<10240x128xf32, #tpu.memory_space<vmem_shared>> -> memref<64x128xf32, #tpu.memory_space<vmem_shared>>
        tpu.wait_dma2 semaphore(%arg25 : memref<!tpu.dma_semaphore, #tpu.memory_space<semaphore_mem>>) src(%arg13 : memref<64x128xf32, #tpu.memory_space<vmem>>) dst(%dma_wait3A_268 : memref<64x128xf32, #tpu.memory_space<vmem_shared>>)
      } else {
      }
      %scan3A_245 = arith.constant 0 : i32
      %scan3A_246 = arith.constant 0 : i32
      %scan3A_247 = arith.constant 32 : i32
      %scan3A_248 = arith.addi %scan3A_246, %scan3A_247 : i32
      %scan3A_249 = arith.constant 1 : i32
      %scan3A_250 = scf.for %scan3A_263 = %scan3A_246 to %scan3A_248 step %scan3A_249 iter_args(%scan3A_264 = %scan3A_245) -> (i32)  : i32 {
        %mul3A_265 = arith.constant 2 : i32
        %mul3A_266 = arith.muli %scan3A_263, %mul3A_265 : i32
        %add3A_267 = arith.constant 0 : i32
        %add3A_268 = arith.addi %mul3A_266, %add3A_267 : i32
        %broadcast_in_dim3A = vector.broadcast %add3A_268 : i32 to vector<16xi32>
        %broadcast_in_dim3A_269 = arith.constant 0 : i32
        %broadcast_in_dim3A_270 = vector.broadcast %broadcast_in_dim3A_269 : i32 to vector<16xi32>
        %gather3A = tpu.vector_load_idx %arg15[%broadcast_in_dim3A, %broadcast_in_dim3A_270] : memref<64x16xf32, #tpu.memory_space<vmem>>[vector<16xi32>, vector<16xi32>], vector<16xf32>,
        %mul3A_271 = arith.mulf %gather3A, %get3A_6 : vector<16xf32>
        %get3A_272 = arith.index_cast %add3A_268 : i32 to index
        %get3A_273 = arith.constant 0 : index
        %get3A_274 = tpu.vector_load %arg11[%get3A_272, %get3A_273] {strides = array<i32>} : memref<64x128xf32, #tpu.memory_space<vmem>>, vector<16xf32>,
        %mul3A_275 = arith.mulf %get3A_274, %mul3A_271 : vector<16xf32>
        %swap3A = arith.index_cast %add3A_268 : i32 to index
        %swap3A_276 = arith.constant 0 : index
        %swap3A_277 = tpu.vector_load %arg13[%swap3A, %swap3A_276] {strides = array<i32>} : memref<64x128xf32, #tpu.memory_space<vmem>>, vector<16xf32>,
        tpu.vector_store %arg13[%swap3A, %swap3A_276], %mul3A_275 {strides = array<i32>} : memref<64x128xf32, #tpu.memory_space<vmem>>, vector<16xf32>,
        %get3A_278 = arith.index_cast %add3A_268 : i32 to index
        %get3A_279 = arith.constant 16 : index
        %get3A_280 = tpu.vector_load %arg11[%get3A_278, %get3A_279] {strides = array<i32>} : memref<64x128xf32, #tpu.memory_space<vmem>>, vector<16xf32>,
        %mul3A_281 = arith.mulf %get3A_280, %mul3A_271 : vector<16xf32>
        %swap3A_282 = arith.index_cast %add3A_268 : i32 to index
        %swap3A_283 = arith.constant 16 : index
        %swap3A_284 = tpu.vector_load %arg13[%swap3A_282, %swap3A_283] {strides = array<i32>} : memref<64x128xf32, #tpu.memory_space<vmem>>, vector<16xf32>,
        tpu.vector_store %arg13[%swap3A_282, %swap3A_283], %mul3A_281 {strides = array<i32>} : memref<64x128xf32, #tpu.memory_space<vmem>>, vector<16xf32>,
        %broadcast_in_dim3A_285 = arith.constant 1 : i32
        %broadcast_in_dim3A_286 = vector.broadcast %broadcast_in_dim3A_285 : i32 to vector<16xi32>
        %gather3A_287 = tpu.vector_load_idx %arg15[%broadcast_in_dim3A, %broadcast_in_dim3A_286] : memref<64x16xf32, #tpu.memory_space<vmem>>[vector<16xi32>, vector<16xi32>], vector<16xf32>,
        %mul3A_288 = arith.mulf %gather3A_287, %get3A_6 : vector<16xf32>
        %get3A_289 = arith.index_cast %add3A_268 : i32 to index
        %get3A_290 = arith.constant 32 : index
        %get3A_291 = tpu.vector_load %arg11[%get3A_289, %get3A_290] {strides = array<i32>} : memref<64x128xf32, #tpu.memory_space<vmem>>, vector<16xf32>,
        %mul3A_292 = arith.mulf %get3A_291, %mul3A_288 : vector<16xf32>
        %swap3A_293 = arith.index_cast %add3A_268 : i32 to index
        %swap3A_294 = arith.constant 32 : index
        %swap3A_295 = tpu.vector_load %arg13[%swap3A_293, %swap3A_294] {strides = array<i32>} : memref<64x128xf32, #tpu.memory_space<vmem>>, vector<16xf32>,
        tpu.vector_store %arg13[%swap3A_293, %swap3A_294], %mul3A_292 {strides = array<i32>} : memref<64x128xf32, #tpu.memory_space<vmem>>, vector<16xf32>,
        %get3A_296 = arith.index_cast %add3A_268 : i32 to index
        %get3A_297 = arith.constant 48 : index
        %get3A_298 = tpu.vector_load %arg11[%get3A_296, %get3A_297] {strides = array<i32>} : memref<64x128xf32, #tpu.memory_space<vmem>>, vector<16xf32>,
        %mul3A_299 = arith.mulf %get3A_298, %mul3A_288 : vector<16xf32>
        %swap3A_300 = arith.index_cast %add3A_268 : i32 to index
        %swap3A_301 = arith.constant 48 : index
        %swap3A_302 = tpu.vector_load %arg13[%swap3A_300, %swap3A_301] {strides = array<i32>} : memref<64x128xf32, #tpu.memory_space<vmem>>, vector<16xf32>,
        tpu.vector_store %arg13[%swap3A_300, %swap3A_301], %mul3A_299 {strides = array<i32>} : memref<64x128xf32, #tpu.memory_space<vmem>>, vector<16xf32>,
        %broadcast_in_dim3A_303 = arith.constant 2 : i32
        %broadcast_in_dim3A_304 = vector.broadcast %broadcast_in_dim3A_303 : i32 to vector<16xi32>
        %gather3A_305 = tpu.vector_load_idx %arg15[%broadcast_in_dim3A, %broadcast_in_dim3A_304] : memref<64x16xf32, #tpu.memory_space<vmem>>[vector<16xi32>, vector<16xi32>], vector<16xf32>,
        %mul3A_306 = arith.mulf %gather3A_305, %get3A_6 : vector<16xf32>
        %get3A_307 = arith.index_cast %add3A_268 : i32 to index
        %get3A_308 = arith.constant 64 : index
        %get3A_309 = tpu.vector_load %arg11[%get3A_307, %get3A_308] {strides = array<i32>} : memref<64x128xf32, #tpu.memory_space<vmem>>, vector<16xf32>,
        %mul3A_310 = arith.mulf %get3A_309, %mul3A_306 : vector<16xf32>
        %swap3A_311 = arith.index_cast %add3A_268 : i32 to index
        %swap3A_312 = arith.constant 64 : index
        %swap3A_313 = tpu.vector_load %arg13[%swap3A_311, %swap3A_312] {strides = array<i32>} : memref<64x128xf32, #tpu.memory_space<vmem>>, vector<16xf32>,
        tpu.vector_store %arg13[%swap3A_311, %swap3A_312], %mul3A_310 {strides = array<i32>} : memref<64x128xf32, #tpu.memory_space<vmem>>, vector<16xf32>,
        %get3A_314 = arith.index_cast %add3A_268 : i32 to index
        %get3A_315 = arith.constant 80 : index
        %get3A_316 = tpu.vector_load %arg11[%get3A_314, %get3A_315] {strides = array<i32>} : memref<64x128xf32, #tpu.memory_space<vmem>>, vector<16xf32>,
        %mul3A_317 = arith.mulf %get3A_316, %mul3A_306 : vector<16xf32>
        %swap3A_318 = arith.index_cast %add3A_268 : i32 to index
        %swap3A_319 = arith.constant 80 : index
        %swap3A_320 = tpu.vector_load %arg13[%swap3A_318, %swap3A_319] {strides = array<i32>} : memref<64x128xf32, #tpu.memory_space<vmem>>, vector<16xf32>,
        tpu.vector_store %arg13[%swap3A_318, %swap3A_319], %mul3A_317 {strides = array<i32>} : memref<64x128xf32, #tpu.memory_space<vmem>>, vector<16xf32>,
        %broadcast_in_dim3A_321 = arith.constant 3 : i32
        %broadcast_in_dim3A_322 = vector.broadcast %broadcast_in_dim3A_321 : i32 to vector<16xi32>
        %gather3A_323 = tpu.vector_load_idx %arg15[%broadcast_in_dim3A, %broadcast_in_dim3A_322] : memref<64x16xf32, #tpu.memory_space<vmem>>[vector<16xi32>, vector<16xi32>], vector<16xf32>,
        %mul3A_324 = arith.mulf %gather3A_323, %get3A_6 : vector<16xf32>
        %get3A_325 = arith.index_cast %add3A_268 : i32 to index
        %get3A_326 = arith.constant 96 : index
        %get3A_327 = tpu.vector_load %arg11[%get3A_325, %get3A_326] {strides = array<i32>} : memref<64x128xf32, #tpu.memory_space<vmem>>, vector<16xf32>,
        %mul3A_328 = arith.mulf %get3A_327, %mul3A_324 : vector<16xf32>
        %swap3A_329 = arith.index_cast %add3A_268 : i32 to index
        %swap3A_330 = arith.constant 96 : index
        %swap3A_331 = tpu.vector_load %arg13[%swap3A_329, %swap3A_330] {strides = array<i32>} : memref<64x128xf32, #tpu.memory_space<vmem>>, vector<16xf32>,
        tpu.vector_store %arg13[%swap3A_329, %swap3A_330], %mul3A_328 {strides = array<i32>} : memref<64x128xf32, #tpu.memory_space<vmem>>, vector<16xf32>,
        %get3A_332 = arith.index_cast %add3A_268 : i32 to index
        %get3A_333 = arith.constant 112 : index
        %get3A_334 = tpu.vector_load %arg11[%get3A_332, %get3A_333] {strides = array<i32>} : memref<64x128xf32, #tpu.memory_space<vmem>>, vector<16xf32>,
        %mul3A_335 = arith.mulf %get3A_334, %mul3A_324 : vector<16xf32>
        %swap3A_336 = arith.index_cast %add3A_268 : i32 to index
        %swap3A_337 = arith.constant 112 : index
        %swap3A_338 = tpu.vector_load %arg13[%swap3A_336, %swap3A_337] {strides = array<i32>} : memref<64x128xf32, #tpu.memory_space<vmem>>, vector<16xf32>,
        tpu.vector_store %arg13[%swap3A_336, %swap3A_337], %mul3A_335 {strides = array<i32>} : memref<64x128xf32, #tpu.memory_space<vmem>>, vector<16xf32>,
        %mul3A_339 = arith.constant 2 : i32
        %mul3A_340 = arith.muli %scan3A_263, %mul3A_339 : i32
        %add3A_341 = arith.constant 1 : i32
        %add3A_342 = arith.addi %mul3A_340, %add3A_341 : i32
        %broadcast_in_dim3A_343 = vector.broadcast %add3A_342 : i32 to vector<16xi32>
        %broadcast_in_dim3A_344 = arith.constant 0 : i32
        %broadcast_in_dim3A_345 = vector.broadcast %broadcast_in_dim3A_344 : i32 to vector<16xi32>
        %gather3A_346 = tpu.vector_load_idx %arg15[%broadcast_in_dim3A_343, %broadcast_in_dim3A_345] : memref<64x16xf32, #tpu.memory_space<vmem>>[vector<16xi32>, vector<16xi32>], vector<16xf32>,
        %mul3A_347 = arith.mulf %gather3A_346, %get3A_6 : vector<16xf32>
        %get3A_348 = arith.index_cast %add3A_342 : i32 to index
        %get3A_349 = arith.constant 0 : index
        %get3A_350 = tpu.vector_load %arg11[%get3A_348, %get3A_349] {strides = array<i32>} : memref<64x128xf32, #tpu.memory_space<vmem>>, vector<16xf32>,
        %mul3A_351 = arith.mulf %get3A_350, %mul3A_347 : vector<16xf32>
        %swap3A_352 = arith.index_cast %add3A_342 : i32 to index
        %swap3A_353 = arith.constant 0 : index
        %swap3A_354 = tpu.vector_load %arg13[%swap3A_352, %swap3A_353] {strides = array<i32>} : memref<64x128xf32, #tpu.memory_space<vmem>>, vector<16xf32>,
        tpu.vector_store %arg13[%swap3A_352, %swap3A_353], %mul3A_351 {strides = array<i32>} : memref<64x128xf32, #tpu.memory_space<vmem>>, vector<16xf32>,
        %get3A_355 = arith.index_cast %add3A_342 : i32 to index
        %get3A_356 = arith.constant 16 : index
        %get3A_357 = tpu.vector_load %arg11[%get3A_355, %get3A_356] {strides = array<i32>} : memref<64x128xf32, #tpu.memory_space<vmem>>, vector<16xf32>,
        %mul3A_358 = arith.mulf %get3A_357, %mul3A_347 : vector<16xf32>
        %swap3A_359 = arith.index_cast %add3A_342 : i32 to index
        %swap3A_360 = arith.constant 16 : index
        %swap3A_361 = tpu.vector_load %arg13[%swap3A_359, %swap3A_360] {strides = array<i32>} : memref<64x128xf32, #tpu.memory_space<vmem>>, vector<16xf32>,
        tpu.vector_store %arg13[%swap3A_359, %swap3A_360], %mul3A_358 {strides = array<i32>} : memref<64x128xf32, #tpu.memory_space<vmem>>, vector<16xf32>,
        %broadcast_in_dim3A_362 = arith.constant 1 : i32
        %broadcast_in_dim3A_363 = vector.broadcast %broadcast_in_dim3A_362 : i32 to vector<16xi32>
        %gather3A_364 = tpu.vector_load_idx %arg15[%broadcast_in_dim3A_343, %broadcast_in_dim3A_363] : memref<64x16xf32, #tpu.memory_space<vmem>>[vector<16xi32>, vector<16xi32>], vector<16xf32>,
        %mul3A_365 = arith.mulf %gather3A_364, %get3A_6 : vector<16xf32>
        %get3A_366 = arith.index_cast %add3A_342 : i32 to index
        %get3A_367 = arith.constant 32 : index
        %get3A_368 = tpu.vector_load %arg11[%get3A_366, %get3A_367] {strides = array<i32>} : memref<64x128xf32, #tpu.memory_space<vmem>>, vector<16xf32>,
        %mul3A_369 = arith.mulf %get3A_368, %mul3A_365 : vector<16xf32>
        %swap3A_370 = arith.index_cast %add3A_342 : i32 to index
        %swap3A_371 = arith.constant 32 : index
        %swap3A_372 = tpu.vector_load %arg13[%swap3A_370, %swap3A_371] {strides = array<i32>} : memref<64x128xf32, #tpu.memory_space<vmem>>, vector<16xf32>,
        tpu.vector_store %arg13[%swap3A_370, %swap3A_371], %mul3A_369 {strides = array<i32>} : memref<64x128xf32, #tpu.memory_space<vmem>>, vector<16xf32>,
        %get3A_373 = arith.index_cast %add3A_342 : i32 to index
        %get3A_374 = arith.constant 48 : index
        %get3A_375 = tpu.vector_load %arg11[%get3A_373, %get3A_374] {strides = array<i32>} : memref<64x128xf32, #tpu.memory_space<vmem>>, vector<16xf32>,
        %mul3A_376 = arith.mulf %get3A_375, %mul3A_365 : vector<16xf32>
        %swap3A_377 = arith.index_cast %add3A_342 : i32 to index
        %swap3A_378 = arith.constant 48 : index
        %swap3A_379 = tpu.vector_load %arg13[%swap3A_377, %swap3A_378] {strides = array<i32>} : memref<64x128xf32, #tpu.memory_space<vmem>>, vector<16xf32>,
        tpu.vector_store %arg13[%swap3A_377, %swap3A_378], %mul3A_376 {strides = array<i32>} : memref<64x128xf32, #tpu.memory_space<vmem>>, vector<16xf32>,
        %broadcast_in_dim3A_380 = arith.constant 2 : i32
        %broadcast_in_dim3A_381 = vector.broadcast %broadcast_in_dim3A_380 : i32 to vector<16xi32>
        %gather3A_382 = tpu.vector_load_idx %arg15[%broadcast_in_dim3A_343, %broadcast_in_dim3A_381] : memref<64x16xf32, #tpu.memory_space<vmem>>[vector<16xi32>, vector<16xi32>], vector<16xf32>,
        %mul3A_383 = arith.mulf %gather3A_382, %get3A_6 : vector<16xf32>
        %get3A_384 = arith.index_cast %add3A_342 : i32 to index
        %get3A_385 = arith.constant 64 : index
        %get3A_386 = tpu.vector_load %arg11[%get3A_384, %get3A_385] {strides = array<i32>} : memref<64x128xf32, #tpu.memory_space<vmem>>, vector<16xf32>,
        %mul3A_387 = arith.mulf %get3A_386, %mul3A_383 : vector<16xf32>
        %swap3A_388 = arith.index_cast %add3A_342 : i32 to index
        %swap3A_389 = arith.constant 64 : index
        %swap3A_390 = tpu.vector_load %arg13[%swap3A_388, %swap3A_389] {strides = array<i32>} : memref<64x128xf32, #tpu.memory_space<vmem>>, vector<16xf32>,
        tpu.vector_store %arg13[%swap3A_388, %swap3A_389], %mul3A_387 {strides = array<i32>} : memref<64x128xf32, #tpu.memory_space<vmem>>, vector<16xf32>,
        %get3A_391 = arith.index_cast %add3A_342 : i32 to index
        %get3A_392 = arith.constant 80 : index
        %get3A_393 = tpu.vector_load %arg11[%get3A_391, %get3A_392] {strides = array<i32>} : memref<64x128xf32, #tpu.memory_space<vmem>>, vector<16xf32>,
        %mul3A_394 = arith.mulf %get3A_393, %mul3A_383 : vector<16xf32>
        %swap3A_395 = arith.index_cast %add3A_342 : i32 to index
        %swap3A_396 = arith.constant 80 : index
        %swap3A_397 = tpu.vector_load %arg13[%swap3A_395, %swap3A_396] {strides = array<i32>} : memref<64x128xf32, #tpu.memory_space<vmem>>, vector<16xf32>,
        tpu.vector_store %arg13[%swap3A_395, %swap3A_396], %mul3A_394 {strides = array<i32>} : memref<64x128xf32, #tpu.memory_space<vmem>>, vector<16xf32>,
        %broadcast_in_dim3A_398 = arith.constant 3 : i32
        %broadcast_in_dim3A_399 = vector.broadcast %broadcast_in_dim3A_398 : i32 to vector<16xi32>
        %gather3A_400 = tpu.vector_load_idx %arg15[%broadcast_in_dim3A_343, %broadcast_in_dim3A_399] : memref<64x16xf32, #tpu.memory_space<vmem>>[vector<16xi32>, vector<16xi32>], vector<16xf32>,
        %mul3A_401 = arith.mulf %gather3A_400, %get3A_6 : vector<16xf32>
        %get3A_402 = arith.index_cast %add3A_342 : i32 to index
        %get3A_403 = arith.constant 96 : index
        %get3A_404 = tpu.vector_load %arg11[%get3A_402, %get3A_403] {strides = array<i32>} : memref<64x128xf32, #tpu.memory_space<vmem>>, vector<16xf32>,
        %mul3A_405 = arith.mulf %get3A_404, %mul3A_401 : vector<16xf32>
        %swap3A_406 = arith.index_cast %add3A_342 : i32 to index
        %swap3A_407 = arith.constant 96 : index
        %swap3A_408 = tpu.vector_load %arg13[%swap3A_406, %swap3A_407] {strides = array<i32>} : memref<64x128xf32, #tpu.memory_space<vmem>>, vector<16xf32>,
        tpu.vector_store %arg13[%swap3A_406, %swap3A_407], %mul3A_405 {strides = array<i32>} : memref<64x128xf32, #tpu.memory_space<vmem>>, vector<16xf32>,
        %get3A_409 = arith.index_cast %add3A_342 : i32 to index
        %get3A_410 = arith.constant 112 : index
        %get3A_411 = tpu.vector_load %arg11[%get3A_409, %get3A_410] {strides = array<i32>} : memref<64x128xf32, #tpu.memory_space<vmem>>, vector<16xf32>,
        %mul3A_412 = arith.mulf %get3A_411, %mul3A_401 : vector<16xf32>
        %swap3A_413 = arith.index_cast %add3A_342 : i32 to index
        %swap3A_414 = arith.constant 112 : index
        %swap3A_415 = tpu.vector_load %arg13[%swap3A_413, %swap3A_414] {strides = array<i32>} : memref<64x128xf32, #tpu.memory_space<vmem>>, vector<16xf32>,
        tpu.vector_store %arg13[%swap3A_413, %swap3A_414], %mul3A_412 {strides = array<i32>} : memref<64x128xf32, #tpu.memory_space<vmem>>, vector<16xf32>,
        %scan3A_416 = arith.constant 0 : i32
        scf.yield %scan3A_416 : i32
      }
      %scan3A_251 = arith.constant 32 : i32
      %mul3A_252 = arith.constant 2 : i32
      %mul3A_253 = arith.muli %mul3A_252, %scan3A_151 : i32
      %add3A_254 = arith.constant 1 : i32
      %add3A_255 = arith.addi %mul3A_253, %add3A_254 : i32
      %dma_start3A_256 = arith.constant 0 : i32
      %dma_start3A_257 = tpu.memref_slice %arg16[%add3A_255, %dma_start3A_256] : memref<80x64xi32, #tpu.memory_space<vmem>> -> memref<1x64xi32, #tpu.memory_space<vmem>>
      %dma_start3A_258 = tpu.memref_squeeze %dma_start3A_257 : memref<1x64xi32, #tpu.memory_space<vmem>> -> memref<64xi32, #tpu.memory_space<vmem>>
      %dma_start3A_259 = arith.constant 0 : i32
      %dma_start3A_260 = arith.constant 0 : i32
      %dma_start3A_261 = tpu.memref_slice %arg19[%dma_start3A_259, %dma_start3A_260] : memref<10240x128xf32, #tpu.memory_space<vmem_shared>> -> memref<10240x128xf32, #tpu.memory_space<vmem_shared>>
      tpu.enqueue_indirect_dma source(%arg13 : memref<64x128xf32, #tpu.memory_space<vmem>>) target(%dma_start3A_261 : memref<10240x128xf32, #tpu.memory_space<vmem_shared>>) offsets(%dma_start3A_258 : memref<64xi32, #tpu.memory_space<vmem>>) semaphore(%arg25 : memref<!tpu.dma_semaphore, #tpu.memory_space<semaphore_mem>>) {add = true}
      %scan3A_262 = arith.constant 0 : i32
      scf.yield %scan3A_262 : i32
    }
    %scan3A_43 = arith.constant 40 : i32
    %dma_wait3A = arith.constant 0 : i32
    %dma_wait3A_44 = arith.constant 0 : i32
    %dma_wait3A_45 = tpu.memref_slice %arg2[%dma_wait3A, %dma_wait3A_44] : memref<10000x128xf32, #tpu.memory_space<hbm>> -> memref<64x128xf32, #tpu.memory_space<hbm>>
    %dma_wait3A_46 = arith.constant 0 : i32
    %dma_wait3A_47 = arith.constant 0 : i32
    %dma_wait3A_48 = tpu.memref_slice %arg2[%dma_wait3A_46, %dma_wait3A_47] : memref<10000x128xf32, #tpu.memory_space<hbm>> -> memref<64x128xf32, #tpu.memory_space<hbm>>
    tpu.wait_dma2 semaphore(%arg20 : memref<!tpu.dma_semaphore, #tpu.memory_space<semaphore_mem>>) src(%dma_wait3A_48 : memref<64x128xf32, #tpu.memory_space<hbm>>) dst(%arg10 : memref<64x128xf32, #tpu.memory_space<vmem>>)
    %dma_wait3A_49 = arith.constant 0 : i32
    %dma_wait3A_50 = arith.constant 0 : i32
    %dma_wait3A_51 = tpu.memref_slice %arg6[%dma_wait3A_49, %dma_wait3A_50] : memref<163840x16xf32, #tpu.memory_space<hbm>> -> memref<64x16xf32, #tpu.memory_space<hbm>>
    %dma_wait3A_52 = arith.constant 0 : i32
    %dma_wait3A_53 = arith.constant 0 : i32
    %dma_wait3A_54 = tpu.memref_slice %arg6[%dma_wait3A_52, %dma_wait3A_53] : memref<163840x16xf32, #tpu.memory_space<hbm>> -> memref<64x16xf32, #tpu.memory_space<hbm>>
    tpu.wait_dma2 semaphore(%arg22 : memref<!tpu.dma_semaphore, #tpu.memory_space<semaphore_mem>>) src(%dma_wait3A_54 : memref<64x16xf32, #tpu.memory_space<hbm>>) dst(%arg14 : memref<64x16xf32, #tpu.memory_space<vmem>>)
    %dma_wait3A_55 = arith.constant 0 : i32
    %dma_wait3A_56 = arith.constant 0 : i32
    %dma_wait3A_57 = tpu.memref_slice %arg19[%dma_wait3A_55, %dma_wait3A_56] : memref<10240x128xf32, #tpu.memory_space<vmem_shared>> -> memref<64x128xf32, #tpu.memory_space<vmem_shared>>
    %dma_wait3A_58 = arith.constant 0 : i32
    %dma_wait3A_59 = arith.constant 0 : i32
    %dma_wait3A_60 = tpu.memref_slice %arg19[%dma_wait3A_58, %dma_wait3A_59] : memref<10240x128xf32, #tpu.memory_space<vmem_shared>> -> memref<64x128xf32, #tpu.memory_space<vmem_shared>>
    tpu.wait_dma2 semaphore(%arg24 : memref<!tpu.dma_semaphore, #tpu.memory_space<semaphore_mem>>) src(%arg12 : memref<64x128xf32, #tpu.memory_space<vmem>>) dst(%dma_wait3A_60 : memref<64x128xf32, #tpu.memory_space<vmem_shared>>)
    %dma_wait3A_61 = arith.constant 0 : i32
    %dma_wait3A_62 = arith.constant 0 : i32
    %dma_wait3A_63 = tpu.memref_slice %arg19[%dma_wait3A_61, %dma_wait3A_62] : memref<10240x128xf32, #tpu.memory_space<vmem_shared>> -> memref<64x128xf32, #tpu.memory_space<vmem_shared>>
    %dma_wait3A_64 = arith.constant 0 : i32
    %dma_wait3A_65 = arith.constant 0 : i32
    %dma_wait3A_66 = tpu.memref_slice %arg19[%dma_wait3A_64, %dma_wait3A_65] : memref<10240x128xf32, #tpu.memory_space<vmem_shared>> -> memref<64x128xf32, #tpu.memory_space<vmem_shared>>
    tpu.wait_dma2 semaphore(%arg25 : memref<!tpu.dma_semaphore, #tpu.memory_space<semaphore_mem>>) src(%arg13 : memref<64x128xf32, #tpu.memory_space<vmem>>) dst(%dma_wait3A_66 : memref<64x128xf32, #tpu.memory_space<vmem_shared>>)
    %barrier3A_67 = arith.constant 0 : index
    tpu.barrier barrier_id(%barrier3A_67)
    %lt3A = arith.constant 15 : i32
    %lt3A_68 = arith.cmpi slt, %arg1, %lt3A : i32
    %convert_element_type3A = arith.extui %lt3A_68 : i1 to i32
    %cond3A = arith.constant 0 : i32
    %cond3A_69 = arith.cmpi ne, %convert_element_type3A, %cond3A : i32
    scf.if %cond3A_69 {
      "tpu.region"() ({
        %run_scoped3A = tpu.sem_alloc : memref<!tpu.dma_semaphore, #tpu.memory_space<semaphore_mem>>
        %dma_start3A_151 = arith.constant 0 : i32
        %dma_start3A_152 = arith.constant 0 : i32
        %dma_start3A_153 = tpu.memref_slice %arg8[%arg0, %dma_start3A_151, %dma_start3A_152] : memref<2x10000x128xf32, #tpu.memory_space<hbm>> -> memref<1x10000x128xf32, #tpu.memory_space<hbm>>
        %dma_start3A_154 = tpu.memref_squeeze %dma_start3A_153 : memref<1x10000x128xf32, #tpu.memory_space<hbm>> -> memref<10000x128xf32, #tpu.memory_space<hbm>>
        %dma_start3A_155 = arith.constant 0 : i32
        %dma_start3A_156 = tpu.memref_slice %dma_start3A_154[%mul3A_4, %dma_start3A_155] : memref<10000x128xf32, #tpu.memory_space<hbm>> -> memref<640x128xf32, #tpu.memory_space<hbm>>
        %dma_start3A_157 = arith.constant 0 : i32
        %dma_start3A_158 = tpu.memref_slice %arg19[%mul3A_4, %dma_start3A_157] : memref<10240x128xf32, #tpu.memory_space<vmem_shared>> -> memref<640x128xf32, #tpu.memory_space<vmem_shared>>
        tpu.enqueue_dma source(%dma_start3A_158 : memref<640x128xf32, #tpu.memory_space<vmem_shared>>) target(%dma_start3A_156 : memref<640x128xf32, #tpu.memory_space<hbm>>) target_semaphore(%run_scoped3A : memref<!tpu.dma_semaphore, #tpu.memory_space<semaphore_mem>>)
        %dma_wait3A_159 = arith.constant 0 : i32
        %dma_wait3A_160 = arith.constant 0 : i32
        %dma_wait3A_161 = tpu.memref_slice %arg8[%arg0, %dma_wait3A_159, %dma_wait3A_160] : memref<2x10000x128xf32, #tpu.memory_space<hbm>> -> memref<1x10000x128xf32, #tpu.memory_space<hbm>>
        %dma_wait3A_162 = tpu.memref_squeeze %dma_wait3A_161 : memref<1x10000x128xf32, #tpu.memory_space<hbm>> -> memref<10000x128xf32, #tpu.memory_space<hbm>>
        %dma_wait3A_163 = arith.constant 0 : i32
        %dma_wait3A_164 = tpu.memref_slice %dma_wait3A_162[%mul3A_4, %dma_wait3A_163] : memref<10000x128xf32, #tpu.memory_space<hbm>> -> memref<640x128xf32, #tpu.memory_space<hbm>>
        %dma_wait3A_165 = arith.constant 0 : i32
        %dma_wait3A_166 = tpu.memref_slice %arg19[%mul3A_4, %dma_wait3A_165] : memref<10240x128xf32, #tpu.memory_space<vmem_shared>> -> memref<640x128xf32, #tpu.memory_space<vmem_shared>>
        tpu.wait_dma2 semaphore(%run_scoped3A : memref<!tpu.dma_semaphore, #tpu.memory_space<semaphore_mem>>) src(%dma_wait3A_166 : memref<640x128xf32, #tpu.memory_space<vmem_shared>>) dst(%dma_wait3A_164 : memref<640x128xf32, #tpu.memory_space<hbm>>)
        tpu.yield
      }) : () -> ()
    } else {
    }
    %eq3A = arith.constant 15 : i32
    %eq3A_70 = arith.cmpi eq, %arg1, %eq3A : i32
    %convert_element_type3A_71 = arith.extui %eq3A_70 : i1 to i32
    %cond3A_72 = arith.constant 0 : i32
    %cond3A_73 = arith.cmpi ne, %convert_element_type3A_71, %cond3A_72 : i32
    scf.if %cond3A_73 {
      "tpu.region"() ({
        %run_scoped3A = tpu.sem_alloc : memref<!tpu.dma_semaphore, #tpu.memory_space<semaphore_mem>>
        %dma_start3A_151 = arith.constant 0 : i32
        %dma_start3A_152 = arith.constant 0 : i32
        %dma_start3A_153 = tpu.memref_slice %arg8[%arg0, %dma_start3A_151, %dma_start3A_152] : memref<2x10000x128xf32, #tpu.memory_space<hbm>> -> memref<1x10000x128xf32, #tpu.memory_space<hbm>>
        %dma_start3A_154 = tpu.memref_squeeze %dma_start3A_153 : memref<1x10000x128xf32, #tpu.memory_space<hbm>> -> memref<10000x128xf32, #tpu.memory_space<hbm>>
        %dma_start3A_155 = arith.constant 9600 : i32
        %dma_start3A_156 = arith.constant 0 : i32
        %dma_start3A_157 = tpu.memref_slice %dma_start3A_154[%dma_start3A_155, %dma_start3A_156] : memref<10000x128xf32, #tpu.memory_space<hbm>> -> memref<400x128xf32, #tpu.memory_space<hbm>>
        %dma_start3A_158 = arith.constant 9600 : i32
        %dma_start3A_159 = arith.constant 0 : i32
        %dma_start3A_160 = tpu.memref_slice %arg19[%dma_start3A_158, %dma_start3A_159] : memref<10240x128xf32, #tpu.memory_space<vmem_shared>> -> memref<400x128xf32, #tpu.memory_space<vmem_shared>>
        tpu.enqueue_dma source(%dma_start3A_160 : memref<400x128xf32, #tpu.memory_space<vmem_shared>>) target(%dma_start3A_157 : memref<400x128xf32, #tpu.memory_space<hbm>>) target_semaphore(%run_scoped3A : memref<!tpu.dma_semaphore, #tpu.memory_space<semaphore_mem>>)
        %dma_wait3A_161 = arith.constant 0 : i32
        %dma_wait3A_162 = arith.constant 0 : i32
        %dma_wait3A_163 = tpu.memref_slice %arg8[%arg0, %dma_wait3A_161, %dma_wait3A_162] : memref<2x10000x128xf32, #tpu.memory_space<hbm>> -> memref<1x10000x128xf32, #tpu.memory_space<hbm>>
        %dma_wait3A_164 = tpu.memref_squeeze %dma_wait3A_163 : memref<1x10000x128xf32, #tpu.memory_space<hbm>> -> memref<10000x128xf32, #tpu.memory_space<hbm>>
        %dma_wait3A_165 = arith.constant 9600 : i32
        %dma_wait3A_166 = arith.constant 0 : i32
        %dma_wait3A_167 = tpu.memref_slice %dma_wait3A_164[%dma_wait3A_165, %dma_wait3A_166] : memref<10000x128xf32, #tpu.memory_space<hbm>> -> memref<400x128xf32, #tpu.memory_space<hbm>>
        %dma_wait3A_168 = arith.constant 9600 : i32
        %dma_wait3A_169 = arith.constant 0 : i32
        %dma_wait3A_170 = tpu.memref_slice %arg19[%dma_wait3A_168, %dma_wait3A_169] : memref<10240x128xf32, #tpu.memory_space<vmem_shared>> -> memref<400x128xf32, #tpu.memory_space<vmem_shared>>
        tpu.wait_dma2 semaphore(%run_scoped3A : memref<!tpu.dma_semaphore, #tpu.memory_space<semaphore_mem>>) src(%dma_wait3A_170 : memref<400x128xf32, #tpu.memory_space<vmem_shared>>) dst(%dma_wait3A_167 : memref<400x128xf32, #tpu.memory_space<hbm>>)
        tpu.yield
      }) : () -> ()
    } else {
    }
    %barrier3A_74 = arith.constant 0 : index
    tpu.barrier barrier_id(%barrier3A_74)
    %scan3A_75 = arith.constant 0 : i32
    %scan3A_76 = arith.constant 0 : i32
    %scan3A_77 = arith.constant 64 : i32
    %scan3A_78 = arith.addi %scan3A_76, %scan3A_77 : i32
    %scan3A_79 = arith.constant 1 : i32
    %scan3A_80 = scf.for %scan3A_151 = %scan3A_76 to %scan3A_78 step %scan3A_79 iter_args(%scan3A_152 = %scan3A_75) -> (i32)  : i32 {
      %broadcast_in_dim3A = arith.constant 0.000000e+00 : f32
      %broadcast_in_dim3A_153 = vector.broadcast %broadcast_in_dim3A : f32 to vector<16xf32>
      %swap3A = arith.index_cast %scan3A_151 : i32 to index
      %swap3A_154 = arith.constant 0 : index
      %swap3A_155 = tpu.vector_load %arg12[%swap3A, %swap3A_154] {strides = array<i32>} : memref<64x128xf32, #tpu.memory_space<vmem>>, vector<16xf32>,
      tpu.vector_store %arg12[%swap3A, %swap3A_154], %broadcast_in_dim3A_153 {strides = array<i32>} : memref<64x128xf32, #tpu.memory_space<vmem>>, vector<16xf32>,
      %broadcast_in_dim3A_156 = arith.constant 0.000000e+00 : f32
      %broadcast_in_dim3A_157 = vector.broadcast %broadcast_in_dim3A_156 : f32 to vector<16xf32>
      %swap3A_158 = arith.index_cast %scan3A_151 : i32 to index
      %swap3A_159 = arith.constant 16 : index
      %swap3A_160 = tpu.vector_load %arg12[%swap3A_158, %swap3A_159] {strides = array<i32>} : memref<64x128xf32, #tpu.memory_space<vmem>>, vector<16xf32>,
      tpu.vector_store %arg12[%swap3A_158, %swap3A_159], %broadcast_in_dim3A_157 {strides = array<i32>} : memref<64x128xf32, #tpu.memory_space<vmem>>, vector<16xf32>,
      %broadcast_in_dim3A_161 = arith.constant 0.000000e+00 : f32
      %broadcast_in_dim3A_162 = vector.broadcast %broadcast_in_dim3A_161 : f32 to vector<16xf32>
      %swap3A_163 = arith.index_cast %scan3A_151 : i32 to index
      %swap3A_164 = arith.constant 32 : index
      %swap3A_165 = tpu.vector_load %arg12[%swap3A_163, %swap3A_164] {strides = array<i32>} : memref<64x128xf32, #tpu.memory_space<vmem>>, vector<16xf32>,
      tpu.vector_store %arg12[%swap3A_163, %swap3A_164], %broadcast_in_dim3A_162 {strides = array<i32>} : memref<64x128xf32, #tpu.memory_space<vmem>>, vector<16xf32>,
      %broadcast_in_dim3A_166 = arith.constant 0.000000e+00 : f32
      %broadcast_in_dim3A_167 = vector.broadcast %broadcast_in_dim3A_166 : f32 to vector<16xf32>
      %swap3A_168 = arith.index_cast %scan3A_151 : i32 to index
      %swap3A_169 = arith.constant 48 : index
      %swap3A_170 = tpu.vector_load %arg12[%swap3A_168, %swap3A_169] {strides = array<i32>} : memref<64x128xf32, #tpu.memory_space<vmem>>, vector<16xf32>,
      tpu.vector_store %arg12[%swap3A_168, %swap3A_169], %broadcast_in_dim3A_167 {strides = array<i32>} : memref<64x128xf32, #tpu.memory_space<vmem>>, vector<16xf32>,
      %broadcast_in_dim3A_171 = arith.constant 0.000000e+00 : f32
      %broadcast_in_dim3A_172 = vector.broadcast %broadcast_in_dim3A_171 : f32 to vector<16xf32>
      %swap3A_173 = arith.index_cast %scan3A_151 : i32 to index
      %swap3A_174 = arith.constant 64 : index
      %swap3A_175 = tpu.vector_load %arg12[%swap3A_173, %swap3A_174] {strides = array<i32>} : memref<64x128xf32, #tpu.memory_space<vmem>>, vector<16xf32>,
      tpu.vector_store %arg12[%swap3A_173, %swap3A_174], %broadcast_in_dim3A_172 {strides = array<i32>} : memref<64x128xf32, #tpu.memory_space<vmem>>, vector<16xf32>,
      %broadcast_in_dim3A_176 = arith.constant 0.000000e+00 : f32
      %broadcast_in_dim3A_177 = vector.broadcast %broadcast_in_dim3A_176 : f32 to vector<16xf32>
      %swap3A_178 = arith.index_cast %scan3A_151 : i32 to index
      %swap3A_179 = arith.constant 80 : index
      %swap3A_180 = tpu.vector_load %arg12[%swap3A_178, %swap3A_179] {strides = array<i32>} : memref<64x128xf32, #tpu.memory_space<vmem>>, vector<16xf32>,
      tpu.vector_store %arg12[%swap3A_178, %swap3A_179], %broadcast_in_dim3A_177 {strides = array<i32>} : memref<64x128xf32, #tpu.memory_space<vmem>>, vector<16xf32>,
      %broadcast_in_dim3A_181 = arith.constant 0.000000e+00 : f32
      %broadcast_in_dim3A_182 = vector.broadcast %broadcast_in_dim3A_181 : f32 to vector<16xf32>
      %swap3A_183 = arith.index_cast %scan3A_151 : i32 to index
      %swap3A_184 = arith.constant 96 : index
      %swap3A_185 = tpu.vector_load %arg12[%swap3A_183, %swap3A_184] {strides = array<i32>} : memref<64x128xf32, #tpu.memory_space<vmem>>, vector<16xf32>,
      tpu.vector_store %arg12[%swap3A_183, %swap3A_184], %broadcast_in_dim3A_182 {strides = array<i32>} : memref<64x128xf32, #tpu.memory_space<vmem>>, vector<16xf32>,
      %broadcast_in_dim3A_186 = arith.constant 0.000000e+00 : f32
      %broadcast_in_dim3A_187 = vector.broadcast %broadcast_in_dim3A_186 : f32 to vector<16xf32>
      %swap3A_188 = arith.index_cast %scan3A_151 : i32 to index
      %swap3A_189 = arith.constant 112 : index
      %swap3A_190 = tpu.vector_load %arg12[%swap3A_188, %swap3A_189] {strides = array<i32>} : memref<64x128xf32, #tpu.memory_space<vmem>>, vector<16xf32>,
      tpu.vector_store %arg12[%swap3A_188, %swap3A_189], %broadcast_in_dim3A_187 {strides = array<i32>} : memref<64x128xf32, #tpu.memory_space<vmem>>, vector<16xf32>,
      %scan3A_191 = arith.constant 0 : i32
      scf.yield %scan3A_191 : i32
    }
    %scan3A_81 = arith.constant 64 : i32
    %scan3A_82 = arith.constant 0 : i32
    %scan3A_83 = arith.constant 0 : i32
    %scan3A_84 = arith.constant 10 : i32
    %scan3A_85 = arith.addi %scan3A_83, %scan3A_84 : i32
    %scan3A_86 = arith.constant 1 : i32
    %scan3A_87 = scf.for %scan3A_151 = %scan3A_83 to %scan3A_85 step %scan3A_86 iter_args(%scan3A_152 = %scan3A_82) -> (i32)  : i32 {
      %mul3A_153 = arith.constant 64 : i32
      %mul3A_154 = arith.muli %scan3A_151, %mul3A_153 : i32
      %add3A_155 = arith.addi %mul3A_4, %mul3A_154 : i32
      %dma_start3A_156 = arith.constant 0 : i32
      %dma_start3A_157 = tpu.memref_slice %arg19[%add3A_155, %dma_start3A_156] : memref<10240x128xf32, #tpu.memory_space<vmem_shared>> -> memref<64x128xf32, #tpu.memory_space<vmem_shared>>
      %dma_start3A_158 = arith.constant 0 : i32
      %dma_start3A_159 = tpu.memref_slice %arg19[%add3A_155, %dma_start3A_158] : memref<10240x128xf32, #tpu.memory_space<vmem_shared>> -> memref<64x128xf32, #tpu.memory_space<vmem_shared>>
      tpu.enqueue_dma source(%arg12 : memref<64x128xf32, #tpu.memory_space<vmem>>) target(%dma_start3A_159 : memref<64x128xf32, #tpu.memory_space<vmem_shared>>) target_semaphore(%arg26 : memref<!tpu.dma_semaphore, #tpu.memory_space<semaphore_mem>>)
      %scan3A_160 = arith.constant 0 : i32
      scf.yield %scan3A_160 : i32
    }
    %scan3A_88 = arith.constant 10 : i32
    %scan3A_89 = arith.constant 0 : i32
    %scan3A_90 = arith.constant 0 : i32
    %scan3A_91 = arith.constant 10 : i32
    %scan3A_92 = arith.addi %scan3A_90, %scan3A_91 : i32
    %scan3A_93 = arith.constant 1 : i32
    %scan3A_94 = scf.for %scan3A_151 = %scan3A_90 to %scan3A_92 step %scan3A_93 iter_args(%scan3A_152 = %scan3A_89) -> (i32)  : i32 {
      %dma_wait3A_153 = arith.constant 0 : i32
      %dma_wait3A_154 = tpu.memref_slice %arg19[%mul3A_4, %dma_wait3A_153] : memref<10240x128xf32, #tpu.memory_space<vmem_shared>> -> memref<64x128xf32, #tpu.memory_space<vmem_shared>>
      %dma_wait3A_155 = arith.constant 0 : i32
      %dma_wait3A_156 = tpu.memref_slice %arg19[%mul3A_4, %dma_wait3A_155] : memref<10240x128xf32, #tpu.memory_space<vmem_shared>> -> memref<64x128xf32, #tpu.memory_space<vmem_shared>>
      tpu.wait_dma2 semaphore(%arg26 : memref<!tpu.dma_semaphore, #tpu.memory_space<semaphore_mem>>) src(%arg12 : memref<64x128xf32, #tpu.memory_space<vmem>>) dst(%dma_wait3A_156 : memref<64x128xf32, #tpu.memory_space<vmem_shared>>)
      %scan3A_157 = arith.constant 0 : i32
      scf.yield %scan3A_157 : i32
    }
    %scan3A_95 = arith.constant 10 : i32
    %barrier3A_96 = arith.constant 0 : index
    tpu.barrier barrier_id(%barrier3A_96)
    %dma_start3A_97 = arith.constant 0 : i32
    %dma_start3A_98 = arith.constant 0 : i32
    %dma_start3A_99 = tpu.memref_slice %arg17[%dma_start3A_97, %dma_start3A_98] : memref<80x64xi32, #tpu.memory_space<vmem>> -> memref<1x64xi32, #tpu.memory_space<vmem>>
    %dma_start3A_100 = tpu.memref_squeeze %dma_start3A_99 : memref<1x64xi32, #tpu.memory_space<vmem>> -> memref<64xi32, #tpu.memory_space<vmem>>
    %dma_start3A_101 = arith.constant 0 : i32
    %dma_start3A_102 = arith.constant 0 : i32
    %dma_start3A_103 = tpu.memref_slice %arg3[%dma_start3A_101, %dma_start3A_102] : memref<10000x128xf32, #tpu.memory_space<hbm>> -> memref<10000x128xf32, #tpu.memory_space<hbm>>
    tpu.enqueue_indirect_dma source(%dma_start3A_103 : memref<10000x128xf32, #tpu.memory_space<hbm>>) target(%arg10 : memref<64x128xf32, #tpu.memory_space<vmem>>) offsets(%dma_start3A_100 : memref<64xi32, #tpu.memory_space<vmem>>) semaphore(%arg20 : memref<!tpu.dma_semaphore, #tpu.memory_space<semaphore_mem>>)
    %dma_start3A_104 = arith.constant 0 : i32
    %dma_start3A_105 = tpu.memref_slice %arg6[%mul3A_2, %dma_start3A_104] : memref<163840x16xf32, #tpu.memory_space<hbm>> -> memref<64x16xf32, #tpu.memory_space<hbm>>
    %dma_start3A_106 = arith.constant 0 : i32
    %dma_start3A_107 = tpu.memref_slice %arg6[%mul3A_2, %dma_start3A_106] : memref<163840x16xf32, #tpu.memory_space<hbm>> -> memref<64x16xf32, #tpu.memory_space<hbm>>
    tpu.enqueue_dma source(%dma_start3A_107 : memref<64x16xf32, #tpu.memory_space<hbm>>) target(%arg14 : memref<64x16xf32, #tpu.memory_space<vmem>>) target_semaphore(%arg22 : memref<!tpu.dma_semaphore, #tpu.memory_space<semaphore_mem>>)
    %scan3A_108 = arith.constant 0 : i32
    %scan3A_109 = arith.constant 0 : i32
    %scan3A_110 = arith.constant 40 : i32
    %scan3A_111 = arith.addi %scan3A_109, %scan3A_110 : i32
    %scan3A_112 = arith.constant 1 : i32
    %scan3A_113 = scf.for %scan3A_151 = %scan3A_109 to %scan3A_111 step %scan3A_112 iter_args(%scan3A_152 = %scan3A_108) -> (i32)  : i32 {
      %mul3A_153 = arith.constant 2 : i32
      %mul3A_154 = arith.muli %mul3A_153, %scan3A_151 : i32
      %add3A_155 = arith.constant 1 : i32
      %add3A_156 = arith.addi %mul3A_154, %add3A_155 : i32
      %dma_start3A_157 = arith.constant 0 : i32
      %dma_start3A_158 = tpu.memref_slice %arg17[%add3A_156, %dma_start3A_157] : memref<80x64xi32, #tpu.memory_space<vmem>> -> memref<1x64xi32, #tpu.memory_space<vmem>>
      %dma_start3A_159 = tpu.memref_squeeze %dma_start3A_158 : memref<1x64xi32, #tpu.memory_space<vmem>> -> memref<64xi32, #tpu.memory_space<vmem>>
      %dma_start3A_160 = arith.constant 0 : i32
      %dma_start3A_161 = arith.constant 0 : i32
      %dma_start3A_162 = tpu.memref_slice %arg3[%dma_start3A_160, %dma_start3A_161] : memref<10000x128xf32, #tpu.memory_space<hbm>> -> memref<10000x128xf32, #tpu.memory_space<hbm>>
      tpu.enqueue_indirect_dma source(%dma_start3A_162 : memref<10000x128xf32, #tpu.memory_space<hbm>>) target(%arg11 : memref<64x128xf32, #tpu.memory_space<vmem>>) offsets(%dma_start3A_159 : memref<64xi32, #tpu.memory_space<vmem>>) semaphore(%arg21 : memref<!tpu.dma_semaphore, #tpu.memory_space<semaphore_mem>>)
      %mul3A_163 = arith.constant 2 : i32
      %mul3A_164 = arith.muli %mul3A_163, %scan3A_151 : i32
      %add3A_165 = arith.constant 1 : i32
      %add3A_166 = arith.addi %mul3A_164, %add3A_165 : i32
      %mul3A_167 = arith.constant 64 : i32
      %mul3A_168 = arith.muli %add3A_166, %mul3A_167 : i32
      %add3A_169 = arith.addi %mul3A_2, %mul3A_168 : i32
      %dma_start3A_170 = arith.constant 0 : i32
      %dma_start3A_171 = tpu.memref_slice %arg6[%add3A_169, %dma_start3A_170] : memref<163840x16xf32, #tpu.memory_space<hbm>> -> memref<64x16xf32, #tpu.memory_space<hbm>>
      %dma_start3A_172 = arith.constant 0 : i32
      %dma_start3A_173 = tpu.memref_slice %arg6[%add3A_169, %dma_start3A_172] : memref<163840x16xf32, #tpu.memory_space<hbm>> -> memref<64x16xf32, #tpu.memory_space<hbm>>
      tpu.enqueue_dma source(%dma_start3A_173 : memref<64x16xf32, #tpu.memory_space<hbm>>) target(%arg15 : memref<64x16xf32, #tpu.memory_space<vmem>>) target_semaphore(%arg23 : memref<!tpu.dma_semaphore, #tpu.memory_space<semaphore_mem>>)
      %dma_wait3A_174 = arith.constant 0 : i32
      %dma_wait3A_175 = arith.constant 0 : i32
      %dma_wait3A_176 = tpu.memref_slice %arg3[%dma_wait3A_174, %dma_wait3A_175] : memref<10000x128xf32, #tpu.memory_space<hbm>> -> memref<64x128xf32, #tpu.memory_space<hbm>>
      %dma_wait3A_177 = arith.constant 0 : i32
      %dma_wait3A_178 = arith.constant 0 : i32
      %dma_wait3A_179 = tpu.memref_slice %arg3[%dma_wait3A_177, %dma_wait3A_178] : memref<10000x128xf32, #tpu.memory_space<hbm>> -> memref<64x128xf32, #tpu.memory_space<hbm>>
      tpu.wait_dma2 semaphore(%arg20 : memref<!tpu.dma_semaphore, #tpu.memory_space<semaphore_mem>>) src(%dma_wait3A_179 : memref<64x128xf32, #tpu.memory_space<hbm>>) dst(%arg10 : memref<64x128xf32, #tpu.memory_space<vmem>>)
      %dma_wait3A_180 = arith.constant 0 : i32
      %dma_wait3A_181 = arith.constant 0 : i32
      %dma_wait3A_182 = tpu.memref_slice %arg6[%dma_wait3A_180, %dma_wait3A_181] : memref<163840x16xf32, #tpu.memory_space<hbm>> -> memref<64x16xf32, #tpu.memory_space<hbm>>
      %dma_wait3A_183 = arith.constant 0 : i32
      %dma_wait3A_184 = arith.constant 0 : i32
      %dma_wait3A_185 = tpu.memref_slice %arg6[%dma_wait3A_183, %dma_wait3A_184] : memref<163840x16xf32, #tpu.memory_space<hbm>> -> memref<64x16xf32, #tpu.memory_space<hbm>>
      tpu.wait_dma2 semaphore(%arg22 : memref<!tpu.dma_semaphore, #tpu.memory_space<semaphore_mem>>) src(%dma_wait3A_185 : memref<64x16xf32, #tpu.memory_space<hbm>>) dst(%arg14 : memref<64x16xf32, #tpu.memory_space<vmem>>)
      %gt3A = arith.constant 0 : i32
      %gt3A_186 = arith.cmpi sgt, %scan3A_151, %gt3A : i32
      %convert_element_type3A_187 = arith.extui %gt3A_186 : i1 to i32
      %cond3A_188 = arith.constant 0 : i32
      %cond3A_189 = arith.cmpi ne, %convert_element_type3A_187, %cond3A_188 : i32
      scf.if %cond3A_189 {
        %dma_wait3A_263 = arith.constant 0 : i32
        %dma_wait3A_264 = arith.constant 0 : i32
        %dma_wait3A_265 = tpu.memref_slice %arg19[%dma_wait3A_263, %dma_wait3A_264] : memref<10240x128xf32, #tpu.memory_space<vmem_shared>> -> memref<64x128xf32, #tpu.memory_space<vmem_shared>>
        %dma_wait3A_266 = arith.constant 0 : i32
        %dma_wait3A_267 = arith.constant 0 : i32
        %dma_wait3A_268 = tpu.memref_slice %arg19[%dma_wait3A_266, %dma_wait3A_267] : memref<10240x128xf32, #tpu.memory_space<vmem_shared>> -> memref<64x128xf32, #tpu.memory_space<vmem_shared>>
        tpu.wait_dma2 semaphore(%arg24 : memref<!tpu.dma_semaphore, #tpu.memory_space<semaphore_mem>>) src(%arg12 : memref<64x128xf32, #tpu.memory_space<vmem>>) dst(%dma_wait3A_268 : memref<64x128xf32, #tpu.memory_space<vmem_shared>>)
      } else {
      }
      %scan3A_190 = arith.constant 0 : i32
      %scan3A_191 = arith.constant 0 : i32
      %scan3A_192 = arith.constant 32 : i32
      %scan3A_193 = arith.addi %scan3A_191, %scan3A_192 : i32
      %scan3A_194 = arith.constant 1 : i32
      %scan3A_195 = scf.for %scan3A_263 = %scan3A_191 to %scan3A_193 step %scan3A_194 iter_args(%scan3A_264 = %scan3A_190) -> (i32)  : i32 {
        %mul3A_265 = arith.constant 2 : i32
        %mul3A_266 = arith.muli %scan3A_263, %mul3A_265 : i32
        %add3A_267 = arith.constant 0 : i32
        %add3A_268 = arith.addi %mul3A_266, %add3A_267 : i32
        %broadcast_in_dim3A = vector.broadcast %add3A_268 : i32 to vector<16xi32>
        %broadcast_in_dim3A_269 = arith.constant 4 : i32
        %broadcast_in_dim3A_270 = vector.broadcast %broadcast_in_dim3A_269 : i32 to vector<16xi32>
        %gather3A = tpu.vector_load_idx %arg14[%broadcast_in_dim3A, %broadcast_in_dim3A_270] : memref<64x16xf32, #tpu.memory_space<vmem>>[vector<16xi32>, vector<16xi32>], vector<16xf32>,
        %mul3A_271 = arith.mulf %gather3A, %get3A_6 : vector<16xf32>
        %get3A_272 = arith.index_cast %add3A_268 : i32 to index
        %get3A_273 = arith.constant 0 : index
        %get3A_274 = tpu.vector_load %arg10[%get3A_272, %get3A_273] {strides = array<i32>} : memref<64x128xf32, #tpu.memory_space<vmem>>, vector<16xf32>,
        %mul3A_275 = arith.mulf %get3A_274, %mul3A_271 : vector<16xf32>
        %swap3A = arith.index_cast %add3A_268 : i32 to index
        %swap3A_276 = arith.constant 0 : index
        %swap3A_277 = tpu.vector_load %arg12[%swap3A, %swap3A_276] {strides = array<i32>} : memref<64x128xf32, #tpu.memory_space<vmem>>, vector<16xf32>,
        tpu.vector_store %arg12[%swap3A, %swap3A_276], %mul3A_275 {strides = array<i32>} : memref<64x128xf32, #tpu.memory_space<vmem>>, vector<16xf32>,
        %get3A_278 = arith.index_cast %add3A_268 : i32 to index
        %get3A_279 = arith.constant 16 : index
        %get3A_280 = tpu.vector_load %arg10[%get3A_278, %get3A_279] {strides = array<i32>} : memref<64x128xf32, #tpu.memory_space<vmem>>, vector<16xf32>,
        %mul3A_281 = arith.mulf %get3A_280, %mul3A_271 : vector<16xf32>
        %swap3A_282 = arith.index_cast %add3A_268 : i32 to index
        %swap3A_283 = arith.constant 16 : index
        %swap3A_284 = tpu.vector_load %arg12[%swap3A_282, %swap3A_283] {strides = array<i32>} : memref<64x128xf32, #tpu.memory_space<vmem>>, vector<16xf32>,
        tpu.vector_store %arg12[%swap3A_282, %swap3A_283], %mul3A_281 {strides = array<i32>} : memref<64x128xf32, #tpu.memory_space<vmem>>, vector<16xf32>,
        %broadcast_in_dim3A_285 = arith.constant 5 : i32
        %broadcast_in_dim3A_286 = vector.broadcast %broadcast_in_dim3A_285 : i32 to vector<16xi32>
        %gather3A_287 = tpu.vector_load_idx %arg14[%broadcast_in_dim3A, %broadcast_in_dim3A_286] : memref<64x16xf32, #tpu.memory_space<vmem>>[vector<16xi32>, vector<16xi32>], vector<16xf32>,
        %mul3A_288 = arith.mulf %gather3A_287, %get3A_6 : vector<16xf32>
        %get3A_289 = arith.index_cast %add3A_268 : i32 to index
        %get3A_290 = arith.constant 32 : index
        %get3A_291 = tpu.vector_load %arg10[%get3A_289, %get3A_290] {strides = array<i32>} : memref<64x128xf32, #tpu.memory_space<vmem>>, vector<16xf32>,
        %mul3A_292 = arith.mulf %get3A_291, %mul3A_288 : vector<16xf32>
        %swap3A_293 = arith.index_cast %add3A_268 : i32 to index
        %swap3A_294 = arith.constant 32 : index
        %swap3A_295 = tpu.vector_load %arg12[%swap3A_293, %swap3A_294] {strides = array<i32>} : memref<64x128xf32, #tpu.memory_space<vmem>>, vector<16xf32>,
        tpu.vector_store %arg12[%swap3A_293, %swap3A_294], %mul3A_292 {strides = array<i32>} : memref<64x128xf32, #tpu.memory_space<vmem>>, vector<16xf32>,
        %get3A_296 = arith.index_cast %add3A_268 : i32 to index
        %get3A_297 = arith.constant 48 : index
        %get3A_298 = tpu.vector_load %arg10[%get3A_296, %get3A_297] {strides = array<i32>} : memref<64x128xf32, #tpu.memory_space<vmem>>, vector<16xf32>,
        %mul3A_299 = arith.mulf %get3A_298, %mul3A_288 : vector<16xf32>
        %swap3A_300 = arith.index_cast %add3A_268 : i32 to index
        %swap3A_301 = arith.constant 48 : index
        %swap3A_302 = tpu.vector_load %arg12[%swap3A_300, %swap3A_301] {strides = array<i32>} : memref<64x128xf32, #tpu.memory_space<vmem>>, vector<16xf32>,
        tpu.vector_store %arg12[%swap3A_300, %swap3A_301], %mul3A_299 {strides = array<i32>} : memref<64x128xf32, #tpu.memory_space<vmem>>, vector<16xf32>,
        %broadcast_in_dim3A_303 = arith.constant 6 : i32
        %broadcast_in_dim3A_304 = vector.broadcast %broadcast_in_dim3A_303 : i32 to vector<16xi32>
        %gather3A_305 = tpu.vector_load_idx %arg14[%broadcast_in_dim3A, %broadcast_in_dim3A_304] : memref<64x16xf32, #tpu.memory_space<vmem>>[vector<16xi32>, vector<16xi32>], vector<16xf32>,
        %mul3A_306 = arith.mulf %gather3A_305, %get3A_6 : vector<16xf32>
        %get3A_307 = arith.index_cast %add3A_268 : i32 to index
        %get3A_308 = arith.constant 64 : index
        %get3A_309 = tpu.vector_load %arg10[%get3A_307, %get3A_308] {strides = array<i32>} : memref<64x128xf32, #tpu.memory_space<vmem>>, vector<16xf32>,
        %mul3A_310 = arith.mulf %get3A_309, %mul3A_306 : vector<16xf32>
        %swap3A_311 = arith.index_cast %add3A_268 : i32 to index
        %swap3A_312 = arith.constant 64 : index
        %swap3A_313 = tpu.vector_load %arg12[%swap3A_311, %swap3A_312] {strides = array<i32>} : memref<64x128xf32, #tpu.memory_space<vmem>>, vector<16xf32>,
        tpu.vector_store %arg12[%swap3A_311, %swap3A_312], %mul3A_310 {strides = array<i32>} : memref<64x128xf32, #tpu.memory_space<vmem>>, vector<16xf32>,
        %get3A_314 = arith.index_cast %add3A_268 : i32 to index
        %get3A_315 = arith.constant 80 : index
        %get3A_316 = tpu.vector_load %arg10[%get3A_314, %get3A_315] {strides = array<i32>} : memref<64x128xf32, #tpu.memory_space<vmem>>, vector<16xf32>,
        %mul3A_317 = arith.mulf %get3A_316, %mul3A_306 : vector<16xf32>
        %swap3A_318 = arith.index_cast %add3A_268 : i32 to index
        %swap3A_319 = arith.constant 80 : index
        %swap3A_320 = tpu.vector_load %arg12[%swap3A_318, %swap3A_319] {strides = array<i32>} : memref<64x128xf32, #tpu.memory_space<vmem>>, vector<16xf32>,
        tpu.vector_store %arg12[%swap3A_318, %swap3A_319], %mul3A_317 {strides = array<i32>} : memref<64x128xf32, #tpu.memory_space<vmem>>, vector<16xf32>,
        %broadcast_in_dim3A_321 = arith.constant 7 : i32
        %broadcast_in_dim3A_322 = vector.broadcast %broadcast_in_dim3A_321 : i32 to vector<16xi32>
        %gather3A_323 = tpu.vector_load_idx %arg14[%broadcast_in_dim3A, %broadcast_in_dim3A_322] : memref<64x16xf32, #tpu.memory_space<vmem>>[vector<16xi32>, vector<16xi32>], vector<16xf32>,
        %mul3A_324 = arith.mulf %gather3A_323, %get3A_6 : vector<16xf32>
        %get3A_325 = arith.index_cast %add3A_268 : i32 to index
        %get3A_326 = arith.constant 96 : index
        %get3A_327 = tpu.vector_load %arg10[%get3A_325, %get3A_326] {strides = array<i32>} : memref<64x128xf32, #tpu.memory_space<vmem>>, vector<16xf32>,
        %mul3A_328 = arith.mulf %get3A_327, %mul3A_324 : vector<16xf32>
        %swap3A_329 = arith.index_cast %add3A_268 : i32 to index
        %swap3A_330 = arith.constant 96 : index
        %swap3A_331 = tpu.vector_load %arg12[%swap3A_329, %swap3A_330] {strides = array<i32>} : memref<64x128xf32, #tpu.memory_space<vmem>>, vector<16xf32>,
        tpu.vector_store %arg12[%swap3A_329, %swap3A_330], %mul3A_328 {strides = array<i32>} : memref<64x128xf32, #tpu.memory_space<vmem>>, vector<16xf32>,
        %get3A_332 = arith.index_cast %add3A_268 : i32 to index
        %get3A_333 = arith.constant 112 : index
        %get3A_334 = tpu.vector_load %arg10[%get3A_332, %get3A_333] {strides = array<i32>} : memref<64x128xf32, #tpu.memory_space<vmem>>, vector<16xf32>,
        %mul3A_335 = arith.mulf %get3A_334, %mul3A_324 : vector<16xf32>
        %swap3A_336 = arith.index_cast %add3A_268 : i32 to index
        %swap3A_337 = arith.constant 112 : index
        %swap3A_338 = tpu.vector_load %arg12[%swap3A_336, %swap3A_337] {strides = array<i32>} : memref<64x128xf32, #tpu.memory_space<vmem>>, vector<16xf32>,
        tpu.vector_store %arg12[%swap3A_336, %swap3A_337], %mul3A_335 {strides = array<i32>} : memref<64x128xf32, #tpu.memory_space<vmem>>, vector<16xf32>,
        %mul3A_339 = arith.constant 2 : i32
        %mul3A_340 = arith.muli %scan3A_263, %mul3A_339 : i32
        %add3A_341 = arith.constant 1 : i32
        %add3A_342 = arith.addi %mul3A_340, %add3A_341 : i32
        %broadcast_in_dim3A_343 = vector.broadcast %add3A_342 : i32 to vector<16xi32>
        %broadcast_in_dim3A_344 = arith.constant 4 : i32
        %broadcast_in_dim3A_345 = vector.broadcast %broadcast_in_dim3A_344 : i32 to vector<16xi32>
        %gather3A_346 = tpu.vector_load_idx %arg14[%broadcast_in_dim3A_343, %broadcast_in_dim3A_345] : memref<64x16xf32, #tpu.memory_space<vmem>>[vector<16xi32>, vector<16xi32>], vector<16xf32>,
        %mul3A_347 = arith.mulf %gather3A_346, %get3A_6 : vector<16xf32>
        %get3A_348 = arith.index_cast %add3A_342 : i32 to index
        %get3A_349 = arith.constant 0 : index
        %get3A_350 = tpu.vector_load %arg10[%get3A_348, %get3A_349] {strides = array<i32>} : memref<64x128xf32, #tpu.memory_space<vmem>>, vector<16xf32>,
        %mul3A_351 = arith.mulf %get3A_350, %mul3A_347 : vector<16xf32>
        %swap3A_352 = arith.index_cast %add3A_342 : i32 to index
        %swap3A_353 = arith.constant 0 : index
        %swap3A_354 = tpu.vector_load %arg12[%swap3A_352, %swap3A_353] {strides = array<i32>} : memref<64x128xf32, #tpu.memory_space<vmem>>, vector<16xf32>,
        tpu.vector_store %arg12[%swap3A_352, %swap3A_353], %mul3A_351 {strides = array<i32>} : memref<64x128xf32, #tpu.memory_space<vmem>>, vector<16xf32>,
        %get3A_355 = arith.index_cast %add3A_342 : i32 to index
        %get3A_356 = arith.constant 16 : index
        %get3A_357 = tpu.vector_load %arg10[%get3A_355, %get3A_356] {strides = array<i32>} : memref<64x128xf32, #tpu.memory_space<vmem>>, vector<16xf32>,
        %mul3A_358 = arith.mulf %get3A_357, %mul3A_347 : vector<16xf32>
        %swap3A_359 = arith.index_cast %add3A_342 : i32 to index
        %swap3A_360 = arith.constant 16 : index
        %swap3A_361 = tpu.vector_load %arg12[%swap3A_359, %swap3A_360] {strides = array<i32>} : memref<64x128xf32, #tpu.memory_space<vmem>>, vector<16xf32>,
        tpu.vector_store %arg12[%swap3A_359, %swap3A_360], %mul3A_358 {strides = array<i32>} : memref<64x128xf32, #tpu.memory_space<vmem>>, vector<16xf32>,
        %broadcast_in_dim3A_362 = arith.constant 5 : i32
        %broadcast_in_dim3A_363 = vector.broadcast %broadcast_in_dim3A_362 : i32 to vector<16xi32>
        %gather3A_364 = tpu.vector_load_idx %arg14[%broadcast_in_dim3A_343, %broadcast_in_dim3A_363] : memref<64x16xf32, #tpu.memory_space<vmem>>[vector<16xi32>, vector<16xi32>], vector<16xf32>,
        %mul3A_365 = arith.mulf %gather3A_364, %get3A_6 : vector<16xf32>
        %get3A_366 = arith.index_cast %add3A_342 : i32 to index
        %get3A_367 = arith.constant 32 : index
        %get3A_368 = tpu.vector_load %arg10[%get3A_366, %get3A_367] {strides = array<i32>} : memref<64x128xf32, #tpu.memory_space<vmem>>, vector<16xf32>,
        %mul3A_369 = arith.mulf %get3A_368, %mul3A_365 : vector<16xf32>
        %swap3A_370 = arith.index_cast %add3A_342 : i32 to index
        %swap3A_371 = arith.constant 32 : index
        %swap3A_372 = tpu.vector_load %arg12[%swap3A_370, %swap3A_371] {strides = array<i32>} : memref<64x128xf32, #tpu.memory_space<vmem>>, vector<16xf32>,
        tpu.vector_store %arg12[%swap3A_370, %swap3A_371], %mul3A_369 {strides = array<i32>} : memref<64x128xf32, #tpu.memory_space<vmem>>, vector<16xf32>,
        %get3A_373 = arith.index_cast %add3A_342 : i32 to index
        %get3A_374 = arith.constant 48 : index
        %get3A_375 = tpu.vector_load %arg10[%get3A_373, %get3A_374] {strides = array<i32>} : memref<64x128xf32, #tpu.memory_space<vmem>>, vector<16xf32>,
        %mul3A_376 = arith.mulf %get3A_375, %mul3A_365 : vector<16xf32>
        %swap3A_377 = arith.index_cast %add3A_342 : i32 to index
        %swap3A_378 = arith.constant 48 : index
        %swap3A_379 = tpu.vector_load %arg12[%swap3A_377, %swap3A_378] {strides = array<i32>} : memref<64x128xf32, #tpu.memory_space<vmem>>, vector<16xf32>,
        tpu.vector_store %arg12[%swap3A_377, %swap3A_378], %mul3A_376 {strides = array<i32>} : memref<64x128xf32, #tpu.memory_space<vmem>>, vector<16xf32>,
        %broadcast_in_dim3A_380 = arith.constant 6 : i32
        %broadcast_in_dim3A_381 = vector.broadcast %broadcast_in_dim3A_380 : i32 to vector<16xi32>
        %gather3A_382 = tpu.vector_load_idx %arg14[%broadcast_in_dim3A_343, %broadcast_in_dim3A_381] : memref<64x16xf32, #tpu.memory_space<vmem>>[vector<16xi32>, vector<16xi32>], vector<16xf32>,
        %mul3A_383 = arith.mulf %gather3A_382, %get3A_6 : vector<16xf32>
        %get3A_384 = arith.index_cast %add3A_342 : i32 to index
        %get3A_385 = arith.constant 64 : index
        %get3A_386 = tpu.vector_load %arg10[%get3A_384, %get3A_385] {strides = array<i32>} : memref<64x128xf32, #tpu.memory_space<vmem>>, vector<16xf32>,
        %mul3A_387 = arith.mulf %get3A_386, %mul3A_383 : vector<16xf32>
        %swap3A_388 = arith.index_cast %add3A_342 : i32 to index
        %swap3A_389 = arith.constant 64 : index
        %swap3A_390 = tpu.vector_load %arg12[%swap3A_388, %swap3A_389] {strides = array<i32>} : memref<64x128xf32, #tpu.memory_space<vmem>>, vector<16xf32>,
        tpu.vector_store %arg12[%swap3A_388, %swap3A_389], %mul3A_387 {strides = array<i32>} : memref<64x128xf32, #tpu.memory_space<vmem>>, vector<16xf32>,
        %get3A_391 = arith.index_cast %add3A_342 : i32 to index
        %get3A_392 = arith.constant 80 : index
        %get3A_393 = tpu.vector_load %arg10[%get3A_391, %get3A_392] {strides = array<i32>} : memref<64x128xf32, #tpu.memory_space<vmem>>, vector<16xf32>,
        %mul3A_394 = arith.mulf %get3A_393, %mul3A_383 : vector<16xf32>
        %swap3A_395 = arith.index_cast %add3A_342 : i32 to index
        %swap3A_396 = arith.constant 80 : index
        %swap3A_397 = tpu.vector_load %arg12[%swap3A_395, %swap3A_396] {strides = array<i32>} : memref<64x128xf32, #tpu.memory_space<vmem>>, vector<16xf32>,
        tpu.vector_store %arg12[%swap3A_395, %swap3A_396], %mul3A_394 {strides = array<i32>} : memref<64x128xf32, #tpu.memory_space<vmem>>, vector<16xf32>,
        %broadcast_in_dim3A_398 = arith.constant 7 : i32
        %broadcast_in_dim3A_399 = vector.broadcast %broadcast_in_dim3A_398 : i32 to vector<16xi32>
        %gather3A_400 = tpu.vector_load_idx %arg14[%broadcast_in_dim3A_343, %broadcast_in_dim3A_399] : memref<64x16xf32, #tpu.memory_space<vmem>>[vector<16xi32>, vector<16xi32>], vector<16xf32>,
        %mul3A_401 = arith.mulf %gather3A_400, %get3A_6 : vector<16xf32>
        %get3A_402 = arith.index_cast %add3A_342 : i32 to index
        %get3A_403 = arith.constant 96 : index
        %get3A_404 = tpu.vector_load %arg10[%get3A_402, %get3A_403] {strides = array<i32>} : memref<64x128xf32, #tpu.memory_space<vmem>>, vector<16xf32>,
        %mul3A_405 = arith.mulf %get3A_404, %mul3A_401 : vector<16xf32>
        %swap3A_406 = arith.index_cast %add3A_342 : i32 to index
        %swap3A_407 = arith.constant 96 : index
        %swap3A_408 = tpu.vector_load %arg12[%swap3A_406, %swap3A_407] {strides = array<i32>} : memref<64x128xf32, #tpu.memory_space<vmem>>, vector<16xf32>,
        tpu.vector_store %arg12[%swap3A_406, %swap3A_407], %mul3A_405 {strides = array<i32>} : memref<64x128xf32, #tpu.memory_space<vmem>>, vector<16xf32>,
        %get3A_409 = arith.index_cast %add3A_342 : i32 to index
        %get3A_410 = arith.constant 112 : index
        %get3A_411 = tpu.vector_load %arg10[%get3A_409, %get3A_410] {strides = array<i32>} : memref<64x128xf32, #tpu.memory_space<vmem>>, vector<16xf32>,
        %mul3A_412 = arith.mulf %get3A_411, %mul3A_401 : vector<16xf32>
        %swap3A_413 = arith.index_cast %add3A_342 : i32 to index
        %swap3A_414 = arith.constant 112 : index
        %swap3A_415 = tpu.vector_load %arg12[%swap3A_413, %swap3A_414] {strides = array<i32>} : memref<64x128xf32, #tpu.memory_space<vmem>>, vector<16xf32>,
        tpu.vector_store %arg12[%swap3A_413, %swap3A_414], %mul3A_412 {strides = array<i32>} : memref<64x128xf32, #tpu.memory_space<vmem>>, vector<16xf32>,
        %scan3A_416 = arith.constant 0 : i32
        scf.yield %scan3A_416 : i32
      }
      %scan3A_196 = arith.constant 32 : i32
      %mul3A_197 = arith.constant 2 : i32
      %mul3A_198 = arith.muli %mul3A_197, %scan3A_151 : i32
      %dma_start3A_199 = arith.constant 0 : i32
      %dma_start3A_200 = tpu.memref_slice %arg16[%mul3A_198, %dma_start3A_199] : memref<80x64xi32, #tpu.memory_space<vmem>> -> memref<1x64xi32, #tpu.memory_space<vmem>>
      %dma_start3A_201 = tpu.memref_squeeze %dma_start3A_200 : memref<1x64xi32, #tpu.memory_space<vmem>> -> memref<64xi32, #tpu.memory_space<vmem>>
      %dma_start3A_202 = arith.constant 0 : i32
      %dma_start3A_203 = arith.constant 0 : i32
      %dma_start3A_204 = tpu.memref_slice %arg19[%dma_start3A_202, %dma_start3A_203] : memref<10240x128xf32, #tpu.memory_space<vmem_shared>> -> memref<10240x128xf32, #tpu.memory_space<vmem_shared>>
      tpu.enqueue_indirect_dma source(%arg12 : memref<64x128xf32, #tpu.memory_space<vmem>>) target(%dma_start3A_204 : memref<10240x128xf32, #tpu.memory_space<vmem_shared>>) offsets(%dma_start3A_201 : memref<64xi32, #tpu.memory_space<vmem>>) semaphore(%arg24 : memref<!tpu.dma_semaphore, #tpu.memory_space<semaphore_mem>>) {add = true}
      %mul3A_205 = arith.constant 2 : i32
      %mul3A_206 = arith.muli %mul3A_205, %scan3A_151 : i32
      %add3A_207 = arith.constant 2 : i32
      %add3A_208 = arith.addi %mul3A_206, %add3A_207 : i32
      %lt3A_209 = arith.constant 80 : i32
      %lt3A_210 = arith.cmpi slt, %add3A_208, %lt3A_209 : i32
      %mul3A_211 = arith.constant 2 : i32
      %mul3A_212 = arith.muli %mul3A_211, %scan3A_151 : i32
      %add3A_213 = arith.constant 2 : i32
      %add3A_214 = arith.addi %mul3A_212, %add3A_213 : i32
      %jit3A = arith.constant 0 : i32
      %select_n3A = arith.select %lt3A_210, %add3A_214, %jit3A : i32
      %dma_start3A_215 = arith.constant 0 : i32
      %dma_start3A_216 = tpu.memref_slice %arg17[%select_n3A, %dma_start3A_215] : memref<80x64xi32, #tpu.memory_space<vmem>> -> memref<1x64xi32, #tpu.memory_space<vmem>>
      %dma_start3A_217 = tpu.memref_squeeze %dma_start3A_216 : memref<1x64xi32, #tpu.memory_space<vmem>> -> memref<64xi32, #tpu.memory_space<vmem>>
      %dma_start3A_218 = arith.constant 0 : i32
      %dma_start3A_219 = arith.constant 0 : i32
      %dma_start3A_220 = tpu.memref_slice %arg3[%dma_start3A_218, %dma_start3A_219] : memref<10000x128xf32, #tpu.memory_space<hbm>> -> memref<10000x128xf32, #tpu.memory_space<hbm>>
      tpu.enqueue_indirect_dma source(%dma_start3A_220 : memref<10000x128xf32, #tpu.memory_space<hbm>>) target(%arg10 : memref<64x128xf32, #tpu.memory_space<vmem>>) offsets(%dma_start3A_217 : memref<64xi32, #tpu.memory_space<vmem>>) semaphore(%arg20 : memref<!tpu.dma_semaphore, #tpu.memory_space<semaphore_mem>>)
      %mul3A_221 = arith.constant 64 : i32
      %mul3A_222 = arith.muli %select_n3A, %mul3A_221 : i32
      %add3A_223 = arith.addi %mul3A_2, %mul3A_222 : i32
      %dma_start3A_224 = arith.constant 0 : i32
      %dma_start3A_225 = tpu.memref_slice %arg6[%add3A_223, %dma_start3A_224] : memref<163840x16xf32, #tpu.memory_space<hbm>> -> memref<64x16xf32, #tpu.memory_space<hbm>>
      %dma_start3A_226 = arith.constant 0 : i32
      %dma_start3A_227 = tpu.memref_slice %arg6[%add3A_223, %dma_start3A_226] : memref<163840x16xf32, #tpu.memory_space<hbm>> -> memref<64x16xf32, #tpu.memory_space<hbm>>
      tpu.enqueue_dma source(%dma_start3A_227 : memref<64x16xf32, #tpu.memory_space<hbm>>) target(%arg14 : memref<64x16xf32, #tpu.memory_space<vmem>>) target_semaphore(%arg22 : memref<!tpu.dma_semaphore, #tpu.memory_space<semaphore_mem>>)
      %dma_wait3A_228 = arith.constant 0 : i32
      %dma_wait3A_229 = arith.constant 0 : i32
      %dma_wait3A_230 = tpu.memref_slice %arg3[%dma_wait3A_228, %dma_wait3A_229] : memref<10000x128xf32, #tpu.memory_space<hbm>> -> memref<64x128xf32, #tpu.memory_space<hbm>>
      %dma_wait3A_231 = arith.constant 0 : i32
      %dma_wait3A_232 = arith.constant 0 : i32
      %dma_wait3A_233 = tpu.memref_slice %arg3[%dma_wait3A_231, %dma_wait3A_232] : memref<10000x128xf32, #tpu.memory_space<hbm>> -> memref<64x128xf32, #tpu.memory_space<hbm>>
      tpu.wait_dma2 semaphore(%arg21 : memref<!tpu.dma_semaphore, #tpu.memory_space<semaphore_mem>>) src(%dma_wait3A_233 : memref<64x128xf32, #tpu.memory_space<hbm>>) dst(%arg11 : memref<64x128xf32, #tpu.memory_space<vmem>>)
      %dma_wait3A_234 = arith.constant 0 : i32
      %dma_wait3A_235 = arith.constant 0 : i32
      %dma_wait3A_236 = tpu.memref_slice %arg6[%dma_wait3A_234, %dma_wait3A_235] : memref<163840x16xf32, #tpu.memory_space<hbm>> -> memref<64x16xf32, #tpu.memory_space<hbm>>
      %dma_wait3A_237 = arith.constant 0 : i32
      %dma_wait3A_238 = arith.constant 0 : i32
      %dma_wait3A_239 = tpu.memref_slice %arg6[%dma_wait3A_237, %dma_wait3A_238] : memref<163840x16xf32, #tpu.memory_space<hbm>> -> memref<64x16xf32, #tpu.memory_space<hbm>>
      tpu.wait_dma2 semaphore(%arg23 : memref<!tpu.dma_semaphore, #tpu.memory_space<semaphore_mem>>) src(%dma_wait3A_239 : memref<64x16xf32, #tpu.memory_space<hbm>>) dst(%arg15 : memref<64x16xf32, #tpu.memory_space<vmem>>)
      %gt3A_240 = arith.constant 0 : i32
      %gt3A_241 = arith.cmpi sgt, %scan3A_151, %gt3A_240 : i32
      %convert_element_type3A_242 = arith.extui %gt3A_241 : i1 to i32
      %cond3A_243 = arith.constant 0 : i32
      %cond3A_244 = arith.cmpi ne, %convert_element_type3A_242, %cond3A_243 : i32
      scf.if %cond3A_244 {
        %dma_wait3A_263 = arith.constant 0 : i32
        %dma_wait3A_264 = arith.constant 0 : i32
        %dma_wait3A_265 = tpu.memref_slice %arg19[%dma_wait3A_263, %dma_wait3A_264] : memref<10240x128xf32, #tpu.memory_space<vmem_shared>> -> memref<64x128xf32, #tpu.memory_space<vmem_shared>>
        %dma_wait3A_266 = arith.constant 0 : i32
        %dma_wait3A_267 = arith.constant 0 : i32
        %dma_wait3A_268 = tpu.memref_slice %arg19[%dma_wait3A_266, %dma_wait3A_267] : memref<10240x128xf32, #tpu.memory_space<vmem_shared>> -> memref<64x128xf32, #tpu.memory_space<vmem_shared>>
        tpu.wait_dma2 semaphore(%arg25 : memref<!tpu.dma_semaphore, #tpu.memory_space<semaphore_mem>>) src(%arg13 : memref<64x128xf32, #tpu.memory_space<vmem>>) dst(%dma_wait3A_268 : memref<64x128xf32, #tpu.memory_space<vmem_shared>>)
      } else {
      }
      %scan3A_245 = arith.constant 0 : i32
      %scan3A_246 = arith.constant 0 : i32
      %scan3A_247 = arith.constant 32 : i32
      %scan3A_248 = arith.addi %scan3A_246, %scan3A_247 : i32
      %scan3A_249 = arith.constant 1 : i32
      %scan3A_250 = scf.for %scan3A_263 = %scan3A_246 to %scan3A_248 step %scan3A_249 iter_args(%scan3A_264 = %scan3A_245) -> (i32)  : i32 {
        %mul3A_265 = arith.constant 2 : i32
        %mul3A_266 = arith.muli %scan3A_263, %mul3A_265 : i32
        %add3A_267 = arith.constant 0 : i32
        %add3A_268 = arith.addi %mul3A_266, %add3A_267 : i32
        %broadcast_in_dim3A = vector.broadcast %add3A_268 : i32 to vector<16xi32>
        %broadcast_in_dim3A_269 = arith.constant 4 : i32
        %broadcast_in_dim3A_270 = vector.broadcast %broadcast_in_dim3A_269 : i32 to vector<16xi32>
        %gather3A = tpu.vector_load_idx %arg15[%broadcast_in_dim3A, %broadcast_in_dim3A_270] : memref<64x16xf32, #tpu.memory_space<vmem>>[vector<16xi32>, vector<16xi32>], vector<16xf32>,
        %mul3A_271 = arith.mulf %gather3A, %get3A_6 : vector<16xf32>
        %get3A_272 = arith.index_cast %add3A_268 : i32 to index
        %get3A_273 = arith.constant 0 : index
        %get3A_274 = tpu.vector_load %arg11[%get3A_272, %get3A_273] {strides = array<i32>} : memref<64x128xf32, #tpu.memory_space<vmem>>, vector<16xf32>,
        %mul3A_275 = arith.mulf %get3A_274, %mul3A_271 : vector<16xf32>
        %swap3A = arith.index_cast %add3A_268 : i32 to index
        %swap3A_276 = arith.constant 0 : index
        %swap3A_277 = tpu.vector_load %arg13[%swap3A, %swap3A_276] {strides = array<i32>} : memref<64x128xf32, #tpu.memory_space<vmem>>, vector<16xf32>,
        tpu.vector_store %arg13[%swap3A, %swap3A_276], %mul3A_275 {strides = array<i32>} : memref<64x128xf32, #tpu.memory_space<vmem>>, vector<16xf32>,
        %get3A_278 = arith.index_cast %add3A_268 : i32 to index
        %get3A_279 = arith.constant 16 : index
        %get3A_280 = tpu.vector_load %arg11[%get3A_278, %get3A_279] {strides = array<i32>} : memref<64x128xf32, #tpu.memory_space<vmem>>, vector<16xf32>,
        %mul3A_281 = arith.mulf %get3A_280, %mul3A_271 : vector<16xf32>
        %swap3A_282 = arith.index_cast %add3A_268 : i32 to index
        %swap3A_283 = arith.constant 16 : index
        %swap3A_284 = tpu.vector_load %arg13[%swap3A_282, %swap3A_283] {strides = array<i32>} : memref<64x128xf32, #tpu.memory_space<vmem>>, vector<16xf32>,
        tpu.vector_store %arg13[%swap3A_282, %swap3A_283], %mul3A_281 {strides = array<i32>} : memref<64x128xf32, #tpu.memory_space<vmem>>, vector<16xf32>,
        %broadcast_in_dim3A_285 = arith.constant 5 : i32
        %broadcast_in_dim3A_286 = vector.broadcast %broadcast_in_dim3A_285 : i32 to vector<16xi32>
        %gather3A_287 = tpu.vector_load_idx %arg15[%broadcast_in_dim3A, %broadcast_in_dim3A_286] : memref<64x16xf32, #tpu.memory_space<vmem>>[vector<16xi32>, vector<16xi32>], vector<16xf32>,
        %mul3A_288 = arith.mulf %gather3A_287, %get3A_6 : vector<16xf32>
        %get3A_289 = arith.index_cast %add3A_268 : i32 to index
        %get3A_290 = arith.constant 32 : index
        %get3A_291 = tpu.vector_load %arg11[%get3A_289, %get3A_290] {strides = array<i32>} : memref<64x128xf32, #tpu.memory_space<vmem>>, vector<16xf32>,
        %mul3A_292 = arith.mulf %get3A_291, %mul3A_288 : vector<16xf32>
        %swap3A_293 = arith.index_cast %add3A_268 : i32 to index
        %swap3A_294 = arith.constant 32 : index
        %swap3A_295 = tpu.vector_load %arg13[%swap3A_293, %swap3A_294] {strides = array<i32>} : memref<64x128xf32, #tpu.memory_space<vmem>>, vector<16xf32>,
        tpu.vector_store %arg13[%swap3A_293, %swap3A_294], %mul3A_292 {strides = array<i32>} : memref<64x128xf32, #tpu.memory_space<vmem>>, vector<16xf32>,
        %get3A_296 = arith.index_cast %add3A_268 : i32 to index
        %get3A_297 = arith.constant 48 : index
        %get3A_298 = tpu.vector_load %arg11[%get3A_296, %get3A_297] {strides = array<i32>} : memref<64x128xf32, #tpu.memory_space<vmem>>, vector<16xf32>,
        %mul3A_299 = arith.mulf %get3A_298, %mul3A_288 : vector<16xf32>
        %swap3A_300 = arith.index_cast %add3A_268 : i32 to index
        %swap3A_301 = arith.constant 48 : index
        %swap3A_302 = tpu.vector_load %arg13[%swap3A_300, %swap3A_301] {strides = array<i32>} : memref<64x128xf32, #tpu.memory_space<vmem>>, vector<16xf32>,
        tpu.vector_store %arg13[%swap3A_300, %swap3A_301], %mul3A_299 {strides = array<i32>} : memref<64x128xf32, #tpu.memory_space<vmem>>, vector<16xf32>,
        %broadcast_in_dim3A_303 = arith.constant 6 : i32
        %broadcast_in_dim3A_304 = vector.broadcast %broadcast_in_dim3A_303 : i32 to vector<16xi32>
        %gather3A_305 = tpu.vector_load_idx %arg15[%broadcast_in_dim3A, %broadcast_in_dim3A_304] : memref<64x16xf32, #tpu.memory_space<vmem>>[vector<16xi32>, vector<16xi32>], vector<16xf32>,
        %mul3A_306 = arith.mulf %gather3A_305, %get3A_6 : vector<16xf32>
        %get3A_307 = arith.index_cast %add3A_268 : i32 to index
        %get3A_308 = arith.constant 64 : index
        %get3A_309 = tpu.vector_load %arg11[%get3A_307, %get3A_308] {strides = array<i32>} : memref<64x128xf32, #tpu.memory_space<vmem>>, vector<16xf32>,
        %mul3A_310 = arith.mulf %get3A_309, %mul3A_306 : vector<16xf32>
        %swap3A_311 = arith.index_cast %add3A_268 : i32 to index
        %swap3A_312 = arith.constant 64 : index
        %swap3A_313 = tpu.vector_load %arg13[%swap3A_311, %swap3A_312] {strides = array<i32>} : memref<64x128xf32, #tpu.memory_space<vmem>>, vector<16xf32>,
        tpu.vector_store %arg13[%swap3A_311, %swap3A_312], %mul3A_310 {strides = array<i32>} : memref<64x128xf32, #tpu.memory_space<vmem>>, vector<16xf32>,
        %get3A_314 = arith.index_cast %add3A_268 : i32 to index
        %get3A_315 = arith.constant 80 : index
        %get3A_316 = tpu.vector_load %arg11[%get3A_314, %get3A_315] {strides = array<i32>} : memref<64x128xf32, #tpu.memory_space<vmem>>, vector<16xf32>,
        %mul3A_317 = arith.mulf %get3A_316, %mul3A_306 : vector<16xf32>
        %swap3A_318 = arith.index_cast %add3A_268 : i32 to index
        %swap3A_319 = arith.constant 80 : index
        %swap3A_320 = tpu.vector_load %arg13[%swap3A_318, %swap3A_319] {strides = array<i32>} : memref<64x128xf32, #tpu.memory_space<vmem>>, vector<16xf32>,
        tpu.vector_store %arg13[%swap3A_318, %swap3A_319], %mul3A_317 {strides = array<i32>} : memref<64x128xf32, #tpu.memory_space<vmem>>, vector<16xf32>,
        %broadcast_in_dim3A_321 = arith.constant 7 : i32
        %broadcast_in_dim3A_322 = vector.broadcast %broadcast_in_dim3A_321 : i32 to vector<16xi32>
        %gather3A_323 = tpu.vector_load_idx %arg15[%broadcast_in_dim3A, %broadcast_in_dim3A_322] : memref<64x16xf32, #tpu.memory_space<vmem>>[vector<16xi32>, vector<16xi32>], vector<16xf32>,
        %mul3A_324 = arith.mulf %gather3A_323, %get3A_6 : vector<16xf32>
        %get3A_325 = arith.index_cast %add3A_268 : i32 to index
        %get3A_326 = arith.constant 96 : index
        %get3A_327 = tpu.vector_load %arg11[%get3A_325, %get3A_326] {strides = array<i32>} : memref<64x128xf32, #tpu.memory_space<vmem>>, vector<16xf32>,
        %mul3A_328 = arith.mulf %get3A_327, %mul3A_324 : vector<16xf32>
        %swap3A_329 = arith.index_cast %add3A_268 : i32 to index
        %swap3A_330 = arith.constant 96 : index
        %swap3A_331 = tpu.vector_load %arg13[%swap3A_329, %swap3A_330] {strides = array<i32>} : memref<64x128xf32, #tpu.memory_space<vmem>>, vector<16xf32>,
        tpu.vector_store %arg13[%swap3A_329, %swap3A_330], %mul3A_328 {strides = array<i32>} : memref<64x128xf32, #tpu.memory_space<vmem>>, vector<16xf32>,
        %get3A_332 = arith.index_cast %add3A_268 : i32 to index
        %get3A_333 = arith.constant 112 : index
        %get3A_334 = tpu.vector_load %arg11[%get3A_332, %get3A_333] {strides = array<i32>} : memref<64x128xf32, #tpu.memory_space<vmem>>, vector<16xf32>,
        %mul3A_335 = arith.mulf %get3A_334, %mul3A_324 : vector<16xf32>
        %swap3A_336 = arith.index_cast %add3A_268 : i32 to index
        %swap3A_337 = arith.constant 112 : index
        %swap3A_338 = tpu.vector_load %arg13[%swap3A_336, %swap3A_337] {strides = array<i32>} : memref<64x128xf32, #tpu.memory_space<vmem>>, vector<16xf32>,
        tpu.vector_store %arg13[%swap3A_336, %swap3A_337], %mul3A_335 {strides = array<i32>} : memref<64x128xf32, #tpu.memory_space<vmem>>, vector<16xf32>,
        %mul3A_339 = arith.constant 2 : i32
        %mul3A_340 = arith.muli %scan3A_263, %mul3A_339 : i32
        %add3A_341 = arith.constant 1 : i32
        %add3A_342 = arith.addi %mul3A_340, %add3A_341 : i32
        %broadcast_in_dim3A_343 = vector.broadcast %add3A_342 : i32 to vector<16xi32>
        %broadcast_in_dim3A_344 = arith.constant 4 : i32
        %broadcast_in_dim3A_345 = vector.broadcast %broadcast_in_dim3A_344 : i32 to vector<16xi32>
        %gather3A_346 = tpu.vector_load_idx %arg15[%broadcast_in_dim3A_343, %broadcast_in_dim3A_345] : memref<64x16xf32, #tpu.memory_space<vmem>>[vector<16xi32>, vector<16xi32>], vector<16xf32>,
        %mul3A_347 = arith.mulf %gather3A_346, %get3A_6 : vector<16xf32>
        %get3A_348 = arith.index_cast %add3A_342 : i32 to index
        %get3A_349 = arith.constant 0 : index
        %get3A_350 = tpu.vector_load %arg11[%get3A_348, %get3A_349] {strides = array<i32>} : memref<64x128xf32, #tpu.memory_space<vmem>>, vector<16xf32>,
        %mul3A_351 = arith.mulf %get3A_350, %mul3A_347 : vector<16xf32>
        %swap3A_352 = arith.index_cast %add3A_342 : i32 to index
        %swap3A_353 = arith.constant 0 : index
        %swap3A_354 = tpu.vector_load %arg13[%swap3A_352, %swap3A_353] {strides = array<i32>} : memref<64x128xf32, #tpu.memory_space<vmem>>, vector<16xf32>,
        tpu.vector_store %arg13[%swap3A_352, %swap3A_353], %mul3A_351 {strides = array<i32>} : memref<64x128xf32, #tpu.memory_space<vmem>>, vector<16xf32>,
        %get3A_355 = arith.index_cast %add3A_342 : i32 to index
        %get3A_356 = arith.constant 16 : index
        %get3A_357 = tpu.vector_load %arg11[%get3A_355, %get3A_356] {strides = array<i32>} : memref<64x128xf32, #tpu.memory_space<vmem>>, vector<16xf32>,
        %mul3A_358 = arith.mulf %get3A_357, %mul3A_347 : vector<16xf32>
        %swap3A_359 = arith.index_cast %add3A_342 : i32 to index
        %swap3A_360 = arith.constant 16 : index
        %swap3A_361 = tpu.vector_load %arg13[%swap3A_359, %swap3A_360] {strides = array<i32>} : memref<64x128xf32, #tpu.memory_space<vmem>>, vector<16xf32>,
        tpu.vector_store %arg13[%swap3A_359, %swap3A_360], %mul3A_358 {strides = array<i32>} : memref<64x128xf32, #tpu.memory_space<vmem>>, vector<16xf32>,
        %broadcast_in_dim3A_362 = arith.constant 5 : i32
        %broadcast_in_dim3A_363 = vector.broadcast %broadcast_in_dim3A_362 : i32 to vector<16xi32>
        %gather3A_364 = tpu.vector_load_idx %arg15[%broadcast_in_dim3A_343, %broadcast_in_dim3A_363] : memref<64x16xf32, #tpu.memory_space<vmem>>[vector<16xi32>, vector<16xi32>], vector<16xf32>,
        %mul3A_365 = arith.mulf %gather3A_364, %get3A_6 : vector<16xf32>
        %get3A_366 = arith.index_cast %add3A_342 : i32 to index
        %get3A_367 = arith.constant 32 : index
        %get3A_368 = tpu.vector_load %arg11[%get3A_366, %get3A_367] {strides = array<i32>} : memref<64x128xf32, #tpu.memory_space<vmem>>, vector<16xf32>,
        %mul3A_369 = arith.mulf %get3A_368, %mul3A_365 : vector<16xf32>
        %swap3A_370 = arith.index_cast %add3A_342 : i32 to index
        %swap3A_371 = arith.constant 32 : index
        %swap3A_372 = tpu.vector_load %arg13[%swap3A_370, %swap3A_371] {strides = array<i32>} : memref<64x128xf32, #tpu.memory_space<vmem>>, vector<16xf32>,
        tpu.vector_store %arg13[%swap3A_370, %swap3A_371], %mul3A_369 {strides = array<i32>} : memref<64x128xf32, #tpu.memory_space<vmem>>, vector<16xf32>,
        %get3A_373 = arith.index_cast %add3A_342 : i32 to index
        %get3A_374 = arith.constant 48 : index
        %get3A_375 = tpu.vector_load %arg11[%get3A_373, %get3A_374] {strides = array<i32>} : memref<64x128xf32, #tpu.memory_space<vmem>>, vector<16xf32>,
        %mul3A_376 = arith.mulf %get3A_375, %mul3A_365 : vector<16xf32>
        %swap3A_377 = arith.index_cast %add3A_342 : i32 to index
        %swap3A_378 = arith.constant 48 : index
        %swap3A_379 = tpu.vector_load %arg13[%swap3A_377, %swap3A_378] {strides = array<i32>} : memref<64x128xf32, #tpu.memory_space<vmem>>, vector<16xf32>,
        tpu.vector_store %arg13[%swap3A_377, %swap3A_378], %mul3A_376 {strides = array<i32>} : memref<64x128xf32, #tpu.memory_space<vmem>>, vector<16xf32>,
        %broadcast_in_dim3A_380 = arith.constant 6 : i32
        %broadcast_in_dim3A_381 = vector.broadcast %broadcast_in_dim3A_380 : i32 to vector<16xi32>
        %gather3A_382 = tpu.vector_load_idx %arg15[%broadcast_in_dim3A_343, %broadcast_in_dim3A_381] : memref<64x16xf32, #tpu.memory_space<vmem>>[vector<16xi32>, vector<16xi32>], vector<16xf32>,
        %mul3A_383 = arith.mulf %gather3A_382, %get3A_6 : vector<16xf32>
        %get3A_384 = arith.index_cast %add3A_342 : i32 to index
        %get3A_385 = arith.constant 64 : index
        %get3A_386 = tpu.vector_load %arg11[%get3A_384, %get3A_385] {strides = array<i32>} : memref<64x128xf32, #tpu.memory_space<vmem>>, vector<16xf32>,
        %mul3A_387 = arith.mulf %get3A_386, %mul3A_383 : vector<16xf32>
        %swap3A_388 = arith.index_cast %add3A_342 : i32 to index
        %swap3A_389 = arith.constant 64 : index
        %swap3A_390 = tpu.vector_load %arg13[%swap3A_388, %swap3A_389] {strides = array<i32>} : memref<64x128xf32, #tpu.memory_space<vmem>>, vector<16xf32>,
        tpu.vector_store %arg13[%swap3A_388, %swap3A_389], %mul3A_387 {strides = array<i32>} : memref<64x128xf32, #tpu.memory_space<vmem>>, vector<16xf32>,
        %get3A_391 = arith.index_cast %add3A_342 : i32 to index
        %get3A_392 = arith.constant 80 : index
        %get3A_393 = tpu.vector_load %arg11[%get3A_391, %get3A_392] {strides = array<i32>} : memref<64x128xf32, #tpu.memory_space<vmem>>, vector<16xf32>,
        %mul3A_394 = arith.mulf %get3A_393, %mul3A_383 : vector<16xf32>
        %swap3A_395 = arith.index_cast %add3A_342 : i32 to index
        %swap3A_396 = arith.constant 80 : index
        %swap3A_397 = tpu.vector_load %arg13[%swap3A_395, %swap3A_396] {strides = array<i32>} : memref<64x128xf32, #tpu.memory_space<vmem>>, vector<16xf32>,
        tpu.vector_store %arg13[%swap3A_395, %swap3A_396], %mul3A_394 {strides = array<i32>} : memref<64x128xf32, #tpu.memory_space<vmem>>, vector<16xf32>,
        %broadcast_in_dim3A_398 = arith.constant 7 : i32
        %broadcast_in_dim3A_399 = vector.broadcast %broadcast_in_dim3A_398 : i32 to vector<16xi32>
        %gather3A_400 = tpu.vector_load_idx %arg15[%broadcast_in_dim3A_343, %broadcast_in_dim3A_399] : memref<64x16xf32, #tpu.memory_space<vmem>>[vector<16xi32>, vector<16xi32>], vector<16xf32>,
        %mul3A_401 = arith.mulf %gather3A_400, %get3A_6 : vector<16xf32>
        %get3A_402 = arith.index_cast %add3A_342 : i32 to index
        %get3A_403 = arith.constant 96 : index
        %get3A_404 = tpu.vector_load %arg11[%get3A_402, %get3A_403] {strides = array<i32>} : memref<64x128xf32, #tpu.memory_space<vmem>>, vector<16xf32>,
        %mul3A_405 = arith.mulf %get3A_404, %mul3A_401 : vector<16xf32>
        %swap3A_406 = arith.index_cast %add3A_342 : i32 to index
        %swap3A_407 = arith.constant 96 : index
        %swap3A_408 = tpu.vector_load %arg13[%swap3A_406, %swap3A_407] {strides = array<i32>} : memref<64x128xf32, #tpu.memory_space<vmem>>, vector<16xf32>,
        tpu.vector_store %arg13[%swap3A_406, %swap3A_407], %mul3A_405 {strides = array<i32>} : memref<64x128xf32, #tpu.memory_space<vmem>>, vector<16xf32>,
        %get3A_409 = arith.index_cast %add3A_342 : i32 to index
        %get3A_410 = arith.constant 112 : index
        %get3A_411 = tpu.vector_load %arg11[%get3A_409, %get3A_410] {strides = array<i32>} : memref<64x128xf32, #tpu.memory_space<vmem>>, vector<16xf32>,
        %mul3A_412 = arith.mulf %get3A_411, %mul3A_401 : vector<16xf32>
        %swap3A_413 = arith.index_cast %add3A_342 : i32 to index
        %swap3A_414 = arith.constant 112 : index
        %swap3A_415 = tpu.vector_load %arg13[%swap3A_413, %swap3A_414] {strides = array<i32>} : memref<64x128xf32, #tpu.memory_space<vmem>>, vector<16xf32>,
        tpu.vector_store %arg13[%swap3A_413, %swap3A_414], %mul3A_412 {strides = array<i32>} : memref<64x128xf32, #tpu.memory_space<vmem>>, vector<16xf32>,
        %scan3A_416 = arith.constant 0 : i32
        scf.yield %scan3A_416 : i32
      }
      %scan3A_251 = arith.constant 32 : i32
      %mul3A_252 = arith.constant 2 : i32
      %mul3A_253 = arith.muli %mul3A_252, %scan3A_151 : i32
      %add3A_254 = arith.constant 1 : i32
      %add3A_255 = arith.addi %mul3A_253, %add3A_254 : i32
      %dma_start3A_256 = arith.constant 0 : i32
      %dma_start3A_257 = tpu.memref_slice %arg16[%add3A_255, %dma_start3A_256] : memref<80x64xi32, #tpu.memory_space<vmem>> -> memref<1x64xi32, #tpu.memory_space<vmem>>
      %dma_start3A_258 = tpu.memref_squeeze %dma_start3A_257 : memref<1x64xi32, #tpu.memory_space<vmem>> -> memref<64xi32, #tpu.memory_space<vmem>>
      %dma_start3A_259 = arith.constant 0 : i32
      %dma_start3A_260 = arith.constant 0 : i32
      %dma_start3A_261 = tpu.memref_slice %arg19[%dma_start3A_259, %dma_start3A_260] : memref<10240x128xf32, #tpu.memory_space<vmem_shared>> -> memref<10240x128xf32, #tpu.memory_space<vmem_shared>>
      tpu.enqueue_indirect_dma source(%arg13 : memref<64x128xf32, #tpu.memory_space<vmem>>) target(%dma_start3A_261 : memref<10240x128xf32, #tpu.memory_space<vmem_shared>>) offsets(%dma_start3A_258 : memref<64xi32, #tpu.memory_space<vmem>>) semaphore(%arg25 : memref<!tpu.dma_semaphore, #tpu.memory_space<semaphore_mem>>) {add = true}
      %scan3A_262 = arith.constant 0 : i32
      scf.yield %scan3A_262 : i32
    }
    %scan3A_114 = arith.constant 40 : i32
    %dma_wait3A_115 = arith.constant 0 : i32
    %dma_wait3A_116 = arith.constant 0 : i32
    %dma_wait3A_117 = tpu.memref_slice %arg3[%dma_wait3A_115, %dma_wait3A_116] : memref<10000x128xf32, #tpu.memory_space<hbm>> -> memref<64x128xf32, #tpu.memory_space<hbm>>
    %dma_wait3A_118 = arith.constant 0 : i32
    %dma_wait3A_119 = arith.constant 0 : i32
    %dma_wait3A_120 = tpu.memref_slice %arg3[%dma_wait3A_118, %dma_wait3A_119] : memref<10000x128xf32, #tpu.memory_space<hbm>> -> memref<64x128xf32, #tpu.memory_space<hbm>>
    tpu.wait_dma2 semaphore(%arg20 : memref<!tpu.dma_semaphore, #tpu.memory_space<semaphore_mem>>) src(%dma_wait3A_120 : memref<64x128xf32, #tpu.memory_space<hbm>>) dst(%arg10 : memref<64x128xf32, #tpu.memory_space<vmem>>)
    %dma_wait3A_121 = arith.constant 0 : i32
    %dma_wait3A_122 = arith.constant 0 : i32
    %dma_wait3A_123 = tpu.memref_slice %arg6[%dma_wait3A_121, %dma_wait3A_122] : memref<163840x16xf32, #tpu.memory_space<hbm>> -> memref<64x16xf32, #tpu.memory_space<hbm>>
    %dma_wait3A_124 = arith.constant 0 : i32
    %dma_wait3A_125 = arith.constant 0 : i32
    %dma_wait3A_126 = tpu.memref_slice %arg6[%dma_wait3A_124, %dma_wait3A_125] : memref<163840x16xf32, #tpu.memory_space<hbm>> -> memref<64x16xf32, #tpu.memory_space<hbm>>
    tpu.wait_dma2 semaphore(%arg22 : memref<!tpu.dma_semaphore, #tpu.memory_space<semaphore_mem>>) src(%dma_wait3A_126 : memref<64x16xf32, #tpu.memory_space<hbm>>) dst(%arg14 : memref<64x16xf32, #tpu.memory_space<vmem>>)
    %dma_wait3A_127 = arith.constant 0 : i32
    %dma_wait3A_128 = arith.constant 0 : i32
    %dma_wait3A_129 = tpu.memref_slice %arg19[%dma_wait3A_127, %dma_wait3A_128] : memref<10240x128xf32, #tpu.memory_space<vmem_shared>> -> memref<64x128xf32, #tpu.memory_space<vmem_shared>>
    %dma_wait3A_130 = arith.constant 0 : i32
    %dma_wait3A_131 = arith.constant 0 : i32
    %dma_wait3A_132 = tpu.memref_slice %arg19[%dma_wait3A_130, %dma_wait3A_131] : memref<10240x128xf32, #tpu.memory_space<vmem_shared>> -> memref<64x128xf32, #tpu.memory_space<vmem_shared>>
    tpu.wait_dma2 semaphore(%arg24 : memref<!tpu.dma_semaphore, #tpu.memory_space<semaphore_mem>>) src(%arg12 : memref<64x128xf32, #tpu.memory_space<vmem>>) dst(%dma_wait3A_132 : memref<64x128xf32, #tpu.memory_space<vmem_shared>>)
    %dma_wait3A_133 = arith.constant 0 : i32
    %dma_wait3A_134 = arith.constant 0 : i32
    %dma_wait3A_135 = tpu.memref_slice %arg19[%dma_wait3A_133, %dma_wait3A_134] : memref<10240x128xf32, #tpu.memory_space<vmem_shared>> -> memref<64x128xf32, #tpu.memory_space<vmem_shared>>
    %dma_wait3A_136 = arith.constant 0 : i32
    %dma_wait3A_137 = arith.constant 0 : i32
    %dma_wait3A_138 = tpu.memref_slice %arg19[%dma_wait3A_136, %dma_wait3A_137] : memref<10240x128xf32, #tpu.memory_space<vmem_shared>> -> memref<64x128xf32, #tpu.memory_space<vmem_shared>>
    tpu.wait_dma2 semaphore(%arg25 : memref<!tpu.dma_semaphore, #tpu.memory_space<semaphore_mem>>) src(%arg13 : memref<64x128xf32, #tpu.memory_space<vmem>>) dst(%dma_wait3A_138 : memref<64x128xf32, #tpu.memory_space<vmem_shared>>)
    %barrier3A_139 = arith.constant 0 : index
    tpu.barrier barrier_id(%barrier3A_139)
    %lt3A_140 = arith.constant 15 : i32
    %lt3A_141 = arith.cmpi slt, %arg1, %lt3A_140 : i32
    %convert_element_type3A_142 = arith.extui %lt3A_141 : i1 to i32
    %cond3A_143 = arith.constant 0 : i32
    %cond3A_144 = arith.cmpi ne, %convert_element_type3A_142, %cond3A_143 : i32
    scf.if %cond3A_144 {
      "tpu.region"() ({
        %run_scoped3A = tpu.sem_alloc : memref<!tpu.dma_semaphore, #tpu.memory_space<semaphore_mem>>
        %dma_start3A_151 = arith.constant 0 : i32
        %dma_start3A_152 = arith.constant 0 : i32
        %dma_start3A_153 = tpu.memref_slice %arg9[%arg0, %dma_start3A_151, %dma_start3A_152] : memref<2x10000x128xf32, #tpu.memory_space<hbm>> -> memref<1x10000x128xf32, #tpu.memory_space<hbm>>
        %dma_start3A_154 = tpu.memref_squeeze %dma_start3A_153 : memref<1x10000x128xf32, #tpu.memory_space<hbm>> -> memref<10000x128xf32, #tpu.memory_space<hbm>>
        %dma_start3A_155 = arith.constant 0 : i32
        %dma_start3A_156 = tpu.memref_slice %dma_start3A_154[%mul3A_4, %dma_start3A_155] : memref<10000x128xf32, #tpu.memory_space<hbm>> -> memref<640x128xf32, #tpu.memory_space<hbm>>
        %dma_start3A_157 = arith.constant 0 : i32
        %dma_start3A_158 = tpu.memref_slice %arg19[%mul3A_4, %dma_start3A_157] : memref<10240x128xf32, #tpu.memory_space<vmem_shared>> -> memref<640x128xf32, #tpu.memory_space<vmem_shared>>
        tpu.enqueue_dma source(%dma_start3A_158 : memref<640x128xf32, #tpu.memory_space<vmem_shared>>) target(%dma_start3A_156 : memref<640x128xf32, #tpu.memory_space<hbm>>) target_semaphore(%run_scoped3A : memref<!tpu.dma_semaphore, #tpu.memory_space<semaphore_mem>>)
        %dma_wait3A_159 = arith.constant 0 : i32
        %dma_wait3A_160 = arith.constant 0 : i32
        %dma_wait3A_161 = tpu.memref_slice %arg9[%arg0, %dma_wait3A_159, %dma_wait3A_160] : memref<2x10000x128xf32, #tpu.memory_space<hbm>> -> memref<1x10000x128xf32, #tpu.memory_space<hbm>>
        %dma_wait3A_162 = tpu.memref_squeeze %dma_wait3A_161 : memref<1x10000x128xf32, #tpu.memory_space<hbm>> -> memref<10000x128xf32, #tpu.memory_space<hbm>>
        %dma_wait3A_163 = arith.constant 0 : i32
        %dma_wait3A_164 = tpu.memref_slice %dma_wait3A_162[%mul3A_4, %dma_wait3A_163] : memref<10000x128xf32, #tpu.memory_space<hbm>> -> memref<640x128xf32, #tpu.memory_space<hbm>>
        %dma_wait3A_165 = arith.constant 0 : i32
        %dma_wait3A_166 = tpu.memref_slice %arg19[%mul3A_4, %dma_wait3A_165] : memref<10240x128xf32, #tpu.memory_space<vmem_shared>> -> memref<640x128xf32, #tpu.memory_space<vmem_shared>>
        tpu.wait_dma2 semaphore(%run_scoped3A : memref<!tpu.dma_semaphore, #tpu.memory_space<semaphore_mem>>) src(%dma_wait3A_166 : memref<640x128xf32, #tpu.memory_space<vmem_shared>>) dst(%dma_wait3A_164 : memref<640x128xf32, #tpu.memory_space<hbm>>)
        tpu.yield
      }) : () -> ()
    } else {
    }
    %eq3A_145 = arith.constant 15 : i32
    %eq3A_146 = arith.cmpi eq, %arg1, %eq3A_145 : i32
    %convert_element_type3A_147 = arith.extui %eq3A_146 : i1 to i32
    %cond3A_148 = arith.constant 0 : i32
    %cond3A_149 = arith.cmpi ne, %convert_element_type3A_147, %cond3A_148 : i32
    scf.if %cond3A_149 {
      "tpu.region"() ({
        %run_scoped3A = tpu.sem_alloc : memref<!tpu.dma_semaphore, #tpu.memory_space<semaphore_mem>>
        %dma_start3A_151 = arith.constant 0 : i32
        %dma_start3A_152 = arith.constant 0 : i32
        %dma_start3A_153 = tpu.memref_slice %arg9[%arg0, %dma_start3A_151, %dma_start3A_152] : memref<2x10000x128xf32, #tpu.memory_space<hbm>> -> memref<1x10000x128xf32, #tpu.memory_space<hbm>>
        %dma_start3A_154 = tpu.memref_squeeze %dma_start3A_153 : memref<1x10000x128xf32, #tpu.memory_space<hbm>> -> memref<10000x128xf32, #tpu.memory_space<hbm>>
        %dma_start3A_155 = arith.constant 9600 : i32
        %dma_start3A_156 = arith.constant 0 : i32
        %dma_start3A_157 = tpu.memref_slice %dma_start3A_154[%dma_start3A_155, %dma_start3A_156] : memref<10000x128xf32, #tpu.memory_space<hbm>> -> memref<400x128xf32, #tpu.memory_space<hbm>>
        %dma_start3A_158 = arith.constant 9600 : i32
        %dma_start3A_159 = arith.constant 0 : i32
        %dma_start3A_160 = tpu.memref_slice %arg19[%dma_start3A_158, %dma_start3A_159] : memref<10240x128xf32, #tpu.memory_space<vmem_shared>> -> memref<400x128xf32, #tpu.memory_space<vmem_shared>>
        tpu.enqueue_dma source(%dma_start3A_160 : memref<400x128xf32, #tpu.memory_space<vmem_shared>>) target(%dma_start3A_157 : memref<400x128xf32, #tpu.memory_space<hbm>>) target_semaphore(%run_scoped3A : memref<!tpu.dma_semaphore, #tpu.memory_space<semaphore_mem>>)
        %dma_wait3A_161 = arith.constant 0 : i32
        %dma_wait3A_162 = arith.constant 0 : i32
        %dma_wait3A_163 = tpu.memref_slice %arg9[%arg0, %dma_wait3A_161, %dma_wait3A_162] : memref<2x10000x128xf32, #tpu.memory_space<hbm>> -> memref<1x10000x128xf32, #tpu.memory_space<hbm>>
        %dma_wait3A_164 = tpu.memref_squeeze %dma_wait3A_163 : memref<1x10000x128xf32, #tpu.memory_space<hbm>> -> memref<10000x128xf32, #tpu.memory_space<hbm>>
        %dma_wait3A_165 = arith.constant 9600 : i32
        %dma_wait3A_166 = arith.constant 0 : i32
        %dma_wait3A_167 = tpu.memref_slice %dma_wait3A_164[%dma_wait3A_165, %dma_wait3A_166] : memref<10000x128xf32, #tpu.memory_space<hbm>> -> memref<400x128xf32, #tpu.memory_space<hbm>>
        %dma_wait3A_168 = arith.constant 9600 : i32
        %dma_wait3A_169 = arith.constant 0 : i32
        %dma_wait3A_170 = tpu.memref_slice %arg19[%dma_wait3A_168, %dma_wait3A_169] : memref<10240x128xf32, #tpu.memory_space<vmem_shared>> -> memref<400x128xf32, #tpu.memory_space<vmem_shared>>
        tpu.wait_dma2 semaphore(%run_scoped3A : memref<!tpu.dma_semaphore, #tpu.memory_space<semaphore_mem>>) src(%dma_wait3A_170 : memref<400x128xf32, #tpu.memory_space<vmem_shared>>) dst(%dma_wait3A_167 : memref<400x128xf32, #tpu.memory_space<hbm>>)
        tpu.yield
      }) : () -> ()
    } else {
    }
    %barrier3A_150 = arith.constant 0 : index
    tpu.barrier barrier_id(%barrier3A_150)
    return
  }
}

module attributes {stable_mosaic.version = 14 : i64} {
  func.func @_qkv_body(%arg0: i32, %arg1: memref<2000x256xf32, #tpu.memory_space<vmem>>, %arg2: memref<256x768xf32, #tpu.memory_space<vmem>>, %arg3: memref<2000x768xf32, #tpu.memory_space<vmem>>) attributes {dimension_semantics = [#tpu.dimension_semantics<arbitrary>], iteration_bounds = array<i64: 5>, scalar_prefetch = 0 : i64, scratch_operands = 0 : i64, tpu.core_type = #tpu.core_type<tc>, window_params = [{transform_indices = @transform_0, window_bounds = array<i64: 2000, 256>}, {pipeline_mode = #tpu.pipeline_mode<synchronous>, transform_indices = @transform_1, window_bounds = array<i64: 256, 768>}, {transform_indices = @transform_2, window_bounds = array<i64: 2000, 768>}]} {
    %get3A = arith.constant 0 : index
    %get3A_0 = arith.constant 0 : index
    %get3A_1 = vector.load %arg1[%get3A, %get3A_0] : memref<2000x256xf32, #tpu.memory_space<vmem>>, vector<2000x256xf32>
    %get3A_2 = arith.constant 0 : index
    %get3A_3 = arith.constant 0 : index
    %get3A_4 = vector.load %arg2[%get3A_2, %get3A_3] : memref<256x768xf32, #tpu.memory_space<vmem>>, vector<256x768xf32>
    %dot_general3A = arith.constant dense<0.000000e+00> : vector<2000x768xf32>
    %dot_general3A_5 = tpu.matmul %get3A_1, %get3A_4, %dot_general3A {dimension_numbers = #tpu.dot_dimension_numbers<[1], [0], [0], [1], [0, 0, 1, 1], [], []>, transpose_lhs_hint = false} : vector<2000x256xf32>, vector<256x768xf32>, vector<2000x768xf32> -> vector<2000x768xf32>
    %swap3A = arith.constant 0 : index
    %swap3A_6 = arith.constant 0 : index
    %swap3A_7 = vector.load %arg3[%swap3A, %swap3A_6] : memref<2000x768xf32, #tpu.memory_space<vmem>>, vector<2000x768xf32>
    tpu.vector_store %arg3[%swap3A, %swap3A_6], %dot_general3A_5 {strides = array<i32>} : memref<2000x768xf32, #tpu.memory_space<vmem>>, vector<2000x768xf32>,
    return
  }
  func.func @transform_0(%arg0: i32) -> (i32, i32) {
    %c0_i32 = arith.constant 0 : i32
    %c0_i32_0 = arith.constant 0 : i32
    return %arg0, %c0_i32 : i32, i32
  }
  func.func @transform_1(%arg0: i32) -> (i32, i32) {
    %c0_i32 = arith.constant 0 : i32
    %c0_i32_0 = arith.constant 0 : i32
    %c0_i32_1 = arith.constant 0 : i32
    return %c0_i32, %c0_i32_0 : i32, i32
  }
  func.func @transform_2(%arg0: i32) -> (i32, i32) {
    %c0_i32 = arith.constant 0 : i32
    %c0_i32_0 = arith.constant 0 : i32
    return %arg0, %c0_i32 : i32, i32
  }
}

module attributes {stable_mosaic.version = 14 : i64} {
  func.func @_den_body(%arg0: memref<2x10000x16xf32, #tpu.memory_space<vmem>>, %arg1: memref<16x16xf32, #tpu.memory_space<vmem>>, %arg2: memref<10240x8xf32, #tpu.memory_space<vmem>>, %arg3: memref<2x16xf32, #tpu.memory_space<vmem>>) attributes {dimension_semantics = [], scalar_prefetch = 0 : i64, scratch_operands = 0 : i64, tpu.core_type = #tpu.core_type<tc>} {
    %get3A = arith.constant 0 : index
    %get3A_0 = arith.constant 0 : index
    %get3A_1 = vector.load %arg1[%get3A, %get3A_0] : memref<16x16xf32, #tpu.memory_space<vmem>>, vector<1x1xf32>
    %get3A_2 = vector.extract %get3A_1[0, 0] : f32 from vector<1x1xf32>
    %get3A_3 = arith.constant 8 : index
    %get3A_4 = arith.constant 0 : index
    %get3A_5 = vector.load %arg1[%get3A_3, %get3A_4] : memref<16x16xf32, #tpu.memory_space<vmem>>, vector<1x1xf32>
    %get3A_6 = vector.extract %get3A_5[0, 0] : f32 from vector<1x1xf32>
    %max3A = arith.maximumf %get3A_2, %get3A_6 : f32
    %sub3A = arith.subf %get3A_2, %max3A : f32
    %exp3A = math.exp %sub3A : f32
    %sub3A_7 = arith.subf %get3A_6, %max3A : f32
    %exp3A_8 = math.exp %sub3A_7 : f32
    %get3A_9 = arith.constant 0 : index
    %get3A_10 = arith.constant 0 : index
    %get3A_11 = arith.constant 0 : index
    %get3A_12 = vector.load %arg0[%get3A_9, %get3A_10, %get3A_11] : memref<2x10000x16xf32, #tpu.memory_space<vmem>>, vector<1x10000x8xf32>
    %get3A_13 = vector.shape_cast %get3A_12 : vector<1x10000x8xf32> to vector<10000x8xf32>
    %mul3A = vector.broadcast %exp3A : f32 to vector<10000x8xf32>
    %mul3A_14 = arith.mulf %get3A_13, %mul3A : vector<10000x8xf32>
    %get3A_15 = arith.constant 1 : index
    %get3A_16 = arith.constant 0 : index
    %get3A_17 = arith.constant 0 : index
    %get3A_18 = vector.load %arg0[%get3A_15, %get3A_16, %get3A_17] : memref<2x10000x16xf32, #tpu.memory_space<vmem>>, vector<1x10000x8xf32>
    %get3A_19 = vector.shape_cast %get3A_18 : vector<1x10000x8xf32> to vector<10000x8xf32>
    %mul3A_20 = vector.broadcast %exp3A_8 : f32 to vector<10000x8xf32>
    %mul3A_21 = arith.mulf %get3A_19, %mul3A_20 : vector<10000x8xf32>
    %add3A = arith.addf %mul3A_14, %mul3A_21 : vector<10000x8xf32>
    %add3A_22 = arith.constant 1.000000e-16 : f32
    %add3A_23 = vector.broadcast %add3A_22 : f32 to vector<10000x8xf32>
    %add3A_24 = arith.addf %add3A, %add3A_23 : vector<10000x8xf32>
    %div3A = arith.constant 1.000000e+00 : f32
    %div3A_25 = vector.broadcast %div3A : f32 to vector<10000x8xf32>
    %div3A_26 = arith.divf %div3A_25, %add3A_24 : vector<10000x8xf32>
    %broadcast_in_dim3A = arith.constant 1.000000e+00 : f32
    %broadcast_in_dim3A_27 = vector.broadcast %broadcast_in_dim3A : f32 to vector<240x8xf32>
    %concatenate3A = tpu.concatenate %div3A_26, %broadcast_in_dim3A_27 in 0 : vector<10000x8xf32>, vector<240x8xf32> -> vector<10240x8xf32>
    %swap3A = arith.constant 0 : index
    %swap3A_28 = arith.constant 0 : index
    %swap3A_29 = vector.load %arg2[%swap3A, %swap3A_28] : memref<10240x8xf32, #tpu.memory_space<vmem>>, vector<10240x8xf32>
    tpu.vector_store %arg2[%swap3A, %swap3A_28], %concatenate3A {strides = array<i32>} : memref<10240x8xf32, #tpu.memory_space<vmem>>, vector<10240x8xf32>,
    %broadcast_in_dim3A_30 = vector.broadcast %exp3A : f32 to vector<1x16xf32>
    %broadcast_in_dim3A_31 = vector.broadcast %exp3A_8 : f32 to vector<1x16xf32>
    %concatenate3A_32 = tpu.concatenate %broadcast_in_dim3A_30, %broadcast_in_dim3A_31 in 0 : vector<1x16xf32>, vector<1x16xf32> -> vector<2x16xf32>
    %swap3A_33 = arith.constant 0 : index
    %swap3A_34 = arith.constant 0 : index
    %swap3A_35 = vector.load %arg3[%swap3A_33, %swap3A_34] : memref<2x16xf32, #tpu.memory_space<vmem>>, vector<2x16xf32>
    tpu.vector_store %arg3[%swap3A_33, %swap3A_34], %concatenate3A_32 {strides = array<i32>} : memref<2x16xf32, #tpu.memory_space<vmem>>, vector<2x16xf32>,
    return
  }
}

module attributes {stable_mosaic.version = 14 : i64} {
  func.func @_proj_body(%arg0: i32, %arg1: memref<2x2000x128xf32, #tpu.memory_space<vmem>>, %arg2: memref<2x2000x128xf32, #tpu.memory_space<vmem>>, %arg3: memref<2000x8xf32, #tpu.memory_space<vmem>>, %arg4: memref<2000x256xf32, #tpu.memory_space<vmem>>, %arg5: memref<256x256xf32, #tpu.memory_space<vmem>>, %arg6: memref<2000x256xf32, #tpu.memory_space<vmem>>) attributes {dimension_semantics = [#tpu.dimension_semantics<arbitrary>], iteration_bounds = array<i64: 5>, scalar_prefetch = 0 : i64, scratch_operands = 0 : i64, tpu.core_type = #tpu.core_type<tc>, window_params = [{transform_indices = @transform_0, window_bounds = array<i64: 2, 2000, 128>}, {transform_indices = @transform_1, window_bounds = array<i64: 2, 2000, 128>}, {transform_indices = @transform_2, window_bounds = array<i64: 2000, 8>}, {transform_indices = @transform_3, window_bounds = array<i64: 2000, 256>}, {pipeline_mode = #tpu.pipeline_mode<synchronous>, transform_indices = @transform_4, window_bounds = array<i64: 256, 256>}, {transform_indices = @transform_5, window_bounds = array<i64: 2000, 256>}]} {
    %get3A = arith.constant 0 : index
    %get3A_0 = arith.constant 0 : index
    %get3A_1 = vector.load %arg3[%get3A, %get3A_0] : memref<2000x8xf32, #tpu.memory_space<vmem>>, vector<2000x8xf32>
    %get3A_2 = arith.constant 0 : index
    %get3A_3 = arith.constant 0 : index
    %get3A_4 = arith.constant 0 : index
    %get3A_5 = vector.load %arg1[%get3A_2, %get3A_3, %get3A_4] : memref<2x2000x128xf32, #tpu.memory_space<vmem>>, vector<1x2000x128xf32>
    %get3A_6 = vector.shape_cast %get3A_5 : vector<1x2000x128xf32> to vector<2000x128xf32>
    %get3A_7 = arith.constant 1 : index
    %get3A_8 = arith.constant 0 : index
    %get3A_9 = arith.constant 0 : index
    %get3A_10 = vector.load %arg1[%get3A_7, %get3A_8, %get3A_9] : memref<2x2000x128xf32, #tpu.memory_space<vmem>>, vector<1x2000x128xf32>
    %get3A_11 = vector.shape_cast %get3A_10 : vector<1x2000x128xf32> to vector<2000x128xf32>
    %add3A = arith.addf %get3A_6, %get3A_11 : vector<2000x128xf32>
    %reshape3A = vector.shape_cast %add3A : vector<2000x128xf32> to vector<2000x4x32xf32>
    %slice3A = vector.extract_strided_slice %get3A_1 {offsets = [0, 0], sizes = [2000, 4], strides = [1, 1]} : vector<2000x8xf32> to vector<2000x4xf32>
    %broadcast_in_dim3A = vector.shape_cast %slice3A : vector<2000x4xf32> to vector<2000x4x1xf32>
    %mul3A = vector.broadcast %broadcast_in_dim3A : vector<2000x4x1xf32> to vector<2000x4x32xf32>
    %mul3A_12 = arith.mulf %reshape3A, %mul3A : vector<2000x4x32xf32>
    %reshape3A_13 = vector.shape_cast %mul3A_12 : vector<2000x4x32xf32> to vector<2000x128xf32>
    %get3A_14 = arith.constant 0 : index
    %get3A_15 = arith.constant 0 : index
    %get3A_16 = arith.constant 0 : index
    %get3A_17 = vector.load %arg2[%get3A_14, %get3A_15, %get3A_16] : memref<2x2000x128xf32, #tpu.memory_space<vmem>>, vector<1x2000x128xf32>
    %get3A_18 = vector.shape_cast %get3A_17 : vector<1x2000x128xf32> to vector<2000x128xf32>
    %get3A_19 = arith.constant 1 : index
    %get3A_20 = arith.constant 0 : index
    %get3A_21 = arith.constant 0 : index
    %get3A_22 = vector.load %arg2[%get3A_19, %get3A_20, %get3A_21] : memref<2x2000x128xf32, #tpu.memory_space<vmem>>, vector<1x2000x128xf32>
    %get3A_23 = vector.shape_cast %get3A_22 : vector<1x2000x128xf32> to vector<2000x128xf32>
    %add3A_24 = arith.addf %get3A_18, %get3A_23 : vector<2000x128xf32>
    %reshape3A_25 = vector.shape_cast %add3A_24 : vector<2000x128xf32> to vector<2000x4x32xf32>
    %slice3A_26 = vector.extract_strided_slice %get3A_1 {offsets = [0, 4], sizes = [2000, 4], strides = [1, 1]} : vector<2000x8xf32> to vector<2000x4xf32>
    %broadcast_in_dim3A_27 = vector.shape_cast %slice3A_26 : vector<2000x4xf32> to vector<2000x4x1xf32>
    %mul3A_28 = vector.broadcast %broadcast_in_dim3A_27 : vector<2000x4x1xf32> to vector<2000x4x32xf32>
    %mul3A_29 = arith.mulf %reshape3A_25, %mul3A_28 : vector<2000x4x32xf32>
    %reshape3A_30 = vector.shape_cast %mul3A_29 : vector<2000x4x32xf32> to vector<2000x128xf32>
    %concatenate3A = tpu.concatenate %reshape3A_13, %reshape3A_30 in 1 : vector<2000x128xf32>, vector<2000x128xf32> -> vector<2000x256xf32>
    %get3A_31 = arith.constant 0 : index
    %get3A_32 = arith.constant 0 : index
    %get3A_33 = vector.load %arg4[%get3A_31, %get3A_32] : memref<2000x256xf32, #tpu.memory_space<vmem>>, vector<2000x256xf32>
    %get3A_34 = arith.constant 0 : index
    %get3A_35 = arith.constant 0 : index
    %get3A_36 = vector.load %arg5[%get3A_34, %get3A_35] : memref<256x256xf32, #tpu.memory_space<vmem>>, vector<256x256xf32>
    %dot_general3A = arith.constant dense<0.000000e+00> : vector<2000x256xf32>
    %dot_general3A_37 = tpu.matmul %concatenate3A, %get3A_36, %dot_general3A {dimension_numbers = #tpu.dot_dimension_numbers<[1], [0], [0], [1], [0, 0, 1, 1], [], []>, transpose_lhs_hint = false} : vector<2000x256xf32>, vector<256x256xf32>, vector<2000x256xf32> -> vector<2000x256xf32>
    %add3A_38 = arith.addf %get3A_33, %dot_general3A_37 : vector<2000x256xf32>
    %swap3A = arith.constant 0 : index
    %swap3A_39 = arith.constant 0 : index
    %swap3A_40 = vector.load %arg6[%swap3A, %swap3A_39] : memref<2000x256xf32, #tpu.memory_space<vmem>>, vector<2000x256xf32>
    tpu.vector_store %arg6[%swap3A, %swap3A_39], %add3A_38 {strides = array<i32>} : memref<2000x256xf32, #tpu.memory_space<vmem>>, vector<2000x256xf32>,
    return
  }
  func.func @transform_0(%arg0: i32) -> (i32, i32, i32) {
    %c0_i32 = arith.constant 0 : i32
    %c0_i32_0 = arith.constant 0 : i32
    %c0_i32_1 = arith.constant 0 : i32
    return %c0_i32, %arg0, %c0_i32_0 : i32, i32, i32
  }
  func.func @transform_1(%arg0: i32) -> (i32, i32, i32) {
    %c0_i32 = arith.constant 0 : i32
    %c0_i32_0 = arith.constant 0 : i32
    %c0_i32_1 = arith.constant 0 : i32
    return %c0_i32, %arg0, %c0_i32_0 : i32, i32, i32
  }
  func.func @transform_2(%arg0: i32) -> (i32, i32) {
    %c0_i32 = arith.constant 0 : i32
    %c0_i32_0 = arith.constant 0 : i32
    return %arg0, %c0_i32 : i32, i32
  }
  func.func @transform_3(%arg0: i32) -> (i32, i32) {
    %c0_i32 = arith.constant 0 : i32
    %c0_i32_0 = arith.constant 0 : i32
    return %arg0, %c0_i32 : i32, i32
  }
  func.func @transform_4(%arg0: i32) -> (i32, i32) {
    %c0_i32 = arith.constant 0 : i32
    %c0_i32_0 = arith.constant 0 : i32
    %c0_i32_1 = arith.constant 0 : i32
    return %c0_i32, %c0_i32_0 : i32, i32
  }
  func.func @transform_5(%arg0: i32) -> (i32, i32) {
    %c0_i32 = arith.constant 0 : i32
    %c0_i32_0 = arith.constant 0 : i32
    return %arg0, %c0_i32 : i32, i32
  }
}

module attributes {stable_mosaic.version = 14 : i64} {
  func.func @_bn_body(%arg0: memref<10000x256xf32, #tpu.memory_space<vmem>>, %arg1: memref<1x256xf32, #tpu.memory_space<vmem>>, %arg2: memref<1x256xf32, #tpu.memory_space<vmem>>, %arg3: memref<10000x256xf32, #tpu.memory_space<vmem>>) attributes {dimension_semantics = [], scalar_prefetch = 0 : i64, scratch_operands = 0 : i64, tpu.core_type = #tpu.core_type<tc>} {
    %get3A = arith.constant 0 : index
    %get3A_0 = arith.constant 0 : index
    %get3A_1 = vector.load %arg0[%get3A, %get3A_0] : memref<10000x256xf32, #tpu.memory_space<vmem>>, vector<10000x256xf32>
    %reduce_sum3A = arith.constant dense<0.000000e+00> : vector<256xf32>
    %reduce_sum3A_2 = vector.multi_reduction <add>, %get3A_1, %reduce_sum3A [0] : vector<10000x256xf32> to vector<256xf32>
    %broadcast_in_dim3A = vector.shape_cast %reduce_sum3A_2 : vector<256xf32> to vector<1x256xf32>
    %div3A = arith.constant 1.000000e+04 : f32
    %div3A_3 = vector.broadcast %div3A : f32 to vector<1x256xf32>
    %div3A_4 = arith.divf %broadcast_in_dim3A, %div3A_3 : vector<1x256xf32>
    %sub3A = vector.broadcast %div3A_4 : vector<1x256xf32> to vector<10000x256xf32>
    %sub3A_5 = arith.subf %get3A_1, %sub3A : vector<10000x256xf32>
    %integer_pow3A = arith.mulf %sub3A_5, %sub3A_5 : vector<10000x256xf32>
    %reduce_sum3A_6 = arith.constant dense<0.000000e+00> : vector<256xf32>
    %reduce_sum3A_7 = vector.multi_reduction <add>, %integer_pow3A, %reduce_sum3A_6 [0] : vector<10000x256xf32> to vector<256xf32>
    %broadcast_in_dim3A_8 = vector.shape_cast %reduce_sum3A_7 : vector<256xf32> to vector<1x256xf32>
    %div3A_9 = arith.constant 1.000000e+04 : f32
    %div3A_10 = vector.broadcast %div3A_9 : f32 to vector<1x256xf32>
    %div3A_11 = arith.divf %broadcast_in_dim3A_8, %div3A_10 : vector<1x256xf32>
    %sub3A_12 = vector.broadcast %div3A_4 : vector<1x256xf32> to vector<10000x256xf32>
    %sub3A_13 = arith.subf %get3A_1, %sub3A_12 : vector<10000x256xf32>
    %add3A = arith.constant 9.99999974E-6 : f32
    %add3A_14 = vector.broadcast %add3A : f32 to vector<1x256xf32>
    %add3A_15 = arith.addf %div3A_11, %add3A_14 : vector<1x256xf32>
    %rsqrt3A = math.rsqrt %add3A_15 : vector<1x256xf32>
    %mul3A = vector.broadcast %rsqrt3A : vector<1x256xf32> to vector<10000x256xf32>
    %mul3A_16 = arith.mulf %sub3A_13, %mul3A : vector<10000x256xf32>
    %get3A_17 = arith.constant 0 : index
    %get3A_18 = arith.constant 0 : index
    %get3A_19 = vector.load %arg1[%get3A_17, %get3A_18] : memref<1x256xf32, #tpu.memory_space<vmem>>, vector<1x256xf32>
    %mul3A_20 = vector.broadcast %get3A_19 : vector<1x256xf32> to vector<10000x256xf32>
    %mul3A_21 = arith.mulf %mul3A_20, %mul3A_16 : vector<10000x256xf32>
    %get3A_22 = arith.constant 0 : index
    %get3A_23 = arith.constant 0 : index
    %get3A_24 = vector.load %arg2[%get3A_22, %get3A_23] : memref<1x256xf32, #tpu.memory_space<vmem>>, vector<1x256xf32>
    %add3A_25 = vector.broadcast %get3A_24 : vector<1x256xf32> to vector<10000x256xf32>
    %add3A_26 = arith.addf %mul3A_21, %add3A_25 : vector<10000x256xf32>
    %swap3A = arith.constant 0 : index
    %swap3A_27 = arith.constant 0 : index
    %swap3A_28 = vector.load %arg3[%swap3A, %swap3A_27] : memref<10000x256xf32, #tpu.memory_space<vmem>>, vector<10000x256xf32>
    tpu.vector_store %arg3[%swap3A, %swap3A_27], %add3A_26 {strides = array<i32>} : memref<10000x256xf32, #tpu.memory_space<vmem>>, vector<10000x256xf32>,
    return
  }
}

</mosaic_0001>

<sc_bundles>
// kernel: kernel.11.cloned.1.call-start
scs
__scs_entry_jumppad:
0x0: {  	(pc) =	sbr.rel $0x88, $3  }
0x1: {  	(tag) =	ssettag $0x0;
	lr =	simm.s32 $0x1  }
0x2: {  	[smem:$0x3F99] =	sst lr;
	_ =	strace $0xD0000000  }
0x3: {  	_ = 	snop  }
0x4: {  	_ = 	snop  }
0x5: {  	_ = 	snop  }
0x6: {  	_ = 	snop  }
0x7: {  	_ = 	snop  }
__scs_overlays_trampoline_lowered:
0x8: {  	[smem:$0x3FA8] =	sst s0  }
0x9: {  	[smem:$0x3FA9] =	sst s1  }
0xa: {  	[smem:$0x3FAA] =	sst s2  }
0xb: {  	[smem:$0x3FAB] =	sst s3  }
0xc: {  	[smem:$0x3FAC] =	sst s4  }
0xd: {  	[smem:$0x3FAD] =	sst s5  }
0xe: {  	[smem:$0x3FAE] =	sst s6  }
0xf: {  	[smem:$0x3FAF] =	sst s7  }
0x10: {  	[smem:$0x3FB0] =	sst s8  }
0x11: {  	[smem:$0x3FB1] =	sst s9;
	s0 =	simm.s32 @!p0 $0x0  }
0x12: {  	s1 =	sld [smem:$0x3F97];
	s0 =	simm.s32 @p0 $0x1  }
0x13: {  	[smem:$0x3FB2] =	sst s0;
	s0 =	simm.s32 @!p1 $0x0  }
0x14: {  	s2 =	sld [smem:$0x3F96];
	s0 =	simm.s32 @p1 $0x1  }
0x15: {  	[smem:$0x3FB3] =	sst s0;
	s0 =	simm.s32 @!p2 $0x0  }
0x16: {  	s3 =	sld [smem:$0x3FDB];
	s0 =	simm.s32 @p2 $0x1  }
0x17: {  	s4 =	simm.s32 $0x1BF5;
	[smem:$0x3FB5] =	sst s0  }
0x18: {  	s0 =	sld [smem:$0x3F98];
	_ =	swait.ge [sflag:s4], $0x0  }
0x19: {  	s7 =	sld [smem:$0x3F99]  }
0x1a: {  	s8 =	sadd.s32 $0xFFFFE003, lr  }
0x1b: {  	s9 =	sadd.s32 $0xFFFFFEF7, lr;
	s5 =	simm.s32 $0xFFFFFFFF;
	p2 =	slt.u32 s8, $0xFFFFF086  }
0x1c: {  	p1 =	slt.u32 s9, $0xF7A;
	s5 =	simm.s32 @!p2 $0x0  }
0x1d: {  	s5 =	simm.s32 @p1 $0x1;
	p0 =	seq.s32 s7, s2  }
0x1e: {  	s7 =	smul.u32 @!p0 $0xF7A, s2;
	p2 =	seq.s32 @!p0 s5, $0x0  }
0x1f: {  	s9 =	smul.u32 $0xF7A, s1;
	s8 =	simm.s32 @!p0 $0x1BF5;
	p2 =	por !p2, p0  }
0x20: {  	[sflag:s8] =	ssyncset.s32 @!p0 $0xFFFFF086;
	s6 =	sadd.s32 @!p0 s3, s7;
	s7 =	simm.s32 @!p0 $0x108  }
0x21: {  	s3 =	sadd.s32 s3, s9;
	s6 =	sadd.s32 @!p0 $0x88, s6;
	s7 =	simm.s32 @p2 $0x1082  }
0x22: {  	[simem:s7], [sflag:s8] =	dma.local @!p0 [hbm:s6], $0xF7A  }
0x23: {  	s9 =	sor.u32 $0xD0000000, s2;
	s6 =	simm.s32 $0x108;
	_ =	swait.ge @!p0 [sflag:s8], $0x0  }
0x24: {  	s3 =	sadd.s32 $0x88, s3;
	s6 =	simm.s32 @!p1 $0x1082;
	[sflag:s4] =	ssyncset.s32 $0xFFFFF086  }
0x25: {  	[simem:s6], [sflag:s4] =	dma.local [hbm:s3], $0xF7A  }
0x26: {  	[smem:$0x3F99] =	sst s1;
	(tag) =	ssettag s2;
	_ =	strace s9  }
0x27: {  	s1 =	sld [smem:$0x3FA9]  }
0x28: {  	s2 =	sld [smem:$0x3FAA]  }
0x29: {  	s4 =	sld [smem:$0x3FAC]  }
0x2a: {  	p0 =	seq.s32 s5, $0x0;
	s5 =	sld [smem:$0x3FAD]  }
0x2b: {  	s6 =	sld [smem:$0x3FAE]  }
0x2c: {  	s7 =	sld [smem:$0x3FAF]  }
0x2d: {  	s3 =	simm.s32 $0x108;
	s8 =	sld [smem:$0x3FB0]  }
0x2e: {  	s3 =	simm.s32 @!p0 $0x1082;
	s9 =	sld [smem:$0x3FB1]  }
0x2f: {  	lr =	sadd.s32 s0, s3;
	s0 =	sld [smem:$0x3FA8]  }
0x30: {  	s3 =	sld [smem:$0x3FAB]  }
0x31: {  	[smem:$0x3FB4] =	sst s10  }
0x32: {  	s10 =	sld [smem:$0x3FB2];
	_ =	sdelay $0x3  }
0x33: {  	p0 =	seq.s32 s10, $0x1;
	s10 =	sld [smem:$0x3FB4];
	_ =	sdelay $0x3  }
0x34: {  	[smem:$0x3FB4] =	sst s10  }
0x35: {  	s10 =	sld [smem:$0x3FB3];
	_ =	sdelay $0x3  }
0x36: {  	p1 =	seq.s32 s10, $0x1;
	s10 =	sld [smem:$0x3FB4];
	_ =	sdelay $0x3  }
0x37: {  	[smem:$0x3FB4] =	sst s10  }
0x38: {  	s10 =	sld [smem:$0x3FB5]  }
0x39: {  	_ = 	snop;
	(pc) =	sbr.ind lr, $3  }
0x3a: {  	_ = 	snop  }
0x3b: {  	_ = 	snop  }
0x3c: {  	p2 =	seq.s32 s10, $0x1;
	s10 =	sld [smem:$0x3FB4]  }
0x3d: {  	_ =	shalt  }
0x3e: {  	_ =	shalt  }
0x3f: {  	_ =	shalt  }
0x40: {  	_ =	shalt  }
0x41: {  	_ =	shalt  }
0x42: {  	_ =	shalt  }
0x43: {  	_ =	shalt  }
0x44: {  	_ =	shalt  }
0x45: {  	_ =	shalt  }
0x46: {  	_ =	shalt  }
0x47: {  	_ =	shalt  }
0x48: {  	_ =	shalt  }
0x49: {  	_ =	shalt  }
0x4a: {  	_ =	shalt  }
0x4b: {  	_ =	shalt  }
0x4c: {  	_ =	shalt  }
0x4d: {  	_ =	shalt  }
0x4e: {  	_ =	shalt  }
0x4f: {  	_ =	shalt  }
0x50: {  	_ =	shalt  }
0x51: {  	_ =	shalt  }
0x52: {  	_ =	shalt  }
0x53: {  	_ =	shalt  }
0x54: {  	_ =	shalt  }
0x55: {  	_ =	shalt  }
0x56: {  	_ =	shalt  }
0x57: {  	_ =	shalt  }
0x58: {  	_ =	shalt  }
0x59: {  	_ =	shalt  }
0x5a: {  	_ =	shalt  }
0x5b: {  	_ =	shalt  }
0x5c: {  	_ =	shalt  }
0x5d: {  	_ =	shalt  }
0x5e: {  	_ =	shalt  }
0x5f: {  	_ =	shalt  }
0x60: {  	_ =	shalt  }
0x61: {  	_ =	shalt  }
0x62: {  	_ =	shalt  }
0x63: {  	_ =	shalt  }
0x64: {  	_ =	shalt  }
0x65: {  	_ =	shalt  }
0x66: {  	_ =	shalt  }
0x67: {  	_ =	shalt  }
0x68: {  	_ =	shalt  }
0x69: {  	_ =	shalt  }
0x6a: {  	_ =	shalt  }
0x6b: {  	_ =	shalt  }
0x6c: {  	_ =	shalt  }
0x6d: {  	_ =	shalt  }
0x6e: {  	_ =	shalt  }
0x6f: {  	_ =	shalt  }
0x70: {  	_ =	shalt  }
0x71: {  	_ =	shalt  }
0x72: {  	_ =	shalt  }
0x73: {  	_ =	shalt  }
0x74: {  	_ =	shalt  }
0x75: {  	_ =	shalt  }
0x76: {  	_ =	shalt  }
0x77: {  	_ =	shalt  }
0x78: {  	_ =	shalt  }
0x79: {  	_ =	shalt  }
0x7a: {  	_ =	shalt  }
0x7b: {  	_ =	shalt  }
0x7c: {  	_ =	shalt  }
0x7d: {  	_ =	shalt  }
0x7e: {  	_ =	shalt  }
0x7f: {  	_ =	shalt  }
0x80: {  	_ =	shalt  }
0x81: {  	_ =	shalt  }
0x82: {  	_ =	shalt  }
0x83: {  	_ =	shalt  }
0x84: {  	_ =	shalt  }
0x85: {  	_ =	shalt  }
0x86: {  	_ =	shalt  }
0x87: {  	_ =	shalt  }
.Lfunc_end0:
.L_simem_size_0:
called_computation.1_lowered:
.L_overlay_start_0:
0x88: {  	s2 =	sld [smem:$0x3FD9]  }
0x89: {  	s3 =	sld [smem:$0x3FFE];
	_ =	sdelay $0x1  }
0x8a: {  	s1 =	srdreg.scid  }
0x8b: {  	s0 =	sand.u32 $0x1, s1  }
0x8c: {  	s17 =	sshll.u32 s0, $0xA;
	s2 =	sadd.s32 s3, s2  }
0x8d: {  	s2 =	sadd.s32 s2, s17  }
0x8e: {  	[smem:$0x3FC0] =	sst s2  }
0x8f: {  	_ = 	snop  }
0x90: {  	s2 =	sld [smem:$0x3FD0];
	(tm) =	ssettm $0x1  }
0x91: {  	s18 =	sld [smem:$0x3FFB];
	_ =	sdelay $0x3  }
0x92: {  	_ =	strace s18  }
0x93: {  	s3 =	sld [smem:$0x3FFC];
	_ =	sdelay $0x3  }
0x94: {  	_ =	strace s3  }
0x95: {  	s3 =	sld [smem:$0x3FFD];
	_ =	sdelay $0x3  }
0x96: {  	_ =	strace s3  }
0x97: {  	_ =	strace $0x8FFFFFFF  }
0x98: {  	s19 =	sld [smem:$0x3FDB];
	_ =	sdelay $0x1  }
0x99: {  	s4 =	simm.s32 $_scs_section_size  }
0x9a: {  	s5 =	simm.s32 $_size__tile_overlayer_lowered;
	s6 =	simm.s32 $_tile_overlayer_lowered  }
0x9b: {  	s22 =	simm.s32 $0x1BFF;
	s21 =	sshll.u32 s6, $0x1;
	s3 =	sadd.s32 s4, s19  }
0x9c: {  	s7 =	simm.s32 $0x0;
	s20 =	sshll.u32 s5, $0x1;
	s5 =	sadd.s32 s21, s3  }
0x9d: {  	[timem:s7], [sflag:s22] =	dma.local [hbm:s5], s20  }
0x9e: {  	_ =	swait.ge [sflag:s22], s20  }
0x9f: {  	s4 =	ssub.s32 $0x0, s20;
	[sflag:s22] =	ssyncset.done $0x0  }
0xa0: {  	[sflag:s22] =	ssyncadd.s32 s4;
	_ =	sdelay $0x1  }
0xa1: {  	s23 =	simm.s32 $0x1B8B  }
0xa2: {  	_ =	swait.ge [sflag:s23], $0x1  }
0xa3: {  	[sflag:s23] =	ssyncset.done $0x0  }
0xa4: {  	s25 =	simm.s32 $0x1B8E;
	s24 =	sld [smem:$0x3FFE];
	[sflag:s23] =	ssyncadd.s32 $0xFFFFFFFF  }
0xa5: {  	s26 =	simm.s32 $execute0_lowered;
	[smem:$0x3FD2] =	sst s25  }
0xa6: {  	s5 =	sshll.u32 s26, $0x1;
	_ =	strace $0x80000049;
	[dreg:$0x1] =	wrdreg $0xFFFFFFFF  }
0xa7: {  	s28 =	simm.s32 $_size_execute0_lowered;
	s3 =	sadd.s32 s3, s5;
	[dreg:$0x0] =	wrdreg $0x0  }
0xa8: {  	s5 =	sshll.u32 s28, $0x1;
	[dreg:$0x2] =	wrdreg s3  }
0xa9: {  	[dreg:$0x3] =	wrdreg s5  }
0xaa: {  	[dreg:$0x4] =	wrdreg $0xC0  }
0xab: {  	_ =	task [dreg:s7], $0x5FFFF  }
0xac: {  	[dreg:$0x1] =	wrdreg $0xFFFFFFFF  }
0xad: {  	[dreg:$0x0] =	wrdreg $0x60  }
0xae: {  	[dreg:$0x2] =	wrdreg s24  }
0xaf: {  	[dreg:$0x3] =	wrdreg s2  }
0xb0: {  	[dreg:$0x4] =	wrdreg $0xB0200  }
0xb1: {  	[dreg:$0x5] =	wrdreg $0x9  }
0xb2: {  	_ =	task.clear_ibuf [dreg:s7], $0x6FFFF;
	_ =	strace $0x90000049  }
0xb3: {  	s29 =	simm.s32 $0x9;
	_ =	strace $0x8000004B  }
0xb4: {  	_ =	swait.ge [sflag:s29], $0x1  }
0xb5: {  	[sflag:s29] =	ssyncadd.s32 $0xFFFFFFFF  }
0xb6: {  	_ =	strace $0x9000004B  }
0xb7: {  	_ =	sfence  }
0xb8: {  	s30 =	sld [smem:$0x0];
	_ =	sdelay $0x2  }
0xb9: {  	s31 =	sshll.u32 s1, $0xD;
	s1 =	sshrl.u32 s1, $0x2  }
0xba: {  	s3 =	sand.u32 $0x4000, s31;
	s1 =	sadd.s32 s1, s30  }
0xbb: {  	s0 =	sor.u32 s3, s0;
	s1 =	sshll.u32 s1, $0x11  }
0xbc: {  	s0 =	sor.u32 s1, s0  }
0xbd: {  	s0 =	sadd.s32 $0x8F2B, s0  }
0xbe: {  	[sflag:s0] =	ssyncadd.remote.s32 $0x1  }
0xbf: {  	_ =	sfence.sel $0xFFFF  }
0xc0: {  	[dreg:$0x0] =	wrdreg $0xFFFFFFFF;
	(pc) =	sbr.abs _section_cstart, $3  }
0xc1: {  	[dreg:$0x1] =	wrdreg $0xFFFFFFFF  }
0xc2: {  	_ =	task.clear_ibuf [dreg:s7], $0x2FFFF;
	_ =	strace $0x9FFFFFFF  }
0xc3: {  	(tm) =	ssettm $0x7FFFFFFF  }
tec
execute0_lowered:
.L_overlay_start_1:
0x0: {  	(tag) =	ssettag $0x1  }
0x1: {  	s1 =	rddreg [dreg:$0x0]  }
0x2: {  	s0 =	srdreg.scid;
	s2 =	rddreg [dreg:$0x1]  }
0x3: {  	s14 =	stileid.u32;
	s3 =	rddreg [dreg:$0x2]  }
0x4: {  	s31 =	simm.s32 $0x8;
	s30 =	simm.s32 $0x4000;
	s0 =	sand.u32 $0x1, s0  }
0x5: {  	s6 =	sadd.s32 $0x1ED200, s1;
	s7 =	sadd.s32 $0x1C6000, s1;
	s13 =	smul.u32 $0x50000, s14  }
0x6: {  	s12 =	sadd.s32 $0xB800, s1;
	s4 =	sshll.u32 s0, $0x4;
	s11 =	smul.u32 $0x27100, s0  }
0x7: {  	[dreg:$0x4] =	wrdreg s4;
	s9 =	sor.u32 s14, s4;
	s4 =	simm.s32 $0x0  }
0x8: {  	s15 =	smul.u32 $0x14000, s14;
	s18 =	sadd.s32 $0x12C000, s3;
	[smem:$0x7FF] =	sst s4  }
0x9: {  	s2 =	sadd.s32 s2, s11;
	_ =	strace $0x8000004A;
	[dreg:$0x5] =	wrdreg s12  }
0xa: {  	s0 =	ssub.s32 $0x2, s0;
	s16 =	sshrl.u32 s15, $0x3;
	[dreg:$0x9] =	wrdreg s2  }
0xb: {  	s26 =	sshrl.u32 s0, $0x1;
	s17 =	sadd.s32 s15, s3;
	[dreg:$0xa] =	wrdreg s16  }
0xc: {  	s13 =	sshrl.u32 s13, $0x2;
	s0 =	ssub.s32 s0, s26;
	[dreg:$0xb] =	wrdreg s17  }
0xd: {  	s29 =	sadd.s32 s13, s3;
	[dreg:$0xc] =	wrdreg s18;
	s0 =	smax.u32 s0, $0x1  }
0xe: {  	p0 =	seq.s32 s14, $0xF;
	s19 =	sadd.s32 $0x2000, s29;
	[dreg:$0xe] =	wrdreg s0  }
0xf: {  	s5 =	smul.u32 $0x1400, s9;
	s20 =	sadd.s32 $0x4000, s29;
	[dreg:$0xf] =	wrdreg s19  }
0x10: {  	s9 =	smul.u32 $0x2800, s9;
	s21 =	sadd.s32 $0x6000, s29;
	[dreg:$0x10] =	wrdreg s20  }
0x11: {  	s13 =	simm.s32 $0x6000;
	s22 =	sadd.s32 $0x8000, s29;
	[dreg:$0x11] =	wrdreg s21  }
0x12: {  	s23 =	sadd.s32 $0xA000, s29;
	s24 =	sadd.s32 $0xC000, s29;
	[dreg:$0x12] =	wrdreg s22  }
0x13: {  	s25 =	sadd.s32 $0xE000, s29;
	s26 =	sadd.s32 $0x10000, s29;
	[dreg:$0x13] =	wrdreg s23  }
0x14: {  	s16 =	simm.s32 $0x8400;
	s17 =	simm.s32 $0x1;
	[dreg:$0x14] =	wrdreg s24  }
0x15: {  	s2 =	simm.s32 $0x2;
	s8 =	sshrl.u32 s5, $0x3;
	[dreg:$0x15] =	wrdreg s25  }
0x16: {  	s18 =	simm.s32 $0x0;
	[dreg:$0x16] =	wrdreg s26;
	s10 =	sadd.s32 s8, s1  }
0x17: {  	s0 =	simm.s32 $0x7;
	s19 =	simm.s32 $0x3;
	s28 =	sadd.s32 $0x1800, s10  }
0x18: {  	s8 =	sadd.s32 $0x176000, s1;
	s10 =	sadd.s32 $0x6800, s10;
	[dreg:$0x6] =	wrdreg s28  }
0x19: {  	s1 =	sadd.s32 s11, s1;
	s9 =	sadd.s32 s8, s9;
	[dreg:$0x7] =	wrdreg s10  }
0x1a: {  	s11 =	simm.s32 $0x2000;
	s1 =	sadd.s32 $0xBA00, s1;
	[dreg:$0x8] =	wrdreg s9  }
0x1b: {  	[dreg:$0xd] =	wrdreg s1;
	s28 =	sadd.s32 $0x12000, s29;
	s9 =	simm.s32 $0x40  }
0x1c: {  	v0 =	vimm.f32 $0.0e+00;
	s10 =	simm.s32 $0x8000;
	s1 =	simm.s32 $0x4;
	[dreg:$0x17] =	wrdreg s28  }
.LBB2_1:
0x1d: {  	s12 =	rddreg [dreg:$0x6];
	s14 =	simm.s32 $0x8800  }
0x1e: {  	[tilespmem:s14], [sflag:$0x8] =	stream.linear.gather [hbm4b:s12+s4], $0x1400, $0x38;
	[tilespmem:$0x1F020] =	vst v63  }
0x1f: {  	_ =	swait.ge [sflag:s31], $0x1400  }
0x20: {  	[sflag:s31] =	ssyncset.done $0x0  }
0x21: {  	s24 =	simm.s32 $0x9C00;
	s23 =	rddreg [dreg:$0x7];
	[sflag:s31] =	ssyncadd.s32 $0xFFFFEC00  }
0x22: {  	[tilespmem:s24], [sflag:$0x8] =	stream.linear.gather [hbm4b:s23+s4], $0x1400, $0x38;
	[tilespmem:$0x1F020] =	vst v63  }
0x23: {  	_ =	swait.ge [sflag:s31], $0x1400  }
0x24: {  	[sflag:s31] =	ssyncset.done $0x0  }
0x25: {  	s26 =	simm.s32 $0xB000;
	s25 =	rddreg [dreg:$0x5];
	[sflag:s31] =	ssyncadd.s32 $0xFFFFEC00  }
0x26: {  	[tilespmem:s26], [sflag:$0x8] =	stream.linear.gather [hbm4b:s25+s4], $0x20, $0x38;
	[tilespmem:$0x1F020] =	vst v63  }
0x27: {  	_ =	swait.ge [sflag:s31], $0x20  }
0x28: {  	[sflag:s31] =	ssyncset.done $0x0  }
0x29: {  	s28 =	rddreg [dreg:$0x4];
	[sflag:s31] =	ssyncadd.s32 $0xFFFFFFE0  }
0x2a: {  	s20 =	simm.s32 $0x200;
	s12 =	simm.s32 $0x0;
	v1 =	vld [tilespmem:s28+$0xB000]  }
.LBB2_2:
0x2b: {  	p1 =	sne.s32 s20, $0x7E00;
	[tilespmem:s12+$0x4070] =	vst v0  }
0x2c: {  	[tilespmem:s12+$0x4000] =	vst v0  }
0x2d: {  	[tilespmem:s12+$0x4010] =	vst v0  }
.Ltmp0:
0x2e: {  	[tilespmem:s12+$0x4020] =	vst v0;
	(pc) =	sbr.rel @p1 .LBB2_2-.Ltmp0, $4  }
0x2f: {  	[tilespmem:s12+$0x4030] =	vst v0  }
0x30: {  	[tilespmem:s12+$0x4040] =	vst v0  }
0x31: {  	[tilespmem:s12+$0x4050] =	vst v0  }
0x32: {  	[tilespmem:s12+$0x4060] =	vst v0;
	s12 =	sshra.s32 s20, $0x2;
	s20 =	sadd.s32 $0x200, s20  }
0x33: {  	[tilespmem:s12+$0x4070] =	vst v0  }
0x34: {  	[tilespmem:s12+$0x4000] =	vst v0  }
0x35: {  	[tilespmem:s12+$0x4010] =	vst v0  }
0x36: {  	[tilespmem:s12+$0x4020] =	vst v0  }
0x37: {  	[tilespmem:s12+$0x4030] =	vst v0  }
0x38: {  	[tilespmem:s12+$0x4040] =	vst v0  }
0x39: {  	[tilespmem:s12+$0x4050] =	vst v0  }
0x3a: {  	[tilespmem:s12+$0x4060] =	vst v0  }
0x3b: {  	[spmem:s29] =	stream.linear.scatter [tilespmem:s30], [sflag:$0x7], $0x2000, $0x38;
	[tilespmem:$0x1F020] =	vst v63  }
0x3c: {  	s28 =	rddreg [dreg:$0xf]  }
0x3d: {  	[spmem:s28] =	stream.linear.scatter [tilespmem:s30], [sflag:$0x7], $0x2000, $0x38;
	[tilespmem:$0x1F020] =	vst v63  }
0x3e: {  	s14 =	rddreg [dreg:$0x10]  }
0x3f: {  	[spmem:s14] =	stream.linear.scatter [tilespmem:s30], [sflag:$0x7], $0x2000, $0x38;
	[tilespmem:$0x1F020] =	vst v63  }
0x40: {  	s15 =	rddreg [dreg:$0x11]  }
0x41: {  	[spmem:s15] =	stream.linear.scatter [tilespmem:s30], [sflag:$0x7], $0x2000, $0x38;
	[tilespmem:$0x1F020] =	vst v63  }
0x42: {  	s20 =	rddreg [dreg:$0x12]  }
0x43: {  	[spmem:s20] =	stream.linear.scatter [tilespmem:s30], [sflag:$0x7], $0x2000, $0x38;
	[tilespmem:$0x1F020] =	vst v63  }
0x44: {  	s21 =	rddreg [dreg:$0x13]  }
0x45: {  	[spmem:s21] =	stream.linear.scatter [tilespmem:s30], [sflag:$0x7], $0x2000, $0x38;
	[tilespmem:$0x1F020] =	vst v63  }
0x46: {  	s22 =	rddreg [dreg:$0x14]  }
0x47: {  	[spmem:s22] =	stream.linear.scatter [tilespmem:s30], [sflag:$0x7], $0x2000, $0x38;
	[tilespmem:$0x1F020] =	vst v63  }
0x48: {  	s23 =	rddreg [dreg:$0x15]  }
0x49: {  	[spmem:s23] =	stream.linear.scatter [tilespmem:s30], [sflag:$0x7], $0x2000, $0x38;
	[tilespmem:$0x1F020] =	vst v63  }
0x4a: {  	s24 =	rddreg [dreg:$0x16]  }
0x4b: {  	[spmem:s24] =	stream.linear.scatter [tilespmem:s30], [sflag:$0x7], $0x2000, $0x38;
	[tilespmem:$0x1F020] =	vst v63  }
0x4c: {  	s25 =	rddreg [dreg:$0x17]  }
0x4d: {  	[spmem:s25] =	stream.linear.scatter [tilespmem:s30], [sflag:$0x7], $0x2000, $0x38;
	[tilespmem:$0x1F020] =	vst v63  }
0x4e: {  	_ =	swait.ge [sflag:s0], $0x2000  }
0x4f: {  	[sflag:s0] =	ssyncset.done $0x0  }
0x50: {  	[sflag:s0] =	ssyncadd.s32 $0xFFFFE000  }
0x51: {  	_ =	swait.ge [sflag:s0], $0x2000  }
0x52: {  	[sflag:s0] =	ssyncset.done $0x0  }
0x53: {  	[sflag:s0] =	ssyncadd.s32 $0xFFFFE000  }
0x54: {  	_ =	swait.ge [sflag:s0], $0x2000  }
0x55: {  	[sflag:s0] =	ssyncset.done $0x0  }
0x56: {  	[sflag:s0] =	ssyncadd.s32 $0xFFFFE000  }
0x57: {  	_ =	swait.ge [sflag:s0], $0x2000  }
0x58: {  	[sflag:s0] =	ssyncset.done $0x0  }
0x59: {  	[sflag:s0] =	ssyncadd.s32 $0xFFFFE000  }
0x5a: {  	_ =	swait.ge [sflag:s0], $0x2000  }
0x5b: {  	[sflag:s0] =	ssyncset.done $0x0  }
0x5c: {  	[sflag:s0] =	ssyncadd.s32 $0xFFFFE000  }
0x5d: {  	_ =	swait.ge [sflag:s0], $0x2000  }
0x5e: {  	[sflag:s0] =	ssyncset.done $0x0  }
0x5f: {  	[sflag:s0] =	ssyncadd.s32 $0xFFFFE000  }
0x60: {  	_ =	swait.ge [sflag:s0], $0x2000  }
0x61: {  	[sflag:s0] =	ssyncset.done $0x0  }
0x62: {  	[sflag:s0] =	ssyncadd.s32 $0xFFFFE000  }
0x63: {  	_ =	swait.ge [sflag:s0], $0x2000  }
0x64: {  	[sflag:s0] =	ssyncset.done $0x0  }
0x65: {  	[sflag:s0] =	ssyncadd.s32 $0xFFFFE000  }
0x66: {  	_ =	swait.ge [sflag:s0], $0x2000  }
0x67: {  	[sflag:s0] =	ssyncset.done $0x0  }
0x68: {  	[sflag:s0] =	ssyncadd.s32 $0xFFFFE000  }
0x69: {  	_ =	swait.ge [sflag:s0], $0x2000  }
0x6a: {  	[sflag:s0] =	ssyncset.done $0x0  }
0x6b: {  	[sflag:s0] =	ssyncadd.s32 $0xFFFFE000  }
0x6c: {  	s26 =	simm.s32 $0x9C00;
	s20 =	simm.s32 $0x0;
	[bflag:$0x0] =	sbarrier.arrive $0xFFFF  }
0x6d: {  	[tilespmem:s20], [sflag:$0x1] =	stream.indirect.gather [hbm4b:s6+s9], $0x80, s26, s9, $0xb8;
	[tilespmem:$0x1F020] =	vst v63  }
0x6e: {  	s28 =	rddreg [dreg:$0x8]  }
0x6f: {  	[tilespmem:s10], [sflag:$0x3] =	stream.linear.gather [hbm4b:s28+s20], $0x400, $0x38;
	[tilespmem:$0x1F020] =	vst v63  }
.LBB2_4:
0x70: {  	s22 =	sshll.u32 s20, $0x7  }
0x71: {  	s21 =	sor.u32 $0x40, s22;
	s12 =	sadd.s32 $0x9C40, s22  }
0x72: {  	[tilespmem:s11], [sflag:$0x2] =	stream.indirect.gather [hbm4b:s6+s9], $0x80, s12, s9, $0xb8;
	[tilespmem:$0x1F020] =	vst v63  }
0x73: {  	s23 =	sadd.s32 s5, s21  }
0x74: {  	s12 =	sshll.u32 s23, $0x1  }
0x75: {  	s12 =	sand.u32 $0x1FFFFF80, s12  }
0x76: {  	s12 =	sadd.s32 s8, s12  }
0x77: {  	[tilespmem:s16], [sflag:$0x4] =	stream.linear.gather [hbm4b:s12+s4], $0x400, $0x38;
	[tilespmem:$0x1F020] =	vst v63  }
0x78: {  	_ =	swait.ge [sflag:s17], $0x2000  }
0x79: {  	[sflag:s17] =	ssyncset.done $0x0  }
0x7a: {  	[sflag:s17] =	ssyncadd.s32 $0xFFFFE000  }
0x7b: {  	s24 =	simm.s32 $0x0;
	_ =	swait.ge [sflag:s19], $0x400  }
0x7c: {  	p1 =	seq.s32 s20, $0x0;
	v2 =	vmov s24;
	[sflag:s19] =	ssyncset.done $0x0  }
0x7d: {  	s12 =	simm.s32 @!p1 $0x5;
	[sflag:s19] =	ssyncadd.s32 $0xFFFFFC00  }
0x7e: {  	_ =	swait.ge @!p1 [sflag:s12], $0x2000  }
0x7f: {  	[sflag:s12] =	ssyncset.done @!p1 $0x0  }
0x80: {  	[sflag:s12] =	ssyncadd.s32 @!p1 $0xFFFFE000  }
0x81: {  	v3 =	vld.idx.msk [tilespmem:v2+s10+$0x0], $0xffff  }
0x82: {  	s24 =	simm.s32 $0x80  }
0x83: {  	v4 =	vld [tilespmem:s24+$0xFFFFFF80];
	_ =	sdelay $0x2  }
0x84: {  	v3 =	vmul.f32 v3, v1;
	_ =	sdelay $0x1  }
0x85: {  	v4 =	vmul.f32 v3, v4  }
0x86: {  	s23 =	simm.s32 $0x4080  }
0x87: {  	[tilespmem:s23+$0xFFFFFF80] =	vst v4  }
0x88: {  	v4 =	vld [tilespmem:s24+$0xFFFFFF90];
	_ =	sdelay $0x2  }
0x89: {  	v5 =	vor.u32 $0x1, v2;
	_ =	sdelay $0x1  }
0x8a: {  	v3 =	vmul.f32 v4, v3;
	_ =	sdelay $0x1  }
0x8b: {  	[tilespmem:s23+$0xFFFFFF90] =	vst v3  }
0x8c: {  	v3 =	vld.idx.msk [tilespmem:v5+s10+$0x0], $0xffff;
	_ =	sdelay $0x1  }
0x8d: {  	v4 =	vld [tilespmem:s24+$0xFFFFFFA0];
	_ =	sdelay $0x2  }
0x8e: {  	v3 =	vmul.f32 v3, v1;
	_ =	sdelay $0x1  }
0x8f: {  	v4 =	vmul.f32 v3, v4;
	_ =	sdelay $0x1  }
0x90: {  	[tilespmem:s23+$0xFFFFFFA0] =	vst v4  }
0x91: {  	v4 =	vld [tilespmem:s24+$0xFFFFFFB0];
	_ =	sdelay $0x2  }
0x92: {  	v5 =	vor.u32 $0x2, v2;
	_ =	sdelay $0x1  }
0x93: {  	v3 =	vmul.f32 v4, v3;
	_ =	sdelay $0x1  }
0x94: {  	[tilespmem:s23+$0xFFFFFFB0] =	vst v3  }
0x95: {  	v3 =	vld.idx.msk [tilespmem:v5+s10+$0x0], $0xffff;
	_ =	sdelay $0x1  }
0x96: {  	v4 =	vld [tilespmem:s24+$0xFFFFFFC0];
	_ =	sdelay $0x2  }
0x97: {  	v3 =	vmul.f32 v3, v1;
	_ =	sdelay $0x1  }
0x98: {  	v4 =	vmul.f32 v3, v4;
	_ =	sdelay $0x1  }
0x99: {  	[tilespmem:s23+$0xFFFFFFC0] =	vst v4  }
0x9a: {  	v4 =	vld [tilespmem:s24+$0xFFFFFFD0];
	_ =	sdelay $0x2  }
0x9b: {  	v2 =	vor.u32 $0x3, v2;
	_ =	sdelay $0x1  }
0x9c: {  	v3 =	vmul.f32 v4, v3;
	_ =	sdelay $0x1  }
0x9d: {  	[tilespmem:s23+$0xFFFFFFD0] =	vst v3  }
0x9e: {  	v2 =	vld.idx.msk [tilespmem:v2+s10+$0x0], $0xffff;
	_ =	sdelay $0x1  }
0x9f: {  	v3 =	vld [tilespmem:s24+$0xFFFFFFE0];
	_ =	sdelay $0x2  }
0xa0: {  	v2 =	vmul.f32 v2, v1;
	_ =	sdelay $0x1  }
0xa1: {  	v3 =	vmul.f32 v2, v3;
	_ =	sdelay $0x1  }
0xa2: {  	[tilespmem:s23+$0xFFFFFFE0] =	vst v3  }
0xa3: {  	v3 =	vld [tilespmem:s24+$0xFFFFFFF0];
	_ =	sdelay $0x1  }
0xa4: {  	s25 =	simm.s32 $0x10  }
0xa5: {  	v4 =	vmov s25;
	_ =	sdelay $0x1  }
0xa6: {  	v2 =	vmul.f32 v3, v2;
	_ =	sdelay $0x1  }
0xa7: {  	[tilespmem:s23+$0xFFFFFFF0] =	vst v2  }
0xa8: {  	v2 =	vld.idx.msk [tilespmem:v4+s10+$0x0], $0xffff;
	_ =	sdelay $0x1  }
0xa9: {  	v3 =	vld [tilespmem:s24+$0x0];
	_ =	sdelay $0x2  }
0xaa: {  	v2 =	vmul.f32 v2, v1;
	_ =	sdelay $0x1  }
0xab: {  	v3 =	vmul.f32 v2, v3;
	_ =	sdelay $0x1  }
0xac: {  	[tilespmem:s23+$0x0] =	vst v3  }
0xad: {  	v3 =	vld [tilespmem:s24+$0x10];
	_ =	sdelay $0x2  }
0xae: {  	v5 =	vor.u32 $0x1, v4;
	_ =	sdelay $0x1  }
0xaf: {  	v2 =	vmul.f32 v3, v2;
	_ =	sdelay $0x1  }
0xb0: {  	[tilespmem:s23+$0x10] =	vst v2  }
0xb1: {  	v2 =	vld.idx.msk [tilespmem:v5+s10+$0x0], $0xffff;
	_ =	sdelay $0x1  }
0xb2: {  	v3 =	vld [tilespmem:s24+$0x20];
	_ =	sdelay $0x2  }
0xb3: {  	v2 =	vmul.f32 v2, v1;
	_ =	sdelay $0x1  }
0xb4: {  	v3 =	vmul.f32 v2, v3;
	_ =	sdelay $0x1  }
0xb5: {  	[tilespmem:s23+$0x20] =	vst v3  }
0xb6: {  	v3 =	vld [tilespmem:s24+$0x30];
	_ =	sdelay $0x2  }
0xb7: {  	v5 =	vor.u32 $0x2, v4;
	_ =	sdelay $0x1  }
0xb8: {  	v2 =	vmul.f32 v3, v2;
	_ =	sdelay $0x1  }
0xb9: {  	[tilespmem:s23+$0x30] =	vst v2  }
0xba: {  	v2 =	vld.idx.msk [tilespmem:v5+s10+$0x0], $0xffff;
	_ =	sdelay $0x1  }
0xbb: {  	v3 =	vld [tilespmem:s24+$0x40];
	_ =	sdelay $0x2  }
0xbc: {  	v2 =	vmul.f32 v2, v1;
	_ =	sdelay $0x1  }
0xbd: {  	v3 =	vmul.f32 v2, v3;
	_ =	sdelay $0x1  }
0xbe: {  	[tilespmem:s23+$0x40] =	vst v3  }
0xbf: {  	v3 =	vld [tilespmem:s24+$0x50];
	_ =	sdelay $0x2  }
0xc0: {  	v4 =	vor.u32 $0x3, v4;
	_ =	sdelay $0x1  }
0xc1: {  	v2 =	vmul.f32 v3, v2;
	_ =	sdelay $0x1  }
0xc2: {  	[tilespmem:s23+$0x50] =	vst v2  }
0xc3: {  	v2 =	vld.idx.msk [tilespmem:v4+s10+$0x0], $0xffff;
	_ =	sdelay $0x1  }
0xc4: {  	v3 =	vld [tilespmem:s24+$0x60];
	_ =	sdelay $0x2  }
0xc5: {  	v4 =	vmul.f32 v2, v1;
	_ =	sdelay $0x1  }
0xc6: {  	v2 =	vmul.f32 v4, v3;
	_ =	sdelay $0x1  }
0xc7: {  	[tilespmem:s23+$0x60] =	vst v2  }
0xc8: {  	v3 =	vld [tilespmem:s24+$0x70];
	_ =	sdelay $0x1  }
0xc9: {  	s26 =	simm.s32 $0x20  }
0xca: {  	v2 =	vmov s26;
	_ =	sdelay $0x1  }
0xcb: {  	s28 =	simm.s32 $0x4;
	s12 =	simm.s32 $0x30;
	v3 =	vmul.f32 v3, v4  }
.LBB2_5:
0xcc: {  	s24 =	sadd.s32 $0x100, s24  }
0xcd: {  	s26 =	smov.u32 s28;
	s25 =	sadd.s32 $0x2, s28;
	[tilespmem:s23+$0x70] =	vst v3;
	s23 =	sadd.s32 $0x100, s23  }
0xce: {  	p2 =	sne.s32 s28, $0x3E;
	v3 =	vld.idx.msk [tilespmem:v2+s10+$0x0], $0xffff;
	_ =	sdelay $0x2  }
0xcf: {  	v4 =	vld [tilespmem:s24+$0xFFFFFF80];
	_ =	sdelay $0x2  }
0xd0: {  	v3 =	vmul.f32 v3, v1;
	_ =	sdelay $0x1  }
0xd1: {  	v4 =	vmul.f32 v3, v4;
	_ =	sdelay $0x1  }
0xd2: {  	[tilespmem:s23+$0xFFFFFF80] =	vst v4  }
0xd3: {  	v4 =	vld [tilespmem:s24+$0xFFFFFF90];
	_ =	sdelay $0x2  }
0xd4: {  	v5 =	vor.u32 $0x1, v2;
	_ =	sdelay $0x1  }
0xd5: {  	v3 =	vmul.f32 v4, v3;
	_ =	sdelay $0x1  }
0xd6: {  	[tilespmem:s23+$0xFFFFFF90] =	vst v3  }
0xd7: {  	v3 =	vld.idx.msk [tilespmem:v5+s10+$0x0], $0xffff;
	_ =	sdelay $0x2  }
0xd8: {  	v4 =	vld [tilespmem:s24+$0xFFFFFFA0];
	_ =	sdelay $0x2  }
0xd9: {  	v3 =	vmul.f32 v3, v1;
	_ =	sdelay $0x1  }
0xda: {  	v4 =	vmul.f32 v3, v4;
	_ =	sdelay $0x1  }
0xdb: {  	[tilespmem:s23+$0xFFFFFFA0] =	vst v4  }
0xdc: {  	v4 =	vld [tilespmem:s24+$0xFFFFFFB0];
	_ =	sdelay $0x2  }
0xdd: {  	v5 =	vor.u32 $0x2, v2;
	_ =	sdelay $0x1  }
0xde: {  	v3 =	vmul.f32 v4, v3;
	_ =	sdelay $0x1  }
0xdf: {  	[tilespmem:s23+$0xFFFFFFB0] =	vst v3  }
0xe0: {  	v3 =	vld.idx.msk [tilespmem:v5+s10+$0x0], $0xffff;
	_ =	sdelay $0x2  }
0xe1: {  	v4 =	vld [tilespmem:s24+$0xFFFFFFC0];
	_ =	sdelay $0x2  }
0xe2: {  	v3 =	vmul.f32 v3, v1;
	_ =	sdelay $0x1  }
0xe3: {  	v4 =	vmul.f32 v3, v4;
	_ =	sdelay $0x1  }
0xe4: {  	[tilespmem:s23+$0xFFFFFFC0] =	vst v4  }
0xe5: {  	v4 =	vld [tilespmem:s24+$0xFFFFFFD0];
	_ =	sdelay $0x2  }
0xe6: {  	v2 =	vor.u32 $0x3, v2;
	_ =	sdelay $0x1  }
0xe7: {  	v3 =	vmul.f32 v4, v3;
	_ =	sdelay $0x1  }
0xe8: {  	[tilespmem:s23+$0xFFFFFFD0] =	vst v3  }
0xe9: {  	v2 =	vld.idx.msk [tilespmem:v2+s10+$0x0], $0xffff;
	_ =	sdelay $0x2  }
0xea: {  	v3 =	vld [tilespmem:s24+$0xFFFFFFE0];
	_ =	sdelay $0x2  }
0xeb: {  	v2 =	vmul.f32 v2, v1;
	_ =	sdelay $0x1  }
0xec: {  	v3 =	vmul.f32 v2, v3;
	_ =	sdelay $0x1  }
0xed: {  	[tilespmem:s23+$0xFFFFFFE0] =	vst v3  }
0xee: {  	v3 =	vld [tilespmem:s24+$0xFFFFFFF0];
	_ =	sdelay $0x2  }
0xef: {  	v4 =	vmov s12;
	_ =	sdelay $0x1  }
0xf0: {  	v2 =	vmul.f32 v3, v2;
	_ =	sdelay $0x1  }
0xf1: {  	[tilespmem:s23+$0xFFFFFFF0] =	vst v2  }
0xf2: {  	v2 =	vld.idx.msk [tilespmem:v4+s10+$0x0], $0xffff;
	_ =	sdelay $0x2  }
0xf3: {  	v3 =	vld [tilespmem:s24+$0x0];
	_ =	sdelay $0x2  }
0xf4: {  	v2 =	vmul.f32 v2, v1;
	_ =	sdelay $0x1  }
0xf5: {  	v3 =	vmul.f32 v2, v3;
	_ =	sdelay $0x1  }
0xf6: {  	[tilespmem:s23+$0x0] =	vst v3  }
0xf7: {  	v3 =	vld [tilespmem:s24+$0x10];
	_ =	sdelay $0x2  }
0xf8: {  	v5 =	vor.u32 $0x1, v4;
	_ =	sdelay $0x1  }
0xf9: {  	v2 =	vmul.f32 v3, v2;
	_ =	sdelay $0x1  }
0xfa: {  	[tilespmem:s23+$0x10] =	vst v2  }
0xfb: {  	v2 =	vld.idx.msk [tilespmem:v5+s10+$0x0], $0xffff  }
0xfc: {  	v3 =	vld [tilespmem:s24+$0x20];
	_ =	sdelay $0x4  }
0xfd: {  	v2 =	vmul.f32 v2, v1;
	_ =	sdelay $0x1  }
0xfe: {  	v3 =	vmul.f32 v2, v3;
	_ =	sdelay $0x1  }
0xff: {  	[tilespmem:s23+$0x20] =	vst v3  }
0x100: {  	v3 =	vld [tilespmem:s24+$0x30];
	_ =	sdelay $0x2  }
0x101: {  	v5 =	vor.u32 $0x2, v4;
	_ =	sdelay $0x1  }
0x102: {  	v2 =	vmul.f32 v3, v2;
	_ =	sdelay $0x1  }
0x103: {  	[tilespmem:s23+$0x30] =	vst v2  }
0x104: {  	v2 =	vld.idx.msk [tilespmem:v5+s10+$0x0], $0xffff  }
0x105: {  	v3 =	vld [tilespmem:s24+$0x40];
	_ =	sdelay $0x4  }
0x106: {  	v2 =	vmul.f32 v2, v1;
	_ =	sdelay $0x1  }
0x107: {  	v3 =	vmul.f32 v2, v3;
	_ =	sdelay $0x1  }
0x108: {  	[tilespmem:s23+$0x40] =	vst v3  }
0x109: {  	v3 =	vld [tilespmem:s24+$0x50];
	_ =	sdelay $0x2  }
0x10a: {  	v4 =	vor.u32 $0x3, v4;
	_ =	sdelay $0x1  }
0x10b: {  	v2 =	vmul.f32 v3, v2;
	_ =	sdelay $0x1  }
0x10c: {  	[tilespmem:s23+$0x50] =	vst v2  }
0x10d: {  	v2 =	vld.idx.msk [tilespmem:v4+s10+$0x0], $0xffff  }
0x10e: {  	v3 =	vld [tilespmem:s24+$0x60];
	_ =	sdelay $0x4  }
0x10f: {  	v4 =	vmul.f32 v2, v1;
	_ =	sdelay $0x1  }
0x110: {  	v2 =	vmul.f32 v4, v3;
	_ =	sdelay $0x1  }
0x111: {  	[tilespmem:s23+$0x60] =	vst v2  }
0x112: {  	v3 =	vld [tilespmem:s24+$0x70]  }
.Ltmp1:
0x113: {  	(pc) =	sbr.rel @p2 .LBB2_5-.Ltmp1, $3  }
0x114: {  	s12 =	sshll.u32 s26, $0x4  }
0x115: {  	v2 =	vmov s12;
	s12 =	sadd.s32 $0x10, s12;
	_ =	sdelay $0x1  }
0x116: {  	s28 =	smov.u32 s25;
	v3 =	vmul.f32 v3, v4  }
0x117: {  	_ =	sdelay $0x2  }
0x118: {  	[tilespmem:s23+$0x70] =	vst v3  }
0x119: {  	v3 =	vld.idx.msk [tilespmem:v2+s10+$0x0], $0xffff  }
0x11a: {  	s24 =	sadd.s32 $0x100, s24  }
0x11b: {  	v4 =	vld [tilespmem:s24+$0xFFFFFF80];
	_ =	sdelay $0x2  }
0x11c: {  	v3 =	vmul.f32 v3, v1;
	_ =	sdelay $0x1  }
0x11d: {  	v4 =	vmul.f32 v3, v4  }
0x11e: {  	s15 =	sadd.s32 $0x100, s23  }
0x11f: {  	[tilespmem:s15+$0xFFFFFF80] =	vst v4  }
0x120: {  	v4 =	vld [tilespmem:s24+$0xFFFFFF90];
	_ =	sdelay $0x2  }
0x121: {  	v5 =	vor.u32 $0x1, v2;
	_ =	sdelay $0x1  }
0x122: {  	v3 =	vmul.f32 v4, v3;
	_ =	sdelay $0x1  }
0x123: {  	[tilespmem:s15+$0xFFFFFF90] =	vst v3  }
0x124: {  	v3 =	vld.idx.msk [tilespmem:v5+s10+$0x0], $0xffff;
	_ =	sdelay $0x1  }
0x125: {  	v4 =	vld [tilespmem:s24+$0xFFFFFFA0];
	_ =	sdelay $0x2  }
0x126: {  	v3 =	vmul.f32 v3, v1;
	_ =	sdelay $0x1  }
0x127: {  	v4 =	vmul.f32 v3, v4;
	_ =	sdelay $0x1  }
0x128: {  	[tilespmem:s15+$0xFFFFFFA0] =	vst v4  }
0x129: {  	v4 =	vld [tilespmem:s24+$0xFFFFFFB0];
	_ =	sdelay $0x2  }
0x12a: {  	v5 =	vor.u32 $0x2, v2;
	_ =	sdelay $0x1  }
0x12b: {  	v3 =	vmul.f32 v4, v3;
	_ =	sdelay $0x1  }
0x12c: {  	[tilespmem:s15+$0xFFFFFFB0] =	vst v3  }
0x12d: {  	v3 =	vld.idx.msk [tilespmem:v5+s10+$0x0], $0xffff;
	_ =	sdelay $0x1  }
0x12e: {  	v4 =	vld [tilespmem:s24+$0xFFFFFFC0];
	_ =	sdelay $0x2  }
0x12f: {  	v3 =	vmul.f32 v3, v1;
	_ =	sdelay $0x1  }
0x130: {  	v4 =	vmul.f32 v3, v4;
	_ =	sdelay $0x1  }
0x131: {  	[tilespmem:s15+$0xFFFFFFC0] =	vst v4  }
0x132: {  	v4 =	vld [tilespmem:s24+$0xFFFFFFD0];
	_ =	sdelay $0x2  }
0x133: {  	v2 =	vor.u32 $0x3, v2;
	_ =	sdelay $0x1  }
0x134: {  	v3 =	vmul.f32 v4, v3;
	_ =	sdelay $0x1  }
0x135: {  	[tilespmem:s15+$0xFFFFFFD0] =	vst v3  }
0x136: {  	v2 =	vld.idx.msk [tilespmem:v2+s10+$0x0], $0xffff;
	_ =	sdelay $0x1  }
0x137: {  	v3 =	vld [tilespmem:s24+$0xFFFFFFE0];
	_ =	sdelay $0x2  }
0x138: {  	v2 =	vmul.f32 v2, v1;
	_ =	sdelay $0x1  }
0x139: {  	v3 =	vmul.f32 v2, v3;
	_ =	sdelay $0x1  }
0x13a: {  	[tilespmem:s15+$0xFFFFFFE0] =	vst v3  }
0x13b: {  	v3 =	vld [tilespmem:s24+$0xFFFFFFF0];
	_ =	sdelay $0x2  }
0x13c: {  	v4 =	vmov s12;
	_ =	sdelay $0x1  }
0x13d: {  	v2 =	vmul.f32 v3, v2;
	_ =	sdelay $0x1  }
0x13e: {  	[tilespmem:s15+$0xFFFFFFF0] =	vst v2  }
0x13f: {  	v2 =	vld.idx.msk [tilespmem:v4+s10+$0x0], $0xffff;
	_ =	sdelay $0x1  }
0x140: {  	v3 =	vld [tilespmem:s24+$0x0];
	_ =	sdelay $0x2  }
0x141: {  	v2 =	vmul.f32 v2, v1;
	_ =	sdelay $0x1  }
0x142: {  	v3 =	vmul.f32 v2, v3;
	_ =	sdelay $0x1  }
0x143: {  	[tilespmem:s15+$0x0] =	vst v3  }
0x144: {  	v3 =	vld [tilespmem:s24+$0x10];
	_ =	sdelay $0x2  }
0x145: {  	v5 =	vor.u32 $0x1, v4;
	_ =	sdelay $0x1  }
0x146: {  	v2 =	vmul.f32 v3, v2;
	_ =	sdelay $0x1  }
0x147: {  	[tilespmem:s15+$0x10] =	vst v2  }
0x148: {  	v2 =	vld.idx.msk [tilespmem:v5+s10+$0x0], $0xffff;
	_ =	sdelay $0x1  }
0x149: {  	v3 =	vld [tilespmem:s24+$0x20];
	_ =	sdelay $0x2  }
0x14a: {  	v2 =	vmul.f32 v2, v1;
	_ =	sdelay $0x1  }
0x14b: {  	v3 =	vmul.f32 v2, v3;
	_ =	sdelay $0x1  }
0x14c: {  	[tilespmem:s15+$0x20] =	vst v3  }
0x14d: {  	v3 =	vld [tilespmem:s24+$0x30];
	_ =	sdelay $0x2  }
0x14e: {  	v5 =	vor.u32 $0x2, v4;
	_ =	sdelay $0x1  }
0x14f: {  	v2 =	vmul.f32 v3, v2;
	_ =	sdelay $0x1  }
0x150: {  	[tilespmem:s15+$0x30] =	vst v2  }
0x151: {  	v2 =	vld.idx.msk [tilespmem:v5+s10+$0x0], $0xffff;
	_ =	sdelay $0x1  }
0x152: {  	v3 =	vld [tilespmem:s24+$0x40];
	_ =	sdelay $0x2  }
0x153: {  	v2 =	vmul.f32 v2, v1;
	_ =	sdelay $0x1  }
0x154: {  	v3 =	vmul.f32 v2, v3;
	_ =	sdelay $0x1  }
0x155: {  	[tilespmem:s15+$0x40] =	vst v3  }
0x156: {  	v3 =	vld [tilespmem:s24+$0x50];
	_ =	sdelay $0x2  }
0x157: {  	v4 =	vor.u32 $0x3, v4;
	_ =	sdelay $0x1  }
0x158: {  	v2 =	vmul.f32 v3, v2;
	_ =	sdelay $0x1  }
0x159: {  	[tilespmem:s15+$0x50] =	vst v2  }
0x15a: {  	v2 =	vld.idx.msk [tilespmem:v4+s10+$0x0], $0xffff;
	_ =	sdelay $0x1  }
0x15b: {  	v3 =	vld [tilespmem:s24+$0x60];
	_ =	sdelay $0x2  }
0x15c: {  	v2 =	vmul.f32 v2, v1;
	_ =	sdelay $0x1  }
0x15d: {  	v3 =	vmul.f32 v2, v3;
	_ =	sdelay $0x1  }
0x15e: {  	[tilespmem:s15+$0x60] =	vst v3  }
0x15f: {  	v3 =	vld [tilespmem:s24+$0x70];
	_ =	sdelay $0x4  }
0x160: {  	v2 =	vmul.f32 v3, v2  }
0x161: {  	s24 =	sand.u32 $0x3FFFFF80, s22  }
0x162: {  	s12 =	sadd.s32 $0x8800, s24;
	[tilespmem:s15+$0x70] =	vst v2  }
0x163: {  	[spmem:s3] =	stream.indirect.scatter.add.f32 [tilespmem:s30], [sflag:$0x5], $0x80, s12, s9, $0xb8;
	[tilespmem:$0x1F020] =	vst v63  }
0x164: {  	p2 =	seq.s32 s20, $0x27;
	s12 =	sadd.s32 $0x80, s22  }
0x165: {  	s12 =	simm.s32 @p2 $0x0  }
0x166: {  	s14 =	sadd.s32 $0x9C00, s12;
	s12 =	sadd.s32 s5, s12  }
0x167: {  	[tilespmem:s4], [sflag:$0x1] =	stream.indirect.gather [hbm4b:s6+s9], $0x80, s14, s9, $0xb8;
	[tilespmem:$0x1F020] =	vst v63  }
0x168: {  	s12 =	sshll.u32 s12, $0x1  }
0x169: {  	s12 =	sand.u32 $0x1FFFFF00, s12  }
0x16a: {  	s12 =	sadd.s32 s8, s12  }
0x16b: {  	[tilespmem:s10], [sflag:$0x3] =	stream.linear.gather [hbm4b:s12+s4], $0x400, $0x38;
	[tilespmem:$0x1F020] =	vst v63  }
0x16c: {  	_ =	swait.ge [sflag:s2], $0x2000  }
0x16d: {  	[sflag:s2] =	ssyncset.done $0x0  }
0x16e: {  	[sflag:s2] =	ssyncadd.s32 $0xFFFFE000  }
0x16f: {  	s25 =	simm.s32 $0x0;
	_ =	swait.ge [sflag:s1], $0x400  }
0x170: {  	v2 =	vmov s25;
	[sflag:s1] =	ssyncset.done $0x0  }
0x171: {  	s12 =	simm.s32 @!p1 $0x6;
	[sflag:s1] =	ssyncadd.s32 $0xFFFFFC00  }
0x172: {  	_ =	swait.ge @!p1 [sflag:s12], $0x2000  }
0x173: {  	[sflag:s12] =	ssyncset.done @!p1 $0x0  }
0x174: {  	[sflag:s12] =	ssyncadd.s32 @!p1 $0xFFFFE000  }
0x175: {  	v3 =	vld.idx.msk [tilespmem:v2+s16+$0x0], $0xffff  }
0x176: {  	s23 =	simm.s32 $0x2080  }
0x177: {  	v4 =	vld [tilespmem:s23+$0xFFFFFF80];
	_ =	sdelay $0x2  }
0x178: {  	v3 =	vmul.f32 v3, v1;
	_ =	sdelay $0x1  }
0x179: {  	v4 =	vmul.f32 v3, v4  }
0x17a: {  	s22 =	simm.s32 $0x6080  }
0x17b: {  	[tilespmem:s22+$0xFFFFFF80] =	vst v4  }
0x17c: {  	v4 =	vld [tilespmem:s23+$0xFFFFFF90];
	_ =	sdelay $0x2  }
0x17d: {  	v5 =	vor.u32 $0x1, v2;
	_ =	sdelay $0x1  }
0x17e: {  	v3 =	vmul.f32 v4, v3;
	_ =	sdelay $0x1  }
0x17f: {  	[tilespmem:s22+$0xFFFFFF90] =	vst v3  }
0x180: {  	v3 =	vld.idx.msk [tilespmem:v5+s16+$0x0], $0xffff;
	_ =	sdelay $0x1  }
0x181: {  	v4 =	vld [tilespmem:s23+$0xFFFFFFA0];
	_ =	sdelay $0x2  }
0x182: {  	v3 =	vmul.f32 v3, v1;
	_ =	sdelay $0x1  }
0x183: {  	v4 =	vmul.f32 v3, v4;
	_ =	sdelay $0x1  }
0x184: {  	[tilespmem:s22+$0xFFFFFFA0] =	vst v4  }
0x185: {  	v4 =	vld [tilespmem:s23+$0xFFFFFFB0];
	_ =	sdelay $0x2  }
0x186: {  	v5 =	vor.u32 $0x2, v2;
	_ =	sdelay $0x1  }
0x187: {  	v3 =	vmul.f32 v4, v3;
	_ =	sdelay $0x1  }
0x188: {  	[tilespmem:s22+$0xFFFFFFB0] =	vst v3  }
0x189: {  	v3 =	vld.idx.msk [tilespmem:v5+s16+$0x0], $0xffff;
	_ =	sdelay $0x1  }
0x18a: {  	v4 =	vld [tilespmem:s23+$0xFFFFFFC0];
	_ =	sdelay $0x2  }
0x18b: {  	v3 =	vmul.f32 v3, v1;
	_ =	sdelay $0x1  }
0x18c: {  	v4 =	vmul.f32 v3, v4;
	_ =	sdelay $0x1  }
0x18d: {  	[tilespmem:s22+$0xFFFFFFC0] =	vst v4  }
0x18e: {  	v4 =	vld [tilespmem:s23+$0xFFFFFFD0];
	_ =	sdelay $0x2  }
0x18f: {  	v2 =	vor.u32 $0x3, v2;
	_ =	sdelay $0x1  }
0x190: {  	v3 =	vmul.f32 v4, v3;
	_ =	sdelay $0x1  }
0x191: {  	[tilespmem:s22+$0xFFFFFFD0] =	vst v3  }
0x192: {  	v2 =	vld.idx.msk [tilespmem:v2+s16+$0x0], $0xffff;
	_ =	sdelay $0x1  }
0x193: {  	v3 =	vld [tilespmem:s23+$0xFFFFFFE0];
	_ =	sdelay $0x2  }
0x194: {  	v2 =	vmul.f32 v2, v1;
	_ =	sdelay $0x1  }
0x195: {  	v3 =	vmul.f32 v2, v3;
	_ =	sdelay $0x1  }
0x196: {  	[tilespmem:s22+$0xFFFFFFE0] =	vst v3  }
0x197: {  	v3 =	vld [tilespmem:s23+$0xFFFFFFF0];
	_ =	sdelay $0x1  }
0x198: {  	s26 =	simm.s32 $0x10  }
0x199: {  	v4 =	vmov s26;
	_ =	sdelay $0x1  }
0x19a: {  	v2 =	vmul.f32 v3, v2;
	_ =	sdelay $0x1  }
0x19b: {  	[tilespmem:s22+$0xFFFFFFF0] =	vst v2  }
0x19c: {  	v2 =	vld.idx.msk [tilespmem:v4+s16+$0x0], $0xffff;
	_ =	sdelay $0x1  }
0x19d: {  	v3 =	vld [tilespmem:s23+$0x0];
	_ =	sdelay $0x2  }
0x19e: {  	v2 =	vmul.f32 v2, v1;
	_ =	sdelay $0x1  }
0x19f: {  	v3 =	vmul.f32 v2, v3;
	_ =	sdelay $0x1  }
0x1a0: {  	[tilespmem:s22+$0x0] =	vst v3  }
0x1a1: {  	v3 =	vld [tilespmem:s23+$0x10];
	_ =	sdelay $0x2  }
0x1a2: {  	v5 =	vor.u32 $0x1, v4;
	_ =	sdelay $0x1  }
0x1a3: {  	v2 =	vmul.f32 v3, v2;
	_ =	sdelay $0x1  }
0x1a4: {  	[tilespmem:s22+$0x10] =	vst v2  }
0x1a5: {  	v2 =	vld.idx.msk [tilespmem:v5+s16+$0x0], $0xffff;
	_ =	sdelay $0x1  }
0x1a6: {  	v3 =	vld [tilespmem:s23+$0x20];
	_ =	sdelay $0x2  }
0x1a7: {  	v2 =	vmul.f32 v2, v1;
	_ =	sdelay $0x1  }
0x1a8: {  	v3 =	vmul.f32 v2, v3;
	_ =	sdelay $0x1  }
0x1a9: {  	[tilespmem:s22+$0x20] =	vst v3  }
0x1aa: {  	v3 =	vld [tilespmem:s23+$0x30];
	_ =	sdelay $0x2  }
0x1ab: {  	v5 =	vor.u32 $0x2, v4;
	_ =	sdelay $0x1  }
0x1ac: {  	v2 =	vmul.f32 v3, v2;
	_ =	sdelay $0x1  }
0x1ad: {  	[tilespmem:s22+$0x30] =	vst v2  }
0x1ae: {  	v2 =	vld.idx.msk [tilespmem:v5+s16+$0x0], $0xffff;
	_ =	sdelay $0x1  }
0x1af: {  	v3 =	vld [tilespmem:s23+$0x40];
	_ =	sdelay $0x2  }
0x1b0: {  	v2 =	vmul.f32 v2, v1;
	_ =	sdelay $0x1  }
0x1b1: {  	v3 =	vmul.f32 v2, v3;
	_ =	sdelay $0x1  }
0x1b2: {  	[tilespmem:s22+$0x40] =	vst v3  }
0x1b3: {  	v3 =	vld [tilespmem:s23+$0x50];
	_ =	sdelay $0x2  }
0x1b4: {  	v4 =	vor.u32 $0x3, v4;
	_ =	sdelay $0x1  }
0x1b5: {  	v2 =	vmul.f32 v3, v2;
	_ =	sdelay $0x1  }
0x1b6: {  	[tilespmem:s22+$0x50] =	vst v2  }
0x1b7: {  	v2 =	vld.idx.msk [tilespmem:v4+s16+$0x0], $0xffff;
	_ =	sdelay $0x1  }
0x1b8: {  	v3 =	vld [tilespmem:s23+$0x60];
	_ =	sdelay $0x2  }
0x1b9: {  	v4 =	vmul.f32 v2, v1;
	_ =	sdelay $0x1  }
0x1ba: {  	v2 =	vmul.f32 v4, v3;
	_ =	sdelay $0x1  }
0x1bb: {  	[tilespmem:s22+$0x60] =	vst v2  }
0x1bc: {  	v3 =	vld [tilespmem:s23+$0x70];
	_ =	sdelay $0x1  }
0x1bd: {  	s28 =	simm.s32 $0x20  }
0x1be: {  	v2 =	vmov s28;
	_ =	sdelay $0x1  }
0x1bf: {  	s12 =	simm.s32 $0x30;
	s26 =	simm.s32 $0x4;
	v3 =	vmul.f32 v3, v4  }
.LBB2_7:
0x1c0: {  	s23 =	sadd.s32 $0x100, s23  }
0x1c1: {  	s25 =	smov.u32 s26;
	s24 =	sadd.s32 $0x2, s26;
	[tilespmem:s22+$0x70] =	vst v3;
	s22 =	sadd.s32 $0x100, s22  }
0x1c2: {  	p1 =	sne.s32 s26, $0x3E;
	v3 =	vld.idx.msk [tilespmem:v2+s16+$0x0], $0xffff;
	_ =	sdelay $0x2  }
0x1c3: {  	v4 =	vld [tilespmem:s23+$0xFFFFFF80];
	_ =	sdelay $0x2  }
0x1c4: {  	v3 =	vmul.f32 v3, v1;
	_ =	sdelay $0x1  }
0x1c5: {  	v4 =	vmul.f32 v3, v4;
	_ =	sdelay $0x1  }
0x1c6: {  	[tilespmem:s22+$0xFFFFFF80] =	vst v4  }
0x1c7: {  	v4 =	vld [tilespmem:s23+$0xFFFFFF90];
	_ =	sdelay $0x2  }
0x1c8: {  	v5 =	vor.u32 $0x1, v2;
	_ =	sdelay $0x1  }
0x1c9: {  	v3 =	vmul.f32 v4, v3;
	_ =	sdelay $0x1  }
0x1ca: {  	[tilespmem:s22+$0xFFFFFF90] =	vst v3  }
0x1cb: {  	v3 =	vld.idx.msk [tilespmem:v5+s16+$0x0], $0xffff;
	_ =	sdelay $0x2  }
0x1cc: {  	v4 =	vld [tilespmem:s23+$0xFFFFFFA0];
	_ =	sdelay $0x2  }
0x1cd: {  	v3 =	vmul.f32 v3, v1;
	_ =	sdelay $0x1  }
0x1ce: {  	v4 =	vmul.f32 v3, v4;
	_ =	sdelay $0x1  }
0x1cf: {  	[tilespmem:s22+$0xFFFFFFA0] =	vst v4  }
0x1d0: {  	v4 =	vld [tilespmem:s23+$0xFFFFFFB0];
	_ =	sdelay $0x2  }
0x1d1: {  	v5 =	vor.u32 $0x2, v2;
	_ =	sdelay $0x1  }
0x1d2: {  	v3 =	vmul.f32 v4, v3;
	_ =	sdelay $0x1  }
0x1d3: {  	[tilespmem:s22+$0xFFFFFFB0] =	vst v3  }
0x1d4: {  	v3 =	vld.idx.msk [tilespmem:v5+s16+$0x0], $0xffff;
	_ =	sdelay $0x2  }
0x1d5: {  	v4 =	vld [tilespmem:s23+$0xFFFFFFC0];
	_ =	sdelay $0x2  }
0x1d6: {  	v3 =	vmul.f32 v3, v1;
	_ =	sdelay $0x1  }
0x1d7: {  	v4 =	vmul.f32 v3, v4;
	_ =	sdelay $0x1  }
0x1d8: {  	[tilespmem:s22+$0xFFFFFFC0] =	vst v4  }
0x1d9: {  	v4 =	vld [tilespmem:s23+$0xFFFFFFD0];
	_ =	sdelay $0x2  }
0x1da: {  	v2 =	vor.u32 $0x3, v2;
	_ =	sdelay $0x1  }
0x1db: {  	v3 =	vmul.f32 v4, v3;
	_ =	sdelay $0x1  }
0x1dc: {  	[tilespmem:s22+$0xFFFFFFD0] =	vst v3  }
0x1dd: {  	v2 =	vld.idx.msk [tilespmem:v2+s16+$0x0], $0xffff;
	_ =	sdelay $0x2  }
0x1de: {  	v3 =	vld [tilespmem:s23+$0xFFFFFFE0];
	_ =	sdelay $0x2  }
0x1df: {  	v2 =	vmul.f32 v2, v1;
	_ =	sdelay $0x1  }
0x1e0: {  	v3 =	vmul.f32 v2, v3;
	_ =	sdelay $0x1  }
0x1e1: {  	[tilespmem:s22+$0xFFFFFFE0] =	vst v3  }
0x1e2: {  	v3 =	vld [tilespmem:s23+$0xFFFFFFF0];
	_ =	sdelay $0x2  }
0x1e3: {  	v4 =	vmov s12;
	_ =	sdelay $0x1  }
0x1e4: {  	v2 =	vmul.f32 v3, v2;
	_ =	sdelay $0x1  }
0x1e5: {  	[tilespmem:s22+$0xFFFFFFF0] =	vst v2  }
0x1e6: {  	v2 =	vld.idx.msk [tilespmem:v4+s16+$0x0], $0xffff;
	_ =	sdelay $0x2  }
0x1e7: {  	v3 =	vld [tilespmem:s23+$0x0];
	_ =	sdelay $0x2  }
0x1e8: {  	v2 =	vmul.f32 v2, v1;
	_ =	sdelay $0x1  }
0x1e9: {  	v3 =	vmul.f32 v2, v3;
	_ =	sdelay $0x1  }
0x1ea: {  	[tilespmem:s22+$0x0] =	vst v3  }
0x1eb: {  	v3 =	vld [tilespmem:s23+$0x10];
	_ =	sdelay $0x2  }
0x1ec: {  	v5 =	vor.u32 $0x1, v4;
	_ =	sdelay $0x1  }
0x1ed: {  	v2 =	vmul.f32 v3, v2;
	_ =	sdelay $0x1  }
0x1ee: {  	[tilespmem:s22+$0x10] =	vst v2  }
0x1ef: {  	v2 =	vld.idx.msk [tilespmem:v5+s16+$0x0], $0xffff  }
0x1f0: {  	v3 =	vld [tilespmem:s23+$0x20];
	_ =	sdelay $0x4  }
0x1f1: {  	v2 =	vmul.f32 v2, v1;
	_ =	sdelay $0x1  }
0x1f2: {  	v3 =	vmul.f32 v2, v3;
	_ =	sdelay $0x1  }
0x1f3: {  	[tilespmem:s22+$0x20] =	vst v3  }
0x1f4: {  	v3 =	vld [tilespmem:s23+$0x30];
	_ =	sdelay $0x2  }
0x1f5: {  	v5 =	vor.u32 $0x2, v4;
	_ =	sdelay $0x1  }
0x1f6: {  	v2 =	vmul.f32 v3, v2;
	_ =	sdelay $0x1  }
0x1f7: {  	[tilespmem:s22+$0x30] =	vst v2  }
0x1f8: {  	v2 =	vld.idx.msk [tilespmem:v5+s16+$0x0], $0xffff  }
0x1f9: {  	v3 =	vld [tilespmem:s23+$0x40];
	_ =	sdelay $0x4  }
0x1fa: {  	v2 =	vmul.f32 v2, v1;
	_ =	sdelay $0x1  }
0x1fb: {  	v3 =	vmul.f32 v2, v3;
	_ =	sdelay $0x1  }
0x1fc: {  	[tilespmem:s22+$0x40] =	vst v3  }
0x1fd: {  	v3 =	vld [tilespmem:s23+$0x50];
	_ =	sdelay $0x2  }
0x1fe: {  	v4 =	vor.u32 $0x3, v4;
	_ =	sdelay $0x1  }
0x1ff: {  	v2 =	vmul.f32 v3, v2;
	_ =	sdelay $0x1  }
0x200: {  	[tilespmem:s22+$0x50] =	vst v2  }
0x201: {  	v2 =	vld.idx.msk [tilespmem:v4+s16+$0x0], $0xffff  }
0x202: {  	v3 =	vld [tilespmem:s23+$0x60];
	_ =	sdelay $0x4  }
0x203: {  	v4 =	vmul.f32 v2, v1;
	_ =	sdelay $0x1  }
0x204: {  	v2 =	vmul.f32 v4, v3;
	_ =	sdelay $0x1  }
0x205: {  	[tilespmem:s22+$0x60] =	vst v2  }
0x206: {  	v3 =	vld [tilespmem:s23+$0x70]  }
.Ltmp2:
0x207: {  	(pc) =	sbr.rel @p1 .LBB2_7-.Ltmp2, $3  }
0x208: {  	s12 =	sshll.u32 s25, $0x4  }
0x209: {  	v2 =	vmov s12;
	s12 =	sadd.s32 $0x10, s12;
	_ =	sdelay $0x1  }
0x20a: {  	s26 =	smov.u32 s24;
	v3 =	vmul.f32 v3, v4  }
0x20b: {  	_ =	sdelay $0x2  }
0x20c: {  	[tilespmem:s22+$0x70] =	vst v3  }
0x20d: {  	v3 =	vld.idx.msk [tilespmem:v2+s16+$0x0], $0xffff  }
0x20e: {  	s23 =	sadd.s32 $0x100, s23  }
0x20f: {  	v4 =	vld [tilespmem:s23+$0xFFFFFF80];
	_ =	sdelay $0x2  }
0x210: {  	v3 =	vmul.f32 v3, v1;
	_ =	sdelay $0x1  }
0x211: {  	v4 =	vmul.f32 v3, v4  }
0x212: {  	s26 =	sadd.s32 $0x100, s22  }
0x213: {  	[tilespmem:s26+$0xFFFFFF80] =	vst v4  }
0x214: {  	v4 =	vld [tilespmem:s23+$0xFFFFFF90];
	_ =	sdelay $0x2  }
0x215: {  	v5 =	vor.u32 $0x1, v2;
	_ =	sdelay $0x1  }
0x216: {  	v3 =	vmul.f32 v4, v3;
	_ =	sdelay $0x1  }
0x217: {  	[tilespmem:s26+$0xFFFFFF90] =	vst v3  }
0x218: {  	v3 =	vld.idx.msk [tilespmem:v5+s16+$0x0], $0xffff;
	_ =	sdelay $0x1  }
0x219: {  	v58 =	vld [tilespmem:s23+$0xFFFFFFA0];
	_ =	sdelay $0x2  }
0x21a: {  	v3 =	vmul.f32 v3, v1;
	_ =	sdelay $0x1  }
0x21b: {  	v4 =	vmul.f32 v3, v58;
	_ =	sdelay $0x1  }
0x21c: {  	[tilespmem:s26+$0xFFFFFFA0] =	vst v4  }
0x21d: {  	v4 =	vld [tilespmem:s23+$0xFFFFFFB0];
	_ =	sdelay $0x2  }
0x21e: {  	v59 =	vor.u32 $0x2, v2;
	_ =	sdelay $0x1  }
0x21f: {  	v3 =	vmul.f32 v4, v3;
	_ =	sdelay $0x1  }
0x220: {  	[tilespmem:s26+$0xFFFFFFB0] =	vst v3  }
0x221: {  	v3 =	vld.idx.msk [tilespmem:v59+s16+$0x0], $0xffff;
	_ =	sdelay $0x1  }
0x222: {  	v60 =	vld [tilespmem:s23+$0xFFFFFFC0];
	_ =	sdelay $0x2  }
0x223: {  	v3 =	vmul.f32 v3, v1;
	_ =	sdelay $0x1  }
0x224: {  	v4 =	vmul.f32 v3, v60;
	_ =	sdelay $0x1  }
0x225: {  	[tilespmem:s26+$0xFFFFFFC0] =	vst v4  }
0x226: {  	v4 =	vld [tilespmem:s23+$0xFFFFFFD0];
	_ =	sdelay $0x2  }
0x227: {  	v2 =	vor.u32 $0x3, v2;
	_ =	sdelay $0x1  }
0x228: {  	v3 =	vmul.f32 v4, v3;
	_ =	sdelay $0x1  }
0x229: {  	[tilespmem:s26+$0xFFFFFFD0] =	vst v3  }
0x22a: {  	v2 =	vld.idx.msk [tilespmem:v2+s16+$0x0], $0xffff;
	_ =	sdelay $0x1  }
0x22b: {  	v3 =	vld [tilespmem:s23+$0xFFFFFFE0];
	_ =	sdelay $0x2  }
0x22c: {  	v2 =	vmul.f32 v2, v1;
	_ =	sdelay $0x1  }
0x22d: {  	v3 =	vmul.f32 v2, v3;
	_ =	sdelay $0x1  }
0x22e: {  	[tilespmem:s26+$0xFFFFFFE0] =	vst v3  }
0x22f: {  	v3 =	vld [tilespmem:s23+$0xFFFFFFF0];
	_ =	sdelay $0x2  }
0x230: {  	v61 =	vmov s12;
	_ =	sdelay $0x1  }
0x231: {  	v2 =	vmul.f32 v3, v2;
	_ =	sdelay $0x1  }
0x232: {  	[tilespmem:s26+$0xFFFFFFF0] =	vst v2  }
0x233: {  	v2 =	vld.idx.msk [tilespmem:v61+s16+$0x0], $0xffff;
	_ =	sdelay $0x1  }
0x234: {  	v3 =	vld [tilespmem:s23+$0x0];
	_ =	sdelay $0x2  }
0x235: {  	v2 =	vmul.f32 v2, v1;
	_ =	sdelay $0x1  }
0x236: {  	v3 =	vmul.f32 v2, v3;
	_ =	sdelay $0x1  }
0x237: {  	[tilespmem:s26+$0x0] =	vst v3  }
0x238: {  	v3 =	vld [tilespmem:s23+$0x10];
	_ =	sdelay $0x2  }
0x239: {  	v62 =	vor.u32 $0x1, v61;
	_ =	sdelay $0x1  }
0x23a: {  	v2 =	vmul.f32 v3, v2;
	_ =	sdelay $0x1  }
0x23b: {  	[tilespmem:s26+$0x10] =	vst v2  }
0x23c: {  	v2 =	vld.idx.msk [tilespmem:v62+s16+$0x0], $0xffff;
	_ =	sdelay $0x1  }
0x23d: {  	v3 =	vld [tilespmem:s23+$0x20];
	_ =	sdelay $0x2  }
0x23e: {  	v2 =	vmul.f32 v2, v1;
	_ =	sdelay $0x1  }
0x23f: {  	v3 =	vmul.f32 v2, v3;
	_ =	sdelay $0x1  }
0x240: {  	[tilespmem:s26+$0x20] =	vst v3  }
0x241: {  	v3 =	vld [tilespmem:s23+$0x30];
	_ =	sdelay $0x2  }
0x242: {  	v63 =	vor.u32 $0x2, v61;
	_ =	sdelay $0x1  }
0x243: {  	v2 =	vmul.f32 v3, v2;
	_ =	sdelay $0x1  }
0x244: {  	[tilespmem:s26+$0x30] =	vst v2  }
0x245: {  	v2 =	vld.idx.msk [tilespmem:v63+s16+$0x0], $0xffff;
	_ =	sdelay $0x1  }
0x246: {  	v3 =	vld [tilespmem:s23+$0x40];
	_ =	sdelay $0x2  }
0x247: {  	v2 =	vmul.f32 v2, v1;
	_ =	sdelay $0x1  }
0x248: {  	v3 =	vmul.f32 v2, v3;
	_ =	sdelay $0x1  }
0x249: {  	[tilespmem:s26+$0x40] =	vst v3  }
0x24a: {  	v3 =	vld [tilespmem:s23+$0x50];
	_ =	sdelay $0x2  }
0x24b: {  	v4 =	vor.u32 $0x3, v61;
	_ =	sdelay $0x1  }
0x24c: {  	v2 =	vmul.f32 v3, v2;
	_ =	sdelay $0x1  }
0x24d: {  	[tilespmem:s26+$0x50] =	vst v2  }
0x24e: {  	v2 =	vld.idx.msk [tilespmem:v4+s16+$0x0], $0xffff;
	_ =	sdelay $0x1  }
0x24f: {  	v3 =	vld [tilespmem:s23+$0x60];
	_ =	sdelay $0x2  }
0x250: {  	v2 =	vmul.f32 v2, v1;
	_ =	sdelay $0x1  }
0x251: {  	v3 =	vmul.f32 v2, v3;
	_ =	sdelay $0x1  }
0x252: {  	[tilespmem:s26+$0x60] =	vst v3  }
0x253: {  	v3 =	vld [tilespmem:s23+$0x70];
	_ =	sdelay $0x1  }
0x254: {  	s20 =	sadd.s32 $0x1, s20  }
0x255: {  	p1 =	sne.s32 s20, $0x28  }
.Ltmp3:
0x256: {  	_ = 	snop;
	(pc) =	sbr.rel @p1 .LBB2_4-.Ltmp3, $3  }
0x257: {  	v2 =	vmul.f32 v3, v2;
	_ =	sdelay $0x1  }
0x258: {  	s28 =	sadd.s32 $0x8800, s21;
	[tilespmem:s26+$0x70] =	vst v2  }
0x259: {  	[spmem:s3] =	stream.indirect.scatter.add.f32 [tilespmem:s13], [sflag:$0x6], $0x80, s28, s9, $0xb8;
	[tilespmem:$0x1F020] =	vst v63  }
0x25a: {  	_ =	swait.ge [sflag:s17], $0x2000  }
0x25b: {  	[sflag:s17] =	ssyncset.done $0x0  }
0x25c: {  	[sflag:s17] =	ssyncadd.s32 $0xFFFFE000  }
0x25d: {  	_ =	swait.ge [sflag:s19], $0x400  }
0x25e: {  	[sflag:s19] =	ssyncset.done $0x0  }
0x25f: {  	s12 =	simm.s32 $0x5;
	[sflag:s19] =	ssyncadd.s32 $0xFFFFFC00  }
0x260: {  	_ =	swait.ge [sflag:s12], $0x2000  }
0x261: {  	[sflag:s12] =	ssyncset.done $0x0  }
0x262: {  	s28 =	simm.s32 $0x6;
	[sflag:s12] =	ssyncadd.s32 $0xFFFFE000  }
0x263: {  	_ =	swait.ge [sflag:s28], $0x2000  }
0x264: {  	[sflag:s28] =	ssyncset.done $0x0  }
0x265: {  	[sflag:s28] =	ssyncadd.s32 $0xFFFFE000  }
0x266: {  	[bflag:$0x0] =	sbarrier.arrive $0xFFFF  }
0x267: {  	s15 =	rddreg [dreg:$0x9]  }
0x268: {  	s14 =	rddreg [dreg:$0xc]  }
0x269: {  	s12 =	sadd.s32 @p0 $0x25800, s15;
	s20 =	sshrl.u32 @p0 s14, $0x3;
	s14 =	simm.s32 @p0 $0x1FC8  }
0x26a: {  	[hbm:s12], [sflag:s14] =	dma.local @p0 [spmem:s20], $0x1900  }
0x26b: {  	s12 =	simm.s32 @p0 $0x8  }
0x26c: {  	_ =	swait.ge @p0 [sflag:s12], $0x1900  }
0x26d: {  	[sflag:s12] =	ssyncset.done @p0 $0x0  }
0x26e: {  	[sflag:s12] =	ssyncadd.s32 @p0 $0xFFFFE700;
	s12 =	stileid.u32  }
0x26f: {  	s14 =	rddreg [dreg:$0xa];
	s12 =	sshll.u32 @!p0 s12, $0x6  }
0x270: {  	s21 =	sor.u32 @!p0 $0x1C08, s12;
	s12 =	rddreg [dreg:$0xb]  }
0x271: {  	s14 =	sadd.s32 @!p0 s14, s15;
	s22 =	sshrl.u32 @!p0 s12, $0x3;
	s12 =	simm.s32 @!p0 $0x8  }
0x272: {  	[hbm:s14], [sflag:s21] =	dma.local @!p0 [spmem:s22], $0x2800  }
0x273: {  	_ =	swait.ge @!p0 [sflag:s12], $0x2800  }
0x274: {  	[sflag:s12] =	ssyncset.done @!p0 $0x0  }
0x275: {  	[sflag:s12] =	ssyncadd.s32 @!p0 $0xFFFFD800  }
0x276: {  	s23 =	simm.s32 $0x200;
	s12 =	simm.s32 $0x0;
	[bflag:$0x0] =	sbarrier.arrive $0xFFFF  }
.LBB2_10:
0x277: {  	p1 =	sne.s32 s23, $0x7E00;
	[tilespmem:s12+$0x4070] =	vst v0  }
0x278: {  	[tilespmem:s12+$0x4000] =	vst v0  }
0x279: {  	[tilespmem:s12+$0x4010] =	vst v0  }
.Ltmp4:
0x27a: {  	[tilespmem:s12+$0x4020] =	vst v0;
	(pc) =	sbr.rel @p1 .LBB2_10-.Ltmp4, $4  }
0x27b: {  	[tilespmem:s12+$0x4030] =	vst v0  }
0x27c: {  	[tilespmem:s12+$0x4040] =	vst v0  }
0x27d: {  	[tilespmem:s12+$0x4050] =	vst v0  }
0x27e: {  	[tilespmem:s12+$0x4060] =	vst v0;
	s12 =	sshra.s32 s23, $0x2;
	s23 =	sadd.s32 $0x200, s23  }
0x27f: {  	[tilespmem:s12+$0x4070] =	vst v0  }
0x280: {  	[tilespmem:s12+$0x4000] =	vst v0  }
0x281: {  	[tilespmem:s12+$0x4010] =	vst v0  }
0x282: {  	[tilespmem:s12+$0x4020] =	vst v0  }
0x283: {  	[tilespmem:s12+$0x4030] =	vst v0  }
0x284: {  	[tilespmem:s12+$0x4040] =	vst v0  }
0x285: {  	[tilespmem:s12+$0x4050] =	vst v0  }
0x286: {  	[tilespmem:s12+$0x4060] =	vst v0  }
0x287: {  	[spmem:s29] =	stream.linear.scatter [tilespmem:s30], [sflag:$0x7], $0x2000, $0x38;
	[tilespmem:$0x1F020] =	vst v63  }
0x288: {  	s25 =	rddreg [dreg:$0xf]  }
0x289: {  	[spmem:s25] =	stream.linear.scatter [tilespmem:s30], [sflag:$0x7], $0x2000, $0x38;
	[tilespmem:$0x1F020] =	vst v63  }
0x28a: {  	s26 =	rddreg [dreg:$0x10]  }
0x28b: {  	[spmem:s26] =	stream.linear.scatter [tilespmem:s30], [sflag:$0x7], $0x2000, $0x38;
	[tilespmem:$0x1F020] =	vst v63  }
0x28c: {  	s28 =	rddreg [dreg:$0x11]  }
0x28d: {  	[spmem:s28] =	stream.linear.scatter [tilespmem:s30], [sflag:$0x7], $0x2000, $0x38;
	[tilespmem:$0x1F020] =	vst v63  }
0x28e: {  	s15 =	smov.u32 s29;
	s29 =	rddreg [dreg:$0x12]  }
0x28f: {  	[spmem:s29] =	stream.linear.scatter [tilespmem:s30], [sflag:$0x7], $0x2000, $0x38;
	[tilespmem:$0x1F020] =	vst v63  }
0x290: {  	s14 =	rddreg [dreg:$0x13]  }
0x291: {  	[spmem:s14] =	stream.linear.scatter [tilespmem:s30], [sflag:$0x7], $0x2000, $0x38;
	[tilespmem:$0x1F020] =	vst v63  }
0x292: {  	s23 =	rddreg [dreg:$0x14]  }
0x293: {  	[spmem:s23] =	stream.linear.scatter [tilespmem:s30], [sflag:$0x7], $0x2000, $0x38;
	[tilespmem:$0x1F020] =	vst v63  }
0x294: {  	s24 =	rddreg [dreg:$0x15]  }
0x295: {  	[spmem:s24] =	stream.linear.scatter [tilespmem:s30], [sflag:$0x7], $0x2000, $0x38;
	[tilespmem:$0x1F020] =	vst v63  }
0x296: {  	s25 =	rddreg [dreg:$0x16]  }
0x297: {  	[spmem:s25] =	stream.linear.scatter [tilespmem:s30], [sflag:$0x7], $0x2000, $0x38;
	[tilespmem:$0x1F020] =	vst v63  }
0x298: {  	s26 =	rddreg [dreg:$0x17]  }
0x299: {  	[spmem:s26] =	stream.linear.scatter [tilespmem:s30], [sflag:$0x7], $0x2000, $0x38;
	[tilespmem:$0x1F020] =	vst v63  }
0x29a: {  	_ =	swait.ge [sflag:s0], $0x2000  }
0x29b: {  	[sflag:s0] =	ssyncset.done $0x0  }
0x29c: {  	[sflag:s0] =	ssyncadd.s32 $0xFFFFE000  }
0x29d: {  	_ =	swait.ge [sflag:s0], $0x2000  }
0x29e: {  	[sflag:s0] =	ssyncset.done $0x0  }
0x29f: {  	[sflag:s0] =	ssyncadd.s32 $0xFFFFE000  }
0x2a0: {  	_ =	swait.ge [sflag:s0], $0x2000  }
0x2a1: {  	[sflag:s0] =	ssyncset.done $0x0  }
0x2a2: {  	[sflag:s0] =	ssyncadd.s32 $0xFFFFE000  }
0x2a3: {  	_ =	swait.ge [sflag:s0], $0x2000  }
0x2a4: {  	[sflag:s0] =	ssyncset.done $0x0  }
0x2a5: {  	[sflag:s0] =	ssyncadd.s32 $0xFFFFE000  }
0x2a6: {  	_ =	swait.ge [sflag:s0], $0x2000  }
0x2a7: {  	[sflag:s0] =	ssyncset.done $0x0  }
0x2a8: {  	[sflag:s0] =	ssyncadd.s32 $0xFFFFE000  }
0x2a9: {  	_ =	swait.ge [sflag:s0], $0x2000  }
0x2aa: {  	[sflag:s0] =	ssyncset.done $0x0  }
0x2ab: {  	[sflag:s0] =	ssyncadd.s32 $0xFFFFE000  }
0x2ac: {  	_ =	swait.ge [sflag:s0], $0x2000  }
0x2ad: {  	[sflag:s0] =	ssyncset.done $0x0  }
0x2ae: {  	[sflag:s0] =	ssyncadd.s32 $0xFFFFE000  }
0x2af: {  	_ =	swait.ge [sflag:s0], $0x2000  }
0x2b0: {  	[sflag:s0] =	ssyncset.done $0x0  }
0x2b1: {  	[sflag:s0] =	ssyncadd.s32 $0xFFFFE000  }
0x2b2: {  	_ =	swait.ge [sflag:s0], $0x2000  }
0x2b3: {  	[sflag:s0] =	ssyncset.done $0x0  }
0x2b4: {  	[sflag:s0] =	ssyncadd.s32 $0xFFFFE000  }
0x2b5: {  	_ =	swait.ge [sflag:s0], $0x2000  }
0x2b6: {  	[sflag:s0] =	ssyncset.done $0x0  }
0x2b7: {  	[sflag:s0] =	ssyncadd.s32 $0xFFFFE000  }
0x2b8: {  	s28 =	simm.s32 $0x9C00;
	s23 =	simm.s32 $0x0;
	[bflag:$0x0] =	sbarrier.arrive $0xFFFF  }
0x2b9: {  	[tilespmem:s23], [sflag:$0x1] =	stream.indirect.gather [hbm4b:s7+s9], $0x80, s28, s9, $0xb8;
	[tilespmem:$0x1F020] =	vst v63  }
0x2ba: {  	s29 =	rddreg [dreg:$0x8]  }
0x2bb: {  	[tilespmem:s10], [sflag:$0x3] =	stream.linear.gather [hbm4b:s29+s23], $0x400, $0x38;
	[tilespmem:$0x1F020] =	vst v63  }
.LBB2_12:
0x2bc: {  	s25 =	sshll.u32 s23, $0x7  }
0x2bd: {  	s24 =	sor.u32 $0x40, s25;
	s12 =	sadd.s32 $0x9C40, s25  }
0x2be: {  	[tilespmem:s11], [sflag:$0x2] =	stream.indirect.gather [hbm4b:s7+s9], $0x80, s12, s9, $0xb8;
	[tilespmem:$0x1F020] =	vst v63  }
0x2bf: {  	s14 =	sadd.s32 s5, s24  }
0x2c0: {  	s12 =	sshll.u32 s14, $0x1  }
0x2c1: {  	s12 =	sand.u32 $0x1FFFFF80, s12  }
0x2c2: {  	s12 =	sadd.s32 s8, s12  }
0x2c3: {  	[tilespmem:s16], [sflag:$0x4] =	stream.linear.gather [hbm4b:s12+s4], $0x400, $0x38;
	[tilespmem:$0x1F020] =	vst v63  }
0x2c4: {  	_ =	swait.ge [sflag:s17], $0x2000  }
0x2c5: {  	[sflag:s17] =	ssyncset.done $0x0  }
0x2c6: {  	s26 =	simm.s32 $0x0;
	[sflag:s17] =	ssyncadd.s32 $0xFFFFE000  }
0x2c7: {  	v2 =	vmov s26;
	_ =	swait.ge [sflag:s19], $0x400  }
0x2c8: {  	p1 =	seq.s32 s23, $0x0;
	v3 =	vor.u32 $0x4, v2;
	[sflag:s19] =	ssyncset.done $0x0  }
0x2c9: {  	s12 =	simm.s32 @!p1 $0x5;
	[sflag:s19] =	ssyncadd.s32 $0xFFFFFC00  }
0x2ca: {  	_ =	swait.ge @!p1 [sflag:s12], $0x2000  }
0x2cb: {  	[sflag:s12] =	ssyncset.done @!p1 $0x0  }
0x2cc: {  	[sflag:s12] =	ssyncadd.s32 @!p1 $0xFFFFE000  }
0x2cd: {  	v3 =	vld.idx.msk [tilespmem:v3+s10+$0x0], $0xffff  }
0x2ce: {  	s28 =	simm.s32 $0x80  }
0x2cf: {  	v4 =	vld [tilespmem:s28+$0xFFFFFF80];
	_ =	sdelay $0x2  }
0x2d0: {  	v3 =	vmul.f32 v3, v1;
	_ =	sdelay $0x1  }
0x2d1: {  	v4 =	vmul.f32 v3, v4  }
0x2d2: {  	s26 =	simm.s32 $0x4080  }
0x2d3: {  	[tilespmem:s26+$0xFFFFFF80] =	vst v4  }
0x2d4: {  	v4 =	vld [tilespmem:s28+$0xFFFFFF90];
	_ =	sdelay $0x2  }
0x2d5: {  	v5 =	vor.u32 $0x5, v2;
	_ =	sdelay $0x1  }
0x2d6: {  	v3 =	vmul.f32 v4, v3;
	_ =	sdelay $0x1  }
0x2d7: {  	[tilespmem:s26+$0xFFFFFF90] =	vst v3  }
0x2d8: {  	v3 =	vld.idx.msk [tilespmem:v5+s10+$0x0], $0xffff;
	_ =	sdelay $0x1  }
0x2d9: {  	v4 =	vld [tilespmem:s28+$0xFFFFFFA0];
	_ =	sdelay $0x2  }
0x2da: {  	v3 =	vmul.f32 v3, v1;
	_ =	sdelay $0x1  }
0x2db: {  	v4 =	vmul.f32 v3, v4;
	_ =	sdelay $0x1  }
0x2dc: {  	[tilespmem:s26+$0xFFFFFFA0] =	vst v4  }
0x2dd: {  	v4 =	vld [tilespmem:s28+$0xFFFFFFB0];
	_ =	sdelay $0x2  }
0x2de: {  	v5 =	vor.u32 $0x6, v2;
	_ =	sdelay $0x1  }
0x2df: {  	v3 =	vmul.f32 v4, v3;
	_ =	sdelay $0x1  }
0x2e0: {  	[tilespmem:s26+$0xFFFFFFB0] =	vst v3  }
0x2e1: {  	v3 =	vld.idx.msk [tilespmem:v5+s10+$0x0], $0xffff;
	_ =	sdelay $0x1  }
0x2e2: {  	v4 =	vld [tilespmem:s28+$0xFFFFFFC0];
	_ =	sdelay $0x2  }
0x2e3: {  	v3 =	vmul.f32 v3, v1;
	_ =	sdelay $0x1  }
0x2e4: {  	v4 =	vmul.f32 v3, v4;
	_ =	sdelay $0x1  }
0x2e5: {  	[tilespmem:s26+$0xFFFFFFC0] =	vst v4  }
0x2e6: {  	v4 =	vld [tilespmem:s28+$0xFFFFFFD0];
	_ =	sdelay $0x2  }
0x2e7: {  	v2 =	vor.u32 $0x7, v2;
	_ =	sdelay $0x1  }
0x2e8: {  	v3 =	vmul.f32 v4, v3;
	_ =	sdelay $0x1  }
0x2e9: {  	[tilespmem:s26+$0xFFFFFFD0] =	vst v3  }
0x2ea: {  	v2 =	vld.idx.msk [tilespmem:v2+s10+$0x0], $0xffff;
	_ =	sdelay $0x1  }
0x2eb: {  	v3 =	vld [tilespmem:s28+$0xFFFFFFE0];
	_ =	sdelay $0x2  }
0x2ec: {  	v2 =	vmul.f32 v2, v1;
	_ =	sdelay $0x1  }
0x2ed: {  	v3 =	vmul.f32 v2, v3;
	_ =	sdelay $0x1  }
0x2ee: {  	[tilespmem:s26+$0xFFFFFFE0] =	vst v3  }
0x2ef: {  	v3 =	vld [tilespmem:s28+$0xFFFFFFF0]  }
0x2f0: {  	s14 =	simm.s32 $0x10  }
0x2f1: {  	v4 =	vmov s14  }
0x2f2: {  	v5 =	vor.u32 $0x4, v4;
	_ =	sdelay $0x1  }
0x2f3: {  	v2 =	vmul.f32 v3, v2;
	_ =	sdelay $0x1  }
0x2f4: {  	[tilespmem:s26+$0xFFFFFFF0] =	vst v2  }
0x2f5: {  	v2 =	vld.idx.msk [tilespmem:v5+s10+$0x0], $0xffff;
	_ =	sdelay $0x1  }
0x2f6: {  	v3 =	vld [tilespmem:s28+$0x0];
	_ =	sdelay $0x2  }
0x2f7: {  	v2 =	vmul.f32 v2, v1;
	_ =	sdelay $0x1  }
0x2f8: {  	v3 =	vmul.f32 v2, v3;
	_ =	sdelay $0x1  }
0x2f9: {  	[tilespmem:s26+$0x0] =	vst v3  }
0x2fa: {  	v3 =	vld [tilespmem:s28+$0x10];
	_ =	sdelay $0x2  }
0x2fb: {  	v5 =	vor.u32 $0x5, v4;
	_ =	sdelay $0x1  }
0x2fc: {  	v2 =	vmul.f32 v3, v2;
	_ =	sdelay $0x1  }
0x2fd: {  	[tilespmem:s26+$0x10] =	vst v2  }
0x2fe: {  	v2 =	vld.idx.msk [tilespmem:v5+s10+$0x0], $0xffff;
	_ =	sdelay $0x1  }
0x2ff: {  	v3 =	vld [tilespmem:s28+$0x20];
	_ =	sdelay $0x2  }
0x300: {  	v2 =	vmul.f32 v2, v1;
	_ =	sdelay $0x1  }
0x301: {  	v3 =	vmul.f32 v2, v3;
	_ =	sdelay $0x1  }
0x302: {  	[tilespmem:s26+$0x20] =	vst v3  }
0x303: {  	v3 =	vld [tilespmem:s28+$0x30];
	_ =	sdelay $0x2  }
0x304: {  	v5 =	vor.u32 $0x6, v4;
	_ =	sdelay $0x1  }
0x305: {  	v2 =	vmul.f32 v3, v2;
	_ =	sdelay $0x1  }
0x306: {  	[tilespmem:s26+$0x30] =	vst v2  }
0x307: {  	v2 =	vld.idx.msk [tilespmem:v5+s10+$0x0], $0xffff;
	_ =	sdelay $0x1  }
0x308: {  	v3 =	vld [tilespmem:s28+$0x40];
	_ =	sdelay $0x2  }
0x309: {  	v2 =	vmul.f32 v2, v1;
	_ =	sdelay $0x1  }
0x30a: {  	v3 =	vmul.f32 v2, v3;
	_ =	sdelay $0x1  }
0x30b: {  	[tilespmem:s26+$0x40] =	vst v3  }
0x30c: {  	v3 =	vld [tilespmem:s28+$0x50];
	_ =	sdelay $0x2  }
0x30d: {  	v4 =	vor.u32 $0x7, v4;
	_ =	sdelay $0x1  }
0x30e: {  	v2 =	vmul.f32 v3, v2;
	_ =	sdelay $0x1  }
0x30f: {  	[tilespmem:s26+$0x50] =	vst v2  }
0x310: {  	v2 =	vld.idx.msk [tilespmem:v4+s10+$0x0], $0xffff;
	_ =	sdelay $0x1  }
0x311: {  	v3 =	vld [tilespmem:s28+$0x60];
	_ =	sdelay $0x2  }
0x312: {  	v5 =	vmul.f32 v2, v1;
	_ =	sdelay $0x1  }
0x313: {  	v2 =	vmul.f32 v5, v3;
	_ =	sdelay $0x1  }
0x314: {  	[tilespmem:s26+$0x60] =	vst v2  }
0x315: {  	v6 =	vld [tilespmem:s28+$0x70]  }
0x316: {  	s14 =	simm.s32 $0x20  }
0x317: {  	v3 =	vmov s14  }
0x318: {  	v4 =	vor.u32 $0x4, v3  }
0x319: {  	s14 =	simm.s32 $0x30  }
0x31a: {  	s29 =	simm.s32 $0x4;
	v2 =	vmov s14;
	v5 =	vmul.f32 v6, v5  }
.LBB2_13:
0x31b: {  	s28 =	sadd.s32 $0x100, s28  }
0x31c: {  	s12 =	smov.u32 s29;
	s14 =	sadd.s32 $0x2, s29;
	[tilespmem:s26+$0x70] =	vst v5;
	s26 =	sadd.s32 $0x100, s26  }
0x31d: {  	p2 =	sne.s32 s29, $0x3E;
	v4 =	vld.idx.msk [tilespmem:v4+s10+$0x0], $0xffff;
	_ =	sdelay $0x2  }
0x31e: {  	v5 =	vld [tilespmem:s28+$0xFFFFFF80];
	_ =	sdelay $0x2  }
0x31f: {  	v4 =	vmul.f32 v4, v1;
	_ =	sdelay $0x1  }
0x320: {  	v5 =	vmul.f32 v4, v5;
	_ =	sdelay $0x1  }
0x321: {  	[tilespmem:s26+$0xFFFFFF80] =	vst v5  }
0x322: {  	v5 =	vld [tilespmem:s28+$0xFFFFFF90];
	_ =	sdelay $0x2  }
0x323: {  	v6 =	vor.u32 $0x5, v3;
	_ =	sdelay $0x1  }
0x324: {  	v4 =	vmul.f32 v5, v4;
	_ =	sdelay $0x1  }
0x325: {  	[tilespmem:s26+$0xFFFFFF90] =	vst v4  }
0x326: {  	v4 =	vld.idx.msk [tilespmem:v6+s10+$0x0], $0xffff;
	_ =	sdelay $0x2  }
0x327: {  	v5 =	vld [tilespmem:s28+$0xFFFFFFA0];
	_ =	sdelay $0x2  }
0x328: {  	v4 =	vmul.f32 v4, v1;
	_ =	sdelay $0x1  }
0x329: {  	v5 =	vmul.f32 v4, v5;
	_ =	sdelay $0x1  }
0x32a: {  	[tilespmem:s26+$0xFFFFFFA0] =	vst v5  }
0x32b: {  	v5 =	vld [tilespmem:s28+$0xFFFFFFB0];
	_ =	sdelay $0x2  }
0x32c: {  	v6 =	vor.u32 $0x6, v3;
	_ =	sdelay $0x1  }
0x32d: {  	v4 =	vmul.f32 v5, v4;
	_ =	sdelay $0x1  }
0x32e: {  	[tilespmem:s26+$0xFFFFFFB0] =	vst v4  }
0x32f: {  	v4 =	vld.idx.msk [tilespmem:v6+s10+$0x0], $0xffff;
	_ =	sdelay $0x2  }
0x330: {  	v5 =	vld [tilespmem:s28+$0xFFFFFFC0];
	_ =	sdelay $0x2  }
0x331: {  	v4 =	vmul.f32 v4, v1;
	_ =	sdelay $0x1  }
0x332: {  	v5 =	vmul.f32 v4, v5;
	_ =	sdelay $0x1  }
0x333: {  	[tilespmem:s26+$0xFFFFFFC0] =	vst v5  }
0x334: {  	v5 =	vld [tilespmem:s28+$0xFFFFFFD0];
	_ =	sdelay $0x2  }
0x335: {  	v3 =	vor.u32 $0x7, v3;
	_ =	sdelay $0x1  }
0x336: {  	v4 =	vmul.f32 v5, v4;
	_ =	sdelay $0x1  }
0x337: {  	[tilespmem:s26+$0xFFFFFFD0] =	vst v4  }
0x338: {  	v3 =	vld.idx.msk [tilespmem:v3+s10+$0x0], $0xffff;
	_ =	sdelay $0x2  }
0x339: {  	v4 =	vld [tilespmem:s28+$0xFFFFFFE0];
	_ =	sdelay $0x2  }
0x33a: {  	v3 =	vmul.f32 v3, v1;
	_ =	sdelay $0x1  }
0x33b: {  	v4 =	vmul.f32 v3, v4;
	_ =	sdelay $0x1  }
0x33c: {  	[tilespmem:s26+$0xFFFFFFE0] =	vst v4  }
0x33d: {  	v4 =	vld [tilespmem:s28+$0xFFFFFFF0];
	_ =	sdelay $0x2  }
0x33e: {  	v5 =	vor.u32 $0x4, v2;
	_ =	sdelay $0x1  }
0x33f: {  	v3 =	vmul.f32 v4, v3;
	_ =	sdelay $0x1  }
0x340: {  	[tilespmem:s26+$0xFFFFFFF0] =	vst v3  }
0x341: {  	v3 =	vld.idx.msk [tilespmem:v5+s10+$0x0], $0xffff;
	_ =	sdelay $0x2  }
0x342: {  	v4 =	vld [tilespmem:s28+$0x0];
	_ =	sdelay $0x2  }
0x343: {  	v3 =	vmul.f32 v3, v1;
	_ =	sdelay $0x1  }
0x344: {  	v4 =	vmul.f32 v3, v4;
	_ =	sdelay $0x1  }
0x345: {  	[tilespmem:s26+$0x0] =	vst v4  }
0x346: {  	v4 =	vld [tilespmem:s28+$0x10];
	_ =	sdelay $0x2  }
0x347: {  	v5 =	vor.u32 $0x5, v2;
	_ =	sdelay $0x1  }
0x348: {  	v3 =	vmul.f32 v4, v3;
	_ =	sdelay $0x1  }
0x349: {  	[tilespmem:s26+$0x10] =	vst v3  }
0x34a: {  	v3 =	vld.idx.msk [tilespmem:v5+s10+$0x0], $0xffff  }
0x34b: {  	v4 =	vld [tilespmem:s28+$0x20];
	_ =	sdelay $0x4  }
0x34c: {  	v3 =	vmul.f32 v3, v1;
	_ =	sdelay $0x1  }
0x34d: {  	v4 =	vmul.f32 v3, v4;
	_ =	sdelay $0x1  }
0x34e: {  	[tilespmem:s26+$0x20] =	vst v4  }
0x34f: {  	v4 =	vld [tilespmem:s28+$0x30];
	_ =	sdelay $0x2  }
0x350: {  	v5 =	vor.u32 $0x6, v2;
	_ =	sdelay $0x1  }
0x351: {  	v3 =	vmul.f32 v4, v3;
	_ =	sdelay $0x1  }
0x352: {  	[tilespmem:s26+$0x30] =	vst v3  }
0x353: {  	v3 =	vld.idx.msk [tilespmem:v5+s10+$0x0], $0xffff  }
0x354: {  	v4 =	vld [tilespmem:s28+$0x40];
	_ =	sdelay $0x4  }
0x355: {  	v3 =	vmul.f32 v3, v1;
	_ =	sdelay $0x1  }
0x356: {  	v4 =	vmul.f32 v3, v4;
	_ =	sdelay $0x1  }
0x357: {  	[tilespmem:s26+$0x40] =	vst v4  }
0x358: {  	v4 =	vld [tilespmem:s28+$0x50];
	_ =	sdelay $0x2  }
0x359: {  	v2 =	vor.u32 $0x7, v2;
	_ =	sdelay $0x1  }
0x35a: {  	v3 =	vmul.f32 v4, v3;
	_ =	sdelay $0x1  }
0x35b: {  	[tilespmem:s26+$0x50] =	vst v3  }
0x35c: {  	v2 =	vld.idx.msk [tilespmem:v2+s10+$0x0], $0xffff  }
0x35d: {  	v3 =	vld [tilespmem:s28+$0x60];
	_ =	sdelay $0x4  }
0x35e: {  	v5 =	vmul.f32 v2, v1;
	_ =	sdelay $0x1  }
0x35f: {  	v2 =	vmul.f32 v5, v3;
	_ =	sdelay $0x1  }
0x360: {  	[tilespmem:s26+$0x60] =	vst v2  }
0x361: {  	v6 =	vld [tilespmem:s28+$0x70]  }
.Ltmp5:
0x362: {  	s12 =	sshll.u32 s12, $0x4;
	(pc) =	sbr.rel @p2 .LBB2_13-.Ltmp5, $3  }
0x363: {  	v3 =	vmov s12;
	s12 =	sadd.s32 $0x10, s12  }
0x364: {  	v4 =	vor.u32 $0x4, v3;
	v2 =	vmov s12;
	_ =	sdelay $0x1  }
0x365: {  	s29 =	smov.u32 s14;
	v5 =	vmul.f32 v6, v5  }
0x366: {  	_ =	sdelay $0x2  }
0x367: {  	[tilespmem:s26+$0x70] =	vst v5  }
0x368: {  	v4 =	vld.idx.msk [tilespmem:v4+s10+$0x0], $0xffff  }
0x369: {  	s12 =	sadd.s32 $0x100, s28  }
0x36a: {  	v5 =	vld [tilespmem:s12+$0xFFFFFF80];
	_ =	sdelay $0x2  }
0x36b: {  	v4 =	vmul.f32 v4, v1;
	_ =	sdelay $0x1  }
0x36c: {  	v5 =	vmul.f32 v4, v5  }
0x36d: {  	s14 =	sadd.s32 $0x100, s26  }
0x36e: {  	[tilespmem:s14+$0xFFFFFF80] =	vst v5  }
0x36f: {  	v5 =	vld [tilespmem:s12+$0xFFFFFF90];
	_ =	sdelay $0x2  }
0x370: {  	v6 =	vor.u32 $0x5, v3;
	_ =	sdelay $0x1  }
0x371: {  	v4 =	vmul.f32 v5, v4;
	_ =	sdelay $0x1  }
0x372: {  	[tilespmem:s14+$0xFFFFFF90] =	vst v4  }
0x373: {  	v4 =	vld.idx.msk [tilespmem:v6+s10+$0x0], $0xffff;
	_ =	sdelay $0x1  }
0x374: {  	v5 =	vld [tilespmem:s12+$0xFFFFFFA0];
	_ =	sdelay $0x2  }
0x375: {  	v4 =	vmul.f32 v4, v1;
	_ =	sdelay $0x1  }
0x376: {  	v5 =	vmul.f32 v4, v5;
	_ =	sdelay $0x1  }
0x377: {  	[tilespmem:s14+$0xFFFFFFA0] =	vst v5  }
0x378: {  	v5 =	vld [tilespmem:s12+$0xFFFFFFB0];
	_ =	sdelay $0x2  }
0x379: {  	v6 =	vor.u32 $0x6, v3;
	_ =	sdelay $0x1  }
0x37a: {  	v4 =	vmul.f32 v5, v4;
	_ =	sdelay $0x1  }
0x37b: {  	[tilespmem:s14+$0xFFFFFFB0] =	vst v4  }
0x37c: {  	v4 =	vld.idx.msk [tilespmem:v6+s10+$0x0], $0xffff;
	_ =	sdelay $0x1  }
0x37d: {  	v5 =	vld [tilespmem:s12+$0xFFFFFFC0];
	_ =	sdelay $0x2  }
0x37e: {  	v4 =	vmul.f32 v4, v1;
	_ =	sdelay $0x1  }
0x37f: {  	v5 =	vmul.f32 v4, v5;
	_ =	sdelay $0x1  }
0x380: {  	[tilespmem:s14+$0xFFFFFFC0] =	vst v5  }
0x381: {  	v5 =	vld [tilespmem:s12+$0xFFFFFFD0];
	_ =	sdelay $0x2  }
0x382: {  	v3 =	vor.u32 $0x7, v3;
	_ =	sdelay $0x1  }
0x383: {  	v4 =	vmul.f32 v5, v4;
	_ =	sdelay $0x1  }
0x384: {  	[tilespmem:s14+$0xFFFFFFD0] =	vst v4  }
0x385: {  	v3 =	vld.idx.msk [tilespmem:v3+s10+$0x0], $0xffff;
	_ =	sdelay $0x1  }
0x386: {  	v4 =	vld [tilespmem:s12+$0xFFFFFFE0];
	_ =	sdelay $0x2  }
0x387: {  	v3 =	vmul.f32 v3, v1;
	_ =	sdelay $0x1  }
0x388: {  	v4 =	vmul.f32 v3, v4;
	_ =	sdelay $0x1  }
0x389: {  	[tilespmem:s14+$0xFFFFFFE0] =	vst v4  }
0x38a: {  	v4 =	vld [tilespmem:s12+$0xFFFFFFF0];
	_ =	sdelay $0x2  }
0x38b: {  	v5 =	vor.u32 $0x4, v2;
	_ =	sdelay $0x1  }
0x38c: {  	v3 =	vmul.f32 v4, v3;
	_ =	sdelay $0x1  }
0x38d: {  	[tilespmem:s14+$0xFFFFFFF0] =	vst v3  }
0x38e: {  	v3 =	vld.idx.msk [tilespmem:v5+s10+$0x0], $0xffff;
	_ =	sdelay $0x1  }
0x38f: {  	v4 =	vld [tilespmem:s12+$0x0];
	_ =	sdelay $0x2  }
0x390: {  	v3 =	vmul.f32 v3, v1;
	_ =	sdelay $0x1  }
0x391: {  	v4 =	vmul.f32 v3, v4;
	_ =	sdelay $0x1  }
0x392: {  	[tilespmem:s14+$0x0] =	vst v4  }
0x393: {  	v4 =	vld [tilespmem:s12+$0x10];
	_ =	sdelay $0x2  }
0x394: {  	v5 =	vor.u32 $0x5, v2;
	_ =	sdelay $0x1  }
0x395: {  	v3 =	vmul.f32 v4, v3;
	_ =	sdelay $0x1  }
0x396: {  	[tilespmem:s14+$0x10] =	vst v3  }
0x397: {  	v3 =	vld.idx.msk [tilespmem:v5+s10+$0x0], $0xffff;
	_ =	sdelay $0x1  }
0x398: {  	v4 =	vld [tilespmem:s12+$0x20];
	_ =	sdelay $0x2  }
0x399: {  	v3 =	vmul.f32 v3, v1;
	_ =	sdelay $0x1  }
0x39a: {  	v4 =	vmul.f32 v3, v4;
	_ =	sdelay $0x1  }
0x39b: {  	[tilespmem:s14+$0x20] =	vst v4  }
0x39c: {  	v4 =	vld [tilespmem:s12+$0x30];
	_ =	sdelay $0x2  }
0x39d: {  	v5 =	vor.u32 $0x6, v2;
	_ =	sdelay $0x1  }
0x39e: {  	v3 =	vmul.f32 v4, v3;
	_ =	sdelay $0x1  }
0x39f: {  	[tilespmem:s14+$0x30] =	vst v3  }
0x3a0: {  	v3 =	vld.idx.msk [tilespmem:v5+s10+$0x0], $0xffff;
	_ =	sdelay $0x1  }
0x3a1: {  	v4 =	vld [tilespmem:s12+$0x40];
	_ =	sdelay $0x2  }
0x3a2: {  	v3 =	vmul.f32 v3, v1;
	_ =	sdelay $0x1  }
0x3a3: {  	v4 =	vmul.f32 v3, v4;
	_ =	sdelay $0x1  }
0x3a4: {  	[tilespmem:s14+$0x40] =	vst v4  }
0x3a5: {  	v4 =	vld [tilespmem:s12+$0x50];
	_ =	sdelay $0x2  }
0x3a6: {  	v2 =	vor.u32 $0x7, v2;
	_ =	sdelay $0x1  }
0x3a7: {  	v3 =	vmul.f32 v4, v3;
	_ =	sdelay $0x1  }
0x3a8: {  	[tilespmem:s14+$0x50] =	vst v3  }
0x3a9: {  	v2 =	vld.idx.msk [tilespmem:v2+s10+$0x0], $0xffff;
	_ =	sdelay $0x1  }
0x3aa: {  	v3 =	vld [tilespmem:s12+$0x60];
	_ =	sdelay $0x2  }
0x3ab: {  	v2 =	vmul.f32 v2, v1;
	_ =	sdelay $0x1  }
0x3ac: {  	v3 =	vmul.f32 v2, v3;
	_ =	sdelay $0x1  }
0x3ad: {  	[tilespmem:s14+$0x60] =	vst v3  }
0x3ae: {  	v3 =	vld [tilespmem:s12+$0x70];
	_ =	sdelay $0x4  }
0x3af: {  	v2 =	vmul.f32 v3, v2  }
0x3b0: {  	s28 =	sand.u32 $0x3FFFFF80, s25  }
0x3b1: {  	s12 =	sadd.s32 $0x8800, s28;
	[tilespmem:s14+$0x70] =	vst v2  }
0x3b2: {  	[spmem:s3] =	stream.indirect.scatter.add.f32 [tilespmem:s30], [sflag:$0x5], $0x80, s12, s9, $0xb8;
	[tilespmem:$0x1F020] =	vst v63  }
0x3b3: {  	p2 =	seq.s32 s23, $0x27;
	s12 =	sadd.s32 $0x80, s25  }
0x3b4: {  	s12 =	simm.s32 @p2 $0x0  }
0x3b5: {  	s14 =	sadd.s32 $0x9C00, s12;
	s12 =	sadd.s32 s5, s12  }
0x3b6: {  	[tilespmem:s4], [sflag:$0x1] =	stream.indirect.gather [hbm4b:s7+s9], $0x80, s14, s9, $0xb8;
	[tilespmem:$0x1F020] =	vst v63  }
0x3b7: {  	s12 =	sshll.u32 s12, $0x1  }
0x3b8: {  	s12 =	sand.u32 $0x1FFFFF00, s12  }
0x3b9: {  	s12 =	sadd.s32 s8, s12  }
0x3ba: {  	[tilespmem:s10], [sflag:$0x3] =	stream.linear.gather [hbm4b:s12+s4], $0x400, $0x38;
	[tilespmem:$0x1F020] =	vst v63  }
0x3bb: {  	_ =	swait.ge [sflag:s2], $0x2000  }
0x3bc: {  	[sflag:s2] =	ssyncset.done $0x0  }
0x3bd: {  	s29 =	simm.s32 $0x0;
	[sflag:s2] =	ssyncadd.s32 $0xFFFFE000  }
0x3be: {  	v2 =	vmov s29;
	_ =	swait.ge [sflag:s1], $0x400  }
0x3bf: {  	v3 =	vor.u32 $0x4, v2;
	[sflag:s1] =	ssyncset.done $0x0  }
0x3c0: {  	s12 =	simm.s32 @!p1 $0x6;
	[sflag:s1] =	ssyncadd.s32 $0xFFFFFC00  }
0x3c1: {  	_ =	swait.ge @!p1 [sflag:s12], $0x2000  }
0x3c2: {  	[sflag:s12] =	ssyncset.done @!p1 $0x0  }
0x3c3: {  	[sflag:s12] =	ssyncadd.s32 @!p1 $0xFFFFE000  }
0x3c4: {  	v3 =	vld.idx.msk [tilespmem:v3+s16+$0x0], $0xffff  }
0x3c5: {  	s26 =	simm.s32 $0x2080  }
0x3c6: {  	v4 =	vld [tilespmem:s26+$0xFFFFFF80];
	_ =	sdelay $0x2  }
0x3c7: {  	v3 =	vmul.f32 v3, v1;
	_ =	sdelay $0x1  }
0x3c8: {  	v4 =	vmul.f32 v3, v4  }
0x3c9: {  	s25 =	simm.s32 $0x6080  }
0x3ca: {  	[tilespmem:s25+$0xFFFFFF80] =	vst v4  }
0x3cb: {  	v4 =	vld [tilespmem:s26+$0xFFFFFF90];
	_ =	sdelay $0x2  }
0x3cc: {  	v5 =	vor.u32 $0x5, v2;
	_ =	sdelay $0x1  }
0x3cd: {  	v3 =	vmul.f32 v4, v3;
	_ =	sdelay $0x1  }
0x3ce: {  	[tilespmem:s25+$0xFFFFFF90] =	vst v3  }
0x3cf: {  	v3 =	vld.idx.msk [tilespmem:v5+s16+$0x0], $0xffff;
	_ =	sdelay $0x1  }
0x3d0: {  	v4 =	vld [tilespmem:s26+$0xFFFFFFA0];
	_ =	sdelay $0x2  }
0x3d1: {  	v3 =	vmul.f32 v3, v1;
	_ =	sdelay $0x1  }
0x3d2: {  	v4 =	vmul.f32 v3, v4;
	_ =	sdelay $0x1  }
0x3d3: {  	[tilespmem:s25+$0xFFFFFFA0] =	vst v4  }
0x3d4: {  	v4 =	vld [tilespmem:s26+$0xFFFFFFB0];
	_ =	sdelay $0x2  }
0x3d5: {  	v5 =	vor.u32 $0x6, v2;
	_ =	sdelay $0x1  }
0x3d6: {  	v3 =	vmul.f32 v4, v3;
	_ =	sdelay $0x1  }
0x3d7: {  	[tilespmem:s25+$0xFFFFFFB0] =	vst v3  }
0x3d8: {  	v3 =	vld.idx.msk [tilespmem:v5+s16+$0x0], $0xffff;
	_ =	sdelay $0x1  }
0x3d9: {  	v4 =	vld [tilespmem:s26+$0xFFFFFFC0];
	_ =	sdelay $0x2  }
0x3da: {  	v3 =	vmul.f32 v3, v1;
	_ =	sdelay $0x1  }
0x3db: {  	v4 =	vmul.f32 v3, v4;
	_ =	sdelay $0x1  }
0x3dc: {  	[tilespmem:s25+$0xFFFFFFC0] =	vst v4  }
0x3dd: {  	v4 =	vld [tilespmem:s26+$0xFFFFFFD0];
	_ =	sdelay $0x2  }
0x3de: {  	v2 =	vor.u32 $0x7, v2;
	_ =	sdelay $0x1  }
0x3df: {  	v3 =	vmul.f32 v4, v3;
	_ =	sdelay $0x1  }
0x3e0: {  	[tilespmem:s25+$0xFFFFFFD0] =	vst v3  }
0x3e1: {  	v2 =	vld.idx.msk [tilespmem:v2+s16+$0x0], $0xffff;
	_ =	sdelay $0x1  }
0x3e2: {  	v3 =	vld [tilespmem:s26+$0xFFFFFFE0];
	_ =	sdelay $0x2  }
0x3e3: {  	v2 =	vmul.f32 v2, v1;
	_ =	sdelay $0x1  }
0x3e4: {  	v3 =	vmul.f32 v2, v3;
	_ =	sdelay $0x1  }
0x3e5: {  	[tilespmem:s25+$0xFFFFFFE0] =	vst v3  }
0x3e6: {  	v3 =	vld [tilespmem:s26+$0xFFFFFFF0]  }
0x3e7: {  	s14 =	simm.s32 $0x10  }
0x3e8: {  	v4 =	vmov s14  }
0x3e9: {  	v5 =	vor.u32 $0x4, v4;
	_ =	sdelay $0x1  }
0x3ea: {  	v2 =	vmul.f32 v3, v2;
	_ =	sdelay $0x1  }
0x3eb: {  	[tilespmem:s25+$0xFFFFFFF0] =	vst v2  }
0x3ec: {  	v2 =	vld.idx.msk [tilespmem:v5+s16+$0x0], $0xffff;
	_ =	sdelay $0x1  }
0x3ed: {  	v3 =	vld [tilespmem:s26+$0x0];
	_ =	sdelay $0x2  }
0x3ee: {  	v2 =	vmul.f32 v2, v1;
	_ =	sdelay $0x1  }
0x3ef: {  	v3 =	vmul.f32 v2, v3;
	_ =	sdelay $0x1  }
0x3f0: {  	[tilespmem:s25+$0x0] =	vst v3  }
0x3f1: {  	v3 =	vld [tilespmem:s26+$0x10];
	_ =	sdelay $0x2  }
0x3f2: {  	v5 =	vor.u32 $0x5, v4;
	_ =	sdelay $0x1  }
0x3f3: {  	v2 =	vmul.f32 v3, v2;
	_ =	sdelay $0x1  }
0x3f4: {  	[tilespmem:s25+$0x10] =	vst v2  }
0x3f5: {  	v2 =	vld.idx.msk [tilespmem:v5+s16+$0x0], $0xffff;
	_ =	sdelay $0x1  }
0x3f6: {  	v3 =	vld [tilespmem:s26+$0x20];
	_ =	sdelay $0x2  }
0x3f7: {  	v2 =	vmul.f32 v2, v1;
	_ =	sdelay $0x1  }
0x3f8: {  	v3 =	vmul.f32 v2, v3;
	_ =	sdelay $0x1  }
0x3f9: {  	[tilespmem:s25+$0x20] =	vst v3  }
0x3fa: {  	v3 =	vld [tilespmem:s26+$0x30];
	_ =	sdelay $0x2  }
0x3fb: {  	v5 =	vor.u32 $0x6, v4;
	_ =	sdelay $0x1  }
0x3fc: {  	v2 =	vmul.f32 v3, v2;
	_ =	sdelay $0x1  }
0x3fd: {  	[tilespmem:s25+$0x30] =	vst v2  }
0x3fe: {  	v2 =	vld.idx.msk [tilespmem:v5+s16+$0x0], $0xffff;
	_ =	sdelay $0x1  }
0x3ff: {  	v3 =	vld [tilespmem:s26+$0x40];
	_ =	sdelay $0x2  }
0x400: {  	v2 =	vmul.f32 v2, v1;
	_ =	sdelay $0x1  }
0x401: {  	v3 =	vmul.f32 v2, v3;
	_ =	sdelay $0x1  }
0x402: {  	[tilespmem:s25+$0x40] =	vst v3  }
0x403: {  	v3 =	vld [tilespmem:s26+$0x50];
	_ =	sdelay $0x2  }
0x404: {  	v4 =	vor.u32 $0x7, v4;
	_ =	sdelay $0x1  }
0x405: {  	v2 =	vmul.f32 v3, v2;
	_ =	sdelay $0x1  }
0x406: {  	[tilespmem:s25+$0x50] =	vst v2  }
0x407: {  	v2 =	vld.idx.msk [tilespmem:v4+s16+$0x0], $0xffff;
	_ =	sdelay $0x1  }
0x408: {  	v3 =	vld [tilespmem:s26+$0x60];
	_ =	sdelay $0x2  }
0x409: {  	v5 =	vmul.f32 v2, v1;
	_ =	sdelay $0x1  }
0x40a: {  	v2 =	vmul.f32 v5, v3;
	_ =	sdelay $0x1  }
0x40b: {  	[tilespmem:s25+$0x60] =	vst v2  }
0x40c: {  	v6 =	vld [tilespmem:s26+$0x70]  }
0x40d: {  	s28 =	simm.s32 $0x20  }
0x40e: {  	v3 =	vmov s28  }
0x40f: {  	v4 =	vor.u32 $0x4, v3  }
0x410: {  	s29 =	simm.s32 $0x30  }
0x411: {  	s14 =	simm.s32 $0x4;
	v2 =	vmov s29;
	v5 =	vmul.f32 v6, v5  }
.LBB2_15:
0x412: {  	s26 =	sadd.s32 $0x100, s26  }
0x413: {  	s12 =	smov.u32 s14;
	s28 =	sadd.s32 $0x2, s14;
	[tilespmem:s25+$0x70] =	vst v5;
	s25 =	sadd.s32 $0x100, s25  }
0x414: {  	p1 =	sne.s32 s14, $0x3E;
	v4 =	vld.idx.msk [tilespmem:v4+s16+$0x0], $0xffff;
	_ =	sdelay $0x2  }
0x415: {  	v5 =	vld [tilespmem:s26+$0xFFFFFF80];
	_ =	sdelay $0x2  }
0x416: {  	v4 =	vmul.f32 v4, v1;
	_ =	sdelay $0x1  }
0x417: {  	v5 =	vmul.f32 v4, v5;
	_ =	sdelay $0x1  }
0x418: {  	[tilespmem:s25+$0xFFFFFF80] =	vst v5  }
0x419: {  	v5 =	vld [tilespmem:s26+$0xFFFFFF90];
	_ =	sdelay $0x2  }
0x41a: {  	v6 =	vor.u32 $0x5, v3;
	_ =	sdelay $0x1  }
0x41b: {  	v4 =	vmul.f32 v5, v4;
	_ =	sdelay $0x1  }
0x41c: {  	[tilespmem:s25+$0xFFFFFF90] =	vst v4  }
0x41d: {  	v4 =	vld.idx.msk [tilespmem:v6+s16+$0x0], $0xffff;
	_ =	sdelay $0x2  }
0x41e: {  	v5 =	vld [tilespmem:s26+$0xFFFFFFA0];
	_ =	sdelay $0x2  }
0x41f: {  	v4 =	vmul.f32 v4, v1;
	_ =	sdelay $0x1  }
0x420: {  	v5 =	vmul.f32 v4, v5;
	_ =	sdelay $0x1  }
0x421: {  	[tilespmem:s25+$0xFFFFFFA0] =	vst v5  }
0x422: {  	v5 =	vld [tilespmem:s26+$0xFFFFFFB0];
	_ =	sdelay $0x2  }
0x423: {  	v6 =	vor.u32 $0x6, v3;
	_ =	sdelay $0x1  }
0x424: {  	v4 =	vmul.f32 v5, v4;
	_ =	sdelay $0x1  }
0x425: {  	[tilespmem:s25+$0xFFFFFFB0] =	vst v4  }
0x426: {  	v4 =	vld.idx.msk [tilespmem:v6+s16+$0x0], $0xffff;
	_ =	sdelay $0x2  }
0x427: {  	v5 =	vld [tilespmem:s26+$0xFFFFFFC0];
	_ =	sdelay $0x2  }
0x428: {  	v4 =	vmul.f32 v4, v1;
	_ =	sdelay $0x1  }
0x429: {  	v5 =	vmul.f32 v4, v5;
	_ =	sdelay $0x1  }
0x42a: {  	[tilespmem:s25+$0xFFFFFFC0] =	vst v5  }
0x42b: {  	v5 =	vld [tilespmem:s26+$0xFFFFFFD0];
	_ =	sdelay $0x2  }
0x42c: {  	v3 =	vor.u32 $0x7, v3;
	_ =	sdelay $0x1  }
0x42d: {  	v4 =	vmul.f32 v5, v4;
	_ =	sdelay $0x1  }
0x42e: {  	[tilespmem:s25+$0xFFFFFFD0] =	vst v4  }
0x42f: {  	v3 =	vld.idx.msk [tilespmem:v3+s16+$0x0], $0xffff;
	_ =	sdelay $0x2  }
0x430: {  	v4 =	vld [tilespmem:s26+$0xFFFFFFE0];
	_ =	sdelay $0x2  }
0x431: {  	v3 =	vmul.f32 v3, v1;
	_ =	sdelay $0x1  }
0x432: {  	v4 =	vmul.f32 v3, v4;
	_ =	sdelay $0x1  }
0x433: {  	[tilespmem:s25+$0xFFFFFFE0] =	vst v4  }
0x434: {  	v4 =	vld [tilespmem:s26+$0xFFFFFFF0];
	_ =	sdelay $0x2  }
0x435: {  	v5 =	vor.u32 $0x4, v2;
	_ =	sdelay $0x1  }
0x436: {  	v3 =	vmul.f32 v4, v3;
	_ =	sdelay $0x1  }
0x437: {  	[tilespmem:s25+$0xFFFFFFF0] =	vst v3  }
0x438: {  	v3 =	vld.idx.msk [tilespmem:v5+s16+$0x0], $0xffff;
	_ =	sdelay $0x2  }
0x439: {  	v4 =	vld [tilespmem:s26+$0x0];
	_ =	sdelay $0x2  }
0x43a: {  	v3 =	vmul.f32 v3, v1;
	_ =	sdelay $0x1  }
0x43b: {  	v4 =	vmul.f32 v3, v4;
	_ =	sdelay $0x1  }
0x43c: {  	[tilespmem:s25+$0x0] =	vst v4  }
0x43d: {  	v4 =	vld [tilespmem:s26+$0x10];
	_ =	sdelay $0x2  }
0x43e: {  	v5 =	vor.u32 $0x5, v2;
	_ =	sdelay $0x1  }
0x43f: {  	v3 =	vmul.f32 v4, v3;
	_ =	sdelay $0x1  }
0x440: {  	[tilespmem:s25+$0x10] =	vst v3  }
0x441: {  	v3 =	vld.idx.msk [tilespmem:v5+s16+$0x0], $0xffff  }
0x442: {  	v4 =	vld [tilespmem:s26+$0x20];
	_ =	sdelay $0x4  }
0x443: {  	v3 =	vmul.f32 v3, v1;
	_ =	sdelay $0x1  }
0x444: {  	v4 =	vmul.f32 v3, v4;
	_ =	sdelay $0x1  }
0x445: {  	[tilespmem:s25+$0x20] =	vst v4  }
0x446: {  	v4 =	vld [tilespmem:s26+$0x30];
	_ =	sdelay $0x2  }
0x447: {  	v5 =	vor.u32 $0x6, v2;
	_ =	sdelay $0x1  }
0x448: {  	v3 =	vmul.f32 v4, v3;
	_ =	sdelay $0x1  }
0x449: {  	[tilespmem:s25+$0x30] =	vst v3  }
0x44a: {  	v3 =	vld.idx.msk [tilespmem:v5+s16+$0x0], $0xffff  }
0x44b: {  	v4 =	vld [tilespmem:s26+$0x40];
	_ =	sdelay $0x4  }
0x44c: {  	v3 =	vmul.f32 v3, v1;
	_ =	sdelay $0x1  }
0x44d: {  	v4 =	vmul.f32 v3, v4;
	_ =	sdelay $0x1  }
0x44e: {  	[tilespmem:s25+$0x40] =	vst v4  }
0x44f: {  	v4 =	vld [tilespmem:s26+$0x50];
	_ =	sdelay $0x2  }
0x450: {  	v2 =	vor.u32 $0x7, v2;
	_ =	sdelay $0x1  }
0x451: {  	v3 =	vmul.f32 v4, v3;
	_ =	sdelay $0x1  }
0x452: {  	[tilespmem:s25+$0x50] =	vst v3  }
0x453: {  	v2 =	vld.idx.msk [tilespmem:v2+s16+$0x0], $0xffff  }
0x454: {  	v3 =	vld [tilespmem:s26+$0x60];
	_ =	sdelay $0x4  }
0x455: {  	v5 =	vmul.f32 v2, v1;
	_ =	sdelay $0x1  }
0x456: {  	v2 =	vmul.f32 v5, v3;
	_ =	sdelay $0x1  }
0x457: {  	[tilespmem:s25+$0x60] =	vst v2  }
0x458: {  	v6 =	vld [tilespmem:s26+$0x70]  }
.Ltmp6:
0x459: {  	s12 =	sshll.u32 s12, $0x4;
	(pc) =	sbr.rel @p1 .LBB2_15-.Ltmp6, $3  }
0x45a: {  	v3 =	vmov s12;
	s12 =	sadd.s32 $0x10, s12  }
0x45b: {  	v4 =	vor.u32 $0x4, v3;
	v2 =	vmov s12;
	_ =	sdelay $0x1  }
0x45c: {  	s14 =	smov.u32 s28;
	v5 =	vmul.f32 v6, v5  }
0x45d: {  	_ =	sdelay $0x2  }
0x45e: {  	[tilespmem:s25+$0x70] =	vst v5  }
0x45f: {  	v4 =	vld.idx.msk [tilespmem:v4+s16+$0x0], $0xffff  }
0x460: {  	s12 =	sadd.s32 $0x100, s26  }
0x461: {  	v5 =	vld [tilespmem:s12+$0xFFFFFF80];
	_ =	sdelay $0x2  }
0x462: {  	v4 =	vmul.f32 v4, v1;
	_ =	sdelay $0x1  }
0x463: {  	v5 =	vmul.f32 v4, v5  }
0x464: {  	s28 =	sadd.s32 $0x100, s25  }
0x465: {  	[tilespmem:s28+$0xFFFFFF80] =	vst v5  }
0x466: {  	v5 =	vld [tilespmem:s12+$0xFFFFFF90];
	_ =	sdelay $0x2  }
0x467: {  	v6 =	vor.u32 $0x5, v3;
	_ =	sdelay $0x1  }
0x468: {  	v4 =	vmul.f32 v5, v4;
	_ =	sdelay $0x1  }
0x469: {  	[tilespmem:s28+$0xFFFFFF90] =	vst v4  }
0x46a: {  	v4 =	vld.idx.msk [tilespmem:v6+s16+$0x0], $0xffff;
	_ =	sdelay $0x1  }
0x46b: {  	v55 =	vld [tilespmem:s12+$0xFFFFFFA0];
	_ =	sdelay $0x2  }
0x46c: {  	v4 =	vmul.f32 v4, v1;
	_ =	sdelay $0x1  }
0x46d: {  	v5 =	vmul.f32 v4, v55;
	_ =	sdelay $0x1  }
0x46e: {  	[tilespmem:s28+$0xFFFFFFA0] =	vst v5  }
0x46f: {  	v5 =	vld [tilespmem:s12+$0xFFFFFFB0];
	_ =	sdelay $0x2  }
0x470: {  	v56 =	vor.u32 $0x6, v3;
	_ =	sdelay $0x1  }
0x471: {  	v4 =	vmul.f32 v5, v4;
	_ =	sdelay $0x1  }
0x472: {  	[tilespmem:s28+$0xFFFFFFB0] =	vst v4  }
0x473: {  	v4 =	vld.idx.msk [tilespmem:v56+s16+$0x0], $0xffff;
	_ =	sdelay $0x1  }
0x474: {  	v57 =	vld [tilespmem:s12+$0xFFFFFFC0];
	_ =	sdelay $0x2  }
0x475: {  	v4 =	vmul.f32 v4, v1;
	_ =	sdelay $0x1  }
0x476: {  	v5 =	vmul.f32 v4, v57;
	_ =	sdelay $0x1  }
0x477: {  	[tilespmem:s28+$0xFFFFFFC0] =	vst v5  }
0x478: {  	v5 =	vld [tilespmem:s12+$0xFFFFFFD0];
	_ =	sdelay $0x2  }
0x479: {  	v3 =	vor.u32 $0x7, v3;
	_ =	sdelay $0x1  }
0x47a: {  	v4 =	vmul.f32 v5, v4;
	_ =	sdelay $0x1  }
0x47b: {  	[tilespmem:s28+$0xFFFFFFD0] =	vst v4  }
0x47c: {  	v3 =	vld.idx.msk [tilespmem:v3+s16+$0x0], $0xffff;
	_ =	sdelay $0x1  }
0x47d: {  	v4 =	vld [tilespmem:s12+$0xFFFFFFE0];
	_ =	sdelay $0x2  }
0x47e: {  	v3 =	vmul.f32 v3, v1;
	_ =	sdelay $0x1  }
0x47f: {  	v4 =	vmul.f32 v3, v4;
	_ =	sdelay $0x1  }
0x480: {  	[tilespmem:s28+$0xFFFFFFE0] =	vst v4  }
0x481: {  	v4 =	vld [tilespmem:s12+$0xFFFFFFF0];
	_ =	sdelay $0x2  }
0x482: {  	v58 =	vor.u32 $0x4, v2;
	_ =	sdelay $0x1  }
0x483: {  	v3 =	vmul.f32 v4, v3;
	_ =	sdelay $0x1  }
0x484: {  	[tilespmem:s28+$0xFFFFFFF0] =	vst v3  }
0x485: {  	v3 =	vld.idx.msk [tilespmem:v58+s16+$0x0], $0xffff;
	_ =	sdelay $0x1  }
0x486: {  	v59 =	vld [tilespmem:s12+$0x0];
	_ =	sdelay $0x2  }
0x487: {  	v3 =	vmul.f32 v3, v1;
	_ =	sdelay $0x1  }
0x488: {  	v4 =	vmul.f32 v3, v59;
	_ =	sdelay $0x1  }
0x489: {  	[tilespmem:s28+$0x0] =	vst v4  }
0x48a: {  	v4 =	vld [tilespmem:s12+$0x10];
	_ =	sdelay $0x2  }
0x48b: {  	v60 =	vor.u32 $0x5, v2;
	_ =	sdelay $0x1  }
0x48c: {  	v3 =	vmul.f32 v4, v3;
	_ =	sdelay $0x1  }
0x48d: {  	[tilespmem:s28+$0x10] =	vst v3  }
0x48e: {  	v3 =	vld.idx.msk [tilespmem:v60+s16+$0x0], $0xffff;
	_ =	sdelay $0x1  }
0x48f: {  	v61 =	vld [tilespmem:s12+$0x20];
	_ =	sdelay $0x2  }
0x490: {  	v3 =	vmul.f32 v3, v1;
	_ =	sdelay $0x1  }
0x491: {  	v4 =	vmul.f32 v3, v61;
	_ =	sdelay $0x1  }
0x492: {  	[tilespmem:s28+$0x20] =	vst v4  }
0x493: {  	v4 =	vld [tilespmem:s12+$0x30];
	_ =	sdelay $0x2  }
0x494: {  	v62 =	vor.u32 $0x6, v2;
	_ =	sdelay $0x1  }
0x495: {  	v3 =	vmul.f32 v4, v3;
	_ =	sdelay $0x1  }
0x496: {  	[tilespmem:s28+$0x30] =	vst v3  }
0x497: {  	v3 =	vld.idx.msk [tilespmem:v62+s16+$0x0], $0xffff;
	_ =	sdelay $0x1  }
0x498: {  	v63 =	vld [tilespmem:s12+$0x40];
	_ =	sdelay $0x2  }
0x499: {  	v3 =	vmul.f32 v3, v1;
	_ =	sdelay $0x1  }
0x49a: {  	v4 =	vmul.f32 v3, v63;
	_ =	sdelay $0x1  }
0x49b: {  	[tilespmem:s28+$0x40] =	vst v4  }
0x49c: {  	v4 =	vld [tilespmem:s12+$0x50];
	_ =	sdelay $0x2  }
0x49d: {  	v2 =	vor.u32 $0x7, v2;
	_ =	sdelay $0x1  }
0x49e: {  	v3 =	vmul.f32 v4, v3;
	_ =	sdelay $0x1  }
0x49f: {  	[tilespmem:s28+$0x50] =	vst v3  }
0x4a0: {  	v2 =	vld.idx.msk [tilespmem:v2+s16+$0x0], $0xffff;
	_ =	sdelay $0x1  }
0x4a1: {  	v3 =	vld [tilespmem:s12+$0x60];
	_ =	sdelay $0x2  }
0x4a2: {  	v2 =	vmul.f32 v2, v1;
	_ =	sdelay $0x1  }
0x4a3: {  	v3 =	vmul.f32 v2, v3;
	_ =	sdelay $0x1  }
0x4a4: {  	[tilespmem:s28+$0x60] =	vst v3  }
0x4a5: {  	v3 =	vld [tilespmem:s12+$0x70];
	_ =	sdelay $0x1  }
0x4a6: {  	s23 =	sadd.s32 $0x1, s23  }
0x4a7: {  	p1 =	sne.s32 s23, $0x28  }
.Ltmp7:
0x4a8: {  	_ = 	snop;
	(pc) =	sbr.rel @p1 .LBB2_12-.Ltmp7, $3  }
0x4a9: {  	v2 =	vmul.f32 v3, v2;
	_ =	sdelay $0x1  }
0x4aa: {  	s29 =	sadd.s32 $0x8800, s24;
	[tilespmem:s28+$0x70] =	vst v2  }
0x4ab: {  	[spmem:s3] =	stream.indirect.scatter.add.f32 [tilespmem:s13], [sflag:$0x6], $0x80, s29, s9, $0xb8;
	[tilespmem:$0x1F020] =	vst v63  }
0x4ac: {  	_ =	swait.ge [sflag:s17], $0x2000  }
0x4ad: {  	[sflag:s17] =	ssyncset.done $0x0  }
0x4ae: {  	[sflag:s17] =	ssyncadd.s32 $0xFFFFE000  }
0x4af: {  	_ =	swait.ge [sflag:s19], $0x400  }
0x4b0: {  	[sflag:s19] =	ssyncset.done $0x0  }
0x4b1: {  	s12 =	simm.s32 $0x5;
	[sflag:s19] =	ssyncadd.s32 $0xFFFFFC00  }
0x4b2: {  	_ =	swait.ge [sflag:s12], $0x2000  }
0x4b3: {  	[sflag:s12] =	ssyncset.done $0x0  }
0x4b4: {  	s26 =	simm.s32 $0x6;
	[sflag:s12] =	ssyncadd.s32 $0xFFFFE000  }
0x4b5: {  	_ =	swait.ge [sflag:s26], $0x2000  }
0x4b6: {  	[sflag:s26] =	ssyncset.done $0x0  }
0x4b7: {  	[sflag:s26] =	ssyncadd.s32 $0xFFFFE000  }
0x4b8: {  	[bflag:$0x0] =	sbarrier.arrive $0xFFFF  }
0x4b9: {  	s23 =	rddreg [dreg:$0xd]  }
0x4ba: {  	s14 =	simm.s32 @p0 $0x1FC8;
	s12 =	sadd.s32 @p0 $0x25800, s23  }
0x4bb: {  	[hbm:s12], [sflag:s14] =	dma.local @p0 [spmem:s20], $0x1900  }
0x4bc: {  	s12 =	simm.s32 @p0 $0x8  }
0x4bd: {  	_ =	swait.ge @p0 [sflag:s12], $0x1900  }
0x4be: {  	[sflag:s12] =	ssyncset.done @p0 $0x0  }
0x4bf: {  	[sflag:s12] =	ssyncadd.s32 @p0 $0xFFFFE700;
	s12 =	rddreg [dreg:$0xa]  }
0x4c0: {  	s12 =	sadd.s32 @!p0 s12, s23  }
0x4c1: {  	[hbm:s12], [sflag:s21] =	dma.local @!p0 [spmem:s22], $0x2800  }
0x4c2: {  	s12 =	simm.s32 @!p0 $0x8  }
0x4c3: {  	_ =	swait.ge @!p0 [sflag:s12], $0x2800  }
0x4c4: {  	s18 =	sadd.s32 $0x1, s18;
	s28 =	rddreg [dreg:$0xe]  }
0x4c5: {  	p1 =	sne.s32 s18, s28  }
.Ltmp8:
0x4c6: {  	_ = 	snop;
	(pc) =	sbr.rel @p1 .LBB2_1-.Ltmp8, $4  }
0x4c7: {  	[sflag:s12] =	ssyncset.done @!p0 $0x0  }
0x4c8: {  	[sflag:s12] =	ssyncadd.s32 @!p0 $0xFFFFD800  }
0x4c9: {  	[bflag:$0x0] =	sbarrier.arrive $0xFFFF  }
0x4ca: {  	s29 =	smov.u32 s15  }
0x4cb: {  	_ =	sfence.sel $0x180000  }
0x4cc: {  	[bflag:$0x0] =	sbarrier.arrive $0xFFFF  }
0x4cd: {  	_ =	strace $0x9000004A  }
0x4ce: {  	s0 =	stileid.u32;
	[bflag:$0x2] =	sbarrier.arrive $0xFFFF  }
0x4cf: {  	p0 =	sne.s32 s0, $0x0;
	s0 =	rddreg [dreg:$0x3]  }
0x4d0: {  	s0 =	sadd.s32 @!p0 $0x100000, s0  }
0x4d1: {  	[sflag:s0] =	ssyncadd.tile.s32 @!p0 $0x1;
	_ =	shalt  }
.Lfunc_end2:
_tile_overlayer_lowered:
.L_overlay_start_2:
0x4d2: {  	(tag) =	ssettag $0x2  }
0x4d3: {  	s0 =	rddreg [dreg:$0x0];
	s2 =	stileid.u32  }
0x4d4: {  	s1 =	rddreg [dreg:$0x1];
	p0 =	sne.s32 s2, $0x0  }
0x4d5: {  	s3 =	rddreg [dreg:$0x2];
	[bflag:$0x3] =	sbarrier.arrive $0xFFFF;
	s2 =	simm.s32 @!p0 $0x1C08  }
0x4d6: {  	[timem:s3], [sflag:s2] =	dma.local @!p0 [hbm:s0], s1  }
0x4d7: {  	s0 =	simm.s32 @!p0 $0x8  }
0x4d8: {  	_ =	swait.ge @!p0 [sflag:s0], s1  }
0x4d9: {  	s1 =	ssub.s32 @!p0 $0x0, s1;
	[sflag:s0] =	ssyncset.done @!p0 $0x0  }
0x4da: {  	[sflag:s0] =	ssyncadd.s32 @!p0 s1  }
0x4db: {  	[bflag:$0x3] =	sbarrier.arrive $0xFFFF  }
0x4dc: {  	_ =	shalt  }

// kernel: kernel.8.cloned.1.call-start
scs
__scs_entry_jumppad:
0x0: {  	(pc) =	sbr.rel $0x88, $3  }
0x1: {  	(tag) =	ssettag $0x0;
	lr =	simm.s32 $0x1  }
0x2: {  	[smem:$0x3F99] =	sst lr;
	_ =	strace $0xD0000000  }
0x3: {  	_ = 	snop  }
0x4: {  	_ = 	snop  }
0x5: {  	_ = 	snop  }
0x6: {  	_ = 	snop  }
0x7: {  	_ = 	snop  }
__scs_overlays_trampoline_lowered:
0x8: {  	[smem:$0x3FA8] =	sst s0  }
0x9: {  	[smem:$0x3FA9] =	sst s1  }
0xa: {  	[smem:$0x3FAA] =	sst s2  }
0xb: {  	[smem:$0x3FAB] =	sst s3  }
0xc: {  	[smem:$0x3FAC] =	sst s4  }
0xd: {  	[smem:$0x3FAD] =	sst s5  }
0xe: {  	[smem:$0x3FAE] =	sst s6  }
0xf: {  	[smem:$0x3FAF] =	sst s7  }
0x10: {  	[smem:$0x3FB0] =	sst s8  }
0x11: {  	[smem:$0x3FB1] =	sst s9;
	s0 =	simm.s32 @!p0 $0x0  }
0x12: {  	s1 =	sld [smem:$0x3F97];
	s0 =	simm.s32 @p0 $0x1  }
0x13: {  	[smem:$0x3FB2] =	sst s0;
	s0 =	simm.s32 @!p1 $0x0  }
0x14: {  	s2 =	sld [smem:$0x3F96];
	s0 =	simm.s32 @p1 $0x1  }
0x15: {  	[smem:$0x3FB3] =	sst s0;
	s0 =	simm.s32 @!p2 $0x0  }
0x16: {  	s3 =	sld [smem:$0x3FDB];
	s0 =	simm.s32 @p2 $0x1  }
0x17: {  	s4 =	simm.s32 $0x1BF5;
	[smem:$0x3FB5] =	sst s0  }
0x18: {  	s0 =	sld [smem:$0x3F98];
	_ =	swait.ge [sflag:s4], $0x0  }
0x19: {  	s7 =	sld [smem:$0x3F99]  }
0x1a: {  	s8 =	sadd.s32 $0xFFFFE003, lr  }
0x1b: {  	s9 =	sadd.s32 $0xFFFFFEF7, lr;
	s5 =	simm.s32 $0xFFFFFFFF;
	p2 =	slt.u32 s8, $0xFFFFF086  }
0x1c: {  	p1 =	slt.u32 s9, $0xF7A;
	s5 =	simm.s32 @!p2 $0x0  }
0x1d: {  	s5 =	simm.s32 @p1 $0x1;
	p0 =	seq.s32 s7, s2  }
0x1e: {  	s7 =	smul.u32 @!p0 $0xF7A, s2;
	p2 =	seq.s32 @!p0 s5, $0x0  }
0x1f: {  	s9 =	smul.u32 $0xF7A, s1;
	s8 =	simm.s32 @!p0 $0x1BF5;
	p2 =	por !p2, p0  }
0x20: {  	[sflag:s8] =	ssyncset.s32 @!p0 $0xFFFFF086;
	s6 =	sadd.s32 @!p0 s3, s7;
	s7 =	simm.s32 @!p0 $0x108  }
0x21: {  	s3 =	sadd.s32 s3, s9;
	s6 =	sadd.s32 @!p0 $0x88, s6;
	s7 =	simm.s32 @p2 $0x1082  }
0x22: {  	[simem:s7], [sflag:s8] =	dma.local @!p0 [hbm:s6], $0xF7A  }
0x23: {  	s9 =	sor.u32 $0xD0000000, s2;
	s6 =	simm.s32 $0x108;
	_ =	swait.ge @!p0 [sflag:s8], $0x0  }
0x24: {  	s3 =	sadd.s32 $0x88, s3;
	s6 =	simm.s32 @!p1 $0x1082;
	[sflag:s4] =	ssyncset.s32 $0xFFFFF086  }
0x25: {  	[simem:s6], [sflag:s4] =	dma.local [hbm:s3], $0xF7A  }
0x26: {  	[smem:$0x3F99] =	sst s1;
	(tag) =	ssettag s2;
	_ =	strace s9  }
0x27: {  	s1 =	sld [smem:$0x3FA9]  }
0x28: {  	s2 =	sld [smem:$0x3FAA]  }
0x29: {  	s4 =	sld [smem:$0x3FAC]  }
0x2a: {  	p0 =	seq.s32 s5, $0x0;
	s5 =	sld [smem:$0x3FAD]  }
0x2b: {  	s6 =	sld [smem:$0x3FAE]  }
0x2c: {  	s7 =	sld [smem:$0x3FAF]  }
0x2d: {  	s3 =	simm.s32 $0x108;
	s8 =	sld [smem:$0x3FB0]  }
0x2e: {  	s3 =	simm.s32 @!p0 $0x1082;
	s9 =	sld [smem:$0x3FB1]  }
0x2f: {  	lr =	sadd.s32 s0, s3;
	s0 =	sld [smem:$0x3FA8]  }
0x30: {  	s3 =	sld [smem:$0x3FAB]  }
0x31: {  	[smem:$0x3FB4] =	sst s10  }
0x32: {  	s10 =	sld [smem:$0x3FB2];
	_ =	sdelay $0x3  }
0x33: {  	p0 =	seq.s32 s10, $0x1;
	s10 =	sld [smem:$0x3FB4];
	_ =	sdelay $0x3  }
0x34: {  	[smem:$0x3FB4] =	sst s10  }
0x35: {  	s10 =	sld [smem:$0x3FB3];
	_ =	sdelay $0x3  }
0x36: {  	p1 =	seq.s32 s10, $0x1;
	s10 =	sld [smem:$0x3FB4];
	_ =	sdelay $0x3  }
0x37: {  	[smem:$0x3FB4] =	sst s10  }
0x38: {  	s10 =	sld [smem:$0x3FB5]  }
0x39: {  	_ = 	snop;
	(pc) =	sbr.ind lr, $3  }
0x3a: {  	_ = 	snop  }
0x3b: {  	_ = 	snop  }
0x3c: {  	p2 =	seq.s32 s10, $0x1;
	s10 =	sld [smem:$0x3FB4]  }
0x3d: {  	_ =	shalt  }
0x3e: {  	_ =	shalt  }
0x3f: {  	_ =	shalt  }
0x40: {  	_ =	shalt  }
0x41: {  	_ =	shalt  }
0x42: {  	_ =	shalt  }
0x43: {  	_ =	shalt  }
0x44: {  	_ =	shalt  }
0x45: {  	_ =	shalt  }
0x46: {  	_ =	shalt  }
0x47: {  	_ =	shalt  }
0x48: {  	_ =	shalt  }
0x49: {  	_ =	shalt  }
0x4a: {  	_ =	shalt  }
0x4b: {  	_ =	shalt  }
0x4c: {  	_ =	shalt  }
0x4d: {  	_ =	shalt  }
0x4e: {  	_ =	shalt  }
0x4f: {  	_ =	shalt  }
0x50: {  	_ =	shalt  }
0x51: {  	_ =	shalt  }
0x52: {  	_ =	shalt  }
0x53: {  	_ =	shalt  }
0x54: {  	_ =	shalt  }
0x55: {  	_ =	shalt  }
0x56: {  	_ =	shalt  }
0x57: {  	_ =	shalt  }
0x58: {  	_ =	shalt  }
0x59: {  	_ =	shalt  }
0x5a: {  	_ =	shalt  }
0x5b: {  	_ =	shalt  }
0x5c: {  	_ =	shalt  }
0x5d: {  	_ =	shalt  }
0x5e: {  	_ =	shalt  }
0x5f: {  	_ =	shalt  }
0x60: {  	_ =	shalt  }
0x61: {  	_ =	shalt  }
0x62: {  	_ =	shalt  }
0x63: {  	_ =	shalt  }
0x64: {  	_ =	shalt  }
0x65: {  	_ =	shalt  }
0x66: {  	_ =	shalt  }
0x67: {  	_ =	shalt  }
0x68: {  	_ =	shalt  }
0x69: {  	_ =	shalt  }
0x6a: {  	_ =	shalt  }
0x6b: {  	_ =	shalt  }
0x6c: {  	_ =	shalt  }
0x6d: {  	_ =	shalt  }
0x6e: {  	_ =	shalt  }
0x6f: {  	_ =	shalt  }
0x70: {  	_ =	shalt  }
0x71: {  	_ =	shalt  }
0x72: {  	_ =	shalt  }
0x73: {  	_ =	shalt  }
0x74: {  	_ =	shalt  }
0x75: {  	_ =	shalt  }
0x76: {  	_ =	shalt  }
0x77: {  	_ =	shalt  }
0x78: {  	_ =	shalt  }
0x79: {  	_ =	shalt  }
0x7a: {  	_ =	shalt  }
0x7b: {  	_ =	shalt  }
0x7c: {  	_ =	shalt  }
0x7d: {  	_ =	shalt  }
0x7e: {  	_ =	shalt  }
0x7f: {  	_ =	shalt  }
0x80: {  	_ =	shalt  }
0x81: {  	_ =	shalt  }
0x82: {  	_ =	shalt  }
0x83: {  	_ =	shalt  }
0x84: {  	_ =	shalt  }
0x85: {  	_ =	shalt  }
0x86: {  	_ =	shalt  }
0x87: {  	_ =	shalt  }
.Lfunc_end0:
.L_simem_size_0:
called_computation_lowered:
.L_overlay_start_0:
0x88: {  	s2 =	sld [smem:$0x3FD9]  }
0x89: {  	s3 =	sld [smem:$0x3FFE];
	_ =	sdelay $0x1  }
0x8a: {  	s1 =	srdreg.scid  }
0x8b: {  	s0 =	sand.u32 $0x1, s1  }
0x8c: {  	s17 =	sshll.u32 s0, $0xA;
	s2 =	sadd.s32 s3, s2  }
0x8d: {  	s2 =	sadd.s32 s2, s17  }
0x8e: {  	[smem:$0x3FC0] =	sst s2  }
0x8f: {  	_ = 	snop  }
0x90: {  	s2 =	sld [smem:$0x3FD0];
	(tm) =	ssettm $0x1  }
0x91: {  	s18 =	sld [smem:$0x3FFB];
	_ =	sdelay $0x3  }
0x92: {  	_ =	strace s18  }
0x93: {  	s3 =	sld [smem:$0x3FFC];
	_ =	sdelay $0x3  }
0x94: {  	_ =	strace s3  }
0x95: {  	s3 =	sld [smem:$0x3FFD];
	_ =	sdelay $0x3  }
0x96: {  	_ =	strace s3  }
0x97: {  	_ =	strace $0x8FFFFFFF  }
0x98: {  	s19 =	sld [smem:$0x3FDB];
	_ =	sdelay $0x1  }
0x99: {  	s4 =	simm.s32 $_scs_section_size  }
0x9a: {  	s5 =	simm.s32 $_size__tile_overlayer_lowered;
	s6 =	simm.s32 $_tile_overlayer_lowered  }
0x9b: {  	s22 =	simm.s32 $0x1BFF;
	s21 =	sshll.u32 s6, $0x1;
	s3 =	sadd.s32 s4, s19  }
0x9c: {  	s7 =	simm.s32 $0x0;
	s20 =	sshll.u32 s5, $0x1;
	s5 =	sadd.s32 s21, s3  }
0x9d: {  	[timem:s7], [sflag:s22] =	dma.local [hbm:s5], s20  }
0x9e: {  	_ =	swait.ge [sflag:s22], s20  }
0x9f: {  	s4 =	ssub.s32 $0x0, s20;
	[sflag:s22] =	ssyncset.done $0x0  }
0xa0: {  	[sflag:s22] =	ssyncadd.s32 s4;
	_ =	sdelay $0x1  }
0xa1: {  	s23 =	simm.s32 $0x1B8B  }
0xa2: {  	_ =	swait.ge [sflag:s23], $0x1  }
0xa3: {  	[sflag:s23] =	ssyncset.done $0x0  }
0xa4: {  	s25 =	simm.s32 $0x1B8E;
	s24 =	sld [smem:$0x3FFE];
	[sflag:s23] =	ssyncadd.s32 $0xFFFFFFFF  }
0xa5: {  	s26 =	simm.s32 $execute0_lowered;
	[smem:$0x3FD2] =	sst s25  }
0xa6: {  	s5 =	sshll.u32 s26, $0x1;
	_ =	strace $0x80000046;
	[dreg:$0x1] =	wrdreg $0xFFFFFFFF  }
0xa7: {  	s28 =	simm.s32 $_size_execute0_lowered;
	s3 =	sadd.s32 s3, s5;
	[dreg:$0x0] =	wrdreg $0x0  }
0xa8: {  	s5 =	sshll.u32 s28, $0x1;
	[dreg:$0x2] =	wrdreg s3  }
0xa9: {  	[dreg:$0x3] =	wrdreg s5  }
0xaa: {  	[dreg:$0x4] =	wrdreg $0xC0  }
0xab: {  	_ =	task [dreg:s7], $0x5FFFF  }
0xac: {  	[dreg:$0x1] =	wrdreg $0xFFFFFFFF  }
0xad: {  	[dreg:$0x0] =	wrdreg $0x60  }
0xae: {  	[dreg:$0x2] =	wrdreg s2  }
0xaf: {  	[dreg:$0x3] =	wrdreg s24  }
0xb0: {  	[dreg:$0x4] =	wrdreg $0x14C900  }
0xb1: {  	[dreg:$0x5] =	wrdreg $0x14C100  }
0xb2: {  	[dreg:$0x6] =	wrdreg $0x9  }
0xb3: {  	_ =	task.clear_ibuf [dreg:s7], $0x7FFFF;
	_ =	strace $0x90000046  }
0xb4: {  	s29 =	simm.s32 $0x9;
	_ =	strace $0x80000048  }
0xb5: {  	_ =	swait.ge [sflag:s29], $0x1  }
0xb6: {  	[sflag:s29] =	ssyncadd.s32 $0xFFFFFFFF  }
0xb7: {  	_ =	strace $0x90000048  }
0xb8: {  	_ =	sfence  }
0xb9: {  	s30 =	sld [smem:$0x0];
	_ =	sdelay $0x2  }
0xba: {  	s31 =	sshll.u32 s1, $0xD;
	s1 =	sshrl.u32 s1, $0x2  }
0xbb: {  	s3 =	sand.u32 $0x4000, s31;
	s1 =	sadd.s32 s1, s30  }
0xbc: {  	s0 =	sor.u32 s3, s0;
	s1 =	sshll.u32 s1, $0x11  }
0xbd: {  	s0 =	sor.u32 s1, s0  }
0xbe: {  	s0 =	sadd.s32 $0x8F2B, s0  }
0xbf: {  	[sflag:s0] =	ssyncadd.remote.s32 $0x1  }
0xc0: {  	_ =	sfence.sel $0xFFFF  }
0xc1: {  	[dreg:$0x0] =	wrdreg $0xFFFFFFFF;
	(pc) =	sbr.abs _section_cstart, $3  }
0xc2: {  	[dreg:$0x1] =	wrdreg $0xFFFFFFFF  }
0xc3: {  	_ =	task.clear_ibuf [dreg:s7], $0x2FFFF;
	_ =	strace $0x9FFFFFFF  }
0xc4: {  	(tm) =	ssettm $0x7FFFFFFF  }
0xc5: {  	_ =	shalt  }
tec
execute0_lowered:
.L_overlay_start_1:
0x0: {  	(tag) =	ssettag $0x1  }
0x1: {  	s0 =	rddreg [dreg:$0x0]  }
0x2: {  	s2 =	rddreg [dreg:$0x1]  }
0x3: {  	s1 =	srdreg.scid;
	s3 =	rddreg [dreg:$0x2]  }
0x4: {  	s16 =	stileid.u32;
	s17 =	rddreg [dreg:$0x3]  }
0x5: {  	s5 =	simm.s32 $0x0;
	s29 =	simm.s32 $0x1;
	s31 =	simm.s32 $0x2  }
0x6: {  	s28 =	simm.s32 $0x6;
	s1 =	sand.u32 $0x1, s1;
	s15 =	smul.u32 $0xA000, s16  }
0x7: {  	[smem:$0x7FF] =	sst s5;
	s7 =	sadd.s32 $0xF5E00, s2;
	s22 =	smul.u32 $0x2800, s16  }
0x8: {  	s9 =	sadd.s32 $0x176000, s2;
	s20 =	sshll.u32 s16, $0x7;
	s23 =	smul.u32 $0x1400, s16  }
0x9: {  	p0 =	seq.s32 s16, $0xF;
	s4 =	sshll.u32 s1, $0x4;
	_ =	strace $0x80000047  }
0xa: {  	s12 =	smul.u32 $0x4E20, s1;
	s13 =	ssub.s32 $0x2, s1;
	s21 =	sadd.s32 s20, s17  }
0xb: {  	s1 =	smul.u32 $0x14000, s1;
	p1 =	seq.s32 @!p0 s16, $0x0;
	s20 =	simm.s32 $0x14400  }
0xc: {  	s17 =	simm.s32 $0x10000;
	s10 =	sor.u32 s16, s4;
	s14 =	sshrl.u32 s13, $0x1  }
0xd: {  	s19 =	sshrl.u32 s15, $0x2;
	[dreg:$0x8] =	wrdreg s21;
	p1 =	por !p1, p0  }
0xe: {  	s6 =	smul.u32 $0x1400, s10;
	s12 =	sadd.s32 s12, s2;
	s1 =	sadd.s32 s23, s1  }
0xf: {  	s30 =	ssub.s32 s13, s14;
	s13 =	sadd.s32 $0x16C000, s12;
	[dreg:$0xe] =	wrdreg s1  }
0x10: {  	s1 =	sor.u32 $0x40, s1;
	s8 =	sshrl.u32 s6, $0x3;
	[dreg:$0x9] =	wrdreg s13  }
0x11: {  	s16 =	simm.s32 $0x11400;
	[dreg:$0x14] =	wrdreg s1;
	s11 =	sadd.s32 s8, s2  }
0x12: {  	s8 =	sadd.s32 $0x144000, s2;
	s2 =	sadd.s32 s4, s2;
	s4 =	smax.u32 s30, $0x1  }
0x13: {  	s15 =	smul.u32 $0x14000, s10;
	s18 =	sadd.s32 $0x1800, s11;
	[dreg:$0xb] =	wrdreg s4  }
0x14: {  	s10 =	sshrl.u32 s22, $0x3;
	s11 =	sadd.s32 $0x6800, s11;
	[dreg:$0x5] =	wrdreg s18  }
0x15: {  	s12 =	simm.s32 $0x13000;
	s2 =	sadd.s32 $0x175E00, s2;
	[dreg:$0x6] =	wrdreg s11  }
0x16: {  	s1 =	simm.s32 $0x40;
	s18 =	sadd.s32 s19, s3;
	[dreg:$0xa] =	wrdreg s2  }
0x17: {  	s14 =	sadd.s32 s8, s6;
	s24 =	sadd.s32 $0x800, s18;
	[dreg:$0x7] =	wrdreg s18  }
0x18: {  	s11 =	sadd.s32 s22, s3;
	s25 =	sadd.s32 $0x1000, s18;
	[dreg:$0xc] =	wrdreg s24  }
0x19: {  	v1 =	vimm.s32 $0x0;
	vm0 =	vcmask $0x300;
	s2 =	sadd.s32 $0x25800, s3;
	s26 =	sadd.s32 $0x1800, s18;
	[dreg:$0xd] =	wrdreg s25  }
0x1a: {  	v1 =	vsel vm0, $0x3, v1;
	vm0 =	vcmask $0x3F3C;
	s19 =	simm.s32 $0xC;
	s2 =	sshrl.u32 @p0 s2, $0x3;
	[dreg:$0xf] =	wrdreg s26  }
0x1b: {  	s30 =	sadd.s32 $0x2000, s18;
	s18 =	simm.s32 $0x10200;
	[dreg:$0x10] =	wrdreg s2  }
0x1c: {  	v3 =	vlaneseq.u32;
	s2 =	sadd.s32 @!p0 s10, s13;
	[dreg:$0x13] =	wrdreg s30;
	s24 =	simm.s32 $0x5  }
0x1d: {  	v2 =	vshrl.u32 v3, $0x3;
	s25 =	simm.s32 $0x10C00;
	[dreg:$0x11] =	wrdreg s2;
	s2 =	sshrl.u32 @!p0 s11, $0x3  }
0x1e: {  	v0 =	vimm.f32 $0.0e+00;
	v3 =	vand.u32 $0x7, v3;
	v2 =	vmul.u32 $0x10, v2;
	s10 =	simm.s32 $0x0;
	s11 =	simm.s32 $0x11C00;
	[dreg:$0x12] =	wrdreg s2  }
.LBB2_1:
0x1f: {  	[dreg:$0x15] =	wrdreg s10  }
0x20: {  	s2 =	rddreg [dreg:$0x5]  }
0x21: {  	[tilespmem:s11], [sflag:$0xC] =	stream.linear.gather [hbm4b:s2+s5], $0x1400, $0x38;
	[tilespmem:$0x17490] =	vst v63  }
0x22: {  	_ =	swait.ge [sflag:s19], $0x1400  }
0x23: {  	[sflag:s19] =	ssyncset.done $0x0  }
0x24: {  	s30 =	rddreg [dreg:$0x6];
	[sflag:s19] =	ssyncadd.s32 $0xFFFFEC00  }
0x25: {  	[tilespmem:s12], [sflag:$0xC] =	stream.linear.gather [hbm4b:s30+s5], $0x1400, $0x38;
	[tilespmem:$0x17490] =	vst v63  }
0x26: {  	_ =	swait.ge [sflag:s19], $0x1400  }
0x27: {  	[sflag:s19] =	ssyncset.done $0x0  }
0x28: {  	s4 =	simm.s32 $0x0;
	s2 =	simm.s32 $0x40;
	[sflag:s19] =	ssyncadd.s32 $0xFFFFEC00  }
.LBB2_2:
0x29: {  	p2 =	sne.s32 s2, $0x1FC0;
	[tilespmem:s4+$0x14400] =	vst v0;
	s4 =	smov.u32 s2;
	s2 =	sadd.s32 $0x40, s2  }
.Ltmp0:
0x2a: {  	(pc) =	sbr.rel @p2 .LBB2_2-.Ltmp0, $2  }
0x2b: {  	_ =	sdelay $0x2  }
0x2c: {  	s4 =	sshra.s32 s4, $0x2  }
0x2d: {  	[tilespmem:s4+$0x14400] =	vst v0;
	s2 =	rddreg [dreg:$0x7]  }
0x2e: {  	[spmem:s2] =	stream.linear.scatter [tilespmem:s20], [sflag:$0xB], $0x800, $0x38;
	[tilespmem:$0x17490] =	vst v63  }
0x2f: {  	s22 =	rddreg [dreg:$0xc]  }
0x30: {  	[spmem:s22] =	stream.linear.scatter [tilespmem:s20], [sflag:$0xB], $0x800, $0x38;
	[tilespmem:$0x17490] =	vst v63  }
0x31: {  	s23 =	rddreg [dreg:$0xd]  }
0x32: {  	[spmem:s23] =	stream.linear.scatter [tilespmem:s20], [sflag:$0xB], $0x800, $0x38;
	[tilespmem:$0x17490] =	vst v63  }
0x33: {  	s26 =	rddreg [dreg:$0xf]  }
0x34: {  	[spmem:s26] =	stream.linear.scatter [tilespmem:s20], [sflag:$0xB], $0x800, $0x38;
	[tilespmem:$0x17490] =	vst v63  }
0x35: {  	s30 =	rddreg [dreg:$0x13];
	s4 =	simm.s32 $0x0;
	s2 =	simm.s32 $0x40  }
0x36: {  	[spmem:s30] =	stream.linear.scatter [tilespmem:s20], [sflag:$0xB], $0x800, $0x38;
	[tilespmem:$0x17490] =	vst v63  }
.LBB2_4:
0x37: {  	p2 =	sne.s32 s2, $0x1FC0;
	[tilespmem:s4+$0x10C00] =	vst v0;
	s10 =	smov.u32 s2;
	s2 =	sadd.s32 $0x40, s2  }
.Ltmp1:
0x38: {  	[tilespmem:s4+$0x11400] =	vst v0;
	(pc) =	sbr.rel @p2 .LBB2_4-.Ltmp1, $2  }
0x39: {  	_ =	sdelay $0x2  }
0x3a: {  	s4 =	sshra.s32 s10, $0x2  }
0x3b: {  	[tilespmem:s4+$0x10C00] =	vst v0  }
0x3c: {  	[tilespmem:s4+$0x11400] =	vst v0;
	s2 =	simm.s32 $0xB  }
0x3d: {  	_ =	swait.ge [sflag:s2], $0x800  }
0x3e: {  	[sflag:s2] =	ssyncset.done $0x0  }
0x3f: {  	[sflag:s2] =	ssyncadd.s32 $0xFFFFF800  }
0x40: {  	_ =	swait.ge [sflag:s2], $0x800  }
0x41: {  	[sflag:s2] =	ssyncset.done $0x0  }
0x42: {  	[sflag:s2] =	ssyncadd.s32 $0xFFFFF800  }
0x43: {  	_ =	swait.ge [sflag:s2], $0x800  }
0x44: {  	[sflag:s2] =	ssyncset.done $0x0  }
0x45: {  	[sflag:s2] =	ssyncadd.s32 $0xFFFFF800  }
0x46: {  	_ =	swait.ge [sflag:s2], $0x800  }
0x47: {  	[sflag:s2] =	ssyncset.done $0x0  }
0x48: {  	[sflag:s2] =	ssyncadd.s32 $0xFFFFF800  }
0x49: {  	_ =	swait.ge [sflag:s2], $0x800  }
0x4a: {  	[sflag:s2] =	ssyncset.done $0x0  }
0x4b: {  	[sflag:s2] =	ssyncadd.s32 $0xFFFFF800;
	s2 =	simm.s32 $0x0  }
0x4c: {  	[tilespmem:s2], [sflag:$0x1] =	stream.indirect.gather [hbm4b:s0+s1], $0x100, s11, s1, $0xb8;
	[tilespmem:$0x17490] =	vst v63  }
0x4d: {  	s26 =	simm.s32 $0x8000;
	s19 =	rddreg [dreg:$0x14]  }
0x4e: {  	[tilespmem:s26], [sflag:$0x1] =	stream.indirect.gather [hbm4b:s7+s1], $0x100, s12, s1, $0xb8;
	[tilespmem:$0x17490] =	vst v63  }
0x4f: {  	v4 =	vimm.f32 $-1.000000020e+30;
	s30 =	simm.s32 $0x0;
	s12 =	rddreg [dreg:$0xe]  }
.LBB2_6:
0x50: {  	s4 =	sshll.u32 s30, $0x7  }
0x51: {  	s11 =	simm.s32 $0x4000;
	s10 =	sadd.s32 $0x11C40, s4  }
0x52: {  	[tilespmem:s11], [sflag:$0x2] =	stream.indirect.gather [hbm4b:s0+s1], $0x100, s10, s1, $0xb8;
	[tilespmem:$0x17490] =	vst v63  }
0x53: {  	s21 =	simm.s32 $0xC000;
	s20 =	sadd.s32 $0x13040, s4  }
0x54: {  	[tilespmem:s21], [sflag:$0x2] =	stream.indirect.gather [hbm4b:s7+s1], $0x100, s20, s1, $0xb8;
	[tilespmem:$0x17490] =	vst v63  }
0x55: {  	_ =	swait.ge [sflag:s29], $0x4000  }
0x56: {  	[sflag:s29] =	ssyncset.done $0x0  }
0x57: {  	[sflag:s29] =	ssyncadd.s32 $0xFFFFC000  }
0x58: {  	_ =	swait.ge [sflag:s29], $0x4000  }
0x59: {  	p2 =	seq.s32 s30, $0x0;
	[sflag:s29] =	ssyncset.done $0x0  }
0x5a: {  	s10 =	simm.s32 @!p2 $0x3;
	[sflag:s29] =	ssyncadd.s32 $0xFFFFC000  }
0x5b: {  	_ =	swait.ge @!p2 [sflag:s10], $0x200  }
0x5c: {  	[sflag:s10] =	ssyncset.done @!p2 $0x0  }
0x5d: {  	s11 =	simm.s32 $0x8080;
	[sflag:s10] =	ssyncadd.s32 @!p2 $0xFFFFFE00  }
0x5e: {  	v9 =	vld [tilespmem:s11+$0x70]  }
0x5f: {  	v5 =	vld [tilespmem:s11+$0x50]  }
0x60: {  	v6 =	vld [tilespmem:s11+$0x30]  }
0x61: {  	v7 =	vld [tilespmem:s11+$0x10]  }
0x62: {  	s13 =	simm.s32 $0x80;
	v8 =	vld [tilespmem:s11+$0xFFFFFFD0]  }
0x63: {  	v10 =	vld [tilespmem:s13+$0xFFFFFFD0]  }
0x64: {  	v11 =	vld [tilespmem:s11+$0xFFFFFFB0]  }
0x65: {  	v12 =	vld [tilespmem:s13+$0xFFFFFFB0]  }
0x66: {  	v13 =	vld [tilespmem:s11+$0xFFFFFF80]  }
0x67: {  	v15 =	vld [tilespmem:s11+$0xFFFFFF90]  }
0x68: {  	v16 =	vld [tilespmem:s13+$0xFFFFFF90]  }
0x69: {  	v17 =	vld [tilespmem:s13+$0xFFFFFF80]  }
0x6a: {  	v14 =	vld [tilespmem:s11+$0xFFFFFFA0]  }
0x6b: {  	v18 =	vld [tilespmem:s13+$0xFFFFFFA0]  }
0x6c: {  	v19 =	vld [tilespmem:s11+$0xFFFFFFC0]  }
0x6d: {  	v20 =	vld [tilespmem:s13+$0xFFFFFFC0]  }
0x6e: {  	v21 =	vld [tilespmem:s11+$0xFFFFFFF0];
	v13 =	vmul.f32 v13, v17;
	v15 =	vmul.f32 v15, v16  }
0x6f: {  	v22 =	vld [tilespmem:s13+$0xFFFFFFF0]  }
0x70: {  	v23 =	vld [tilespmem:s11+$0xFFFFFFE0];
	v8 =	vmul.f32 v8, v10;
	v10 =	vadd.f32 v15, v13  }
0x71: {  	v24 =	vld [tilespmem:s13+$0xFFFFFFE0]  }
0x72: {  	v50 =	vld [tilespmem:s13+$0x10];
	v10 =	vmul.f32 $1.767766920e-01, v10  }
0x73: {  	v51 =	vld [tilespmem:s11+$0x0]  }
0x74: {  	v52 =	vld [tilespmem:s13+$0x30];
	v15 =	vmul.f32 v19, v20;
	(xrf2) =	vadd.scan.msk.f32 $0xffff, v10  }
0x75: {  	v14 =	vmul.f32 v14, v18;
	v11 =	vmul.f32 v11, v12;
	v13 =	vld [tilespmem:s13+$0x0]  }
0x76: {  	v53 =	vld [tilespmem:s13+$0x50];
	v8 =	vadd.f32 v8, v15  }
0x77: {  	v12 =	vld [tilespmem:s11+$0x20];
	v11 =	vadd.f32 v11, v14;
	v14 =	vmul.f32 v21, v22  }
0x78: {  	s22 =	sand.u32 $0x8, s2;
	v15 =	vld [tilespmem:s13+$0x20];
	v10 =	vmul.f32 v23, v24;
	v8 =	vmul.f32 $1.767766920e-01, v8  }
0x79: {  	v55 =	vmov s22;
	v56 =	vld [tilespmem:s13+$0x70];
	v11 =	vmul.f32 $1.767766920e-01, v11  }
0x7a: {  	s23 =	simm.s32 $0x0;
	v54 =	vld [tilespmem:s11+$0x40];
	v10 =	vadd.f32 v14, v10;
	(xrf2) =	vadd.scan.msk.f32 $0xffff, v8;
	v8 =	vmul.f32 v51, v13;
	v13 =	vshrl.u32 v55, $0x3  }
0x7b: {  	s10 =	sand.u32 $0xFFFFFFF0, s23;
	v7 =	vmul.f32 v7, v50;
	v14 =	vld [tilespmem:s13+$0x40];
	v13 =	vshll.u32 v13, v1  }
0x7c: {  	v6 =	vmul.f32 v6, v52;
	(xrf2) =	vadd.scan.msk.f32 $0xffff, v11;
	v11 =	vld [tilespmem:s11+$0x60];
	v10 =	vmul.f32 $1.767766920e-01, v10;
	v13 =	vor.u32 s10, v13  }
0x7d: {  	v12 =	vmul.f32 v12, v15;
	v15 =	vld [tilespmem:s13+$0x60];
	v7 =	vadd.f32 v7, v8;
	v57 =	vbroadcast v13, $0x0  }
0x7e: {  	v9 =	vmul.f32 v9, v56;
	v19 =	vmul.f32 v5, v53;
	v58 =	vadd.s32 $0x4, v13;
	v61, _, _ =	vpop (xrf2);
	(xrf2) =	vadd.scan.msk.f32 $0xffff, v10  }
0x7f: {  	v8 =	vadd.s32 $0x5, v13;
	v12 =	vadd.f32 v6, v12;
	v59 =	vmul.f32 $1.767766920e-01, v7  }
0x80: {  	s26 =	sadd.s32 $0x0, s12;
	v6 =	vadd.s32 $0x6, v13;
	v60 =	vadd.s32 $0x2, v13;
	v62 =	vadd.s32 $0x3, v13  }
0x81: {  	p4 =	slt.u32 s26, $0x27100;
	v7 =	vadd.s32 $0x7, v13;
	v13 =	vadd.s32 $0x1, v13;
	v14 =	vmul.f32 v54, v14;
	(xrf2) =	vadd.scan.msk.f32 $0xffff, v59  }
0x82: {  	v11 =	vmul.f32 v11, v15;
	v10 =	vmul.f32 $1.767766920e-01, v12;
	v12 =	vpsel !p4, $0xF149F2CA, v61  }
0x83: {  	v14 =	vadd.f32 v19, v14;
	v4 =	vmax.f32 v4, v12;
	[tilespmem:v57+s17+$0x0] =	vst.idx.msk vm0, v12;
	v12 =	vbroadcast v13, $0x0  }
0x84: {  	v63 =	vadd.f32 v9, v11;
	v11 =	vbroadcast v60, $0x0;
	v9, _, _ =	vpop (xrf2);
	(xrf2) =	vadd.scan.msk.f32 $0xffff, v10  }
0x85: {  	v15 =	vmul.f32 $1.767766920e-01, v14  }
0x86: {  	s26 =	simm.s32 $0x1;
	v10 =	vbroadcast v62, $0x0  }
0x87: {  	s20 =	sor.u32 $0x40, s4;
	s21 =	simm.s32 $0x0;
	s23 =	sadd.s32 s6, s4;
	v5 =	vbroadcast v58, $0x0;
	v13 =	vmul.f32 $1.767766920e-01, v63;
	v14, _, _ =	vpop (xrf2);
	v9 =	vpsel !p4, $0xF149F2CA, v9;
	(xrf2) =	vadd.scan.msk.f32 $0xffff, v15  }
.LBB2_7:
0x88: {  	v14 =	vpsel !p4, $0xF149F2CA, v14;
	s21 =	sadd.s32 $0x8, s21;
	s11 =	sadd.s32 $0x100, s11;
	s13 =	sadd.s32 $0x100, s13;
	v15, _, _ =	vpop (xrf2)  }
0x89: {  	p3 =	sne.s32 s26, $0x3F;
	s10 =	smov.u32 s26;
	s26 =	sadd.s32 $0x1, s26;
	v4 =	vmax.f32 v4, v14;
	[tilespmem:v12+s17+$0x0] =	vst.idx.msk vm0, v14  }
0x8a: {  	v4 =	vmax.f32 v4, v9;
	[tilespmem:v11+s17+$0x0] =	vst.idx.msk vm0, v9;
	(xrf2) =	vadd.scan.msk.f32 $0xffff, v13  }
0x8b: {  	v8 =	vbroadcast v8, $0x0;
	v9 =	vpsel !p4, $0xF149F2CA, v15;
	v11, _, _ =	vpop (xrf2)  }
0x8c: {  	v4 =	vmax.f32 v4, v9;
	[tilespmem:v10+s17+$0x0] =	vst.idx.msk vm0, v9;
	_ =	sdelay $0x1  }
0x8d: {  	v6 =	vbroadcast v6, $0x0;
	v9 =	vpsel !p4, $0xF149F2CA, v11;
	v10, _, _ =	vpop (xrf2)  }
0x8e: {  	v4 =	vmax.f32 v4, v9;
	[tilespmem:v5+s17+$0x0] =	vst.idx.msk vm0, v9  }
0x8f: {  	v5 =	vbroadcast v7, $0x0  }
0x90: {  	v7 =	vpsel !p4, $0xF149F2CA, v10;
	v9, _, _ =	vpop (xrf2)  }
0x91: {  	v4 =	vmax.f32 v4, v7;
	[tilespmem:v8+s17+$0x0] =	vst.idx.msk vm0, v7;
	_ =	sdelay $0x1  }
0x92: {  	v7 =	vpsel !p4, $0xF149F2CA, v9;
	v8, _, _ =	vpop (xrf2)  }
0x93: {  	v4 =	vmax.f32 v4, v7;
	[tilespmem:v6+s17+$0x0] =	vst.idx.msk vm0, v7;
	v6 =	vpsel !p4, $0xF149F2CA, v8  }
0x94: {  	v4 =	vmax.f32 v4, v6;
	[tilespmem:v5+s17+$0x0] =	vst.idx.msk vm0, v6  }
0x95: {  	v9 =	vld [tilespmem:s11+$0x70]  }
0x96: {  	v5 =	vld [tilespmem:s11+$0x50]  }
0x97: {  	v6 =	vld [tilespmem:s11+$0x30]  }
0x98: {  	v7 =	vld [tilespmem:s11+$0x10]  }
0x99: {  	v8 =	vld [tilespmem:s11+$0xFFFFFFD0]  }
0x9a: {  	v10 =	vld [tilespmem:s13+$0xFFFFFFD0]  }
0x9b: {  	v11 =	vld [tilespmem:s11+$0xFFFFFFB0]  }
0x9c: {  	v12 =	vld [tilespmem:s13+$0xFFFFFFB0]  }
0x9d: {  	v13 =	vld [tilespmem:s11+$0xFFFFFF80]  }
0x9e: {  	v14 =	vld [tilespmem:s11+$0xFFFFFFA0]  }
0x9f: {  	v15 =	vld [tilespmem:s11+$0xFFFFFF90];
	v8 =	vmul.f32 v8, v10  }
0xa0: {  	v10 =	vld [tilespmem:s13+$0xFFFFFF90]  }
0xa1: {  	v16 =	vld [tilespmem:s13+$0xFFFFFF80]  }
0xa2: {  	v17 =	vld [tilespmem:s13+$0xFFFFFFA0]  }
0xa3: {  	v18 =	vld [tilespmem:s11+$0xFFFFFFC0]  }
0xa4: {  	v19 =	vld [tilespmem:s13+$0xFFFFFFC0]  }
0xa5: {  	v20 =	vld [tilespmem:s11+$0xFFFFFFF0]  }
0xa6: {  	v10 =	vmul.f32 v15, v10;
	v13 =	vmul.f32 v13, v16;
	v15 =	vld [tilespmem:s13+$0xFFFFFFF0]  }
0xa7: {  	v11 =	vmul.f32 v11, v12;
	v14 =	vmul.f32 v14, v17;
	v12 =	vld [tilespmem:s11+$0xFFFFFFE0]  }
0xa8: {  	v16 =	vld [tilespmem:s13+$0xFFFFFFE0];
	v10 =	vadd.f32 v10, v13  }
0xa9: {  	v13 =	vmul.f32 v18, v19;
	v17 =	vld [tilespmem:s13+$0x10];
	v11 =	vadd.f32 v11, v14  }
0xaa: {  	v14 =	vld [tilespmem:s11+$0x0];
	v10 =	vmul.f32 $1.767766920e-01, v10  }
0xab: {  	v18 =	vld [tilespmem:s13+$0x0];
	v11 =	vmul.f32 $1.767766920e-01, v11;
	v8 =	vadd.f32 v8, v13  }
0xac: {  	v13 =	vmul.f32 v20, v15;
	v15 =	vld [tilespmem:s13+$0x30];
	(xrf2) =	vadd.scan.msk.f32 $0xffff, v10  }
0xad: {  	v10 =	vmul.f32 v12, v16;
	v12 =	vld [tilespmem:s11+$0x20];
	v8 =	vmul.f32 $1.767766920e-01, v8  }
0xae: {  	s22 =	sand.u32 $0x8, s21;
	v7 =	vmul.f32 v7, v17;
	v16 =	vld [tilespmem:s13+$0x20]  }
0xaf: {  	v19 =	vmov s22;
	v17 =	vld [tilespmem:s13+$0x50];
	v10 =	vadd.f32 v13, v10;
	(xrf2) =	vadd.scan.msk.f32 $0xffff, v8  }
0xb0: {  	s22 =	sshll.u32 s10, $0x3;
	v8 =	vmul.f32 v14, v18;
	v13 =	vld [tilespmem:s11+$0x40];
	v14 =	vshrl.u32 v19, $0x3  }
0xb1: {  	s22 =	sand.u32 $0xFFFFFFF0, s22;
	v6 =	vmul.f32 v6, v15;
	v15 =	vld [tilespmem:s13+$0x40];
	v14 =	vshll.u32 v14, v1;
	v10 =	vmul.f32 $1.767766920e-01, v10  }
0xb2: {  	v18 =	vld [tilespmem:s13+$0x70];
	v14 =	vor.u32 s22, v14;
	v7 =	vadd.f32 v7, v8;
	(xrf2) =	vadd.scan.msk.f32 $0xffff, v11  }
0xb3: {  	v11 =	vmul.f32 v12, v16;
	v12 =	vld [tilespmem:s11+$0x60];
	v16 =	vbroadcast v14, $0x0;
	v19 =	vadd.s32 $0x4, v14  }
0xb4: {  	v8 =	vadd.s32 $0x5, v14;
	v17 =	vmul.f32 v5, v17;
	v20 =	vld [tilespmem:s13+$0x60];
	v21 =	vmul.f32 $1.767766920e-01, v7  }
0xb5: {  	v5 =	vbroadcast v19, $0x0;
	v11 =	vadd.f32 v6, v11;
	v6 =	vadd.s32 $0x6, v14;
	(xrf2) =	vadd.scan.msk.f32 $0xffff, v10  }
0xb6: {  	s10 =	sadd.s32 s10, s12;
	v7 =	vadd.s32 $0x7, v14;
	v10 =	vmul.f32 v13, v15;
	v13 =	vadd.s32 $0x2, v14;
	v15, _, _ =	vpop (xrf2)  }
0xb7: {  	p4 =	slt.u32 s10, $0x27100;
	v9 =	vmul.f32 v9, v18;
	v18 =	vadd.s32 $0x3, v14;
	v19 =	vmul.f32 $1.767766920e-01, v11  }
0xb8: {  	v11 =	vpsel !p4, $0xF149F2CA, v15;
	v14 =	vadd.s32 $0x1, v14;
	v10 =	vadd.f32 v17, v10;
	(xrf2) =	vadd.scan.msk.f32 $0xffff, v21  }
0xb9: {  	v4 =	vmax.f32 v4, v11;
	v15 =	vmul.f32 v12, v20;
	[tilespmem:v16+s17+$0x0] =	vst.idx.msk vm0, v11;
	v12 =	vbroadcast v14, $0x0;
	v16, _, _ =	vpop (xrf2)  }
.Ltmp2:
0xba: {  	v11 =	vbroadcast v13, $0x0;
	v17 =	vmul.f32 $1.767766920e-01, v10;
	(pc) =	sbr.rel @p3 .LBB2_7-.Ltmp2, $4  }
0xbb: {  	v13 =	vadd.f32 v9, v15;
	(xrf2) =	vadd.scan.msk.f32 $0xffff, v19  }
0xbc: {  	v10 =	vbroadcast v18, $0x0;
	v14, _, _ =	vpop (xrf2)  }
0xbd: {  	v9 =	vpsel !p4, $0xF149F2CA, v16;
	v13 =	vmul.f32 $1.767766920e-01, v13  }
0xbe: {  	(xrf2) =	vadd.scan.msk.f32 $0xffff, v17  }
0xbf: {  	(xrf2) =	vadd.scan.msk.f32 $0xffff, v13;
	_ =	sdelay $0x3  }
0xc0: {  	v8 =	vbroadcast v8, $0x0  }
0xc1: {  	v13 =	vpsel !p4, $0xF149F2CA, v14;
	v6 =	vbroadcast v6, $0x0  }
0xc2: {  	v14, _, _ =	vpop (xrf2);
	v7 =	vbroadcast v7, $0x0;
	[tilespmem:v12+s17+$0x0] =	vst.idx.msk vm0, v13  }
0xc3: {  	[tilespmem:v11+s17+$0x0] =	vst.idx.msk vm0, v9;
	v11 =	vpsel !p4, $0xF149F2CA, v14;
	v12, _, _ =	vpop (xrf2)  }
0xc4: {  	[tilespmem:v10+s17+$0x0] =	vst.idx.msk vm0, v11;
	v10 =	vpsel !p4, $0xF149F2CA, v12;
	v12, _, _ =	vpop (xrf2)  }
0xc5: {  	[tilespmem:v5+s17+$0x0] =	vst.idx.msk vm0, v10;
	v5 =	vpsel !p4, $0xF149F2CA, v12;
	v12, _, _ =	vpop (xrf2)  }
0xc6: {  	[tilespmem:v8+s17+$0x0] =	vst.idx.msk vm0, v5;
	v8 =	vpsel !p4, $0xF149F2CA, v12;
	v12, _, _ =	vpop (xrf2)  }
0xc7: {  	s4 =	sadd.s32 $0x80, s4;
	p3 =	seq.s32 s30, $0x27;
	[tilespmem:v6+s17+$0x0] =	vst.idx.msk vm0, v8;
	v6 =	vpsel !p4, $0xF149F2CA, v12  }
0xc8: {  	s10 =	sadd.s32 s8, s23;
	s4 =	simm.s32 @p3 $0x0;
	[tilespmem:v7+s17+$0x0] =	vst.idx.msk vm0, v6  }
0xc9: {  	[hbm4b:s10+s5] =	stream.linear.scatter [tilespmem:s17], [sflag:$0x3], $0x200, $0x38;
	[tilespmem:$0x17490] =	vst v63  }
0xca: {  	s13 =	sadd.s32 $0x11C00, s4  }
0xcb: {  	[tilespmem:s5], [sflag:$0x1] =	stream.indirect.gather [hbm4b:s0+s1], $0x100, s13, s1, $0xb8;
	[tilespmem:$0x17490] =	vst v63  }
0xcc: {  	s21 =	simm.s32 $0x8000;
	s4 =	sadd.s32 $0x13000, s4  }
0xcd: {  	[tilespmem:s21], [sflag:$0x1] =	stream.indirect.gather [hbm4b:s7+s1], $0x100, s4, s1, $0xb8;
	[tilespmem:$0x17490] =	vst v63  }
0xce: {  	_ =	swait.ge [sflag:s31], $0x4000  }
0xcf: {  	[sflag:s31] =	ssyncset.done $0x0  }
0xd0: {  	[sflag:s31] =	ssyncadd.s32 $0xFFFFC000  }
0xd1: {  	_ =	swait.ge [sflag:s31], $0x4000  }
0xd2: {  	[sflag:s31] =	ssyncset.done $0x0  }
0xd3: {  	s4 =	simm.s32 @!p2 $0x4;
	[sflag:s31] =	ssyncadd.s32 $0xFFFFC000  }
0xd4: {  	_ =	swait.ge @!p2 [sflag:s4], $0x200  }
0xd5: {  	[sflag:s4] =	ssyncset.done @!p2 $0x0  }
0xd6: {  	[sflag:s4] =	ssyncadd.s32 @!p2 $0xFFFFFE00;
	s4 =	simm.s32 $0xC080  }
0xd7: {  	v12 =	vld [tilespmem:s4+$0x70]  }
0xd8: {  	v7 =	vld [tilespmem:s4+$0x50]  }
0xd9: {  	v14 =	vld [tilespmem:s4+$0x30]  }
0xda: {  	v15 =	vld [tilespmem:s4+$0x10]  }
0xdb: {  	s11 =	simm.s32 $0x4080;
	v16 =	vld [tilespmem:s4+$0xFFFFFFD0]  }
0xdc: {  	v17 =	vld [tilespmem:s11+$0xFFFFFFD0]  }
0xdd: {  	v18 =	vld [tilespmem:s4+$0xFFFFFFB0]  }
0xde: {  	v19 =	vld [tilespmem:s11+$0xFFFFFFB0]  }
0xdf: {  	v20 =	vld [tilespmem:s4+$0xFFFFFF80]  }
0xe0: {  	v21 =	vld [tilespmem:s4+$0xFFFFFFA0]  }
0xe1: {  	v22 =	vld [tilespmem:s4+$0xFFFFFF90]  }
0xe2: {  	v23 =	vld [tilespmem:s11+$0xFFFFFF90]  }
0xe3: {  	v24 =	vld [tilespmem:s11+$0xFFFFFF80]  }
0xe4: {  	v25 =	vld [tilespmem:s11+$0xFFFFFFA0]  }
0xe5: {  	v26 =	vld [tilespmem:s4+$0xFFFFFFC0]  }
0xe6: {  	v27 =	vld [tilespmem:s11+$0xFFFFFFC0]  }
0xe7: {  	v28 =	vld [tilespmem:s4+$0xFFFFFFF0]  }
0xe8: {  	v29 =	vld [tilespmem:s11+$0xFFFFFFF0]  }
0xe9: {  	v30 =	vld [tilespmem:s4+$0xFFFFFFE0]  }
0xea: {  	v4 =	vmax.f32 v4, v13;
	v31 =	vld [tilespmem:s11+$0xFFFFFFE0]  }
0xeb: {  	v4 =	vmax.f32 v4, v9;
	v51 =	vld [tilespmem:s11+$0x10];
	v13 =	vmul.f32 v20, v24;
	v50 =	vmul.f32 v22, v23  }
0xec: {  	v4 =	vmax.f32 v4, v11;
	v9 =	vld [tilespmem:s4+$0x0]  }
0xed: {  	v4 =	vmax.f32 v4, v10;
	v52 =	vld [tilespmem:s11+$0x0];
	v13 =	vadd.f32 v50, v13  }
0xee: {  	v4 =	vmax.f32 v4, v5;
	v54 =	vld [tilespmem:s11+$0x30];
	v11 =	vmul.f32 v16, v17;
	v53 =	vmul.f32 v26, v27  }
0xef: {  	v4 =	vmax.f32 v4, v8;
	v55 =	vld [tilespmem:s4+$0x20];
	v13 =	vmul.f32 $1.767766920e-01, v13  }
0xf0: {  	v56 =	vld [tilespmem:s11+$0x50];
	v10 =	vmul.f32 v21, v25;
	v5 =	vmul.f32 v18, v19;
	v8 =	vadd.f32 v11, v53  }
0xf1: {  	v11 =	vld [tilespmem:s11+$0x20];
	(xrf2) =	vadd.scan.msk.f32 $0xffff, v13  }
0xf2: {  	v57 =	vmax.f32 v4, v6;
	s13 =	simm.s32 $0x0;
	v6 =	vld [tilespmem:s4+$0x40];
	v5 =	vadd.f32 v5, v10;
	v4 =	vmul.f32 $1.767766920e-01, v8  }
0xf3: {  	s22 =	sand.u32 $0x8, s13;
	v58 =	vld [tilespmem:s4+$0x60];
	v10 =	vmul.f32 v28, v29;
	v13 =	vmul.f32 v30, v31  }
0xf4: {  	v5 =	vmul.f32 $1.767766920e-01, v5;
	v8 =	vmov s22;
	(xrf2) =	vadd.scan.msk.f32 $0xffff, v4;
	v4 =	vmul.f32 v9, v52;
	v9 =	vld [tilespmem:s11+$0x70]  }
0xf5: {  	s23 =	simm.s32 $0x0;
	v8 =	vshrl.u32 v8, $0x3;
	v10 =	vadd.f32 v10, v13;
	v13 =	vld [tilespmem:s11+$0x40]  }
0xf6: {  	s10 =	sand.u32 $0xFFFFFFF0, s23;
	v15 =	vmul.f32 v15, v51;
	v8 =	vshll.u32 v8, v1;
	(xrf2) =	vadd.scan.msk.f32 $0xffff, v5;
	v5 =	vmul.f32 v55, v11;
	v11 =	vld [tilespmem:s11+$0x60]  }
0xf7: {  	v14 =	vmul.f32 v14, v54;
	v8 =	vor.u32 s10, v8;
	v10 =	vmul.f32 $1.767766920e-01, v10  }
0xf8: {  	v17 =	vmul.f32 v7, v56;
	v59 =	vadd.s32 $0x4, v8;
	v4 =	vadd.f32 v15, v4  }
0xf9: {  	v7 =	vadd.s32 $0x5, v8;
	v61 =	vadd.s32 $0x2, v8;
	v15 =	vbroadcast v8, $0x0;
	(xrf2) =	vadd.scan.msk.f32 $0xffff, v10  }
0xfa: {  	s26 =	sadd.s32 $0x0, s19;
	v62 =	vadd.s32 $0x3, v8;
	v60 =	vmul.f32 $1.767766920e-01, v4;
	v13 =	vmul.f32 v6, v13  }
0xfb: {  	p3 =	slt.u32 s26, $0x27100;
	v14 =	vadd.f32 v14, v5;
	v9 =	vmul.f32 v12, v9;
	v11 =	vmul.f32 v58, v11;
	v12, _, _ =	vpop (xrf2)  }
0xfc: {  	v13 =	vadd.f32 v17, v13;
	(xrf2) =	vadd.scan.msk.f32 $0xffff, v60;
	v10 =	vpsel !p3, $0xF149F2CA, v12;
	v12 =	vadd.s32 $0x1, v8  }
0xfd: {  	v5 =	vadd.s32 $0x6, v8;
	v14 =	vmul.f32 $1.767766920e-01, v14;
	v6 =	vadd.s32 $0x7, v8  }
0xfe: {  	v63 =	vmul.f32 $1.767766920e-01, v13;
	v13 =	vadd.f32 v9, v11;
	v11 =	vbroadcast v12, $0x0  }
0xff: {  	v8 =	vmax.f32 v57, v10;
	[tilespmem:v15+s18+$0x0] =	vst.idx.msk vm0, v10;
	v10 =	vbroadcast v61, $0x0;
	v12, _, _ =	vpop (xrf2);
	(xrf2) =	vadd.scan.msk.f32 $0xffff, v14;
	_ =	sdelay $0x1  }
0x100: {  	v9 =	vbroadcast v62, $0x0  }
0x101: {  	s20 =	sadd.s32 s6, s20;
	s23 =	simm.s32 $0x1;
	v4 =	vbroadcast v59, $0x0;
	v13 =	vmul.f32 $1.767766920e-01, v13;
	v14, _, _ =	vpop (xrf2);
	v12 =	vpsel !p3, $0xF149F2CA, v12;
	(xrf2) =	vadd.scan.msk.f32 $0xffff, v63  }
.LBB2_9:
0x102: {  	v14 =	vpsel !p3, $0xF149F2CA, v14;
	s13 =	sadd.s32 $0x8, s13;
	s4 =	sadd.s32 $0x100, s4;
	s11 =	sadd.s32 $0x100, s11;
	v15, _, _ =	vpop (xrf2)  }
0x103: {  	p2 =	sne.s32 s23, $0x3F;
	s10 =	smov.u32 s23;
	s23 =	sadd.s32 $0x1, s23;
	v8 =	vmax.f32 v8, v14;
	[tilespmem:v11+s18+$0x0] =	vst.idx.msk vm0, v14  }
0x104: {  	v8 =	vmax.f32 v8, v12;
	[tilespmem:v10+s18+$0x0] =	vst.idx.msk vm0, v12;
	(xrf2) =	vadd.scan.msk.f32 $0xffff, v13  }
0x105: {  	v7 =	vbroadcast v7, $0x0;
	v10 =	vpsel !p3, $0xF149F2CA, v15;
	v11, _, _ =	vpop (xrf2)  }
0x106: {  	v8 =	vmax.f32 v8, v10;
	[tilespmem:v9+s18+$0x0] =	vst.idx.msk vm0, v10;
	_ =	sdelay $0x1  }
0x107: {  	v5 =	vbroadcast v5, $0x0;
	v9 =	vpsel !p3, $0xF149F2CA, v11;
	v10, _, _ =	vpop (xrf2)  }
0x108: {  	v8 =	vmax.f32 v8, v9;
	[tilespmem:v4+s18+$0x0] =	vst.idx.msk vm0, v9  }
0x109: {  	v4 =	vbroadcast v6, $0x0  }
0x10a: {  	v6 =	vpsel !p3, $0xF149F2CA, v10;
	v9, _, _ =	vpop (xrf2)  }
0x10b: {  	v8 =	vmax.f32 v8, v6;
	[tilespmem:v7+s18+$0x0] =	vst.idx.msk vm0, v6;
	_ =	sdelay $0x1  }
0x10c: {  	v6 =	vpsel !p3, $0xF149F2CA, v9;
	v7, _, _ =	vpop (xrf2)  }
0x10d: {  	v8 =	vmax.f32 v8, v6;
	[tilespmem:v5+s18+$0x0] =	vst.idx.msk vm0, v6;
	v5 =	vpsel !p3, $0xF149F2CA, v7  }
0x10e: {  	v8 =	vmax.f32 v8, v5;
	[tilespmem:v4+s18+$0x0] =	vst.idx.msk vm0, v5  }
0x10f: {  	v9 =	vld [tilespmem:s4+$0x70]  }
0x110: {  	v4 =	vld [tilespmem:s4+$0x50]  }
0x111: {  	v5 =	vld [tilespmem:s4+$0x30]  }
0x112: {  	v6 =	vld [tilespmem:s4+$0x10]  }
0x113: {  	v7 =	vld [tilespmem:s4+$0xFFFFFFD0]  }
0x114: {  	v10 =	vld [tilespmem:s11+$0xFFFFFFD0]  }
0x115: {  	v11 =	vld [tilespmem:s4+$0xFFFFFFB0]  }
0x116: {  	v12 =	vld [tilespmem:s11+$0xFFFFFFB0]  }
0x117: {  	v13 =	vld [tilespmem:s4+$0xFFFFFF80]  }
0x118: {  	v14 =	vld [tilespmem:s4+$0xFFFFFFA0]  }
0x119: {  	v15 =	vld [tilespmem:s4+$0xFFFFFF90];
	v7 =	vmul.f32 v7, v10  }
0x11a: {  	v10 =	vld [tilespmem:s11+$0xFFFFFF90]  }
0x11b: {  	v16 =	vld [tilespmem:s11+$0xFFFFFF80]  }
0x11c: {  	v17 =	vld [tilespmem:s11+$0xFFFFFFA0]  }
0x11d: {  	v18 =	vld [tilespmem:s4+$0xFFFFFFC0]  }
0x11e: {  	v19 =	vld [tilespmem:s11+$0xFFFFFFC0]  }
0x11f: {  	v20 =	vld [tilespmem:s4+$0xFFFFFFF0]  }
0x120: {  	v10 =	vmul.f32 v15, v10;
	v13 =	vmul.f32 v13, v16;
	v15 =	vld [tilespmem:s11+$0xFFFFFFF0]  }
0x121: {  	v11 =	vmul.f32 v11, v12;
	v14 =	vmul.f32 v14, v17;
	v12 =	vld [tilespmem:s4+$0xFFFFFFE0]  }
0x122: {  	v16 =	vld [tilespmem:s11+$0xFFFFFFE0];
	v10 =	vadd.f32 v10, v13  }
0x123: {  	v13 =	vmul.f32 v18, v19;
	v17 =	vld [tilespmem:s11+$0x10];
	v11 =	vadd.f32 v11, v14  }
0x124: {  	v14 =	vld [tilespmem:s4+$0x0];
	v10 =	vmul.f32 $1.767766920e-01, v10  }
0x125: {  	v18 =	vld [tilespmem:s11+$0x0];
	v11 =	vmul.f32 $1.767766920e-01, v11;
	v7 =	vadd.f32 v7, v13  }
0x126: {  	v13 =	vmul.f32 v20, v15;
	v15 =	vld [tilespmem:s11+$0x30];
	(xrf2) =	vadd.scan.msk.f32 $0xffff, v10  }
0x127: {  	v10 =	vmul.f32 v12, v16;
	v12 =	vld [tilespmem:s4+$0x20];
	v7 =	vmul.f32 $1.767766920e-01, v7  }
0x128: {  	s21 =	sand.u32 $0x8, s13;
	v6 =	vmul.f32 v6, v17;
	v16 =	vld [tilespmem:s11+$0x20]  }
0x129: {  	v19 =	vmov s21;
	v17 =	vld [tilespmem:s11+$0x50];
	v10 =	vadd.f32 v13, v10;
	(xrf2) =	vadd.scan.msk.f32 $0xffff, v7  }
0x12a: {  	s21 =	sshll.u32 s10, $0x3;
	v7 =	vmul.f32 v14, v18;
	v13 =	vld [tilespmem:s4+$0x40];
	v14 =	vshrl.u32 v19, $0x3  }
0x12b: {  	s21 =	sand.u32 $0xFFFFFFF0, s21;
	v5 =	vmul.f32 v5, v15;
	v15 =	vld [tilespmem:s11+$0x40];
	v14 =	vshll.u32 v14, v1;
	v10 =	vmul.f32 $1.767766920e-01, v10  }
0x12c: {  	v18 =	vld [tilespmem:s11+$0x70];
	v14 =	vor.u32 s21, v14;
	v6 =	vadd.f32 v6, v7;
	(xrf2) =	vadd.scan.msk.f32 $0xffff, v11  }
0x12d: {  	v11 =	vmul.f32 v12, v16;
	v12 =	vld [tilespmem:s4+$0x60];
	v16 =	vbroadcast v14, $0x0;
	v19 =	vadd.s32 $0x4, v14  }
0x12e: {  	v7 =	vadd.s32 $0x5, v14;
	v17 =	vmul.f32 v4, v17;
	v20 =	vld [tilespmem:s11+$0x60];
	v21 =	vmul.f32 $1.767766920e-01, v6  }
0x12f: {  	v4 =	vbroadcast v19, $0x0;
	v11 =	vadd.f32 v5, v11;
	v5 =	vadd.s32 $0x6, v14;
	(xrf2) =	vadd.scan.msk.f32 $0xffff, v10  }
0x130: {  	s10 =	sadd.s32 s10, s19;
	v6 =	vadd.s32 $0x7, v14;
	v10 =	vmul.f32 v13, v15;
	v13 =	vadd.s32 $0x2, v14;
	v15, _, _ =	vpop (xrf2)  }
0x131: {  	p3 =	slt.u32 s10, $0x27100;
	v9 =	vmul.f32 v9, v18;
	v18 =	vadd.s32 $0x3, v14;
	v19 =	vmul.f32 $1.767766920e-01, v11  }
0x132: {  	v11 =	vpsel !p3, $0xF149F2CA, v15;
	v14 =	vadd.s32 $0x1, v14;
	v15 =	vadd.f32 v17, v10;
	(xrf2) =	vadd.scan.msk.f32 $0xffff, v21  }
0x133: {  	v8 =	vmax.f32 v8, v11;
	v12 =	vmul.f32 v12, v20;
	[tilespmem:v16+s18+$0x0] =	vst.idx.msk vm0, v11;
	v11 =	vbroadcast v14, $0x0;
	v16, _, _ =	vpop (xrf2)  }
.Ltmp3:
0x134: {  	v10 =	vbroadcast v13, $0x0;
	v15 =	vmul.f32 $1.767766920e-01, v15;
	(pc) =	sbr.rel @p2 .LBB2_9-.Ltmp3, $4  }
0x135: {  	v13 =	vadd.f32 v9, v12;
	(xrf2) =	vadd.scan.msk.f32 $0xffff, v19  }
0x136: {  	v9 =	vbroadcast v18, $0x0;
	v14, _, _ =	vpop (xrf2)  }
0x137: {  	v12 =	vpsel !p3, $0xF149F2CA, v16;
	v13 =	vmul.f32 $1.767766920e-01, v13  }
0x138: {  	(xrf2) =	vadd.scan.msk.f32 $0xffff, v15  }
0x139: {  	(xrf2) =	vadd.scan.msk.f32 $0xffff, v13;
	_ =	sdelay $0x3  }
0x13a: {  	v7 =	vbroadcast v7, $0x0  }
0x13b: {  	v56 =	vpsel !p3, $0xF149F2CA, v14;
	v5 =	vbroadcast v5, $0x0  }
0x13c: {  	v57, _, _ =	vpop (xrf2);
	v6 =	vbroadcast v6, $0x0;
	[tilespmem:v11+s18+$0x0] =	vst.idx.msk vm0, v56  }
0x13d: {  	v58 =	vpsel !p3, $0xF149F2CA, v57;
	[tilespmem:v10+s18+$0x0] =	vst.idx.msk vm0, v12;
	v59, _, _ =	vpop (xrf2)  }
0x13e: {  	[tilespmem:v9+s18+$0x0] =	vst.idx.msk vm0, v58;
	v60 =	vpsel !p3, $0xF149F2CA, v59;
	v61, _, _ =	vpop (xrf2)  }
0x13f: {  	s30 =	sadd.s32 $0x1, s30;
	v8 =	vmax.f32 v8, v56;
	[tilespmem:v4+s18+$0x0] =	vst.idx.msk vm0, v60;
	v4 =	vpsel !p3, $0xF149F2CA, v61;
	v62, _, _ =	vpop (xrf2)  }
0x140: {  	p2 =	sne.s32 s30, $0x28;
	v8 =	vmax.f32 v8, v12;
	[tilespmem:v7+s18+$0x0] =	vst.idx.msk vm0, v4;
	v7 =	vpsel !p3, $0xF149F2CA, v62;
	v63, _, _ =	vpop (xrf2)  }
.Ltmp4:
0x141: {  	v8 =	vmax.f32 v8, v58;
	[tilespmem:v5+s18+$0x0] =	vst.idx.msk vm0, v7;
	v5 =	vpsel !p3, $0xF149F2CA, v63;
	(pc) =	sbr.rel @p2 .LBB2_6-.Ltmp4, $4  }
0x142: {  	[tilespmem:v6+s18+$0x0] =	vst.idx.msk vm0, v5;
	v6 =	vmax.f32 v8, v60  }
0x143: {  	v4 =	vmax.f32 v6, v4  }
0x144: {  	s4 =	sadd.s32 s8, s20;
	s12 =	sadd.s32 $0x80, s12;
	s19 =	sadd.s32 $0x80, s19;
	v4 =	vmax.f32 v4, v7  }
0x145: {  	[hbm4b:s4+s5] =	stream.linear.scatter [tilespmem:s18], [sflag:$0x4], $0x200, $0x38;
	v4 =	vmax.f32 v4, v5;
	[tilespmem:$0x17490] =	vst v63  }
0x146: {  	_ =	swait.ge [sflag:s29], $0x4000  }
0x147: {  	[sflag:s29] =	ssyncset.done $0x0  }
0x148: {  	[sflag:s29] =	ssyncadd.s32 $0xFFFFC000  }
0x149: {  	_ =	swait.ge [sflag:s29], $0x4000  }
0x14a: {  	[sflag:s29] =	ssyncset.done $0x0  }
0x14b: {  	s2 =	simm.s32 $0x3;
	[sflag:s29] =	ssyncadd.s32 $0xFFFFC000  }
0x14c: {  	_ =	swait.ge [sflag:s2], $0x200  }
0x14d: {  	[sflag:s2] =	ssyncset.done $0x0  }
0x14e: {  	s23 =	simm.s32 $0x4;
	[sflag:s2] =	ssyncadd.s32 $0xFFFFFE00  }
0x14f: {  	_ =	swait.ge [sflag:s23], $0x200  }
0x150: {  	[sflag:s23] =	ssyncset.done $0x0  }
0x151: {  	[sflag:s23] =	ssyncadd.s32 $0xFFFFFE00  }
0x152: {  	s4 =	simm.s32 $0x14C00;
	s19 =	simm.s32 $0xC;
	s26 =	rddreg [dreg:$0x8];
	[tilespmem:$0x14C00] =	vst v4  }
0x153: {  	[spmem:s26] =	stream.linear.scatter [tilespmem:s4], [sflag:$0xC], $0x10, $0x38;
	[tilespmem:$0x17490] =	vst v63  }
0x154: {  	_ =	swait.ge [sflag:s19], $0x10  }
0x155: {  	[sflag:s19] =	ssyncset.done $0x0  }
0x156: {  	[sflag:s19] =	ssyncadd.s32 $0xFFFFFFF0  }
0x157: {  	[bflag:$0x0] =	sbarrier.arrive $0xFFFF  }
0x158: {  	s20 =	simm.s32 $0x14400;
	s30 =	rddreg [dreg:$0x3]  }
0x159: {  	[tilespmem:s20], [sflag:$0xC] =	stream.linear.gather [spmem:s30], $0x800, $0x38;
	[tilespmem:$0x17490] =	vst v63  }
0x15a: {  	_ =	swait.ge [sflag:s19], $0x800  }
0x15b: {  	[sflag:s19] =	ssyncset.done $0x0  }
0x15c: {  	[sflag:s19] =	ssyncadd.s32 $0xFFFFF800  }
0x15d: {  	v4 =	vld [tilespmem:$0x14400]  }
0x15e: {  	v5 =	vld [tilespmem:$0x14480]  }
0x15f: {  	v6 =	vld [tilespmem:$0x14500]  }
0x160: {  	v7 =	vld [tilespmem:$0x14580]  }
0x161: {  	v8 =	vld [tilespmem:$0x14600]  }
0x162: {  	v9 =	vld [tilespmem:$0x14680];
	v4 =	vmax.f32 v4, $-1.000000020e+30  }
0x163: {  	v4 =	vmax.f32 v4, v5;
	v5 =	vld [tilespmem:$0x14700]  }
0x164: {  	v4 =	vmax.f32 v4, v6;
	v6 =	vld [tilespmem:$0x14780]  }
0x165: {  	v4 =	vmax.f32 v4, v7;
	v7 =	vld [tilespmem:$0x14800]  }
0x166: {  	v60 =	vld [tilespmem:$0x14880];
	v4 =	vmax.f32 v4, v8  }
0x167: {  	v61 =	vld [tilespmem:$0x14900];
	v4 =	vmax.f32 v4, v9  }
0x168: {  	v4 =	vmax.f32 v4, v5;
	v5 =	vld [tilespmem:$0x14980]  }
0x169: {  	v4 =	vmax.f32 v4, v6;
	v6 =	vld [tilespmem:$0x14A00]  }
0x16a: {  	v4 =	vmax.f32 v4, v7;
	v7 =	vld [tilespmem:$0x14A80]  }
0x16b: {  	v62 =	vld [tilespmem:$0x14B00];
	v4 =	vmax.f32 v4, v60  }
0x16c: {  	v63 =	vld [tilespmem:$0x14B80];
	v4 =	vmax.f32 v4, v61  }
0x16d: {  	v4 =	vmax.f32 v4, v5  }
0x16e: {  	v4 =	vmax.f32 v4, v6  }
0x16f: {  	v4 =	vmax.f32 v4, v7  }
0x170: {  	v4 =	vmax.f32 v4, v62  }
0x171: {  	v4 =	vmax.f32 v4, v63  }
0x172: {  	(xrf0) =	vmax.scan.msk.f32 $0xffff, v4;
	_ =	sdelay $0x4  }
0x173: {  	s21 =	simm.s32 $0x10400;
	s22 =	simm.s32 $0x10800  }
0x174: {  	s2 =	simm.s32 $0x0;
	s23 =	simm.s32 $0x11000;
	s26 =	simm.s32 $0x11800;
	v4, _, _ =	vpop (xrf0)  }
0x175: {  	[tilespmem:s21], [sflag:$0x5] =	stream.linear.gather [hbm4b:s14+s2], $0x400, $0x38;
	v4 =	vbroadcast v4, $0xF;
	[tilespmem:$0x17490] =	vst v63  }
.LBB2_12:
0x176: {  	s10 =	sshll.u32 s2, $0x8  }
0x177: {  	s4 =	sadd.s32 s10, s6  }
0x178: {  	s4 =	sadd.s32 $0x80, s4  }
0x179: {  	s11 =	sadd.s32 s8, s4  }
0x17a: {  	[tilespmem:s22], [sflag:$0x6] =	stream.linear.gather [hbm4b:s11+s5], $0x400, $0x38;
	[tilespmem:$0x17490] =	vst v63  }
0x17b: {  	_ =	swait.ge [sflag:s24], $0x400  }
0x17c: {  	p2 =	seq.s32 s2, $0x0;
	[sflag:s24] =	ssyncset.done $0x0  }
0x17d: {  	s11 =	simm.s32 @!p2 $0x7;
	[sflag:s24] =	ssyncadd.s32 $0xFFFFFC00  }
0x17e: {  	_ =	swait.ge @!p2 [sflag:s11], $0x800  }
0x17f: {  	[sflag:s11] =	ssyncset.done @!p2 $0x0  }
0x180: {  	[sflag:s11] =	ssyncadd.s32 @!p2 $0xFFFFF800;
	s11 =	simm.s32 @!p2 $0x9  }
0x181: {  	_ =	swait.ge @!p2 [sflag:s11], $0x400  }
0x182: {  	[sflag:s11] =	ssyncset.done @!p2 $0x0  }
0x183: {  	[sflag:s11] =	ssyncadd.s32 @!p2 $0xFFFFFC00  }
0x184: {  	_ =	swait.ge @!p2 [sflag:s11], $0x400  }
0x185: {  	[sflag:s11] =	ssyncset.done @!p2 $0x0  }
0x186: {  	s12 =	simm.s32 $0x10400;
	[sflag:s11] =	ssyncadd.s32 @!p2 $0xFFFFFC00  }
0x187: {  	s13 =	simm.s32 $0x2;
	s11 =	simm.s32 $0x0;
	v5 =	vld [tilespmem:s12+$0x0]  }
.LBB2_13:
0x188: {  	p3 =	sne.s32 s13, $0x7E;
	_ =	sdelay $0x3  }
0x189: {  	v5 =	vsub.f32 v5, v4;
	_ =	sdelay $0x1  }
0x18a: {  	v5 =	vmul.f32 $1.442695020e+00, v5;
	_ =	sdelay $0x1  }
0x18b: {  	(erf) = vpow2.f32 v5;
	_ =	sdelay $0x1  }
0x18c: {  	v5 =	vmov s11;
	s11 =	smov.u32 s13  }
0x18d: {  	v5 =	vshll.u32 v5, $0x4  }
0x18e: {  	v5 =	vor.u32 v2, v5  }
0x18f: {  	v5 =	vor.u32 v3, v5;
	_ =	sdelay $0x1  }
.Ltmp5:
0x190: {  	(pc) =	sbr.rel @p3 .LBB2_13-.Ltmp5, $4  }
0x191: {  	_ = 	snop  }
0x192: {  	v6 =	vpop (erf)  }
0x193: {  	s12 =	sadd.s32 $0x10, s12;
	[tilespmem:v5+s25+$0x0] =	vst.idx.msk $0xffff, v6  }
0x194: {  	s13 =	sadd.s32 $0x2, s13;
	v5 =	vld [tilespmem:s12+$0x0]  }
0x195: {  	_ =	sdelay $0x3  }
0x196: {  	v5 =	vsub.f32 v5, v4;
	_ =	sdelay $0x1  }
0x197: {  	v5 =	vmul.f32 $1.442695020e+00, v5;
	_ =	sdelay $0x1  }
0x198: {  	(erf) = vpow2.f32 v5;
	_ =	sdelay $0x1  }
0x199: {  	v5 =	vmov s11  }
0x19a: {  	v5 =	vshll.u32 v5, $0x4  }
0x19b: {  	v5 =	vor.u32 v2, v5  }
0x19c: {  	v5 =	vor.u32 v3, v5;
	_ =	sdelay $0x1  }
0x19d: {  	s13 =	sshll.u32 s2, $0xC  }
0x19e: {  	s11 =	sadd.s32 s15, s13  }
0x19f: {  	s11 =	sshrl.u32 s11, $0x3;
	v6 =	vpop (erf)  }
0x1a0: {  	s11 =	sadd.s32 s9, s11;
	[tilespmem:v5+s25+$0x0] =	vst.idx.msk $0xffff, v6  }
0x1a1: {  	[hbm4b:s11+s5] =	stream.linear.scatter [tilespmem:s25], [sflag:$0x7], $0x800, $0x38;
	[tilespmem:$0x17490] =	vst v63  }
0x1a2: {  	s11 =	sand.u32 $0x3FFFFF00, s10  }
0x1a3: {  	p3 =	seq.s32 s2, $0x13;
	s10 =	sadd.s32 $0x100, s10;
	s12 =	sadd.s32 $0x11C00, s11  }
0x1a4: {  	[spmem:s3] =	stream.indirect.scatter.add.f32 [tilespmem:s25], [sflag:$0x9], $0x10, s12, s1, $0xb8;
	[tilespmem:$0x17490] =	vst v63  }
0x1a5: {  	s30 =	sadd.s32 $0x11C40, s11;
	s10 =	simm.s32 @p3 $0x0  }
0x1a6: {  	[spmem:s3] =	stream.indirect.scatter.add.f32 [tilespmem:s23], [sflag:$0x9], $0x10, s30, s1, $0xb8;
	[tilespmem:$0x17490] =	vst v63  }
0x1a7: {  	s10 =	sadd.s32 s10, s14  }
0x1a8: {  	[tilespmem:s21], [sflag:$0x5] =	stream.linear.gather [hbm4b:s10+s5], $0x400, $0x38;
	[tilespmem:$0x17490] =	vst v63  }
0x1a9: {  	_ =	swait.ge [sflag:s28], $0x400  }
0x1aa: {  	[sflag:s28] =	ssyncset.done $0x0  }
0x1ab: {  	s10 =	simm.s32 @!p2 $0x8;
	[sflag:s28] =	ssyncadd.s32 $0xFFFFFC00  }
0x1ac: {  	_ =	swait.ge @!p2 [sflag:s10], $0x800  }
0x1ad: {  	[sflag:s10] =	ssyncset.done @!p2 $0x0  }
0x1ae: {  	[sflag:s10] =	ssyncadd.s32 @!p2 $0xFFFFF800;
	s10 =	simm.s32 @!p2 $0xA  }
0x1af: {  	_ =	swait.ge @!p2 [sflag:s10], $0x400  }
0x1b0: {  	[sflag:s10] =	ssyncset.done @!p2 $0x0  }
0x1b1: {  	[sflag:s10] =	ssyncadd.s32 @!p2 $0xFFFFFC00  }
0x1b2: {  	_ =	swait.ge @!p2 [sflag:s10], $0x400  }
0x1b3: {  	[sflag:s10] =	ssyncset.done @!p2 $0x0  }
0x1b4: {  	s12 =	simm.s32 $0x10800;
	[sflag:s10] =	ssyncadd.s32 @!p2 $0xFFFFFC00  }
0x1b5: {  	s13 =	simm.s32 $0x2;
	s10 =	simm.s32 $0x0;
	v5 =	vld [tilespmem:s12+$0x0]  }
.LBB2_15:
0x1b6: {  	p2 =	sne.s32 s13, $0x7E;
	_ =	sdelay $0x3  }
0x1b7: {  	v5 =	vsub.f32 v5, v4;
	_ =	sdelay $0x1  }
0x1b8: {  	v5 =	vmul.f32 $1.442695020e+00, v5;
	_ =	sdelay $0x1  }
0x1b9: {  	(erf) = vpow2.f32 v5;
	_ =	sdelay $0x1  }
0x1ba: {  	v5 =	vmov s10;
	s10 =	smov.u32 s13  }
0x1bb: {  	v5 =	vshll.u32 v5, $0x4  }
0x1bc: {  	v5 =	vor.u32 v2, v5  }
0x1bd: {  	v5 =	vor.u32 v3, v5;
	_ =	sdelay $0x1  }
.Ltmp6:
0x1be: {  	(pc) =	sbr.rel @p2 .LBB2_15-.Ltmp6, $4  }
0x1bf: {  	_ = 	snop  }
0x1c0: {  	v6 =	vpop (erf)  }
0x1c1: {  	s12 =	sadd.s32 $0x10, s12;
	[tilespmem:v5+s16+$0x0] =	vst.idx.msk $0xffff, v6  }
0x1c2: {  	s13 =	sadd.s32 $0x2, s13;
	v5 =	vld [tilespmem:s12+$0x0]  }
0x1c3: {  	_ =	sdelay $0x3  }
0x1c4: {  	v5 =	vsub.f32 v5, v4;
	_ =	sdelay $0x1  }
0x1c5: {  	v5 =	vmul.f32 $1.442695020e+00, v5;
	_ =	sdelay $0x1  }
0x1c6: {  	(erf) = vpow2.f32 v5;
	_ =	sdelay $0x1  }
0x1c7: {  	v5 =	vmov s10  }
0x1c8: {  	v5 =	vshll.u32 v5, $0x4  }
0x1c9: {  	v5 =	vor.u32 v2, v5  }
0x1ca: {  	v5 =	vor.u32 v3, v5;
	_ =	sdelay $0x2  }
0x1cb: {  	s4 =	sshll.u32 s4, $0x1  }
0x1cc: {  	s2 =	sadd.s32 $0x1, s2;
	s4 =	sand.u32 $0x1FFFFF00, s4;
	v6 =	vpop (erf)  }
0x1cd: {  	p2 =	sne.s32 s2, $0x14;
	s4 =	sadd.s32 s9, s4;
	[tilespmem:v5+s16+$0x0] =	vst.idx.msk $0xffff, v6  }
0x1ce: {  	[hbm4b:s4+s5] =	stream.linear.scatter [tilespmem:s16], [sflag:$0x8], $0x800, $0x38;
	[tilespmem:$0x17490] =	vst v63  }
.Ltmp7:
0x1cf: {  	_ = 	snop;
	(pc) =	sbr.rel @p2 .LBB2_12-.Ltmp7, $4  }
0x1d0: {  	s13 =	sadd.s32 $0x11C80, s11  }
0x1d1: {  	[spmem:s3] =	stream.indirect.scatter.add.f32 [tilespmem:s16], [sflag:$0xA], $0x10, s13, s1, $0xb8;
	[tilespmem:$0x17490] =	vst v63  }
0x1d2: {  	s30 =	sadd.s32 $0x11CC0, s11  }
0x1d3: {  	[spmem:s3] =	stream.indirect.scatter.add.f32 [tilespmem:s26], [sflag:$0xA], $0x10, s30, s1, $0xb8;
	[tilespmem:$0x17490] =	vst v63  }
0x1d4: {  	_ =	swait.ge [sflag:s24], $0x400  }
0x1d5: {  	[sflag:s24] =	ssyncset.done $0x0  }
0x1d6: {  	s2 =	simm.s32 $0x7;
	[sflag:s24] =	ssyncadd.s32 $0xFFFFFC00  }
0x1d7: {  	_ =	swait.ge [sflag:s2], $0x800  }
0x1d8: {  	[sflag:s2] =	ssyncset.done $0x0  }
0x1d9: {  	s21 =	simm.s32 $0x9;
	[sflag:s2] =	ssyncadd.s32 $0xFFFFF800  }
0x1da: {  	_ =	swait.ge [sflag:s21], $0x400  }
0x1db: {  	[sflag:s21] =	ssyncset.done $0x0  }
0x1dc: {  	[sflag:s21] =	ssyncadd.s32 $0xFFFFFC00  }
0x1dd: {  	_ =	swait.ge [sflag:s21], $0x400  }
0x1de: {  	[sflag:s21] =	ssyncset.done $0x0  }
0x1df: {  	s22 =	simm.s32 $0x8;
	[sflag:s21] =	ssyncadd.s32 $0xFFFFFC00  }
0x1e0: {  	_ =	swait.ge [sflag:s22], $0x800  }
0x1e1: {  	[sflag:s22] =	ssyncset.done $0x0  }
0x1e2: {  	s23 =	simm.s32 $0xA;
	[sflag:s22] =	ssyncadd.s32 $0xFFFFF800  }
0x1e3: {  	_ =	swait.ge [sflag:s23], $0x400  }
0x1e4: {  	[sflag:s23] =	ssyncset.done $0x0  }
0x1e5: {  	[sflag:s23] =	ssyncadd.s32 $0xFFFFFC00  }
0x1e6: {  	_ =	swait.ge [sflag:s23], $0x400  }
0x1e7: {  	[sflag:s23] =	ssyncset.done $0x0  }
0x1e8: {  	[sflag:s23] =	ssyncadd.s32 $0xFFFFFC00  }
0x1e9: {  	[bflag:$0x0] =	sbarrier.arrive $0xFFFF  }
0x1ea: {  	s2 =	rddreg [dreg:$0x9]  }
0x1eb: {  	s4 =	simm.s32 @p0 $0x1FCC;
	s10 =	rddreg [dreg:$0x10];
	s2 =	sadd.s32 @p0 $0x4B00, s2  }
0x1ec: {  	[hbm:s2], [sflag:s4] =	dma.local @p0 [spmem:s10], $0x320  }
0x1ed: {  	s2 =	simm.s32 @p0 $0xC  }
0x1ee: {  	s4 =	stileid.u32;
	_ =	swait.ge @p0 [sflag:s2], $0x320  }
0x1ef: {  	s4 =	sshll.u32 @!p0 s4, $0x6;
	[sflag:s2] =	ssyncset.done @p0 $0x0;
	s10 =	rddreg [dreg:$0x12]  }
0x1f0: {  	[sflag:s2] =	ssyncadd.s32 @p0 $0xFFFFFCE0;
	s2 =	sor.u32 @!p0 $0x1C0C, s4;
	s4 =	rddreg [dreg:$0x11]  }
0x1f1: {  	[hbm:s4], [sflag:s2] =	dma.local @!p0 [spmem:s10], $0x500  }
0x1f2: {  	s2 =	simm.s32 @!p0 $0xC  }
0x1f3: {  	_ =	swait.ge @!p0 [sflag:s2], $0x500  }
0x1f4: {  	[sflag:s2] =	ssyncset.done @!p0 $0x0  }
0x1f5: {  	[sflag:s2] =	ssyncadd.s32 @!p0 $0xFFFFFB00  }
0x1f6: {  	s4 =	simm.s32 @!p1 $0x14C00;
	s10 =	rddreg [dreg:$0xa];
	s2 =	simm.s32 @!p1 $0x0;
	[tilespmem:$0x14C00] =	vst @!p1 v4  }
0x1f7: {  	[hbm4b:s10+s2] =	stream.linear.scatter @!p1 [tilespmem:s4], [sflag:$0xC], $0x10, $0x38;
	[tilespmem:$0x17490] =	vst v63  }
0x1f8: {  	s2 =	simm.s32 @!p1 $0xC  }
0x1f9: {  	_ =	swait.ge @!p1 [sflag:s2], $0x10  }
0x1fa: {  	s26 =	rddreg [dreg:$0x15]  }
0x1fb: {  	s30 =	rddreg [dreg:$0xb];
	s10 =	sadd.s32 $0x1, s26  }
0x1fc: {  	p2 =	sne.s32 s10, s30  }
.Ltmp8:
0x1fd: {  	_ = 	snop;
	(pc) =	sbr.rel @p2 .LBB2_1-.Ltmp8, $3  }
0x1fe: {  	_ =	sdelay $0x1  }
0x1ff: {  	[sflag:s2] =	ssyncset.done @!p1 $0x0  }
0x200: {  	s11 =	simm.s32 $0x11C00;
	s12 =	simm.s32 $0x13000;
	[sflag:s2] =	ssyncadd.s32 @!p1 $0xFFFFFFF0  }
0x201: {  	_ =	sfence.sel $0x180000  }
0x202: {  	[bflag:$0x0] =	sbarrier.arrive $0xFFFF  }
0x203: {  	_ =	strace $0x90000047  }
0x204: {  	s0 =	stileid.u32;
	[bflag:$0x2] =	sbarrier.arrive $0xFFFF  }
0x205: {  	p0 =	sne.s32 s0, $0x0;
	s0 =	rddreg [dreg:$0x4]  }
0x206: {  	s0 =	sadd.s32 @!p0 $0x100000, s0  }
0x207: {  	[sflag:s0] =	ssyncadd.tile.s32 @!p0 $0x1;
	_ =	shalt  }
.Lfunc_end2:
_tile_overlayer_lowered:
.L_overlay_start_2:
0x208: {  	(tag) =	ssettag $0x2  }
0x209: {  	s0 =	rddreg [dreg:$0x0];
	s2 =	stileid.u32  }
0x20a: {  	s1 =	rddreg [dreg:$0x1];
	p0 =	sne.s32 s2, $0x0  }
0x20b: {  	s3 =	rddreg [dreg:$0x2];
	[bflag:$0x3] =	sbarrier.arrive $0xFFFF;
	s2 =	simm.s32 @!p0 $0x1C0C  }
0x20c: {  	[timem:s3], [sflag:s2] =	dma.local @!p0 [hbm:s0], s1  }
0x20d: {  	s0 =	simm.s32 @!p0 $0xC  }
0x20e: {  	_ =	swait.ge @!p0 [sflag:s0], s1  }
0x20f: {  	s1 =	ssub.s32 @!p0 $0x0, s1;
	[sflag:s0] =	ssyncset.done @!p0 $0x0  }
0x210: {  	[sflag:s0] =	ssyncadd.s32 @!p0 s1  }
0x211: {  	[bflag:$0x3] =	sbarrier.arrive $0xFFFF  }
0x212: {  	_ =	shalt  }

</sc_bundles>
